<compile_context>
chip_gen: v7x
topology: tpu7x:2x2x1
jax: 0.10.2.dev20260603
libtpu: 0.0.44.dev20260713+nightly
codegen_flags: <defaults>
</compile_context>

<pallas_src>
import functools

import jax
import jax.numpy as jnp
from jax import lax
from jax.experimental import pallas as pl
from jax.experimental.pallas import tpu as pltpu
from jax.experimental.pallas import tpu_sc as plsc

N = 10000
E = 320000
F_IN = 128
H = 128
C = 40

NC = 2
NS = 16
HH = H // NC
K = 128
NB = 5
EPT = 20480
NCHT = EPT // K
NG = NCHT // NB
EPAD = NS * EPT
NPAD = 10240
RPT = NPAD // NS
ZR = 128

EPW = EPAD // (NC * NS)
NCHD = EPW // K

BN = 2000

_MESH = dict(core_axis_name="c", subcore_axis_name="s", num_cores=NC,
             num_subcores=NS)


@functools.partial(
    pl.kernel,
    out_type=jax.ShapeDtypeStruct((NC, NPAD, HH), jnp.float32),
    mesh=plsc.VectorSubcoreMesh(**_MESH),
    scratch_types=[
        pltpu.VMEM((NCHT, K), jnp.int32),
        [pltpu.VMEM((K,), jnp.int32) for _ in range(NB)],
        [pltpu.VMEM((K, HH), jnp.float32) for _ in range(NB)],
        pltpu.VMEM((ZR, HH), jnp.float32),
        pltpu.VMEM_SHARED((NPAD, HH), jnp.float32),
        [pltpu.SemaphoreType.DMA for _ in range(NB)],
        [pltpu.SemaphoreType.DMA for _ in range(NB)],
        [pltpu.SemaphoreType.DMA for _ in range(NB)],
    ],
    compiler_params=pltpu.CompilerParams(use_tc_tiling_on_sc=False),
)
def _agg_sc(src_hbm, dst_hbm, g_hbm, out_hbm, sidx, dbufs, bufs, zv, acc,
            gsems, dsems, ssems):
    c = lax.axis_index("c")
    s = lax.axis_index("s")
    gc = g_hbm.at[c]

    pltpu.sync_copy(src_hbm.at[s], sidx)

    def wait_scatter(b):
        pltpu.make_async_copy(bufs[b], acc.at[dbufs[b]], ssems[b]).wait()

    def start_chunk(j, b):
        pltpu.async_copy(gc.at[sidx.at[j]], bufs[b], gsems[b])
        pltpu.async_copy(dst_hbm.at[s, j], dbufs[b], dsems[b])

    def finish_chunk(j, b):
        pltpu.make_async_copy(gc.at[sidx.at[j]], bufs[b], gsems[b]).wait()
        pltpu.make_async_copy(dst_hbm.at[s, j], dbufs[b], dsems[b]).wait()
        pltpu.async_copy(bufs[b], acc.at[dbufs[b]], ssems[b], add=True)

    @pl.loop(0, ZR)
    def _(r):
        for j in range(HH // 16):
            zv[r, pl.ds(j * 16, 16)] = jnp.zeros((16,), jnp.float32)

    for q in range(RPT // ZR):
        pltpu.sync_copy(zv, acc.at[pl.ds(s * RPT + q * ZR, ZR)])
    plsc.subcore_barrier()

    for b in range(NB - 1):
        start_chunk(b, b)

    @pl.loop(0, NG)
    def _(g):
        base = g * NB
        for b in range(NB):
            nxt = base + b + (NB - 1)
            pb = (b + NB - 1) % NB
            if b == 0:
                @pl.when(g > 0)
                def _():
                    wait_scatter(pb)
                start_chunk(nxt, pb)
            else:
                @pl.when(g < NG - 1)
                def _():
                    wait_scatter(pb)
                    start_chunk(nxt, pb)
            finish_chunk(base + b, b)

    for b in range(NB):
        wait_scatter(b)
    plsc.subcore_barrier()
    pltpu.sync_copy(acc.at[pl.ds(s * RPT, RPT)],
                    out_hbm.at[c, pl.ds(s * RPT, RPT)])


@functools.partial(
    pl.kernel,
    out_type=jax.ShapeDtypeStruct((NC, NPAD, HH), jnp.float32),
    mesh=plsc.VectorSubcoreMesh(**_MESH),
    scratch_types=[
        [pltpu.VMEM((K,), jnp.int32) for _ in range(2)],
        pltpu.VMEM((K, HH), jnp.float32),
        pltpu.VMEM((ZR, HH), jnp.float32),
        pltpu.VMEM_SHARED((NPAD, HH), jnp.float32),
        [pltpu.SemaphoreType.DMA for _ in range(2)],
    ],
    compiler_params=pltpu.CompilerParams(use_tc_tiling_on_sc=False),
)
def _deg_sc(dst_hbm, ones_hbm, out_hbm, dbufs, ones_v, zv, acc, dsems):
    c = lax.axis_index("c")
    s = lax.axis_index("s")
    dmine = dst_hbm.at[s, c]

    pltpu.sync_copy(ones_hbm, ones_v)

    @pl.loop(0, ZR)
    def _(r):
        for j in range(HH // 16):
            zv[r, pl.ds(j * 16, 16)] = jnp.zeros((16,), jnp.float32)

    for q in range(RPT // ZR):
        pltpu.sync_copy(zv, acc.at[pl.ds(s * RPT + q * ZR, ZR)])
    plsc.subcore_barrier()

    pltpu.async_copy(dmine.at[0], dbufs[0], dsems[0])

    @pl.loop(0, NCHD)
    def _(i):
        for b in range(2):
            @pl.when(lax.rem(i, 2) == b)
            def _():
                @pl.when(i + 1 < NCHD)
                def _():
                    pltpu.async_copy(dmine.at[i + 1], dbufs[1 - b],
                                     dsems[1 - b])
                pltpu.make_async_copy(dmine.at[i], dbufs[b], dsems[b]).wait()
                pltpu.sync_copy(ones_v, acc.at[dbufs[b]], add=True)

    plsc.subcore_barrier()
    pltpu.sync_copy(acc.at[pl.ds(s * RPT, RPT)],
                    out_hbm.at[c, pl.ds(s * RPT, RPT)])


def _row_spec(w):
    return pl.BlockSpec((BN, w), lambda i: (i, 0))


def _split_spec():
    return pl.BlockSpec((NC, BN, HH), lambda i: (0, i, 0))


def _full_spec(a, b):
    return pl.BlockSpec((a, b), lambda i: (0, 0))


def _prep_body(dp0, dp1, x, w, dinv_ref, g_ref):
    deg = dp0[:, 0:1] + dp1[:, 0:1] + 1.0
    dinv = lax.rsqrt(deg)
    dinv_ref[...] = dinv
    g = dinv * jnp.dot(x[...], w[...], preferred_element_type=jnp.float32)
    g_ref[0] = g[:, :HH]
    g_ref[1] = g[:, HH:]


_prep_tc = pl.pallas_call(
    _prep_body,
    grid=(N // BN,),
    in_specs=[_row_spec(HH), _row_spec(HH), _row_spec(F_IN),
              _full_spec(F_IN, H)],
    out_specs=[_row_spec(1), _split_spec()],
    out_shape=[jax.ShapeDtypeStruct((N, 1), jnp.float32),
               jax.ShapeDtypeStruct((NC, N, HH), jnp.float32)],
)


def _comb_body(a, g, dinv, b, w, m_in, m_ref, gn_ref):
    agg = jnp.concatenate([a[0], a[1]], axis=1)
    gg = jnp.concatenate([g[0], g[1]], axis=1)
    pre = dinv[...] * (agg + gg) + b[...]
    h = jnp.maximum(pre, 0.0)
    m_ref[...] = jnp.maximum(m_in[...], h)
    gn = dinv[...] * jnp.dot(h, w[...], preferred_element_type=jnp.float32)
    gn_ref[0] = gn[:, :HH]
    gn_ref[1] = gn[:, HH:]


_comb_tc = pl.pallas_call(
    _comb_body,
    grid=(N // BN,),
    in_specs=[_split_spec(), _split_spec(), _row_spec(1),
              _full_spec(1, H), _full_spec(H, H), _row_spec(H)],
    out_specs=[_row_spec(H), _split_spec()],
    out_shape=[jax.ShapeDtypeStruct((N, H), jnp.float32),
               jax.ShapeDtypeStruct((NC, N, HH), jnp.float32)],
)


def _final_body(a, g, dinv, b, m_in, wl, bl, out_ref):
    agg = jnp.concatenate([a[0], a[1]], axis=1)
    gg = jnp.concatenate([g[0], g[1]], axis=1)
    pre = dinv[...] * (agg + gg) + b[...]
    h = jnp.maximum(pre, 0.0)
    m = jnp.maximum(m_in[...], h)
    logits = jnp.dot(m, wl[...], preferred_element_type=jnp.float32) + bl[...]
    z = logits - jnp.max(logits, axis=1, keepdims=True)
    out_ref[...] = z - jnp.log(jnp.sum(jnp.exp(z), axis=1, keepdims=True))


_final_tc = pl.pallas_call(
    _final_body,
    grid=(N // BN,),
    in_specs=[_split_spec(), _split_spec(), _row_spec(1),
              _full_spec(1, H), _row_spec(H), _full_spec(H, C),
              _full_spec(1, C)],
    out_specs=_row_spec(C),
    out_shape=jax.ShapeDtypeStruct((N, C), jnp.float32),
)


def kernel(x, edge_index, W_in, b_in, W1, b1, W2, b2, W3, b3, Wl, bl):
    src = edge_index[0].astype(jnp.int32)
    dst = edge_index[1].astype(jnp.int32)
    npd = EPAD - E
    pad_ids = jnp.arange(npd, dtype=jnp.int32)
    src = jnp.concatenate([src, pad_ids % N])
    dst = jnp.concatenate([dst, N + pad_ids % (NPAD - N)])
    src3 = src.reshape(NS, NCHT, K)
    dst3 = dst.reshape(NS, NCHT, K)
    dst4 = dst.reshape(NS, NC, NCHD, K)

    ones_row = jnp.ones((K, HH), jnp.float32)
    deg_parts = _deg_sc(dst4, ones_row)
    dinv, g = _prep_tc(deg_parts[0], deg_parts[1], x, W_in)

    m = jnp.zeros((N, H), jnp.float32)
    for (W, b) in ((W1, b_in), (W2, b1), (W3, b2)):
        agg = _agg_sc(src3, dst3, g)
        m, g = _comb_tc(agg, g, dinv, b.reshape(1, H), W, m)

    agg = _agg_sc(src3, dst3, g)
    return _final_tc(agg, g, dinv, b3.reshape(1, H), m, Wl, bl.reshape(1, C))

# --- scband reference (transcript-rebuilt; emitter-appended) ---
"""Pipeline reference for scband-jknet-14310831030371 (READ-ONLY COPY).

The authoritative reference and input builder live on the scoring server;
editing this copy changes nothing except your own understanding.
"""

import jax, jax.numpy as jnp
import numpy as np

N = 10000
E = 320000
F_IN = 128
H = 128
C = 40


def setup_inputs(seed: int = 0) -> dict:
    key = jax.random.key(seed)
    ks = jax.random.split(key, 12)
    s = 0.05
    x = jax.random.normal(ks[0], (N, F_IN), dtype=jnp.float32)
    edge_index = jax.random.randint(ks[1], (2, E), 0, N)
    W_in = jax.random.normal(ks[2], (F_IN, H), dtype=jnp.float32) * s
    b_in = jnp.zeros((H,), dtype=jnp.float32)
    W1 = jax.random.normal(ks[3], (H, H), dtype=jnp.float32) * s
    b1 = jnp.zeros((H,), dtype=jnp.float32)
    W2 = jax.random.normal(ks[4], (H, H), dtype=jnp.float32) * s
    b2 = jnp.zeros((H,), dtype=jnp.float32)
    W3 = jax.random.normal(ks[5], (H, H), dtype=jnp.float32) * s
    b3 = jnp.zeros((H,), dtype=jnp.float32)
    Wl = jax.random.normal(ks[6], (H, C), dtype=jnp.float32) * s
    bl = jnp.zeros((C,), dtype=jnp.float32)
    return {"x": x, "edge_index": edge_index, "W_in": W_in, "b_in": b_in,
            "W1": W1, "b1": b1, "W2": W2, "b2": b2, "W3": W3, "b3": b3,
            "Wl": Wl, "bl": bl}


def _gcn_conv(h, W, b, src, dst):
    # PyG-style GCNConv: add self-loops, symmetric normalization, sum aggregation
    n = h.shape[0]
    loop = jnp.arange(n, dtype=src.dtype)
    s = jnp.concatenate([src, loop])
    d = jnp.concatenate([dst, loop])
    deg = jnp.zeros((n,), h.dtype).at[d].add(1.0)
    dinv = jax.lax.rsqrt(deg)  # deg >= 1 because of self-loops
    hw = h @ W
    coef = (dinv[s] * dinv[d])[:, None]
    out = jnp.zeros((n, W.shape[1]), h.dtype).at[d].add(hw[s] * coef)
    return out + b


def reference(x, edge_index, W_in, b_in, W1, b1, W2, b2, W3, b3, Wl, bl):
    src = edge_index[0]
    dst = edge_index[1]
    # dropout is identity in eval mode
    h = jax.nn.relu(_gcn_conv(x, W_in, b_in, src, dst))
    xs = [h]
    for W, b in ((W1, b1), (W2, b2), (W3, b3)):
        h = jax.nn.relu(_gcn_conv(h, W, b, src, dst))
        xs.append(h)
    # JumpingKnowledge mode='max': elementwise max over layer outputs (alpha is None)
    h_jk = jnp.max(jnp.stack(xs, axis=0), axis=0)
    logits = h_jk @ Wl + bl
    return jax.nn.log_softmax(logits, axis=1)

if __name__ == "__main__":
    import jax
    _d = setup_inputs()
    print(jax.jit(kernel)(*tuple(_d.values())))

</pallas_src>

<mosaic_0001>
#map = affine_map<(d0, d1) -> (0, 0, 0, 0)>
#map1 = affine_map<(d0, d1) -> (0, 0)>
#map2 = affine_map<(d0, d1) -> (0, 0, 0)>
module attributes {stable_mosaic.version = 14 : i64} {
  func.func @_deg_sc(%arg0: i32, %arg1: i32, %arg2: memref<16x2x80x128xi32, #tpu.memory_space<hbm>>, %arg3: memref<128x64xf32, #tpu.memory_space<hbm>>, %arg4: memref<2x10240x64xf32, #tpu.memory_space<hbm>>, %arg5: memref<128xi32, #tpu.memory_space<vmem>>, %arg6: memref<128xi32, #tpu.memory_space<vmem>>, %arg7: memref<128x64xf32, #tpu.memory_space<vmem>>, %arg8: memref<128x64xf32, #tpu.memory_space<vmem>>, %arg9: memref<10240x64xf32, #tpu.memory_space<vmem_shared>>, %arg10: memref<!tpu.dma_semaphore, #tpu.memory_space<semaphore_mem>>, %arg11: memref<!tpu.dma_semaphore, #tpu.memory_space<semaphore_mem>>) attributes {dimension_semantics = [#tpu.dimension_semantics<core_parallel>, #tpu.dimension_semantics<subcore_parallel>], iteration_bounds = array<i64: 2, 16>, scalar_prefetch = 0 : i64, scratch_operands = 7 : i64, tpu.core_type = #tpu.core_type<sc_vector_subcore>, window_params = [{transform_indices = #map}, {transform_indices = #map1}, {transform_indices = #map2}]} {
    "tpu.region"() ({
      %run_scoped3A = tpu.sem_alloc : memref<!tpu.dma_semaphore, #tpu.memory_space<semaphore_mem>>
      tpu.enqueue_dma source(%arg3 : memref<128x64xf32, #tpu.memory_space<hbm>>) target(%arg7 : memref<128x64xf32, #tpu.memory_space<vmem>>) target_semaphore(%run_scoped3A : memref<!tpu.dma_semaphore, #tpu.memory_space<semaphore_mem>>)
      tpu.wait_dma2 semaphore(%run_scoped3A : memref<!tpu.dma_semaphore, #tpu.memory_space<semaphore_mem>>) src(%arg3 : memref<128x64xf32, #tpu.memory_space<hbm>>) dst(%arg7 : memref<128x64xf32, #tpu.memory_space<vmem>>)
      tpu.yield
    }) : () -> ()
    %scan3A = arith.constant 0 : i32
    %scan3A_0 = arith.constant 128 : i32
    %scan3A_1 = arith.addi %scan3A, %scan3A_0 : i32
    %scan3A_2 = arith.constant 1 : i32
    scf.for %scan3A_46 = %scan3A to %scan3A_1 step %scan3A_2  : i32 {
      %mul3A_47 = arith.constant 1 : i32
      %mul3A_48 = arith.muli %scan3A_46, %mul3A_47 : i32
      %add3A_49 = arith.constant 0 : i32
      %add3A_50 = arith.addi %add3A_49, %mul3A_48 : i32
      %broadcast_in_dim3A = arith.constant 0.000000e+00 : f32
      %broadcast_in_dim3A_51 = vector.broadcast %broadcast_in_dim3A : f32 to vector<16xf32>
      %swap3A = arith.index_cast %add3A_50 : i32 to index
      %swap3A_52 = arith.constant 0 : index
      %swap3A_53 = tpu.vector_load %arg8[%swap3A, %swap3A_52] {strides = array<i32>} : memref<128x64xf32, #tpu.memory_space<vmem>>, vector<1x16xf32>,
      %swap3A_54 = vector.shape_cast %swap3A_53 : vector<1x16xf32> to vector<16xf32>
      %swap3A_55 = vector.shape_cast %broadcast_in_dim3A_51 : vector<16xf32> to vector<1x16xf32>
      tpu.vector_store %arg8[%swap3A, %swap3A_52], %swap3A_55 {strides = array<i32>} : memref<128x64xf32, #tpu.memory_space<vmem>>, vector<1x16xf32>,
      %broadcast_in_dim3A_56 = arith.constant 0.000000e+00 : f32
      %broadcast_in_dim3A_57 = vector.broadcast %broadcast_in_dim3A_56 : f32 to vector<16xf32>
      %swap3A_58 = arith.index_cast %add3A_50 : i32 to index
      %swap3A_59 = arith.constant 16 : index
      %swap3A_60 = tpu.vector_load %arg8[%swap3A_58, %swap3A_59] {strides = array<i32>} : memref<128x64xf32, #tpu.memory_space<vmem>>, vector<1x16xf32>,
      %swap3A_61 = vector.shape_cast %swap3A_60 : vector<1x16xf32> to vector<16xf32>
      %swap3A_62 = vector.shape_cast %broadcast_in_dim3A_57 : vector<16xf32> to vector<1x16xf32>
      tpu.vector_store %arg8[%swap3A_58, %swap3A_59], %swap3A_62 {strides = array<i32>} : memref<128x64xf32, #tpu.memory_space<vmem>>, vector<1x16xf32>,
      %broadcast_in_dim3A_63 = arith.constant 0.000000e+00 : f32
      %broadcast_in_dim3A_64 = vector.broadcast %broadcast_in_dim3A_63 : f32 to vector<16xf32>
      %swap3A_65 = arith.index_cast %add3A_50 : i32 to index
      %swap3A_66 = arith.constant 32 : index
      %swap3A_67 = tpu.vector_load %arg8[%swap3A_65, %swap3A_66] {strides = array<i32>} : memref<128x64xf32, #tpu.memory_space<vmem>>, vector<1x16xf32>,
      %swap3A_68 = vector.shape_cast %swap3A_67 : vector<1x16xf32> to vector<16xf32>
      %swap3A_69 = vector.shape_cast %broadcast_in_dim3A_64 : vector<16xf32> to vector<1x16xf32>
      tpu.vector_store %arg8[%swap3A_65, %swap3A_66], %swap3A_69 {strides = array<i32>} : memref<128x64xf32, #tpu.memory_space<vmem>>, vector<1x16xf32>,
      %broadcast_in_dim3A_70 = arith.constant 0.000000e+00 : f32
      %broadcast_in_dim3A_71 = vector.broadcast %broadcast_in_dim3A_70 : f32 to vector<16xf32>
      %swap3A_72 = arith.index_cast %add3A_50 : i32 to index
      %swap3A_73 = arith.constant 48 : index
      %swap3A_74 = tpu.vector_load %arg8[%swap3A_72, %swap3A_73] {strides = array<i32>} : memref<128x64xf32, #tpu.memory_space<vmem>>, vector<1x16xf32>,
      %swap3A_75 = vector.shape_cast %swap3A_74 : vector<1x16xf32> to vector<16xf32>
      %swap3A_76 = vector.shape_cast %broadcast_in_dim3A_71 : vector<16xf32> to vector<1x16xf32>
      tpu.vector_store %arg8[%swap3A_72, %swap3A_73], %swap3A_76 {strides = array<i32>} : memref<128x64xf32, #tpu.memory_space<vmem>>, vector<1x16xf32>,
    }
    %scan3A_3 = arith.constant 128 : i32
    %mul3A = arith.constant 640 : i32
    %mul3A_4 = arith.muli %arg1, %mul3A : i32
    %add3A = arith.constant 0 : i32
    %add3A_5 = arith.addi %mul3A_4, %add3A : i32
    "tpu.region"() ({
      %run_scoped3A = tpu.sem_alloc : memref<!tpu.dma_semaphore, #tpu.memory_space<semaphore_mem>>
      %dma_start3A_46 = arith.constant 0 : i32
      %dma_start3A_47 = tpu.memref_slice %arg9[%add3A_5, %dma_start3A_46] : memref<10240x64xf32, #tpu.memory_space<vmem_shared>> -> memref<128x64xf32, #tpu.memory_space<vmem_shared>>
      %dma_start3A_48 = arith.constant 0 : i32
      %dma_start3A_49 = tpu.memref_slice %arg9[%add3A_5, %dma_start3A_48] : memref<10240x64xf32, #tpu.memory_space<vmem_shared>> -> memref<128x64xf32, #tpu.memory_space<vmem_shared>>
      tpu.enqueue_dma source(%arg8 : memref<128x64xf32, #tpu.memory_space<vmem>>) target(%dma_start3A_49 : memref<128x64xf32, #tpu.memory_space<vmem_shared>>) target_semaphore(%run_scoped3A : memref<!tpu.dma_semaphore, #tpu.memory_space<semaphore_mem>>)
      %dma_wait3A = arith.constant 0 : i32
      %dma_wait3A_50 = tpu.memref_slice %arg9[%add3A_5, %dma_wait3A] : memref<10240x64xf32, #tpu.memory_space<vmem_shared>> -> memref<128x64xf32, #tpu.memory_space<vmem_shared>>
      %dma_wait3A_51 = arith.constant 0 : i32
      %dma_wait3A_52 = tpu.memref_slice %arg9[%add3A_5, %dma_wait3A_51] : memref<10240x64xf32, #tpu.memory_space<vmem_shared>> -> memref<128x64xf32, #tpu.memory_space<vmem_shared>>
      tpu.wait_dma2 semaphore(%run_scoped3A : memref<!tpu.dma_semaphore, #tpu.memory_space<semaphore_mem>>) src(%arg8 : memref<128x64xf32, #tpu.memory_space<vmem>>) dst(%dma_wait3A_52 : memref<128x64xf32, #tpu.memory_space<vmem_shared>>)
      tpu.yield
    }) : () -> ()
    %mul3A_6 = arith.constant 640 : i32
    %mul3A_7 = arith.muli %arg1, %mul3A_6 : i32
    %add3A_8 = arith.constant 128 : i32
    %add3A_9 = arith.addi %mul3A_7, %add3A_8 : i32
    "tpu.region"() ({
      %run_scoped3A = tpu.sem_alloc : memref<!tpu.dma_semaphore, #tpu.memory_space<semaphore_mem>>
      %dma_start3A_46 = arith.constant 0 : i32
      %dma_start3A_47 = tpu.memref_slice %arg9[%add3A_9, %dma_start3A_46] : memref<10240x64xf32, #tpu.memory_space<vmem_shared>> -> memref<128x64xf32, #tpu.memory_space<vmem_shared>>
      %dma_start3A_48 = arith.constant 0 : i32
      %dma_start3A_49 = tpu.memref_slice %arg9[%add3A_9, %dma_start3A_48] : memref<10240x64xf32, #tpu.memory_space<vmem_shared>> -> memref<128x64xf32, #tpu.memory_space<vmem_shared>>
      tpu.enqueue_dma source(%arg8 : memref<128x64xf32, #tpu.memory_space<vmem>>) target(%dma_start3A_49 : memref<128x64xf32, #tpu.memory_space<vmem_shared>>) target_semaphore(%run_scoped3A : memref<!tpu.dma_semaphore, #tpu.memory_space<semaphore_mem>>)
      %dma_wait3A = arith.constant 0 : i32
      %dma_wait3A_50 = tpu.memref_slice %arg9[%add3A_9, %dma_wait3A] : memref<10240x64xf32, #tpu.memory_space<vmem_shared>> -> memref<128x64xf32, #tpu.memory_space<vmem_shared>>
      %dma_wait3A_51 = arith.constant 0 : i32
      %dma_wait3A_52 = tpu.memref_slice %arg9[%add3A_9, %dma_wait3A_51] : memref<10240x64xf32, #tpu.memory_space<vmem_shared>> -> memref<128x64xf32, #tpu.memory_space<vmem_shared>>
      tpu.wait_dma2 semaphore(%run_scoped3A : memref<!tpu.dma_semaphore, #tpu.memory_space<semaphore_mem>>) src(%arg8 : memref<128x64xf32, #tpu.memory_space<vmem>>) dst(%dma_wait3A_52 : memref<128x64xf32, #tpu.memory_space<vmem_shared>>)
      tpu.yield
    }) : () -> ()
    %mul3A_10 = arith.constant 640 : i32
    %mul3A_11 = arith.muli %arg1, %mul3A_10 : i32
    %add3A_12 = arith.constant 256 : i32
    %add3A_13 = arith.addi %mul3A_11, %add3A_12 : i32
    "tpu.region"() ({
      %run_scoped3A = tpu.sem_alloc : memref<!tpu.dma_semaphore, #tpu.memory_space<semaphore_mem>>
      %dma_start3A_46 = arith.constant 0 : i32
      %dma_start3A_47 = tpu.memref_slice %arg9[%add3A_13, %dma_start3A_46] : memref<10240x64xf32, #tpu.memory_space<vmem_shared>> -> memref<128x64xf32, #tpu.memory_space<vmem_shared>>
      %dma_start3A_48 = arith.constant 0 : i32
      %dma_start3A_49 = tpu.memref_slice %arg9[%add3A_13, %dma_start3A_48] : memref<10240x64xf32, #tpu.memory_space<vmem_shared>> -> memref<128x64xf32, #tpu.memory_space<vmem_shared>>
      tpu.enqueue_dma source(%arg8 : memref<128x64xf32, #tpu.memory_space<vmem>>) target(%dma_start3A_49 : memref<128x64xf32, #tpu.memory_space<vmem_shared>>) target_semaphore(%run_scoped3A : memref<!tpu.dma_semaphore, #tpu.memory_space<semaphore_mem>>)
      %dma_wait3A = arith.constant 0 : i32
      %dma_wait3A_50 = tpu.memref_slice %arg9[%add3A_13, %dma_wait3A] : memref<10240x64xf32, #tpu.memory_space<vmem_shared>> -> memref<128x64xf32, #tpu.memory_space<vmem_shared>>
      %dma_wait3A_51 = arith.constant 0 : i32
      %dma_wait3A_52 = tpu.memref_slice %arg9[%add3A_13, %dma_wait3A_51] : memref<10240x64xf32, #tpu.memory_space<vmem_shared>> -> memref<128x64xf32, #tpu.memory_space<vmem_shared>>
      tpu.wait_dma2 semaphore(%run_scoped3A : memref<!tpu.dma_semaphore, #tpu.memory_space<semaphore_mem>>) src(%arg8 : memref<128x64xf32, #tpu.memory_space<vmem>>) dst(%dma_wait3A_52 : memref<128x64xf32, #tpu.memory_space<vmem_shared>>)
      tpu.yield
    }) : () -> ()
    %mul3A_14 = arith.constant 640 : i32
    %mul3A_15 = arith.muli %arg1, %mul3A_14 : i32
    %add3A_16 = arith.constant 384 : i32
    %add3A_17 = arith.addi %mul3A_15, %add3A_16 : i32
    "tpu.region"() ({
      %run_scoped3A = tpu.sem_alloc : memref<!tpu.dma_semaphore, #tpu.memory_space<semaphore_mem>>
      %dma_start3A_46 = arith.constant 0 : i32
      %dma_start3A_47 = tpu.memref_slice %arg9[%add3A_17, %dma_start3A_46] : memref<10240x64xf32, #tpu.memory_space<vmem_shared>> -> memref<128x64xf32, #tpu.memory_space<vmem_shared>>
      %dma_start3A_48 = arith.constant 0 : i32
      %dma_start3A_49 = tpu.memref_slice %arg9[%add3A_17, %dma_start3A_48] : memref<10240x64xf32, #tpu.memory_space<vmem_shared>> -> memref<128x64xf32, #tpu.memory_space<vmem_shared>>
      tpu.enqueue_dma source(%arg8 : memref<128x64xf32, #tpu.memory_space<vmem>>) target(%dma_start3A_49 : memref<128x64xf32, #tpu.memory_space<vmem_shared>>) target_semaphore(%run_scoped3A : memref<!tpu.dma_semaphore, #tpu.memory_space<semaphore_mem>>)
      %dma_wait3A = arith.constant 0 : i32
      %dma_wait3A_50 = tpu.memref_slice %arg9[%add3A_17, %dma_wait3A] : memref<10240x64xf32, #tpu.memory_space<vmem_shared>> -> memref<128x64xf32, #tpu.memory_space<vmem_shared>>
      %dma_wait3A_51 = arith.constant 0 : i32
      %dma_wait3A_52 = tpu.memref_slice %arg9[%add3A_17, %dma_wait3A_51] : memref<10240x64xf32, #tpu.memory_space<vmem_shared>> -> memref<128x64xf32, #tpu.memory_space<vmem_shared>>
      tpu.wait_dma2 semaphore(%run_scoped3A : memref<!tpu.dma_semaphore, #tpu.memory_space<semaphore_mem>>) src(%arg8 : memref<128x64xf32, #tpu.memory_space<vmem>>) dst(%dma_wait3A_52 : memref<128x64xf32, #tpu.memory_space<vmem_shared>>)
      tpu.yield
    }) : () -> ()
    %mul3A_18 = arith.constant 640 : i32
    %mul3A_19 = arith.muli %arg1, %mul3A_18 : i32
    %add3A_20 = arith.constant 512 : i32
    %add3A_21 = arith.addi %mul3A_19, %add3A_20 : i32
    "tpu.region"() ({
      %run_scoped3A = tpu.sem_alloc : memref<!tpu.dma_semaphore, #tpu.memory_space<semaphore_mem>>
      %dma_start3A_46 = arith.constant 0 : i32
      %dma_start3A_47 = tpu.memref_slice %arg9[%add3A_21, %dma_start3A_46] : memref<10240x64xf32, #tpu.memory_space<vmem_shared>> -> memref<128x64xf32, #tpu.memory_space<vmem_shared>>
      %dma_start3A_48 = arith.constant 0 : i32
      %dma_start3A_49 = tpu.memref_slice %arg9[%add3A_21, %dma_start3A_48] : memref<10240x64xf32, #tpu.memory_space<vmem_shared>> -> memref<128x64xf32, #tpu.memory_space<vmem_shared>>
      tpu.enqueue_dma source(%arg8 : memref<128x64xf32, #tpu.memory_space<vmem>>) target(%dma_start3A_49 : memref<128x64xf32, #tpu.memory_space<vmem_shared>>) target_semaphore(%run_scoped3A : memref<!tpu.dma_semaphore, #tpu.memory_space<semaphore_mem>>)
      %dma_wait3A = arith.constant 0 : i32
      %dma_wait3A_50 = tpu.memref_slice %arg9[%add3A_21, %dma_wait3A] : memref<10240x64xf32, #tpu.memory_space<vmem_shared>> -> memref<128x64xf32, #tpu.memory_space<vmem_shared>>
      %dma_wait3A_51 = arith.constant 0 : i32
      %dma_wait3A_52 = tpu.memref_slice %arg9[%add3A_21, %dma_wait3A_51] : memref<10240x64xf32, #tpu.memory_space<vmem_shared>> -> memref<128x64xf32, #tpu.memory_space<vmem_shared>>
      tpu.wait_dma2 semaphore(%run_scoped3A : memref<!tpu.dma_semaphore, #tpu.memory_space<semaphore_mem>>) src(%arg8 : memref<128x64xf32, #tpu.memory_space<vmem>>) dst(%dma_wait3A_52 : memref<128x64xf32, #tpu.memory_space<vmem_shared>>)
      tpu.yield
    }) : () -> ()
    %barrier3A = arith.constant 0 : index
    tpu.barrier barrier_id(%barrier3A)
    %dma_start3A = arith.constant 0 : i32
    %dma_start3A_22 = arith.constant 0 : i32
    %dma_start3A_23 = arith.constant 0 : i32
    %dma_start3A_24 = tpu.memref_slice %arg2[%arg1, %arg0, %dma_start3A_22, %dma_start3A_23] : memref<16x2x80x128xi32, #tpu.memory_space<hbm>> -> memref<1x1x80x128xi32, #tpu.memory_space<hbm>>
    %dma_start3A_25 = tpu.memref_squeeze %dma_start3A_24 : memref<1x1x80x128xi32, #tpu.memory_space<hbm>> -> memref<80x128xi32, #tpu.memory_space<hbm>>
    %dma_start3A_26 = arith.constant 0 : i32
    %dma_start3A_27 = tpu.memref_slice %dma_start3A_25[%dma_start3A, %dma_start3A_26] : memref<80x128xi32, #tpu.memory_space<hbm>> -> memref<1x128xi32, #tpu.memory_space<hbm>>
    %dma_start3A_28 = tpu.memref_squeeze %dma_start3A_27 : memref<1x128xi32, #tpu.memory_space<hbm>> -> memref<128xi32, #tpu.memory_space<hbm>>
    %dma_start3A_29 = arith.constant 0 : i32
    %dma_start3A_30 = arith.constant 0 : i32
    %dma_start3A_31 = tpu.memref_slice %arg2[%arg1, %arg0, %dma_start3A_29, %dma_start3A_30] : memref<16x2x80x128xi32, #tpu.memory_space<hbm>> -> memref<1x1x80x128xi32, #tpu.memory_space<hbm>>
    %dma_start3A_32 = tpu.memref_squeeze %dma_start3A_31 : memref<1x1x80x128xi32, #tpu.memory_space<hbm>> -> memref<80x128xi32, #tpu.memory_space<hbm>>
    %dma_start3A_33 = arith.constant 0 : i32
    %dma_start3A_34 = tpu.memref_slice %dma_start3A_32[%dma_start3A, %dma_start3A_33] : memref<80x128xi32, #tpu.memory_space<hbm>> -> memref<1x128xi32, #tpu.memory_space<hbm>>
    %dma_start3A_35 = tpu.memref_squeeze %dma_start3A_34 : memref<1x128xi32, #tpu.memory_space<hbm>> -> memref<128xi32, #tpu.memory_space<hbm>>
    tpu.enqueue_dma source(%dma_start3A_35 : memref<128xi32, #tpu.memory_space<hbm>>) target(%arg5 : memref<128xi32, #tpu.memory_space<vmem>>) target_semaphore(%arg10 : memref<!tpu.dma_semaphore, #tpu.memory_space<semaphore_mem>>)
    %scan3A_36 = arith.constant 0 : i32
    %scan3A_37 = arith.constant 80 : i32
    %scan3A_38 = arith.addi %scan3A_36, %scan3A_37 : i32
    %scan3A_39 = arith.constant 1 : i32
    scf.for %scan3A_46 = %scan3A_36 to %scan3A_38 step %scan3A_39  : i32 {
      %mul3A_47 = arith.constant 1 : i32
      %mul3A_48 = arith.muli %scan3A_46, %mul3A_47 : i32
      %add3A_49 = arith.constant 0 : i32
      %add3A_50 = arith.addi %add3A_49, %mul3A_48 : i32
      %rem3A = arith.constant 2 : i32
      %rem3A_51 = arith.remsi %add3A_50, %rem3A : i32
      %eq3A = arith.constant 0 : i32
      %eq3A_52 = arith.cmpi eq, %rem3A_51, %eq3A : i32
      %convert_element_type3A = arith.extui %eq3A_52 : i1 to i32
      %cond3A = arith.constant 0 : i32
      %cond3A_53 = arith.cmpi ne, %convert_element_type3A, %cond3A : i32
      scf.if %cond3A_53 {
        %add3A_61 = arith.constant 1 : i32
        %add3A_62 = arith.addi %add3A_50, %add3A_61 : i32
        %lt3A = arith.constant 80 : i32
        %lt3A_63 = arith.cmpi slt, %add3A_62, %lt3A : i32
        %convert_element_type3A_64 = arith.extui %lt3A_63 : i1 to i32
        %cond3A_65 = arith.constant 0 : i32
        %cond3A_66 = arith.cmpi ne, %convert_element_type3A_64, %cond3A_65 : i32
        scf.if %cond3A_66 {
          %add3A_80 = arith.constant 1 : i32
          %add3A_81 = arith.addi %add3A_50, %add3A_80 : i32
          %dma_start3A_82 = arith.constant 0 : i32
          %dma_start3A_83 = arith.constant 0 : i32
          %dma_start3A_84 = tpu.memref_slice %arg2[%arg1, %arg0, %dma_start3A_82, %dma_start3A_83] : memref<16x2x80x128xi32, #tpu.memory_space<hbm>> -> memref<1x1x80x128xi32, #tpu.memory_space<hbm>>
          %dma_start3A_85 = tpu.memref_squeeze %dma_start3A_84 : memref<1x1x80x128xi32, #tpu.memory_space<hbm>> -> memref<80x128xi32, #tpu.memory_space<hbm>>
          %dma_start3A_86 = arith.constant 0 : i32
          %dma_start3A_87 = tpu.memref_slice %dma_start3A_85[%add3A_81, %dma_start3A_86] : memref<80x128xi32, #tpu.memory_space<hbm>> -> memref<1x128xi32, #tpu.memory_space<hbm>>
          %dma_start3A_88 = tpu.memref_squeeze %dma_start3A_87 : memref<1x128xi32, #tpu.memory_space<hbm>> -> memref<128xi32, #tpu.memory_space<hbm>>
          %dma_start3A_89 = arith.constant 0 : i32
          %dma_start3A_90 = arith.constant 0 : i32
          %dma_start3A_91 = tpu.memref_slice %arg2[%arg1, %arg0, %dma_start3A_89, %dma_start3A_90] : memref<16x2x80x128xi32, #tpu.memory_space<hbm>> -> memref<1x1x80x128xi32, #tpu.memory_space<hbm>>
          %dma_start3A_92 = tpu.memref_squeeze %dma_start3A_91 : memref<1x1x80x128xi32, #tpu.memory_space<hbm>> -> memref<80x128xi32, #tpu.memory_space<hbm>>
          %dma_start3A_93 = arith.constant 0 : i32
          %dma_start3A_94 = tpu.memref_slice %dma_start3A_92[%add3A_81, %dma_start3A_93] : memref<80x128xi32, #tpu.memory_space<hbm>> -> memref<1x128xi32, #tpu.memory_space<hbm>>
          %dma_start3A_95 = tpu.memref_squeeze %dma_start3A_94 : memref<1x128xi32, #tpu.memory_space<hbm>> -> memref<128xi32, #tpu.memory_space<hbm>>
          tpu.enqueue_dma source(%dma_start3A_95 : memref<128xi32, #tpu.memory_space<hbm>>) target(%arg6 : memref<128xi32, #tpu.memory_space<vmem>>) target_semaphore(%arg11 : memref<!tpu.dma_semaphore, #tpu.memory_space<semaphore_mem>>)
        } else {
        }
        %dma_wait3A = arith.constant 0 : i32
        %dma_wait3A_67 = arith.constant 0 : i32
        %dma_wait3A_68 = tpu.memref_slice %arg2[%arg1, %arg0, %dma_wait3A, %dma_wait3A_67] : memref<16x2x80x128xi32, #tpu.memory_space<hbm>> -> memref<1x1x80x128xi32, #tpu.memory_space<hbm>>
        %dma_wait3A_69 = tpu.memref_squeeze %dma_wait3A_68 : memref<1x1x80x128xi32, #tpu.memory_space<hbm>> -> memref<80x128xi32, #tpu.memory_space<hbm>>
        %dma_wait3A_70 = arith.constant 0 : i32
        %dma_wait3A_71 = tpu.memref_slice %dma_wait3A_69[%add3A_50, %dma_wait3A_70] : memref<80x128xi32, #tpu.memory_space<hbm>> -> memref<1x128xi32, #tpu.memory_space<hbm>>
        %dma_wait3A_72 = tpu.memref_squeeze %dma_wait3A_71 : memref<1x128xi32, #tpu.memory_space<hbm>> -> memref<128xi32, #tpu.memory_space<hbm>>
        %dma_wait3A_73 = arith.constant 0 : i32
        %dma_wait3A_74 = arith.constant 0 : i32
        %dma_wait3A_75 = tpu.memref_slice %arg2[%arg1, %arg0, %dma_wait3A_73, %dma_wait3A_74] : memref<16x2x80x128xi32, #tpu.memory_space<hbm>> -> memref<1x1x80x128xi32, #tpu.memory_space<hbm>>
        %dma_wait3A_76 = tpu.memref_squeeze %dma_wait3A_75 : memref<1x1x80x128xi32, #tpu.memory_space<hbm>> -> memref<80x128xi32, #tpu.memory_space<hbm>>
        %dma_wait3A_77 = arith.constant 0 : i32
        %dma_wait3A_78 = tpu.memref_slice %dma_wait3A_76[%add3A_50, %dma_wait3A_77] : memref<80x128xi32, #tpu.memory_space<hbm>> -> memref<1x128xi32, #tpu.memory_space<hbm>>
        %dma_wait3A_79 = tpu.memref_squeeze %dma_wait3A_78 : memref<1x128xi32, #tpu.memory_space<hbm>> -> memref<128xi32, #tpu.memory_space<hbm>>
        tpu.wait_dma2 semaphore(%arg10 : memref<!tpu.dma_semaphore, #tpu.memory_space<semaphore_mem>>) src(%dma_wait3A_79 : memref<128xi32, #tpu.memory_space<hbm>>) dst(%arg5 : memref<128xi32, #tpu.memory_space<vmem>>)
        "tpu.region"() ({
          %run_scoped3A = tpu.sem_alloc : memref<!tpu.dma_semaphore, #tpu.memory_space<semaphore_mem>>
          %dma_start3A_80 = arith.constant 0 : i32
          %dma_start3A_81 = arith.constant 0 : i32
          %dma_start3A_82 = tpu.memref_slice %arg9[%dma_start3A_80, %dma_start3A_81] : memref<10240x64xf32, #tpu.memory_space<vmem_shared>> -> memref<10240x64xf32, #tpu.memory_space<vmem_shared>>
          tpu.enqueue_indirect_dma source(%arg7 : memref<128x64xf32, #tpu.memory_space<vmem>>) target(%dma_start3A_82 : memref<10240x64xf32, #tpu.memory_space<vmem_shared>>) offsets(%arg5 : memref<128xi32, #tpu.memory_space<vmem>>) semaphore(%run_scoped3A : memref<!tpu.dma_semaphore, #tpu.memory_space<semaphore_mem>>) {add = true}
          %dma_wait3A_83 = arith.constant 0 : i32
          %dma_wait3A_84 = arith.constant 0 : i32
          %dma_wait3A_85 = tpu.memref_slice %arg9[%dma_wait3A_83, %dma_wait3A_84] : memref<10240x64xf32, #tpu.memory_space<vmem_shared>> -> memref<10240x64xf32, #tpu.memory_space<vmem_shared>>
          tpu.wait_indirect_dma semaphore(%run_scoped3A : memref<!tpu.dma_semaphore, #tpu.memory_space<semaphore_mem>>) src(%arg7 : memref<128x64xf32, #tpu.memory_space<vmem>>) dst(%dma_wait3A_85 : memref<10240x64xf32, #tpu.memory_space<vmem_shared>>)
          tpu.yield
        }) : () -> ()
      } else {
      }
      %rem3A_54 = arith.constant 2 : i32
      %rem3A_55 = arith.remsi %add3A_50, %rem3A_54 : i32
      %eq3A_56 = arith.constant 1 : i32
      %eq3A_57 = arith.cmpi eq, %rem3A_55, %eq3A_56 : i32
      %convert_element_type3A_58 = arith.extui %eq3A_57 : i1 to i32
      %cond3A_59 = arith.constant 0 : i32
      %cond3A_60 = arith.cmpi ne, %convert_element_type3A_58, %cond3A_59 : i32
      scf.if %cond3A_60 {
        %add3A_61 = arith.constant 1 : i32
        %add3A_62 = arith.addi %add3A_50, %add3A_61 : i32
        %lt3A = arith.constant 80 : i32
        %lt3A_63 = arith.cmpi slt, %add3A_62, %lt3A : i32
        %convert_element_type3A_64 = arith.extui %lt3A_63 : i1 to i32
        %cond3A_65 = arith.constant 0 : i32
        %cond3A_66 = arith.cmpi ne, %convert_element_type3A_64, %cond3A_65 : i32
        scf.if %cond3A_66 {
          %add3A_80 = arith.constant 1 : i32
          %add3A_81 = arith.addi %add3A_50, %add3A_80 : i32
          %dma_start3A_82 = arith.constant 0 : i32
          %dma_start3A_83 = arith.constant 0 : i32
          %dma_start3A_84 = tpu.memref_slice %arg2[%arg1, %arg0, %dma_start3A_82, %dma_start3A_83] : memref<16x2x80x128xi32, #tpu.memory_space<hbm>> -> memref<1x1x80x128xi32, #tpu.memory_space<hbm>>
          %dma_start3A_85 = tpu.memref_squeeze %dma_start3A_84 : memref<1x1x80x128xi32, #tpu.memory_space<hbm>> -> memref<80x128xi32, #tpu.memory_space<hbm>>
          %dma_start3A_86 = arith.constant 0 : i32
          %dma_start3A_87 = tpu.memref_slice %dma_start3A_85[%add3A_81, %dma_start3A_86] : memref<80x128xi32, #tpu.memory_space<hbm>> -> memref<1x128xi32, #tpu.memory_space<hbm>>
          %dma_start3A_88 = tpu.memref_squeeze %dma_start3A_87 : memref<1x128xi32, #tpu.memory_space<hbm>> -> memref<128xi32, #tpu.memory_space<hbm>>
          %dma_start3A_89 = arith.constant 0 : i32
          %dma_start3A_90 = arith.constant 0 : i32
          %dma_start3A_91 = tpu.memref_slice %arg2[%arg1, %arg0, %dma_start3A_89, %dma_start3A_90] : memref<16x2x80x128xi32, #tpu.memory_space<hbm>> -> memref<1x1x80x128xi32, #tpu.memory_space<hbm>>
          %dma_start3A_92 = tpu.memref_squeeze %dma_start3A_91 : memref<1x1x80x128xi32, #tpu.memory_space<hbm>> -> memref<80x128xi32, #tpu.memory_space<hbm>>
          %dma_start3A_93 = arith.constant 0 : i32
          %dma_start3A_94 = tpu.memref_slice %dma_start3A_92[%add3A_81, %dma_start3A_93] : memref<80x128xi32, #tpu.memory_space<hbm>> -> memref<1x128xi32, #tpu.memory_space<hbm>>
          %dma_start3A_95 = tpu.memref_squeeze %dma_start3A_94 : memref<1x128xi32, #tpu.memory_space<hbm>> -> memref<128xi32, #tpu.memory_space<hbm>>
          tpu.enqueue_dma source(%dma_start3A_95 : memref<128xi32, #tpu.memory_space<hbm>>) target(%arg5 : memref<128xi32, #tpu.memory_space<vmem>>) target_semaphore(%arg10 : memref<!tpu.dma_semaphore, #tpu.memory_space<semaphore_mem>>)
        } else {
        }
        %dma_wait3A = arith.constant 0 : i32
        %dma_wait3A_67 = arith.constant 0 : i32
        %dma_wait3A_68 = tpu.memref_slice %arg2[%arg1, %arg0, %dma_wait3A, %dma_wait3A_67] : memref<16x2x80x128xi32, #tpu.memory_space<hbm>> -> memref<1x1x80x128xi32, #tpu.memory_space<hbm>>
        %dma_wait3A_69 = tpu.memref_squeeze %dma_wait3A_68 : memref<1x1x80x128xi32, #tpu.memory_space<hbm>> -> memref<80x128xi32, #tpu.memory_space<hbm>>
        %dma_wait3A_70 = arith.constant 0 : i32
        %dma_wait3A_71 = tpu.memref_slice %dma_wait3A_69[%add3A_50, %dma_wait3A_70] : memref<80x128xi32, #tpu.memory_space<hbm>> -> memref<1x128xi32, #tpu.memory_space<hbm>>
        %dma_wait3A_72 = tpu.memref_squeeze %dma_wait3A_71 : memref<1x128xi32, #tpu.memory_space<hbm>> -> memref<128xi32, #tpu.memory_space<hbm>>
        %dma_wait3A_73 = arith.constant 0 : i32
        %dma_wait3A_74 = arith.constant 0 : i32
        %dma_wait3A_75 = tpu.memref_slice %arg2[%arg1, %arg0, %dma_wait3A_73, %dma_wait3A_74] : memref<16x2x80x128xi32, #tpu.memory_space<hbm>> -> memref<1x1x80x128xi32, #tpu.memory_space<hbm>>
        %dma_wait3A_76 = tpu.memref_squeeze %dma_wait3A_75 : memref<1x1x80x128xi32, #tpu.memory_space<hbm>> -> memref<80x128xi32, #tpu.memory_space<hbm>>
        %dma_wait3A_77 = arith.constant 0 : i32
        %dma_wait3A_78 = tpu.memref_slice %dma_wait3A_76[%add3A_50, %dma_wait3A_77] : memref<80x128xi32, #tpu.memory_space<hbm>> -> memref<1x128xi32, #tpu.memory_space<hbm>>
        %dma_wait3A_79 = tpu.memref_squeeze %dma_wait3A_78 : memref<1x128xi32, #tpu.memory_space<hbm>> -> memref<128xi32, #tpu.memory_space<hbm>>
        tpu.wait_dma2 semaphore(%arg11 : memref<!tpu.dma_semaphore, #tpu.memory_space<semaphore_mem>>) src(%dma_wait3A_79 : memref<128xi32, #tpu.memory_space<hbm>>) dst(%arg6 : memref<128xi32, #tpu.memory_space<vmem>>)
        "tpu.region"() ({
          %run_scoped3A = tpu.sem_alloc : memref<!tpu.dma_semaphore, #tpu.memory_space<semaphore_mem>>
          %dma_start3A_80 = arith.constant 0 : i32
          %dma_start3A_81 = arith.constant 0 : i32
          %dma_start3A_82 = tpu.memref_slice %arg9[%dma_start3A_80, %dma_start3A_81] : memref<10240x64xf32, #tpu.memory_space<vmem_shared>> -> memref<10240x64xf32, #tpu.memory_space<vmem_shared>>
          tpu.enqueue_indirect_dma source(%arg7 : memref<128x64xf32, #tpu.memory_space<vmem>>) target(%dma_start3A_82 : memref<10240x64xf32, #tpu.memory_space<vmem_shared>>) offsets(%arg6 : memref<128xi32, #tpu.memory_space<vmem>>) semaphore(%run_scoped3A : memref<!tpu.dma_semaphore, #tpu.memory_space<semaphore_mem>>) {add = true}
          %dma_wait3A_83 = arith.constant 0 : i32
          %dma_wait3A_84 = arith.constant 0 : i32
          %dma_wait3A_85 = tpu.memref_slice %arg9[%dma_wait3A_83, %dma_wait3A_84] : memref<10240x64xf32, #tpu.memory_space<vmem_shared>> -> memref<10240x64xf32, #tpu.memory_space<vmem_shared>>
          tpu.wait_indirect_dma semaphore(%run_scoped3A : memref<!tpu.dma_semaphore, #tpu.memory_space<semaphore_mem>>) src(%arg7 : memref<128x64xf32, #tpu.memory_space<vmem>>) dst(%dma_wait3A_85 : memref<10240x64xf32, #tpu.memory_space<vmem_shared>>)
          tpu.yield
        }) : () -> ()
      } else {
      }
    }
    %scan3A_40 = arith.constant 80 : i32
    %barrier3A_41 = arith.constant 0 : index
    tpu.barrier barrier_id(%barrier3A_41)
    %mul3A_42 = arith.constant 640 : i32
    %mul3A_43 = arith.muli %arg1, %mul3A_42 : i32
    %mul3A_44 = arith.constant 640 : i32
    %mul3A_45 = arith.muli %arg1, %mul3A_44 : i32
    "tpu.region"() ({
      %run_scoped3A = tpu.sem_alloc : memref<!tpu.dma_semaphore, #tpu.memory_space<semaphore_mem>>
      %dma_start3A_46 = arith.constant 0 : i32
      %dma_start3A_47 = tpu.memref_slice %arg4[%arg0, %mul3A_45, %dma_start3A_46] : memref<2x10240x64xf32, #tpu.memory_space<hbm>> -> memref<1x640x64xf32, #tpu.memory_space<hbm>>
      %dma_start3A_48 = tpu.memref_squeeze %dma_start3A_47 : memref<1x640x64xf32, #tpu.memory_space<hbm>> -> memref<640x64xf32, #tpu.memory_space<hbm>>
      %dma_start3A_49 = arith.constant 0 : i32
      %dma_start3A_50 = tpu.memref_slice %arg9[%mul3A_43, %dma_start3A_49] : memref<10240x64xf32, #tpu.memory_space<vmem_shared>> -> memref<640x64xf32, #tpu.memory_space<vmem_shared>>
      tpu.enqueue_dma source(%dma_start3A_50 : memref<640x64xf32, #tpu.memory_space<vmem_shared>>) target(%dma_start3A_48 : memref<640x64xf32, #tpu.memory_space<hbm>>) target_semaphore(%run_scoped3A : memref<!tpu.dma_semaphore, #tpu.memory_space<semaphore_mem>>)
      %dma_wait3A = arith.constant 0 : i32
      %dma_wait3A_51 = tpu.memref_slice %arg4[%arg0, %mul3A_45, %dma_wait3A] : memref<2x10240x64xf32, #tpu.memory_space<hbm>> -> memref<1x640x64xf32, #tpu.memory_space<hbm>>
      %dma_wait3A_52 = tpu.memref_squeeze %dma_wait3A_51 : memref<1x640x64xf32, #tpu.memory_space<hbm>> -> memref<640x64xf32, #tpu.memory_space<hbm>>
      %dma_wait3A_53 = arith.constant 0 : i32
      %dma_wait3A_54 = tpu.memref_slice %arg9[%mul3A_43, %dma_wait3A_53] : memref<10240x64xf32, #tpu.memory_space<vmem_shared>> -> memref<640x64xf32, #tpu.memory_space<vmem_shared>>
      tpu.wait_dma2 semaphore(%run_scoped3A : memref<!tpu.dma_semaphore, #tpu.memory_space<semaphore_mem>>) src(%dma_wait3A_54 : memref<640x64xf32, #tpu.memory_space<vmem_shared>>) dst(%dma_wait3A_52 : memref<640x64xf32, #tpu.memory_space<hbm>>)
      tpu.yield
    }) : () -> ()
    return
  }
}

#map = affine_map<(d0, d1) -> (0, 0, 0)>
module attributes {stable_mosaic.version = 14 : i64} {
  func.func @_agg_sc(%arg0: i32, %arg1: i32, %arg2: memref<16x160x128xi32, #tpu.memory_space<hbm>>, %arg3: memref<16x160x128xi32, #tpu.memory_space<hbm>>, %arg4: memref<2x10000x64xf32, #tpu.memory_space<hbm>>, %arg5: memref<2x10240x64xf32, #tpu.memory_space<hbm>>, %arg6: memref<160x128xi32, #tpu.memory_space<vmem>>, %arg7: memref<128xi32, #tpu.memory_space<vmem>>, %arg8: memref<128xi32, #tpu.memory_space<vmem>>, %arg9: memref<128xi32, #tpu.memory_space<vmem>>, %arg10: memref<128xi32, #tpu.memory_space<vmem>>, %arg11: memref<128xi32, #tpu.memory_space<vmem>>, %arg12: memref<128x64xf32, #tpu.memory_space<vmem>>, %arg13: memref<128x64xf32, #tpu.memory_space<vmem>>, %arg14: memref<128x64xf32, #tpu.memory_space<vmem>>, %arg15: memref<128x64xf32, #tpu.memory_space<vmem>>, %arg16: memref<128x64xf32, #tpu.memory_space<vmem>>, %arg17: memref<128x64xf32, #tpu.memory_space<vmem>>, %arg18: memref<10240x64xf32, #tpu.memory_space<vmem_shared>>, %arg19: memref<!tpu.dma_semaphore, #tpu.memory_space<semaphore_mem>>, %arg20: memref<!tpu.dma_semaphore, #tpu.memory_space<semaphore_mem>>, %arg21: memref<!tpu.dma_semaphore, #tpu.memory_space<semaphore_mem>>, %arg22: memref<!tpu.dma_semaphore, #tpu.memory_space<semaphore_mem>>, %arg23: memref<!tpu.dma_semaphore, #tpu.memory_space<semaphore_mem>>, %arg24: memref<!tpu.dma_semaphore, #tpu.memory_space<semaphore_mem>>, %arg25: memref<!tpu.dma_semaphore, #tpu.memory_space<semaphore_mem>>, %arg26: memref<!tpu.dma_semaphore, #tpu.memory_space<semaphore_mem>>, %arg27: memref<!tpu.dma_semaphore, #tpu.memory_space<semaphore_mem>>, %arg28: memref<!tpu.dma_semaphore, #tpu.memory_space<semaphore_mem>>, %arg29: memref<!tpu.dma_semaphore, #tpu.memory_space<semaphore_mem>>, %arg30: memref<!tpu.dma_semaphore, #tpu.memory_space<semaphore_mem>>, %arg31: memref<!tpu.dma_semaphore, #tpu.memory_space<semaphore_mem>>, %arg32: memref<!tpu.dma_semaphore, #tpu.memory_space<semaphore_mem>>, %arg33: memref<!tpu.dma_semaphore, #tpu.memory_space<semaphore_mem>>) attributes {dimension_semantics = [#tpu.dimension_semantics<core_parallel>, #tpu.dimension_semantics<subcore_parallel>], iteration_bounds = array<i64: 2, 16>, scalar_prefetch = 0 : i64, scratch_operands = 28 : i64, tpu.core_type = #tpu.core_type<sc_vector_subcore>, window_params = [{transform_indices = #map}, {transform_indices = #map}, {transform_indices = #map}, {transform_indices = #map}]} {
    "tpu.region"() ({
      %run_scoped3A = tpu.sem_alloc : memref<!tpu.dma_semaphore, #tpu.memory_space<semaphore_mem>>
      %dma_start3A_117 = arith.constant 0 : i32
      %dma_start3A_118 = arith.constant 0 : i32
      %dma_start3A_119 = tpu.memref_slice %arg2[%arg1, %dma_start3A_117, %dma_start3A_118] : memref<16x160x128xi32, #tpu.memory_space<hbm>> -> memref<1x160x128xi32, #tpu.memory_space<hbm>>
      %dma_start3A_120 = tpu.memref_squeeze %dma_start3A_119 : memref<1x160x128xi32, #tpu.memory_space<hbm>> -> memref<160x128xi32, #tpu.memory_space<hbm>>
      %dma_start3A_121 = arith.constant 0 : i32
      %dma_start3A_122 = arith.constant 0 : i32
      %dma_start3A_123 = tpu.memref_slice %arg2[%arg1, %dma_start3A_121, %dma_start3A_122] : memref<16x160x128xi32, #tpu.memory_space<hbm>> -> memref<1x160x128xi32, #tpu.memory_space<hbm>>
      %dma_start3A_124 = tpu.memref_squeeze %dma_start3A_123 : memref<1x160x128xi32, #tpu.memory_space<hbm>> -> memref<160x128xi32, #tpu.memory_space<hbm>>
      tpu.enqueue_dma source(%dma_start3A_124 : memref<160x128xi32, #tpu.memory_space<hbm>>) target(%arg6 : memref<160x128xi32, #tpu.memory_space<vmem>>) target_semaphore(%run_scoped3A : memref<!tpu.dma_semaphore, #tpu.memory_space<semaphore_mem>>)
      %dma_wait3A_125 = arith.constant 0 : i32
      %dma_wait3A_126 = arith.constant 0 : i32
      %dma_wait3A_127 = tpu.memref_slice %arg2[%arg1, %dma_wait3A_125, %dma_wait3A_126] : memref<16x160x128xi32, #tpu.memory_space<hbm>> -> memref<1x160x128xi32, #tpu.memory_space<hbm>>
      %dma_wait3A_128 = tpu.memref_squeeze %dma_wait3A_127 : memref<1x160x128xi32, #tpu.memory_space<hbm>> -> memref<160x128xi32, #tpu.memory_space<hbm>>
      %dma_wait3A_129 = arith.constant 0 : i32
      %dma_wait3A_130 = arith.constant 0 : i32
      %dma_wait3A_131 = tpu.memref_slice %arg2[%arg1, %dma_wait3A_129, %dma_wait3A_130] : memref<16x160x128xi32, #tpu.memory_space<hbm>> -> memref<1x160x128xi32, #tpu.memory_space<hbm>>
      %dma_wait3A_132 = tpu.memref_squeeze %dma_wait3A_131 : memref<1x160x128xi32, #tpu.memory_space<hbm>> -> memref<160x128xi32, #tpu.memory_space<hbm>>
      tpu.wait_dma2 semaphore(%run_scoped3A : memref<!tpu.dma_semaphore, #tpu.memory_space<semaphore_mem>>) src(%dma_wait3A_132 : memref<160x128xi32, #tpu.memory_space<hbm>>) dst(%arg6 : memref<160x128xi32, #tpu.memory_space<vmem>>)
      tpu.yield
    }) : () -> ()
    %scan3A = arith.constant 0 : i32
    %scan3A_0 = arith.constant 128 : i32
    %scan3A_1 = arith.addi %scan3A, %scan3A_0 : i32
    %scan3A_2 = arith.constant 1 : i32
    scf.for %scan3A_117 = %scan3A to %scan3A_1 step %scan3A_2  : i32 {
      %mul3A_118 = arith.constant 1 : i32
      %mul3A_119 = arith.muli %scan3A_117, %mul3A_118 : i32
      %add3A_120 = arith.constant 0 : i32
      %add3A_121 = arith.addi %add3A_120, %mul3A_119 : i32
      %broadcast_in_dim3A = arith.constant 0.000000e+00 : f32
      %broadcast_in_dim3A_122 = vector.broadcast %broadcast_in_dim3A : f32 to vector<16xf32>
      %swap3A = arith.index_cast %add3A_121 : i32 to index
      %swap3A_123 = arith.constant 0 : index
      %swap3A_124 = tpu.vector_load %arg17[%swap3A, %swap3A_123] {strides = array<i32>} : memref<128x64xf32, #tpu.memory_space<vmem>>, vector<1x16xf32>,
      %swap3A_125 = vector.shape_cast %swap3A_124 : vector<1x16xf32> to vector<16xf32>
      %swap3A_126 = vector.shape_cast %broadcast_in_dim3A_122 : vector<16xf32> to vector<1x16xf32>
      tpu.vector_store %arg17[%swap3A, %swap3A_123], %swap3A_126 {strides = array<i32>} : memref<128x64xf32, #tpu.memory_space<vmem>>, vector<1x16xf32>,
      %broadcast_in_dim3A_127 = arith.constant 0.000000e+00 : f32
      %broadcast_in_dim3A_128 = vector.broadcast %broadcast_in_dim3A_127 : f32 to vector<16xf32>
      %swap3A_129 = arith.index_cast %add3A_121 : i32 to index
      %swap3A_130 = arith.constant 16 : index
      %swap3A_131 = tpu.vector_load %arg17[%swap3A_129, %swap3A_130] {strides = array<i32>} : memref<128x64xf32, #tpu.memory_space<vmem>>, vector<1x16xf32>,
      %swap3A_132 = vector.shape_cast %swap3A_131 : vector<1x16xf32> to vector<16xf32>
      %swap3A_133 = vector.shape_cast %broadcast_in_dim3A_128 : vector<16xf32> to vector<1x16xf32>
      tpu.vector_store %arg17[%swap3A_129, %swap3A_130], %swap3A_133 {strides = array<i32>} : memref<128x64xf32, #tpu.memory_space<vmem>>, vector<1x16xf32>,
      %broadcast_in_dim3A_134 = arith.constant 0.000000e+00 : f32
      %broadcast_in_dim3A_135 = vector.broadcast %broadcast_in_dim3A_134 : f32 to vector<16xf32>
      %swap3A_136 = arith.index_cast %add3A_121 : i32 to index
      %swap3A_137 = arith.constant 32 : index
      %swap3A_138 = tpu.vector_load %arg17[%swap3A_136, %swap3A_137] {strides = array<i32>} : memref<128x64xf32, #tpu.memory_space<vmem>>, vector<1x16xf32>,
      %swap3A_139 = vector.shape_cast %swap3A_138 : vector<1x16xf32> to vector<16xf32>
      %swap3A_140 = vector.shape_cast %broadcast_in_dim3A_135 : vector<16xf32> to vector<1x16xf32>
      tpu.vector_store %arg17[%swap3A_136, %swap3A_137], %swap3A_140 {strides = array<i32>} : memref<128x64xf32, #tpu.memory_space<vmem>>, vector<1x16xf32>,
      %broadcast_in_dim3A_141 = arith.constant 0.000000e+00 : f32
      %broadcast_in_dim3A_142 = vector.broadcast %broadcast_in_dim3A_141 : f32 to vector<16xf32>
      %swap3A_143 = arith.index_cast %add3A_121 : i32 to index
      %swap3A_144 = arith.constant 48 : index
      %swap3A_145 = tpu.vector_load %arg17[%swap3A_143, %swap3A_144] {strides = array<i32>} : memref<128x64xf32, #tpu.memory_space<vmem>>, vector<1x16xf32>,
      %swap3A_146 = vector.shape_cast %swap3A_145 : vector<1x16xf32> to vector<16xf32>
      %swap3A_147 = vector.shape_cast %broadcast_in_dim3A_142 : vector<16xf32> to vector<1x16xf32>
      tpu.vector_store %arg17[%swap3A_143, %swap3A_144], %swap3A_147 {strides = array<i32>} : memref<128x64xf32, #tpu.memory_space<vmem>>, vector<1x16xf32>,
    }
    %scan3A_3 = arith.constant 128 : i32
    %mul3A = arith.constant 640 : i32
    %mul3A_4 = arith.muli %arg1, %mul3A : i32
    %add3A = arith.constant 0 : i32
    %add3A_5 = arith.addi %mul3A_4, %add3A : i32
    "tpu.region"() ({
      %run_scoped3A = tpu.sem_alloc : memref<!tpu.dma_semaphore, #tpu.memory_space<semaphore_mem>>
      %dma_start3A_117 = arith.constant 0 : i32
      %dma_start3A_118 = tpu.memref_slice %arg18[%add3A_5, %dma_start3A_117] : memref<10240x64xf32, #tpu.memory_space<vmem_shared>> -> memref<128x64xf32, #tpu.memory_space<vmem_shared>>
      %dma_start3A_119 = arith.constant 0 : i32
      %dma_start3A_120 = tpu.memref_slice %arg18[%add3A_5, %dma_start3A_119] : memref<10240x64xf32, #tpu.memory_space<vmem_shared>> -> memref<128x64xf32, #tpu.memory_space<vmem_shared>>
      tpu.enqueue_dma source(%arg17 : memref<128x64xf32, #tpu.memory_space<vmem>>) target(%dma_start3A_120 : memref<128x64xf32, #tpu.memory_space<vmem_shared>>) target_semaphore(%run_scoped3A : memref<!tpu.dma_semaphore, #tpu.memory_space<semaphore_mem>>)
      %dma_wait3A_121 = arith.constant 0 : i32
      %dma_wait3A_122 = tpu.memref_slice %arg18[%add3A_5, %dma_wait3A_121] : memref<10240x64xf32, #tpu.memory_space<vmem_shared>> -> memref<128x64xf32, #tpu.memory_space<vmem_shared>>
      %dma_wait3A_123 = arith.constant 0 : i32
      %dma_wait3A_124 = tpu.memref_slice %arg18[%add3A_5, %dma_wait3A_123] : memref<10240x64xf32, #tpu.memory_space<vmem_shared>> -> memref<128x64xf32, #tpu.memory_space<vmem_shared>>
      tpu.wait_dma2 semaphore(%run_scoped3A : memref<!tpu.dma_semaphore, #tpu.memory_space<semaphore_mem>>) src(%arg17 : memref<128x64xf32, #tpu.memory_space<vmem>>) dst(%dma_wait3A_124 : memref<128x64xf32, #tpu.memory_space<vmem_shared>>)
      tpu.yield
    }) : () -> ()
    %mul3A_6 = arith.constant 640 : i32
    %mul3A_7 = arith.muli %arg1, %mul3A_6 : i32
    %add3A_8 = arith.constant 128 : i32
    %add3A_9 = arith.addi %mul3A_7, %add3A_8 : i32
    "tpu.region"() ({
      %run_scoped3A = tpu.sem_alloc : memref<!tpu.dma_semaphore, #tpu.memory_space<semaphore_mem>>
      %dma_start3A_117 = arith.constant 0 : i32
      %dma_start3A_118 = tpu.memref_slice %arg18[%add3A_9, %dma_start3A_117] : memref<10240x64xf32, #tpu.memory_space<vmem_shared>> -> memref<128x64xf32, #tpu.memory_space<vmem_shared>>
      %dma_start3A_119 = arith.constant 0 : i32
      %dma_start3A_120 = tpu.memref_slice %arg18[%add3A_9, %dma_start3A_119] : memref<10240x64xf32, #tpu.memory_space<vmem_shared>> -> memref<128x64xf32, #tpu.memory_space<vmem_shared>>
      tpu.enqueue_dma source(%arg17 : memref<128x64xf32, #tpu.memory_space<vmem>>) target(%dma_start3A_120 : memref<128x64xf32, #tpu.memory_space<vmem_shared>>) target_semaphore(%run_scoped3A : memref<!tpu.dma_semaphore, #tpu.memory_space<semaphore_mem>>)
      %dma_wait3A_121 = arith.constant 0 : i32
      %dma_wait3A_122 = tpu.memref_slice %arg18[%add3A_9, %dma_wait3A_121] : memref<10240x64xf32, #tpu.memory_space<vmem_shared>> -> memref<128x64xf32, #tpu.memory_space<vmem_shared>>
      %dma_wait3A_123 = arith.constant 0 : i32
      %dma_wait3A_124 = tpu.memref_slice %arg18[%add3A_9, %dma_wait3A_123] : memref<10240x64xf32, #tpu.memory_space<vmem_shared>> -> memref<128x64xf32, #tpu.memory_space<vmem_shared>>
      tpu.wait_dma2 semaphore(%run_scoped3A : memref<!tpu.dma_semaphore, #tpu.memory_space<semaphore_mem>>) src(%arg17 : memref<128x64xf32, #tpu.memory_space<vmem>>) dst(%dma_wait3A_124 : memref<128x64xf32, #tpu.memory_space<vmem_shared>>)
      tpu.yield
    }) : () -> ()
    %mul3A_10 = arith.constant 640 : i32
    %mul3A_11 = arith.muli %arg1, %mul3A_10 : i32
    %add3A_12 = arith.constant 256 : i32
    %add3A_13 = arith.addi %mul3A_11, %add3A_12 : i32
    "tpu.region"() ({
      %run_scoped3A = tpu.sem_alloc : memref<!tpu.dma_semaphore, #tpu.memory_space<semaphore_mem>>
      %dma_start3A_117 = arith.constant 0 : i32
      %dma_start3A_118 = tpu.memref_slice %arg18[%add3A_13, %dma_start3A_117] : memref<10240x64xf32, #tpu.memory_space<vmem_shared>> -> memref<128x64xf32, #tpu.memory_space<vmem_shared>>
      %dma_start3A_119 = arith.constant 0 : i32
      %dma_start3A_120 = tpu.memref_slice %arg18[%add3A_13, %dma_start3A_119] : memref<10240x64xf32, #tpu.memory_space<vmem_shared>> -> memref<128x64xf32, #tpu.memory_space<vmem_shared>>
      tpu.enqueue_dma source(%arg17 : memref<128x64xf32, #tpu.memory_space<vmem>>) target(%dma_start3A_120 : memref<128x64xf32, #tpu.memory_space<vmem_shared>>) target_semaphore(%run_scoped3A : memref<!tpu.dma_semaphore, #tpu.memory_space<semaphore_mem>>)
      %dma_wait3A_121 = arith.constant 0 : i32
      %dma_wait3A_122 = tpu.memref_slice %arg18[%add3A_13, %dma_wait3A_121] : memref<10240x64xf32, #tpu.memory_space<vmem_shared>> -> memref<128x64xf32, #tpu.memory_space<vmem_shared>>
      %dma_wait3A_123 = arith.constant 0 : i32
      %dma_wait3A_124 = tpu.memref_slice %arg18[%add3A_13, %dma_wait3A_123] : memref<10240x64xf32, #tpu.memory_space<vmem_shared>> -> memref<128x64xf32, #tpu.memory_space<vmem_shared>>
      tpu.wait_dma2 semaphore(%run_scoped3A : memref<!tpu.dma_semaphore, #tpu.memory_space<semaphore_mem>>) src(%arg17 : memref<128x64xf32, #tpu.memory_space<vmem>>) dst(%dma_wait3A_124 : memref<128x64xf32, #tpu.memory_space<vmem_shared>>)
      tpu.yield
    }) : () -> ()
    %mul3A_14 = arith.constant 640 : i32
    %mul3A_15 = arith.muli %arg1, %mul3A_14 : i32
    %add3A_16 = arith.constant 384 : i32
    %add3A_17 = arith.addi %mul3A_15, %add3A_16 : i32
    "tpu.region"() ({
      %run_scoped3A = tpu.sem_alloc : memref<!tpu.dma_semaphore, #tpu.memory_space<semaphore_mem>>
      %dma_start3A_117 = arith.constant 0 : i32
      %dma_start3A_118 = tpu.memref_slice %arg18[%add3A_17, %dma_start3A_117] : memref<10240x64xf32, #tpu.memory_space<vmem_shared>> -> memref<128x64xf32, #tpu.memory_space<vmem_shared>>
      %dma_start3A_119 = arith.constant 0 : i32
      %dma_start3A_120 = tpu.memref_slice %arg18[%add3A_17, %dma_start3A_119] : memref<10240x64xf32, #tpu.memory_space<vmem_shared>> -> memref<128x64xf32, #tpu.memory_space<vmem_shared>>
      tpu.enqueue_dma source(%arg17 : memref<128x64xf32, #tpu.memory_space<vmem>>) target(%dma_start3A_120 : memref<128x64xf32, #tpu.memory_space<vmem_shared>>) target_semaphore(%run_scoped3A : memref<!tpu.dma_semaphore, #tpu.memory_space<semaphore_mem>>)
      %dma_wait3A_121 = arith.constant 0 : i32
      %dma_wait3A_122 = tpu.memref_slice %arg18[%add3A_17, %dma_wait3A_121] : memref<10240x64xf32, #tpu.memory_space<vmem_shared>> -> memref<128x64xf32, #tpu.memory_space<vmem_shared>>
      %dma_wait3A_123 = arith.constant 0 : i32
      %dma_wait3A_124 = tpu.memref_slice %arg18[%add3A_17, %dma_wait3A_123] : memref<10240x64xf32, #tpu.memory_space<vmem_shared>> -> memref<128x64xf32, #tpu.memory_space<vmem_shared>>
      tpu.wait_dma2 semaphore(%run_scoped3A : memref<!tpu.dma_semaphore, #tpu.memory_space<semaphore_mem>>) src(%arg17 : memref<128x64xf32, #tpu.memory_space<vmem>>) dst(%dma_wait3A_124 : memref<128x64xf32, #tpu.memory_space<vmem_shared>>)
      tpu.yield
    }) : () -> ()
    %mul3A_18 = arith.constant 640 : i32
    %mul3A_19 = arith.muli %arg1, %mul3A_18 : i32
    %add3A_20 = arith.constant 512 : i32
    %add3A_21 = arith.addi %mul3A_19, %add3A_20 : i32
    "tpu.region"() ({
      %run_scoped3A = tpu.sem_alloc : memref<!tpu.dma_semaphore, #tpu.memory_space<semaphore_mem>>
      %dma_start3A_117 = arith.constant 0 : i32
      %dma_start3A_118 = tpu.memref_slice %arg18[%add3A_21, %dma_start3A_117] : memref<10240x64xf32, #tpu.memory_space<vmem_shared>> -> memref<128x64xf32, #tpu.memory_space<vmem_shared>>
      %dma_start3A_119 = arith.constant 0 : i32
      %dma_start3A_120 = tpu.memref_slice %arg18[%add3A_21, %dma_start3A_119] : memref<10240x64xf32, #tpu.memory_space<vmem_shared>> -> memref<128x64xf32, #tpu.memory_space<vmem_shared>>
      tpu.enqueue_dma source(%arg17 : memref<128x64xf32, #tpu.memory_space<vmem>>) target(%dma_start3A_120 : memref<128x64xf32, #tpu.memory_space<vmem_shared>>) target_semaphore(%run_scoped3A : memref<!tpu.dma_semaphore, #tpu.memory_space<semaphore_mem>>)
      %dma_wait3A_121 = arith.constant 0 : i32
      %dma_wait3A_122 = tpu.memref_slice %arg18[%add3A_21, %dma_wait3A_121] : memref<10240x64xf32, #tpu.memory_space<vmem_shared>> -> memref<128x64xf32, #tpu.memory_space<vmem_shared>>
      %dma_wait3A_123 = arith.constant 0 : i32
      %dma_wait3A_124 = tpu.memref_slice %arg18[%add3A_21, %dma_wait3A_123] : memref<10240x64xf32, #tpu.memory_space<vmem_shared>> -> memref<128x64xf32, #tpu.memory_space<vmem_shared>>
      tpu.wait_dma2 semaphore(%run_scoped3A : memref<!tpu.dma_semaphore, #tpu.memory_space<semaphore_mem>>) src(%arg17 : memref<128x64xf32, #tpu.memory_space<vmem>>) dst(%dma_wait3A_124 : memref<128x64xf32, #tpu.memory_space<vmem_shared>>)
      tpu.yield
    }) : () -> ()
    %barrier3A = arith.constant 0 : index
    tpu.barrier barrier_id(%barrier3A)
    %dma_start3A = arith.constant 0 : i32
    %dma_start3A_22 = arith.constant 0 : i32
    %dma_start3A_23 = tpu.memref_slice %arg6[%dma_start3A, %dma_start3A_22] : memref<160x128xi32, #tpu.memory_space<vmem>> -> memref<1x128xi32, #tpu.memory_space<vmem>>
    %dma_start3A_24 = tpu.memref_squeeze %dma_start3A_23 : memref<1x128xi32, #tpu.memory_space<vmem>> -> memref<128xi32, #tpu.memory_space<vmem>>
    %dma_start3A_25 = arith.constant 0 : i32
    %dma_start3A_26 = arith.constant 0 : i32
    %dma_start3A_27 = tpu.memref_slice %arg4[%arg0, %dma_start3A_25, %dma_start3A_26] : memref<2x10000x64xf32, #tpu.memory_space<hbm>> -> memref<1x10000x64xf32, #tpu.memory_space<hbm>>
    %dma_start3A_28 = tpu.memref_squeeze %dma_start3A_27 : memref<1x10000x64xf32, #tpu.memory_space<hbm>> -> memref<10000x64xf32, #tpu.memory_space<hbm>>
    %dma_start3A_29 = arith.constant 0 : i32
    %dma_start3A_30 = arith.constant 0 : i32
    %dma_start3A_31 = tpu.memref_slice %dma_start3A_28[%dma_start3A_29, %dma_start3A_30] : memref<10000x64xf32, #tpu.memory_space<hbm>> -> memref<10000x64xf32, #tpu.memory_space<hbm>>
    tpu.enqueue_indirect_dma source(%dma_start3A_31 : memref<10000x64xf32, #tpu.memory_space<hbm>>) target(%arg12 : memref<128x64xf32, #tpu.memory_space<vmem>>) offsets(%dma_start3A_24 : memref<128xi32, #tpu.memory_space<vmem>>) semaphore(%arg19 : memref<!tpu.dma_semaphore, #tpu.memory_space<semaphore_mem>>)
    %dma_start3A_32 = arith.constant 0 : i32
    %dma_start3A_33 = arith.constant 0 : i32
    %dma_start3A_34 = tpu.memref_slice %arg3[%arg1, %dma_start3A_32, %dma_start3A_33] : memref<16x160x128xi32, #tpu.memory_space<hbm>> -> memref<1x1x128xi32, #tpu.memory_space<hbm>>
    %dma_start3A_35 = tpu.memref_squeeze %dma_start3A_34 : memref<1x1x128xi32, #tpu.memory_space<hbm>> -> memref<128xi32, #tpu.memory_space<hbm>>
    %dma_start3A_36 = arith.constant 0 : i32
    %dma_start3A_37 = tpu.memref_slice %arg3[%arg1, %dma_start3A_32, %dma_start3A_36] : memref<16x160x128xi32, #tpu.memory_space<hbm>> -> memref<1x1x128xi32, #tpu.memory_space<hbm>>
    %dma_start3A_38 = tpu.memref_squeeze %dma_start3A_37 : memref<1x1x128xi32, #tpu.memory_space<hbm>> -> memref<128xi32, #tpu.memory_space<hbm>>
    tpu.enqueue_dma source(%dma_start3A_38 : memref<128xi32, #tpu.memory_space<hbm>>) target(%arg7 : memref<128xi32, #tpu.memory_space<vmem>>) target_semaphore(%arg24 : memref<!tpu.dma_semaphore, #tpu.memory_space<semaphore_mem>>)
    %dma_start3A_39 = arith.constant 1 : i32
    %dma_start3A_40 = arith.constant 0 : i32
    %dma_start3A_41 = tpu.memref_slice %arg6[%dma_start3A_39, %dma_start3A_40] : memref<160x128xi32, #tpu.memory_space<vmem>> -> memref<1x128xi32, #tpu.memory_space<vmem>>
    %dma_start3A_42 = tpu.memref_squeeze %dma_start3A_41 : memref<1x128xi32, #tpu.memory_space<vmem>> -> memref<128xi32, #tpu.memory_space<vmem>>
    %dma_start3A_43 = arith.constant 0 : i32
    %dma_start3A_44 = arith.constant 0 : i32
    %dma_start3A_45 = tpu.memref_slice %arg4[%arg0, %dma_start3A_43, %dma_start3A_44] : memref<2x10000x64xf32, #tpu.memory_space<hbm>> -> memref<1x10000x64xf32, #tpu.memory_space<hbm>>
    %dma_start3A_46 = tpu.memref_squeeze %dma_start3A_45 : memref<1x10000x64xf32, #tpu.memory_space<hbm>> -> memref<10000x64xf32, #tpu.memory_space<hbm>>
    %dma_start3A_47 = arith.constant 0 : i32
    %dma_start3A_48 = arith.constant 0 : i32
    %dma_start3A_49 = tpu.memref_slice %dma_start3A_46[%dma_start3A_47, %dma_start3A_48] : memref<10000x64xf32, #tpu.memory_space<hbm>> -> memref<10000x64xf32, #tpu.memory_space<hbm>>
    tpu.enqueue_indirect_dma source(%dma_start3A_49 : memref<10000x64xf32, #tpu.memory_space<hbm>>) target(%arg13 : memref<128x64xf32, #tpu.memory_space<vmem>>) offsets(%dma_start3A_42 : memref<128xi32, #tpu.memory_space<vmem>>) semaphore(%arg20 : memref<!tpu.dma_semaphore, #tpu.memory_space<semaphore_mem>>)
    %dma_start3A_50 = arith.constant 1 : i32
    %dma_start3A_51 = arith.constant 0 : i32
    %dma_start3A_52 = tpu.memref_slice %arg3[%arg1, %dma_start3A_50, %dma_start3A_51] : memref<16x160x128xi32, #tpu.memory_space<hbm>> -> memref<1x1x128xi32, #tpu.memory_space<hbm>>
    %dma_start3A_53 = tpu.memref_squeeze %dma_start3A_52 : memref<1x1x128xi32, #tpu.memory_space<hbm>> -> memref<128xi32, #tpu.memory_space<hbm>>
    %dma_start3A_54 = arith.constant 0 : i32
    %dma_start3A_55 = tpu.memref_slice %arg3[%arg1, %dma_start3A_50, %dma_start3A_54] : memref<16x160x128xi32, #tpu.memory_space<hbm>> -> memref<1x1x128xi32, #tpu.memory_space<hbm>>
    %dma_start3A_56 = tpu.memref_squeeze %dma_start3A_55 : memref<1x1x128xi32, #tpu.memory_space<hbm>> -> memref<128xi32, #tpu.memory_space<hbm>>
    tpu.enqueue_dma source(%dma_start3A_56 : memref<128xi32, #tpu.memory_space<hbm>>) target(%arg8 : memref<128xi32, #tpu.memory_space<vmem>>) target_semaphore(%arg25 : memref<!tpu.dma_semaphore, #tpu.memory_space<semaphore_mem>>)
    %dma_start3A_57 = arith.constant 2 : i32
    %dma_start3A_58 = arith.constant 0 : i32
    %dma_start3A_59 = tpu.memref_slice %arg6[%dma_start3A_57, %dma_start3A_58] : memref<160x128xi32, #tpu.memory_space<vmem>> -> memref<1x128xi32, #tpu.memory_space<vmem>>
    %dma_start3A_60 = tpu.memref_squeeze %dma_start3A_59 : memref<1x128xi32, #tpu.memory_space<vmem>> -> memref<128xi32, #tpu.memory_space<vmem>>
    %dma_start3A_61 = arith.constant 0 : i32
    %dma_start3A_62 = arith.constant 0 : i32
    %dma_start3A_63 = tpu.memref_slice %arg4[%arg0, %dma_start3A_61, %dma_start3A_62] : memref<2x10000x64xf32, #tpu.memory_space<hbm>> -> memref<1x10000x64xf32, #tpu.memory_space<hbm>>
    %dma_start3A_64 = tpu.memref_squeeze %dma_start3A_63 : memref<1x10000x64xf32, #tpu.memory_space<hbm>> -> memref<10000x64xf32, #tpu.memory_space<hbm>>
    %dma_start3A_65 = arith.constant 0 : i32
    %dma_start3A_66 = arith.constant 0 : i32
    %dma_start3A_67 = tpu.memref_slice %dma_start3A_64[%dma_start3A_65, %dma_start3A_66] : memref<10000x64xf32, #tpu.memory_space<hbm>> -> memref<10000x64xf32, #tpu.memory_space<hbm>>
    tpu.enqueue_indirect_dma source(%dma_start3A_67 : memref<10000x64xf32, #tpu.memory_space<hbm>>) target(%arg14 : memref<128x64xf32, #tpu.memory_space<vmem>>) offsets(%dma_start3A_60 : memref<128xi32, #tpu.memory_space<vmem>>) semaphore(%arg21 : memref<!tpu.dma_semaphore, #tpu.memory_space<semaphore_mem>>)
    %dma_start3A_68 = arith.constant 2 : i32
    %dma_start3A_69 = arith.constant 0 : i32
    %dma_start3A_70 = tpu.memref_slice %arg3[%arg1, %dma_start3A_68, %dma_start3A_69] : memref<16x160x128xi32, #tpu.memory_space<hbm>> -> memref<1x1x128xi32, #tpu.memory_space<hbm>>
    %dma_start3A_71 = tpu.memref_squeeze %dma_start3A_70 : memref<1x1x128xi32, #tpu.memory_space<hbm>> -> memref<128xi32, #tpu.memory_space<hbm>>
    %dma_start3A_72 = arith.constant 0 : i32
    %dma_start3A_73 = tpu.memref_slice %arg3[%arg1, %dma_start3A_68, %dma_start3A_72] : memref<16x160x128xi32, #tpu.memory_space<hbm>> -> memref<1x1x128xi32, #tpu.memory_space<hbm>>
    %dma_start3A_74 = tpu.memref_squeeze %dma_start3A_73 : memref<1x1x128xi32, #tpu.memory_space<hbm>> -> memref<128xi32, #tpu.memory_space<hbm>>
    tpu.enqueue_dma source(%dma_start3A_74 : memref<128xi32, #tpu.memory_space<hbm>>) target(%arg9 : memref<128xi32, #tpu.memory_space<vmem>>) target_semaphore(%arg26 : memref<!tpu.dma_semaphore, #tpu.memory_space<semaphore_mem>>)
    %dma_start3A_75 = arith.constant 3 : i32
    %dma_start3A_76 = arith.constant 0 : i32
    %dma_start3A_77 = tpu.memref_slice %arg6[%dma_start3A_75, %dma_start3A_76] : memref<160x128xi32, #tpu.memory_space<vmem>> -> memref<1x128xi32, #tpu.memory_space<vmem>>
    %dma_start3A_78 = tpu.memref_squeeze %dma_start3A_77 : memref<1x128xi32, #tpu.memory_space<vmem>> -> memref<128xi32, #tpu.memory_space<vmem>>
    %dma_start3A_79 = arith.constant 0 : i32
    %dma_start3A_80 = arith.constant 0 : i32
    %dma_start3A_81 = tpu.memref_slice %arg4[%arg0, %dma_start3A_79, %dma_start3A_80] : memref<2x10000x64xf32, #tpu.memory_space<hbm>> -> memref<1x10000x64xf32, #tpu.memory_space<hbm>>
    %dma_start3A_82 = tpu.memref_squeeze %dma_start3A_81 : memref<1x10000x64xf32, #tpu.memory_space<hbm>> -> memref<10000x64xf32, #tpu.memory_space<hbm>>
    %dma_start3A_83 = arith.constant 0 : i32
    %dma_start3A_84 = arith.constant 0 : i32
    %dma_start3A_85 = tpu.memref_slice %dma_start3A_82[%dma_start3A_83, %dma_start3A_84] : memref<10000x64xf32, #tpu.memory_space<hbm>> -> memref<10000x64xf32, #tpu.memory_space<hbm>>
    tpu.enqueue_indirect_dma source(%dma_start3A_85 : memref<10000x64xf32, #tpu.memory_space<hbm>>) target(%arg15 : memref<128x64xf32, #tpu.memory_space<vmem>>) offsets(%dma_start3A_78 : memref<128xi32, #tpu.memory_space<vmem>>) semaphore(%arg22 : memref<!tpu.dma_semaphore, #tpu.memory_space<semaphore_mem>>)
    %dma_start3A_86 = arith.constant 3 : i32
    %dma_start3A_87 = arith.constant 0 : i32
    %dma_start3A_88 = tpu.memref_slice %arg3[%arg1, %dma_start3A_86, %dma_start3A_87] : memref<16x160x128xi32, #tpu.memory_space<hbm>> -> memref<1x1x128xi32, #tpu.memory_space<hbm>>
    %dma_start3A_89 = tpu.memref_squeeze %dma_start3A_88 : memref<1x1x128xi32, #tpu.memory_space<hbm>> -> memref<128xi32, #tpu.memory_space<hbm>>
    %dma_start3A_90 = arith.constant 0 : i32
    %dma_start3A_91 = tpu.memref_slice %arg3[%arg1, %dma_start3A_86, %dma_start3A_90] : memref<16x160x128xi32, #tpu.memory_space<hbm>> -> memref<1x1x128xi32, #tpu.memory_space<hbm>>
    %dma_start3A_92 = tpu.memref_squeeze %dma_start3A_91 : memref<1x1x128xi32, #tpu.memory_space<hbm>> -> memref<128xi32, #tpu.memory_space<hbm>>
    tpu.enqueue_dma source(%dma_start3A_92 : memref<128xi32, #tpu.memory_space<hbm>>) target(%arg10 : memref<128xi32, #tpu.memory_space<vmem>>) target_semaphore(%arg27 : memref<!tpu.dma_semaphore, #tpu.memory_space<semaphore_mem>>)
    %scan3A_93 = arith.constant 0 : i32
    %scan3A_94 = arith.constant 32 : i32
    %scan3A_95 = arith.addi %scan3A_93, %scan3A_94 : i32
    %scan3A_96 = arith.constant 1 : i32
    scf.for %scan3A_117 = %scan3A_93 to %scan3A_95 step %scan3A_96  : i32 {
      %mul3A_118 = arith.constant 1 : i32
      %mul3A_119 = arith.muli %scan3A_117, %mul3A_118 : i32
      %add3A_120 = arith.constant 0 : i32
      %add3A_121 = arith.addi %add3A_120, %mul3A_119 : i32
      %mul3A_122 = arith.constant 5 : i32
      %mul3A_123 = arith.muli %add3A_121, %mul3A_122 : i32
      %add3A_124 = arith.constant 0 : i32
      %add3A_125 = arith.addi %mul3A_123, %add3A_124 : i32
      %add3A_126 = arith.constant 4 : i32
      %add3A_127 = arith.addi %add3A_125, %add3A_126 : i32
      %gt3A = arith.constant 0 : i32
      %gt3A_128 = arith.cmpi sgt, %add3A_121, %gt3A : i32
      %convert_element_type3A = arith.extui %gt3A_128 : i1 to i32
      %cond3A = arith.constant 0 : i32
      %cond3A_129 = arith.cmpi ne, %convert_element_type3A, %cond3A : i32
      scf.if %cond3A_129 {
        %dma_wait3A_286 = arith.constant 0 : i32
        %dma_wait3A_287 = arith.constant 0 : i32
        %dma_wait3A_288 = tpu.memref_slice %arg18[%dma_wait3A_286, %dma_wait3A_287] : memref<10240x64xf32, #tpu.memory_space<vmem_shared>> -> memref<10240x64xf32, #tpu.memory_space<vmem_shared>>
        tpu.wait_indirect_dma semaphore(%arg33 : memref<!tpu.dma_semaphore, #tpu.memory_space<semaphore_mem>>) src(%arg16 : memref<128x64xf32, #tpu.memory_space<vmem>>) dst(%dma_wait3A_288 : memref<10240x64xf32, #tpu.memory_space<vmem_shared>>)
      } else {
      }
      %dma_start3A_130 = arith.constant 0 : i32
      %dma_start3A_131 = tpu.memref_slice %arg6[%add3A_127, %dma_start3A_130] : memref<160x128xi32, #tpu.memory_space<vmem>> -> memref<1x128xi32, #tpu.memory_space<vmem>>
      %dma_start3A_132 = tpu.memref_squeeze %dma_start3A_131 : memref<1x128xi32, #tpu.memory_space<vmem>> -> memref<128xi32, #tpu.memory_space<vmem>>
      %dma_start3A_133 = arith.constant 0 : i32
      %dma_start3A_134 = arith.constant 0 : i32
      %dma_start3A_135 = tpu.memref_slice %arg4[%arg0, %dma_start3A_133, %dma_start3A_134] : memref<2x10000x64xf32, #tpu.memory_space<hbm>> -> memref<1x10000x64xf32, #tpu.memory_space<hbm>>
      %dma_start3A_136 = tpu.memref_squeeze %dma_start3A_135 : memref<1x10000x64xf32, #tpu.memory_space<hbm>> -> memref<10000x64xf32, #tpu.memory_space<hbm>>
      %dma_start3A_137 = arith.constant 0 : i32
      %dma_start3A_138 = arith.constant 0 : i32
      %dma_start3A_139 = tpu.memref_slice %dma_start3A_136[%dma_start3A_137, %dma_start3A_138] : memref<10000x64xf32, #tpu.memory_space<hbm>> -> memref<10000x64xf32, #tpu.memory_space<hbm>>
      tpu.enqueue_indirect_dma source(%dma_start3A_139 : memref<10000x64xf32, #tpu.memory_space<hbm>>) target(%arg16 : memref<128x64xf32, #tpu.memory_space<vmem>>) offsets(%dma_start3A_132 : memref<128xi32, #tpu.memory_space<vmem>>) semaphore(%arg23 : memref<!tpu.dma_semaphore, #tpu.memory_space<semaphore_mem>>)
      %dma_start3A_140 = arith.constant 0 : i32
      %dma_start3A_141 = tpu.memref_slice %arg3[%arg1, %add3A_127, %dma_start3A_140] : memref<16x160x128xi32, #tpu.memory_space<hbm>> -> memref<1x1x128xi32, #tpu.memory_space<hbm>>
      %dma_start3A_142 = tpu.memref_squeeze %dma_start3A_141 : memref<1x1x128xi32, #tpu.memory_space<hbm>> -> memref<128xi32, #tpu.memory_space<hbm>>
      %dma_start3A_143 = arith.constant 0 : i32
      %dma_start3A_144 = tpu.memref_slice %arg3[%arg1, %add3A_127, %dma_start3A_143] : memref<16x160x128xi32, #tpu.memory_space<hbm>> -> memref<1x1x128xi32, #tpu.memory_space<hbm>>
      %dma_start3A_145 = tpu.memref_squeeze %dma_start3A_144 : memref<1x1x128xi32, #tpu.memory_space<hbm>> -> memref<128xi32, #tpu.memory_space<hbm>>
      tpu.enqueue_dma source(%dma_start3A_145 : memref<128xi32, #tpu.memory_space<hbm>>) target(%arg11 : memref<128xi32, #tpu.memory_space<vmem>>) target_semaphore(%arg28 : memref<!tpu.dma_semaphore, #tpu.memory_space<semaphore_mem>>)
      %add3A_146 = arith.constant 0 : i32
      %add3A_147 = arith.addi %mul3A_123, %add3A_146 : i32
      %dma_wait3A_148 = arith.constant 0 : i32
      %dma_wait3A_149 = tpu.memref_slice %arg6[%add3A_147, %dma_wait3A_148] : memref<160x128xi32, #tpu.memory_space<vmem>> -> memref<1x128xi32, #tpu.memory_space<vmem>>
      %dma_wait3A_150 = tpu.memref_squeeze %dma_wait3A_149 : memref<1x128xi32, #tpu.memory_space<vmem>> -> memref<128xi32, #tpu.memory_space<vmem>>
      %dma_wait3A_151 = arith.constant 0 : i32
      %dma_wait3A_152 = arith.constant 0 : i32
      %dma_wait3A_153 = tpu.memref_slice %arg4[%arg0, %dma_wait3A_151, %dma_wait3A_152] : memref<2x10000x64xf32, #tpu.memory_space<hbm>> -> memref<1x10000x64xf32, #tpu.memory_space<hbm>>
      %dma_wait3A_154 = tpu.memref_squeeze %dma_wait3A_153 : memref<1x10000x64xf32, #tpu.memory_space<hbm>> -> memref<10000x64xf32, #tpu.memory_space<hbm>>
      %dma_wait3A_155 = arith.constant 0 : i32
      %dma_wait3A_156 = arith.constant 0 : i32
      %dma_wait3A_157 = tpu.memref_slice %dma_wait3A_154[%dma_wait3A_155, %dma_wait3A_156] : memref<10000x64xf32, #tpu.memory_space<hbm>> -> memref<10000x64xf32, #tpu.memory_space<hbm>>
      tpu.wait_indirect_dma semaphore(%arg19 : memref<!tpu.dma_semaphore, #tpu.memory_space<semaphore_mem>>) src(%dma_wait3A_157 : memref<10000x64xf32, #tpu.memory_space<hbm>>) dst(%arg12 : memref<128x64xf32, #tpu.memory_space<vmem>>)
      %dma_wait3A_158 = arith.constant 0 : i32
      %dma_wait3A_159 = tpu.memref_slice %arg3[%arg1, %add3A_147, %dma_wait3A_158] : memref<16x160x128xi32, #tpu.memory_space<hbm>> -> memref<1x1x128xi32, #tpu.memory_space<hbm>>
      %dma_wait3A_160 = tpu.memref_squeeze %dma_wait3A_159 : memref<1x1x128xi32, #tpu.memory_space<hbm>> -> memref<128xi32, #tpu.memory_space<hbm>>
      %dma_wait3A_161 = arith.constant 0 : i32
      %dma_wait3A_162 = tpu.memref_slice %arg3[%arg1, %add3A_147, %dma_wait3A_161] : memref<16x160x128xi32, #tpu.memory_space<hbm>> -> memref<1x1x128xi32, #tpu.memory_space<hbm>>
      %dma_wait3A_163 = tpu.memref_squeeze %dma_wait3A_162 : memref<1x1x128xi32, #tpu.memory_space<hbm>> -> memref<128xi32, #tpu.memory_space<hbm>>
      tpu.wait_dma2 semaphore(%arg24 : memref<!tpu.dma_semaphore, #tpu.memory_space<semaphore_mem>>) src(%dma_wait3A_163 : memref<128xi32, #tpu.memory_space<hbm>>) dst(%arg7 : memref<128xi32, #tpu.memory_space<vmem>>)
      %dma_start3A_164 = arith.constant 0 : i32
      %dma_start3A_165 = arith.constant 0 : i32
      %dma_start3A_166 = tpu.memref_slice %arg18[%dma_start3A_164, %dma_start3A_165] : memref<10240x64xf32, #tpu.memory_space<vmem_shared>> -> memref<10240x64xf32, #tpu.memory_space<vmem_shared>>
      tpu.enqueue_indirect_dma source(%arg12 : memref<128x64xf32, #tpu.memory_space<vmem>>) target(%dma_start3A_166 : memref<10240x64xf32, #tpu.memory_space<vmem_shared>>) offsets(%arg7 : memref<128xi32, #tpu.memory_space<vmem>>) semaphore(%arg29 : memref<!tpu.dma_semaphore, #tpu.memory_space<semaphore_mem>>) {add = true}
      %add3A_167 = arith.constant 1 : i32
      %add3A_168 = arith.addi %mul3A_123, %add3A_167 : i32
      %add3A_169 = arith.constant 4 : i32
      %add3A_170 = arith.addi %add3A_168, %add3A_169 : i32
      %lt3A = arith.constant 31 : i32
      %lt3A_171 = arith.cmpi slt, %add3A_121, %lt3A : i32
      %convert_element_type3A_172 = arith.extui %lt3A_171 : i1 to i32
      %cond3A_173 = arith.constant 0 : i32
      %cond3A_174 = arith.cmpi ne, %convert_element_type3A_172, %cond3A_173 : i32
      scf.if %cond3A_174 {
        %dma_wait3A_286 = arith.constant 0 : i32
        %dma_wait3A_287 = arith.constant 0 : i32
        %dma_wait3A_288 = tpu.memref_slice %arg18[%dma_wait3A_286, %dma_wait3A_287] : memref<10240x64xf32, #tpu.memory_space<vmem_shared>> -> memref<10240x64xf32, #tpu.memory_space<vmem_shared>>
        tpu.wait_indirect_dma semaphore(%arg29 : memref<!tpu.dma_semaphore, #tpu.memory_space<semaphore_mem>>) src(%arg12 : memref<128x64xf32, #tpu.memory_space<vmem>>) dst(%dma_wait3A_288 : memref<10240x64xf32, #tpu.memory_space<vmem_shared>>)
        %dma_start3A_289 = arith.constant 0 : i32
        %dma_start3A_290 = tpu.memref_slice %arg6[%add3A_170, %dma_start3A_289] : memref<160x128xi32, #tpu.memory_space<vmem>> -> memref<1x128xi32, #tpu.memory_space<vmem>>
        %dma_start3A_291 = tpu.memref_squeeze %dma_start3A_290 : memref<1x128xi32, #tpu.memory_space<vmem>> -> memref<128xi32, #tpu.memory_space<vmem>>
        %dma_start3A_292 = arith.constant 0 : i32
        %dma_start3A_293 = arith.constant 0 : i32
        %dma_start3A_294 = tpu.memref_slice %arg4[%arg0, %dma_start3A_292, %dma_start3A_293] : memref<2x10000x64xf32, #tpu.memory_space<hbm>> -> memref<1x10000x64xf32, #tpu.memory_space<hbm>>
        %dma_start3A_295 = tpu.memref_squeeze %dma_start3A_294 : memref<1x10000x64xf32, #tpu.memory_space<hbm>> -> memref<10000x64xf32, #tpu.memory_space<hbm>>
        %dma_start3A_296 = arith.constant 0 : i32
        %dma_start3A_297 = arith.constant 0 : i32
        %dma_start3A_298 = tpu.memref_slice %dma_start3A_295[%dma_start3A_296, %dma_start3A_297] : memref<10000x64xf32, #tpu.memory_space<hbm>> -> memref<10000x64xf32, #tpu.memory_space<hbm>>
        tpu.enqueue_indirect_dma source(%dma_start3A_298 : memref<10000x64xf32, #tpu.memory_space<hbm>>) target(%arg12 : memref<128x64xf32, #tpu.memory_space<vmem>>) offsets(%dma_start3A_291 : memref<128xi32, #tpu.memory_space<vmem>>) semaphore(%arg19 : memref<!tpu.dma_semaphore, #tpu.memory_space<semaphore_mem>>)
        %dma_start3A_299 = arith.constant 0 : i32
        %dma_start3A_300 = tpu.memref_slice %arg3[%arg1, %add3A_170, %dma_start3A_299] : memref<16x160x128xi32, #tpu.memory_space<hbm>> -> memref<1x1x128xi32, #tpu.memory_space<hbm>>
        %dma_start3A_301 = tpu.memref_squeeze %dma_start3A_300 : memref<1x1x128xi32, #tpu.memory_space<hbm>> -> memref<128xi32, #tpu.memory_space<hbm>>
        %dma_start3A_302 = arith.constant 0 : i32
        %dma_start3A_303 = tpu.memref_slice %arg3[%arg1, %add3A_170, %dma_start3A_302] : memref<16x160x128xi32, #tpu.memory_space<hbm>> -> memref<1x1x128xi32, #tpu.memory_space<hbm>>
        %dma_start3A_304 = tpu.memref_squeeze %dma_start3A_303 : memref<1x1x128xi32, #tpu.memory_space<hbm>> -> memref<128xi32, #tpu.memory_space<hbm>>
        tpu.enqueue_dma source(%dma_start3A_304 : memref<128xi32, #tpu.memory_space<hbm>>) target(%arg7 : memref<128xi32, #tpu.memory_space<vmem>>) target_semaphore(%arg24 : memref<!tpu.dma_semaphore, #tpu.memory_space<semaphore_mem>>)
      } else {
      }
      %add3A_175 = arith.constant 1 : i32
      %add3A_176 = arith.addi %mul3A_123, %add3A_175 : i32
      %dma_wait3A_177 = arith.constant 0 : i32
      %dma_wait3A_178 = tpu.memref_slice %arg6[%add3A_176, %dma_wait3A_177] : memref<160x128xi32, #tpu.memory_space<vmem>> -> memref<1x128xi32, #tpu.memory_space<vmem>>
      %dma_wait3A_179 = tpu.memref_squeeze %dma_wait3A_178 : memref<1x128xi32, #tpu.memory_space<vmem>> -> memref<128xi32, #tpu.memory_space<vmem>>
      %dma_wait3A_180 = arith.constant 0 : i32
      %dma_wait3A_181 = arith.constant 0 : i32
      %dma_wait3A_182 = tpu.memref_slice %arg4[%arg0, %dma_wait3A_180, %dma_wait3A_181] : memref<2x10000x64xf32, #tpu.memory_space<hbm>> -> memref<1x10000x64xf32, #tpu.memory_space<hbm>>
      %dma_wait3A_183 = tpu.memref_squeeze %dma_wait3A_182 : memref<1x10000x64xf32, #tpu.memory_space<hbm>> -> memref<10000x64xf32, #tpu.memory_space<hbm>>
      %dma_wait3A_184 = arith.constant 0 : i32
      %dma_wait3A_185 = arith.constant 0 : i32
      %dma_wait3A_186 = tpu.memref_slice %dma_wait3A_183[%dma_wait3A_184, %dma_wait3A_185] : memref<10000x64xf32, #tpu.memory_space<hbm>> -> memref<10000x64xf32, #tpu.memory_space<hbm>>
      tpu.wait_indirect_dma semaphore(%arg20 : memref<!tpu.dma_semaphore, #tpu.memory_space<semaphore_mem>>) src(%dma_wait3A_186 : memref<10000x64xf32, #tpu.memory_space<hbm>>) dst(%arg13 : memref<128x64xf32, #tpu.memory_space<vmem>>)
      %dma_wait3A_187 = arith.constant 0 : i32
      %dma_wait3A_188 = tpu.memref_slice %arg3[%arg1, %add3A_176, %dma_wait3A_187] : memref<16x160x128xi32, #tpu.memory_space<hbm>> -> memref<1x1x128xi32, #tpu.memory_space<hbm>>
      %dma_wait3A_189 = tpu.memref_squeeze %dma_wait3A_188 : memref<1x1x128xi32, #tpu.memory_space<hbm>> -> memref<128xi32, #tpu.memory_space<hbm>>
      %dma_wait3A_190 = arith.constant 0 : i32
      %dma_wait3A_191 = tpu.memref_slice %arg3[%arg1, %add3A_176, %dma_wait3A_190] : memref<16x160x128xi32, #tpu.memory_space<hbm>> -> memref<1x1x128xi32, #tpu.memory_space<hbm>>
      %dma_wait3A_192 = tpu.memref_squeeze %dma_wait3A_191 : memref<1x1x128xi32, #tpu.memory_space<hbm>> -> memref<128xi32, #tpu.memory_space<hbm>>
      tpu.wait_dma2 semaphore(%arg25 : memref<!tpu.dma_semaphore, #tpu.memory_space<semaphore_mem>>) src(%dma_wait3A_192 : memref<128xi32, #tpu.memory_space<hbm>>) dst(%arg8 : memref<128xi32, #tpu.memory_space<vmem>>)
      %dma_start3A_193 = arith.constant 0 : i32
      %dma_start3A_194 = arith.constant 0 : i32
      %dma_start3A_195 = tpu.memref_slice %arg18[%dma_start3A_193, %dma_start3A_194] : memref<10240x64xf32, #tpu.memory_space<vmem_shared>> -> memref<10240x64xf32, #tpu.memory_space<vmem_shared>>
      tpu.enqueue_indirect_dma source(%arg13 : memref<128x64xf32, #tpu.memory_space<vmem>>) target(%dma_start3A_195 : memref<10240x64xf32, #tpu.memory_space<vmem_shared>>) offsets(%arg8 : memref<128xi32, #tpu.memory_space<vmem>>) semaphore(%arg30 : memref<!tpu.dma_semaphore, #tpu.memory_space<semaphore_mem>>) {add = true}
      %add3A_196 = arith.constant 2 : i32
      %add3A_197 = arith.addi %mul3A_123, %add3A_196 : i32
      %add3A_198 = arith.constant 4 : i32
      %add3A_199 = arith.addi %add3A_197, %add3A_198 : i32
      %lt3A_200 = arith.constant 31 : i32
      %lt3A_201 = arith.cmpi slt, %add3A_121, %lt3A_200 : i32
      %convert_element_type3A_202 = arith.extui %lt3A_201 : i1 to i32
      %cond3A_203 = arith.constant 0 : i32
      %cond3A_204 = arith.cmpi ne, %convert_element_type3A_202, %cond3A_203 : i32
      scf.if %cond3A_204 {
        %dma_wait3A_286 = arith.constant 0 : i32
        %dma_wait3A_287 = arith.constant 0 : i32
        %dma_wait3A_288 = tpu.memref_slice %arg18[%dma_wait3A_286, %dma_wait3A_287] : memref<10240x64xf32, #tpu.memory_space<vmem_shared>> -> memref<10240x64xf32, #tpu.memory_space<vmem_shared>>
        tpu.wait_indirect_dma semaphore(%arg30 : memref<!tpu.dma_semaphore, #tpu.memory_space<semaphore_mem>>) src(%arg13 : memref<128x64xf32, #tpu.memory_space<vmem>>) dst(%dma_wait3A_288 : memref<10240x64xf32, #tpu.memory_space<vmem_shared>>)
        %dma_start3A_289 = arith.constant 0 : i32
        %dma_start3A_290 = tpu.memref_slice %arg6[%add3A_199, %dma_start3A_289] : memref<160x128xi32, #tpu.memory_space<vmem>> -> memref<1x128xi32, #tpu.memory_space<vmem>>
        %dma_start3A_291 = tpu.memref_squeeze %dma_start3A_290 : memref<1x128xi32, #tpu.memory_space<vmem>> -> memref<128xi32, #tpu.memory_space<vmem>>
        %dma_start3A_292 = arith.constant 0 : i32
        %dma_start3A_293 = arith.constant 0 : i32
        %dma_start3A_294 = tpu.memref_slice %arg4[%arg0, %dma_start3A_292, %dma_start3A_293] : memref<2x10000x64xf32, #tpu.memory_space<hbm>> -> memref<1x10000x64xf32, #tpu.memory_space<hbm>>
        %dma_start3A_295 = tpu.memref_squeeze %dma_start3A_294 : memref<1x10000x64xf32, #tpu.memory_space<hbm>> -> memref<10000x64xf32, #tpu.memory_space<hbm>>
        %dma_start3A_296 = arith.constant 0 : i32
        %dma_start3A_297 = arith.constant 0 : i32
        %dma_start3A_298 = tpu.memref_slice %dma_start3A_295[%dma_start3A_296, %dma_start3A_297] : memref<10000x64xf32, #tpu.memory_space<hbm>> -> memref<10000x64xf32, #tpu.memory_space<hbm>>
        tpu.enqueue_indirect_dma source(%dma_start3A_298 : memref<10000x64xf32, #tpu.memory_space<hbm>>) target(%arg13 : memref<128x64xf32, #tpu.memory_space<vmem>>) offsets(%dma_start3A_291 : memref<128xi32, #tpu.memory_space<vmem>>) semaphore(%arg20 : memref<!tpu.dma_semaphore, #tpu.memory_space<semaphore_mem>>)
        %dma_start3A_299 = arith.constant 0 : i32
        %dma_start3A_300 = tpu.memref_slice %arg3[%arg1, %add3A_199, %dma_start3A_299] : memref<16x160x128xi32, #tpu.memory_space<hbm>> -> memref<1x1x128xi32, #tpu.memory_space<hbm>>
        %dma_start3A_301 = tpu.memref_squeeze %dma_start3A_300 : memref<1x1x128xi32, #tpu.memory_space<hbm>> -> memref<128xi32, #tpu.memory_space<hbm>>
        %dma_start3A_302 = arith.constant 0 : i32
        %dma_start3A_303 = tpu.memref_slice %arg3[%arg1, %add3A_199, %dma_start3A_302] : memref<16x160x128xi32, #tpu.memory_space<hbm>> -> memref<1x1x128xi32, #tpu.memory_space<hbm>>
        %dma_start3A_304 = tpu.memref_squeeze %dma_start3A_303 : memref<1x1x128xi32, #tpu.memory_space<hbm>> -> memref<128xi32, #tpu.memory_space<hbm>>
        tpu.enqueue_dma source(%dma_start3A_304 : memref<128xi32, #tpu.memory_space<hbm>>) target(%arg8 : memref<128xi32, #tpu.memory_space<vmem>>) target_semaphore(%arg25 : memref<!tpu.dma_semaphore, #tpu.memory_space<semaphore_mem>>)
      } else {
      }
      %add3A_205 = arith.constant 2 : i32
      %add3A_206 = arith.addi %mul3A_123, %add3A_205 : i32
      %dma_wait3A_207 = arith.constant 0 : i32
      %dma_wait3A_208 = tpu.memref_slice %arg6[%add3A_206, %dma_wait3A_207] : memref<160x128xi32, #tpu.memory_space<vmem>> -> memref<1x128xi32, #tpu.memory_space<vmem>>
      %dma_wait3A_209 = tpu.memref_squeeze %dma_wait3A_208 : memref<1x128xi32, #tpu.memory_space<vmem>> -> memref<128xi32, #tpu.memory_space<vmem>>
      %dma_wait3A_210 = arith.constant 0 : i32
      %dma_wait3A_211 = arith.constant 0 : i32
      %dma_wait3A_212 = tpu.memref_slice %arg4[%arg0, %dma_wait3A_210, %dma_wait3A_211] : memref<2x10000x64xf32, #tpu.memory_space<hbm>> -> memref<1x10000x64xf32, #tpu.memory_space<hbm>>
      %dma_wait3A_213 = tpu.memref_squeeze %dma_wait3A_212 : memref<1x10000x64xf32, #tpu.memory_space<hbm>> -> memref<10000x64xf32, #tpu.memory_space<hbm>>
      %dma_wait3A_214 = arith.constant 0 : i32
      %dma_wait3A_215 = arith.constant 0 : i32
      %dma_wait3A_216 = tpu.memref_slice %dma_wait3A_213[%dma_wait3A_214, %dma_wait3A_215] : memref<10000x64xf32, #tpu.memory_space<hbm>> -> memref<10000x64xf32, #tpu.memory_space<hbm>>
      tpu.wait_indirect_dma semaphore(%arg21 : memref<!tpu.dma_semaphore, #tpu.memory_space<semaphore_mem>>) src(%dma_wait3A_216 : memref<10000x64xf32, #tpu.memory_space<hbm>>) dst(%arg14 : memref<128x64xf32, #tpu.memory_space<vmem>>)
      %dma_wait3A_217 = arith.constant 0 : i32
      %dma_wait3A_218 = tpu.memref_slice %arg3[%arg1, %add3A_206, %dma_wait3A_217] : memref<16x160x128xi32, #tpu.memory_space<hbm>> -> memref<1x1x128xi32, #tpu.memory_space<hbm>>
      %dma_wait3A_219 = tpu.memref_squeeze %dma_wait3A_218 : memref<1x1x128xi32, #tpu.memory_space<hbm>> -> memref<128xi32, #tpu.memory_space<hbm>>
      %dma_wait3A_220 = arith.constant 0 : i32
      %dma_wait3A_221 = tpu.memref_slice %arg3[%arg1, %add3A_206, %dma_wait3A_220] : memref<16x160x128xi32, #tpu.memory_space<hbm>> -> memref<1x1x128xi32, #tpu.memory_space<hbm>>
      %dma_wait3A_222 = tpu.memref_squeeze %dma_wait3A_221 : memref<1x1x128xi32, #tpu.memory_space<hbm>> -> memref<128xi32, #tpu.memory_space<hbm>>
      tpu.wait_dma2 semaphore(%arg26 : memref<!tpu.dma_semaphore, #tpu.memory_space<semaphore_mem>>) src(%dma_wait3A_222 : memref<128xi32, #tpu.memory_space<hbm>>) dst(%arg9 : memref<128xi32, #tpu.memory_space<vmem>>)
      %dma_start3A_223 = arith.constant 0 : i32
      %dma_start3A_224 = arith.constant 0 : i32
      %dma_start3A_225 = tpu.memref_slice %arg18[%dma_start3A_223, %dma_start3A_224] : memref<10240x64xf32, #tpu.memory_space<vmem_shared>> -> memref<10240x64xf32, #tpu.memory_space<vmem_shared>>
      tpu.enqueue_indirect_dma source(%arg14 : memref<128x64xf32, #tpu.memory_space<vmem>>) target(%dma_start3A_225 : memref<10240x64xf32, #tpu.memory_space<vmem_shared>>) offsets(%arg9 : memref<128xi32, #tpu.memory_space<vmem>>) semaphore(%arg31 : memref<!tpu.dma_semaphore, #tpu.memory_space<semaphore_mem>>) {add = true}
      %add3A_226 = arith.constant 3 : i32
      %add3A_227 = arith.addi %mul3A_123, %add3A_226 : i32
      %add3A_228 = arith.constant 4 : i32
      %add3A_229 = arith.addi %add3A_227, %add3A_228 : i32
      %lt3A_230 = arith.constant 31 : i32
      %lt3A_231 = arith.cmpi slt, %add3A_121, %lt3A_230 : i32
      %convert_element_type3A_232 = arith.extui %lt3A_231 : i1 to i32
      %cond3A_233 = arith.constant 0 : i32
      %cond3A_234 = arith.cmpi ne, %convert_element_type3A_232, %cond3A_233 : i32
      scf.if %cond3A_234 {
        %dma_wait3A_286 = arith.constant 0 : i32
        %dma_wait3A_287 = arith.constant 0 : i32
        %dma_wait3A_288 = tpu.memref_slice %arg18[%dma_wait3A_286, %dma_wait3A_287] : memref<10240x64xf32, #tpu.memory_space<vmem_shared>> -> memref<10240x64xf32, #tpu.memory_space<vmem_shared>>
        tpu.wait_indirect_dma semaphore(%arg31 : memref<!tpu.dma_semaphore, #tpu.memory_space<semaphore_mem>>) src(%arg14 : memref<128x64xf32, #tpu.memory_space<vmem>>) dst(%dma_wait3A_288 : memref<10240x64xf32, #tpu.memory_space<vmem_shared>>)
        %dma_start3A_289 = arith.constant 0 : i32
        %dma_start3A_290 = tpu.memref_slice %arg6[%add3A_229, %dma_start3A_289] : memref<160x128xi32, #tpu.memory_space<vmem>> -> memref<1x128xi32, #tpu.memory_space<vmem>>
        %dma_start3A_291 = tpu.memref_squeeze %dma_start3A_290 : memref<1x128xi32, #tpu.memory_space<vmem>> -> memref<128xi32, #tpu.memory_space<vmem>>
        %dma_start3A_292 = arith.constant 0 : i32
        %dma_start3A_293 = arith.constant 0 : i32
        %dma_start3A_294 = tpu.memref_slice %arg4[%arg0, %dma_start3A_292, %dma_start3A_293] : memref<2x10000x64xf32, #tpu.memory_space<hbm>> -> memref<1x10000x64xf32, #tpu.memory_space<hbm>>
        %dma_start3A_295 = tpu.memref_squeeze %dma_start3A_294 : memref<1x10000x64xf32, #tpu.memory_space<hbm>> -> memref<10000x64xf32, #tpu.memory_space<hbm>>
        %dma_start3A_296 = arith.constant 0 : i32
        %dma_start3A_297 = arith.constant 0 : i32
        %dma_start3A_298 = tpu.memref_slice %dma_start3A_295[%dma_start3A_296, %dma_start3A_297] : memref<10000x64xf32, #tpu.memory_space<hbm>> -> memref<10000x64xf32, #tpu.memory_space<hbm>>
        tpu.enqueue_indirect_dma source(%dma_start3A_298 : memref<10000x64xf32, #tpu.memory_space<hbm>>) target(%arg14 : memref<128x64xf32, #tpu.memory_space<vmem>>) offsets(%dma_start3A_291 : memref<128xi32, #tpu.memory_space<vmem>>) semaphore(%arg21 : memref<!tpu.dma_semaphore, #tpu.memory_space<semaphore_mem>>)
        %dma_start3A_299 = arith.constant 0 : i32
        %dma_start3A_300 = tpu.memref_slice %arg3[%arg1, %add3A_229, %dma_start3A_299] : memref<16x160x128xi32, #tpu.memory_space<hbm>> -> memref<1x1x128xi32, #tpu.memory_space<hbm>>
        %dma_start3A_301 = tpu.memref_squeeze %dma_start3A_300 : memref<1x1x128xi32, #tpu.memory_space<hbm>> -> memref<128xi32, #tpu.memory_space<hbm>>
        %dma_start3A_302 = arith.constant 0 : i32
        %dma_start3A_303 = tpu.memref_slice %arg3[%arg1, %add3A_229, %dma_start3A_302] : memref<16x160x128xi32, #tpu.memory_space<hbm>> -> memref<1x1x128xi32, #tpu.memory_space<hbm>>
        %dma_start3A_304 = tpu.memref_squeeze %dma_start3A_303 : memref<1x1x128xi32, #tpu.memory_space<hbm>> -> memref<128xi32, #tpu.memory_space<hbm>>
        tpu.enqueue_dma source(%dma_start3A_304 : memref<128xi32, #tpu.memory_space<hbm>>) target(%arg9 : memref<128xi32, #tpu.memory_space<vmem>>) target_semaphore(%arg26 : memref<!tpu.dma_semaphore, #tpu.memory_space<semaphore_mem>>)
      } else {
      }
      %add3A_235 = arith.constant 3 : i32
      %add3A_236 = arith.addi %mul3A_123, %add3A_235 : i32
      %dma_wait3A_237 = arith.constant 0 : i32
      %dma_wait3A_238 = tpu.memref_slice %arg6[%add3A_236, %dma_wait3A_237] : memref<160x128xi32, #tpu.memory_space<vmem>> -> memref<1x128xi32, #tpu.memory_space<vmem>>
      %dma_wait3A_239 = tpu.memref_squeeze %dma_wait3A_238 : memref<1x128xi32, #tpu.memory_space<vmem>> -> memref<128xi32, #tpu.memory_space<vmem>>
      %dma_wait3A_240 = arith.constant 0 : i32
      %dma_wait3A_241 = arith.constant 0 : i32
      %dma_wait3A_242 = tpu.memref_slice %arg4[%arg0, %dma_wait3A_240, %dma_wait3A_241] : memref<2x10000x64xf32, #tpu.memory_space<hbm>> -> memref<1x10000x64xf32, #tpu.memory_space<hbm>>
      %dma_wait3A_243 = tpu.memref_squeeze %dma_wait3A_242 : memref<1x10000x64xf32, #tpu.memory_space<hbm>> -> memref<10000x64xf32, #tpu.memory_space<hbm>>
      %dma_wait3A_244 = arith.constant 0 : i32
      %dma_wait3A_245 = arith.constant 0 : i32
      %dma_wait3A_246 = tpu.memref_slice %dma_wait3A_243[%dma_wait3A_244, %dma_wait3A_245] : memref<10000x64xf32, #tpu.memory_space<hbm>> -> memref<10000x64xf32, #tpu.memory_space<hbm>>
      tpu.wait_indirect_dma semaphore(%arg22 : memref<!tpu.dma_semaphore, #tpu.memory_space<semaphore_mem>>) src(%dma_wait3A_246 : memref<10000x64xf32, #tpu.memory_space<hbm>>) dst(%arg15 : memref<128x64xf32, #tpu.memory_space<vmem>>)
      %dma_wait3A_247 = arith.constant 0 : i32
      %dma_wait3A_248 = tpu.memref_slice %arg3[%arg1, %add3A_236, %dma_wait3A_247] : memref<16x160x128xi32, #tpu.memory_space<hbm>> -> memref<1x1x128xi32, #tpu.memory_space<hbm>>
      %dma_wait3A_249 = tpu.memref_squeeze %dma_wait3A_248 : memref<1x1x128xi32, #tpu.memory_space<hbm>> -> memref<128xi32, #tpu.memory_space<hbm>>
      %dma_wait3A_250 = arith.constant 0 : i32
      %dma_wait3A_251 = tpu.memref_slice %arg3[%arg1, %add3A_236, %dma_wait3A_250] : memref<16x160x128xi32, #tpu.memory_space<hbm>> -> memref<1x1x128xi32, #tpu.memory_space<hbm>>
      %dma_wait3A_252 = tpu.memref_squeeze %dma_wait3A_251 : memref<1x1x128xi32, #tpu.memory_space<hbm>> -> memref<128xi32, #tpu.memory_space<hbm>>
      tpu.wait_dma2 semaphore(%arg27 : memref<!tpu.dma_semaphore, #tpu.memory_space<semaphore_mem>>) src(%dma_wait3A_252 : memref<128xi32, #tpu.memory_space<hbm>>) dst(%arg10 : memref<128xi32, #tpu.memory_space<vmem>>)
      %dma_start3A_253 = arith.constant 0 : i32
      %dma_start3A_254 = arith.constant 0 : i32
      %dma_start3A_255 = tpu.memref_slice %arg18[%dma_start3A_253, %dma_start3A_254] : memref<10240x64xf32, #tpu.memory_space<vmem_shared>> -> memref<10240x64xf32, #tpu.memory_space<vmem_shared>>
      tpu.enqueue_indirect_dma source(%arg15 : memref<128x64xf32, #tpu.memory_space<vmem>>) target(%dma_start3A_255 : memref<10240x64xf32, #tpu.memory_space<vmem_shared>>) offsets(%arg10 : memref<128xi32, #tpu.memory_space<vmem>>) semaphore(%arg32 : memref<!tpu.dma_semaphore, #tpu.memory_space<semaphore_mem>>) {add = true}
      %add3A_256 = arith.constant 4 : i32
      %add3A_257 = arith.addi %mul3A_123, %add3A_256 : i32
      %add3A_258 = arith.constant 4 : i32
      %add3A_259 = arith.addi %add3A_257, %add3A_258 : i32
      %lt3A_260 = arith.constant 31 : i32
      %lt3A_261 = arith.cmpi slt, %add3A_121, %lt3A_260 : i32
      %convert_element_type3A_262 = arith.extui %lt3A_261 : i1 to i32
      %cond3A_263 = arith.constant 0 : i32
      %cond3A_264 = arith.cmpi ne, %convert_element_type3A_262, %cond3A_263 : i32
      scf.if %cond3A_264 {
        %dma_wait3A_286 = arith.constant 0 : i32
        %dma_wait3A_287 = arith.constant 0 : i32
        %dma_wait3A_288 = tpu.memref_slice %arg18[%dma_wait3A_286, %dma_wait3A_287] : memref<10240x64xf32, #tpu.memory_space<vmem_shared>> -> memref<10240x64xf32, #tpu.memory_space<vmem_shared>>
        tpu.wait_indirect_dma semaphore(%arg32 : memref<!tpu.dma_semaphore, #tpu.memory_space<semaphore_mem>>) src(%arg15 : memref<128x64xf32, #tpu.memory_space<vmem>>) dst(%dma_wait3A_288 : memref<10240x64xf32, #tpu.memory_space<vmem_shared>>)
        %dma_start3A_289 = arith.constant 0 : i32
        %dma_start3A_290 = tpu.memref_slice %arg6[%add3A_259, %dma_start3A_289] : memref<160x128xi32, #tpu.memory_space<vmem>> -> memref<1x128xi32, #tpu.memory_space<vmem>>
        %dma_start3A_291 = tpu.memref_squeeze %dma_start3A_290 : memref<1x128xi32, #tpu.memory_space<vmem>> -> memref<128xi32, #tpu.memory_space<vmem>>
        %dma_start3A_292 = arith.constant 0 : i32
        %dma_start3A_293 = arith.constant 0 : i32
        %dma_start3A_294 = tpu.memref_slice %arg4[%arg0, %dma_start3A_292, %dma_start3A_293] : memref<2x10000x64xf32, #tpu.memory_space<hbm>> -> memref<1x10000x64xf32, #tpu.memory_space<hbm>>
        %dma_start3A_295 = tpu.memref_squeeze %dma_start3A_294 : memref<1x10000x64xf32, #tpu.memory_space<hbm>> -> memref<10000x64xf32, #tpu.memory_space<hbm>>
        %dma_start3A_296 = arith.constant 0 : i32
        %dma_start3A_297 = arith.constant 0 : i32
        %dma_start3A_298 = tpu.memref_slice %dma_start3A_295[%dma_start3A_296, %dma_start3A_297] : memref<10000x64xf32, #tpu.memory_space<hbm>> -> memref<10000x64xf32, #tpu.memory_space<hbm>>
        tpu.enqueue_indirect_dma source(%dma_start3A_298 : memref<10000x64xf32, #tpu.memory_space<hbm>>) target(%arg15 : memref<128x64xf32, #tpu.memory_space<vmem>>) offsets(%dma_start3A_291 : memref<128xi32, #tpu.memory_space<vmem>>) semaphore(%arg22 : memref<!tpu.dma_semaphore, #tpu.memory_space<semaphore_mem>>)
        %dma_start3A_299 = arith.constant 0 : i32
        %dma_start3A_300 = tpu.memref_slice %arg3[%arg1, %add3A_259, %dma_start3A_299] : memref<16x160x128xi32, #tpu.memory_space<hbm>> -> memref<1x1x128xi32, #tpu.memory_space<hbm>>
        %dma_start3A_301 = tpu.memref_squeeze %dma_start3A_300 : memref<1x1x128xi32, #tpu.memory_space<hbm>> -> memref<128xi32, #tpu.memory_space<hbm>>
        %dma_start3A_302 = arith.constant 0 : i32
        %dma_start3A_303 = tpu.memref_slice %arg3[%arg1, %add3A_259, %dma_start3A_302] : memref<16x160x128xi32, #tpu.memory_space<hbm>> -> memref<1x1x128xi32, #tpu.memory_space<hbm>>
        %dma_start3A_304 = tpu.memref_squeeze %dma_start3A_303 : memref<1x1x128xi32, #tpu.memory_space<hbm>> -> memref<128xi32, #tpu.memory_space<hbm>>
        tpu.enqueue_dma source(%dma_start3A_304 : memref<128xi32, #tpu.memory_space<hbm>>) target(%arg10 : memref<128xi32, #tpu.memory_space<vmem>>) target_semaphore(%arg27 : memref<!tpu.dma_semaphore, #tpu.memory_space<semaphore_mem>>)
      } else {
      }
      %add3A_265 = arith.constant 4 : i32
      %add3A_266 = arith.addi %mul3A_123, %add3A_265 : i32
      %dma_wait3A_267 = arith.constant 0 : i32
      %dma_wait3A_268 = tpu.memref_slice %arg6[%add3A_266, %dma_wait3A_267] : memref<160x128xi32, #tpu.memory_space<vmem>> -> memref<1x128xi32, #tpu.memory_space<vmem>>
      %dma_wait3A_269 = tpu.memref_squeeze %dma_wait3A_268 : memref<1x128xi32, #tpu.memory_space<vmem>> -> memref<128xi32, #tpu.memory_space<vmem>>
      %dma_wait3A_270 = arith.constant 0 : i32
      %dma_wait3A_271 = arith.constant 0 : i32
      %dma_wait3A_272 = tpu.memref_slice %arg4[%arg0, %dma_wait3A_270, %dma_wait3A_271] : memref<2x10000x64xf32, #tpu.memory_space<hbm>> -> memref<1x10000x64xf32, #tpu.memory_space<hbm>>
      %dma_wait3A_273 = tpu.memref_squeeze %dma_wait3A_272 : memref<1x10000x64xf32, #tpu.memory_space<hbm>> -> memref<10000x64xf32, #tpu.memory_space<hbm>>
      %dma_wait3A_274 = arith.constant 0 : i32
      %dma_wait3A_275 = arith.constant 0 : i32
      %dma_wait3A_276 = tpu.memref_slice %dma_wait3A_273[%dma_wait3A_274, %dma_wait3A_275] : memref<10000x64xf32, #tpu.memory_space<hbm>> -> memref<10000x64xf32, #tpu.memory_space<hbm>>
      tpu.wait_indirect_dma semaphore(%arg23 : memref<!tpu.dma_semaphore, #tpu.memory_space<semaphore_mem>>) src(%dma_wait3A_276 : memref<10000x64xf32, #tpu.memory_space<hbm>>) dst(%arg16 : memref<128x64xf32, #tpu.memory_space<vmem>>)
      %dma_wait3A_277 = arith.constant 0 : i32
      %dma_wait3A_278 = tpu.memref_slice %arg3[%arg1, %add3A_266, %dma_wait3A_277] : memref<16x160x128xi32, #tpu.memory_space<hbm>> -> memref<1x1x128xi32, #tpu.memory_space<hbm>>
      %dma_wait3A_279 = tpu.memref_squeeze %dma_wait3A_278 : memref<1x1x128xi32, #tpu.memory_space<hbm>> -> memref<128xi32, #tpu.memory_space<hbm>>
      %dma_wait3A_280 = arith.constant 0 : i32
      %dma_wait3A_281 = tpu.memref_slice %arg3[%arg1, %add3A_266, %dma_wait3A_280] : memref<16x160x128xi32, #tpu.memory_space<hbm>> -> memref<1x1x128xi32, #tpu.memory_space<hbm>>
      %dma_wait3A_282 = tpu.memref_squeeze %dma_wait3A_281 : memref<1x1x128xi32, #tpu.memory_space<hbm>> -> memref<128xi32, #tpu.memory_space<hbm>>
      tpu.wait_dma2 semaphore(%arg28 : memref<!tpu.dma_semaphore, #tpu.memory_space<semaphore_mem>>) src(%dma_wait3A_282 : memref<128xi32, #tpu.memory_space<hbm>>) dst(%arg11 : memref<128xi32, #tpu.memory_space<vmem>>)
      %dma_start3A_283 = arith.constant 0 : i32
      %dma_start3A_284 = arith.constant 0 : i32
      %dma_start3A_285 = tpu.memref_slice %arg18[%dma_start3A_283, %dma_start3A_284] : memref<10240x64xf32, #tpu.memory_space<vmem_shared>> -> memref<10240x64xf32, #tpu.memory_space<vmem_shared>>
      tpu.enqueue_indirect_dma source(%arg16 : memref<128x64xf32, #tpu.memory_space<vmem>>) target(%dma_start3A_285 : memref<10240x64xf32, #tpu.memory_space<vmem_shared>>) offsets(%arg11 : memref<128xi32, #tpu.memory_space<vmem>>) semaphore(%arg33 : memref<!tpu.dma_semaphore, #tpu.memory_space<semaphore_mem>>) {add = true}
    }
    %scan3A_97 = arith.constant 32 : i32
    %dma_wait3A = arith.constant 0 : i32
    %dma_wait3A_98 = arith.constant 0 : i32
    %dma_wait3A_99 = tpu.memref_slice %arg18[%dma_wait3A, %dma_wait3A_98] : memref<10240x64xf32, #tpu.memory_space<vmem_shared>> -> memref<10240x64xf32, #tpu.memory_space<vmem_shared>>
    tpu.wait_indirect_dma semaphore(%arg29 : memref<!tpu.dma_semaphore, #tpu.memory_space<semaphore_mem>>) src(%arg12 : memref<128x64xf32, #tpu.memory_space<vmem>>) dst(%dma_wait3A_99 : memref<10240x64xf32, #tpu.memory_space<vmem_shared>>)
    %dma_wait3A_100 = arith.constant 0 : i32
    %dma_wait3A_101 = arith.constant 0 : i32
    %dma_wait3A_102 = tpu.memref_slice %arg18[%dma_wait3A_100, %dma_wait3A_101] : memref<10240x64xf32, #tpu.memory_space<vmem_shared>> -> memref<10240x64xf32, #tpu.memory_space<vmem_shared>>
    tpu.wait_indirect_dma semaphore(%arg30 : memref<!tpu.dma_semaphore, #tpu.memory_space<semaphore_mem>>) src(%arg13 : memref<128x64xf32, #tpu.memory_space<vmem>>) dst(%dma_wait3A_102 : memref<10240x64xf32, #tpu.memory_space<vmem_shared>>)
    %dma_wait3A_103 = arith.constant 0 : i32
    %dma_wait3A_104 = arith.constant 0 : i32
    %dma_wait3A_105 = tpu.memref_slice %arg18[%dma_wait3A_103, %dma_wait3A_104] : memref<10240x64xf32, #tpu.memory_space<vmem_shared>> -> memref<10240x64xf32, #tpu.memory_space<vmem_shared>>
    tpu.wait_indirect_dma semaphore(%arg31 : memref<!tpu.dma_semaphore, #tpu.memory_space<semaphore_mem>>) src(%arg14 : memref<128x64xf32, #tpu.memory_space<vmem>>) dst(%dma_wait3A_105 : memref<10240x64xf32, #tpu.memory_space<vmem_shared>>)
    %dma_wait3A_106 = arith.constant 0 : i32
    %dma_wait3A_107 = arith.constant 0 : i32
    %dma_wait3A_108 = tpu.memref_slice %arg18[%dma_wait3A_106, %dma_wait3A_107] : memref<10240x64xf32, #tpu.memory_space<vmem_shared>> -> memref<10240x64xf32, #tpu.memory_space<vmem_shared>>
    tpu.wait_indirect_dma semaphore(%arg32 : memref<!tpu.dma_semaphore, #tpu.memory_space<semaphore_mem>>) src(%arg15 : memref<128x64xf32, #tpu.memory_space<vmem>>) dst(%dma_wait3A_108 : memref<10240x64xf32, #tpu.memory_space<vmem_shared>>)
    %dma_wait3A_109 = arith.constant 0 : i32
    %dma_wait3A_110 = arith.constant 0 : i32
    %dma_wait3A_111 = tpu.memref_slice %arg18[%dma_wait3A_109, %dma_wait3A_110] : memref<10240x64xf32, #tpu.memory_space<vmem_shared>> -> memref<10240x64xf32, #tpu.memory_space<vmem_shared>>
    tpu.wait_indirect_dma semaphore(%arg33 : memref<!tpu.dma_semaphore, #tpu.memory_space<semaphore_mem>>) src(%arg16 : memref<128x64xf32, #tpu.memory_space<vmem>>) dst(%dma_wait3A_111 : memref<10240x64xf32, #tpu.memory_space<vmem_shared>>)
    %barrier3A_112 = arith.constant 0 : index
    tpu.barrier barrier_id(%barrier3A_112)
    %mul3A_113 = arith.constant 640 : i32
    %mul3A_114 = arith.muli %arg1, %mul3A_113 : i32
    %mul3A_115 = arith.constant 640 : i32
    %mul3A_116 = arith.muli %arg1, %mul3A_115 : i32
    "tpu.region"() ({
      %run_scoped3A = tpu.sem_alloc : memref<!tpu.dma_semaphore, #tpu.memory_space<semaphore_mem>>
      %dma_start3A_117 = arith.constant 0 : i32
      %dma_start3A_118 = tpu.memref_slice %arg5[%arg0, %mul3A_116, %dma_start3A_117] : memref<2x10240x64xf32, #tpu.memory_space<hbm>> -> memref<1x640x64xf32, #tpu.memory_space<hbm>>
      %dma_start3A_119 = tpu.memref_squeeze %dma_start3A_118 : memref<1x640x64xf32, #tpu.memory_space<hbm>> -> memref<640x64xf32, #tpu.memory_space<hbm>>
      %dma_start3A_120 = arith.constant 0 : i32
      %dma_start3A_121 = tpu.memref_slice %arg18[%mul3A_114, %dma_start3A_120] : memref<10240x64xf32, #tpu.memory_space<vmem_shared>> -> memref<640x64xf32, #tpu.memory_space<vmem_shared>>
      tpu.enqueue_dma source(%dma_start3A_121 : memref<640x64xf32, #tpu.memory_space<vmem_shared>>) target(%dma_start3A_119 : memref<640x64xf32, #tpu.memory_space<hbm>>) target_semaphore(%run_scoped3A : memref<!tpu.dma_semaphore, #tpu.memory_space<semaphore_mem>>)
      %dma_wait3A_122 = arith.constant 0 : i32
      %dma_wait3A_123 = tpu.memref_slice %arg5[%arg0, %mul3A_116, %dma_wait3A_122] : memref<2x10240x64xf32, #tpu.memory_space<hbm>> -> memref<1x640x64xf32, #tpu.memory_space<hbm>>
      %dma_wait3A_124 = tpu.memref_squeeze %dma_wait3A_123 : memref<1x640x64xf32, #tpu.memory_space<hbm>> -> memref<640x64xf32, #tpu.memory_space<hbm>>
      %dma_wait3A_125 = arith.constant 0 : i32
      %dma_wait3A_126 = tpu.memref_slice %arg18[%mul3A_114, %dma_wait3A_125] : memref<10240x64xf32, #tpu.memory_space<vmem_shared>> -> memref<640x64xf32, #tpu.memory_space<vmem_shared>>
      tpu.wait_dma2 semaphore(%run_scoped3A : memref<!tpu.dma_semaphore, #tpu.memory_space<semaphore_mem>>) src(%dma_wait3A_126 : memref<640x64xf32, #tpu.memory_space<vmem_shared>>) dst(%dma_wait3A_124 : memref<640x64xf32, #tpu.memory_space<hbm>>)
      tpu.yield
    }) : () -> ()
    return
  }
}

#map = affine_map<(d0, d1) -> (0, 0, 0)>
module attributes {stable_mosaic.version = 14 : i64} {
  func.func @_agg_sc(%arg0: i32, %arg1: i32, %arg2: memref<16x160x128xi32, #tpu.memory_space<hbm>>, %arg3: memref<16x160x128xi32, #tpu.memory_space<hbm>>, %arg4: memref<2x10000x64xf32, #tpu.memory_space<hbm>>, %arg5: memref<2x10240x64xf32, #tpu.memory_space<hbm>>, %arg6: memref<160x128xi32, #tpu.memory_space<vmem>>, %arg7: memref<128xi32, #tpu.memory_space<vmem>>, %arg8: memref<128xi32, #tpu.memory_space<vmem>>, %arg9: memref<128xi32, #tpu.memory_space<vmem>>, %arg10: memref<128xi32, #tpu.memory_space<vmem>>, %arg11: memref<128xi32, #tpu.memory_space<vmem>>, %arg12: memref<128x64xf32, #tpu.memory_space<vmem>>, %arg13: memref<128x64xf32, #tpu.memory_space<vmem>>, %arg14: memref<128x64xf32, #tpu.memory_space<vmem>>, %arg15: memref<128x64xf32, #tpu.memory_space<vmem>>, %arg16: memref<128x64xf32, #tpu.memory_space<vmem>>, %arg17: memref<128x64xf32, #tpu.memory_space<vmem>>, %arg18: memref<10240x64xf32, #tpu.memory_space<vmem_shared>>, %arg19: memref<!tpu.dma_semaphore, #tpu.memory_space<semaphore_mem>>, %arg20: memref<!tpu.dma_semaphore, #tpu.memory_space<semaphore_mem>>, %arg21: memref<!tpu.dma_semaphore, #tpu.memory_space<semaphore_mem>>, %arg22: memref<!tpu.dma_semaphore, #tpu.memory_space<semaphore_mem>>, %arg23: memref<!tpu.dma_semaphore, #tpu.memory_space<semaphore_mem>>, %arg24: memref<!tpu.dma_semaphore, #tpu.memory_space<semaphore_mem>>, %arg25: memref<!tpu.dma_semaphore, #tpu.memory_space<semaphore_mem>>, %arg26: memref<!tpu.dma_semaphore, #tpu.memory_space<semaphore_mem>>, %arg27: memref<!tpu.dma_semaphore, #tpu.memory_space<semaphore_mem>>, %arg28: memref<!tpu.dma_semaphore, #tpu.memory_space<semaphore_mem>>, %arg29: memref<!tpu.dma_semaphore, #tpu.memory_space<semaphore_mem>>, %arg30: memref<!tpu.dma_semaphore, #tpu.memory_space<semaphore_mem>>, %arg31: memref<!tpu.dma_semaphore, #tpu.memory_space<semaphore_mem>>, %arg32: memref<!tpu.dma_semaphore, #tpu.memory_space<semaphore_mem>>, %arg33: memref<!tpu.dma_semaphore, #tpu.memory_space<semaphore_mem>>) attributes {dimension_semantics = [#tpu.dimension_semantics<core_parallel>, #tpu.dimension_semantics<subcore_parallel>], iteration_bounds = array<i64: 2, 16>, scalar_prefetch = 0 : i64, scratch_operands = 28 : i64, tpu.core_type = #tpu.core_type<sc_vector_subcore>, window_params = [{transform_indices = #map}, {transform_indices = #map}, {transform_indices = #map}, {transform_indices = #map}]} {
    "tpu.region"() ({
      %run_scoped3A = tpu.sem_alloc : memref<!tpu.dma_semaphore, #tpu.memory_space<semaphore_mem>>
      %dma_start3A_117 = arith.constant 0 : i32
      %dma_start3A_118 = arith.constant 0 : i32
      %dma_start3A_119 = tpu.memref_slice %arg2[%arg1, %dma_start3A_117, %dma_start3A_118] : memref<16x160x128xi32, #tpu.memory_space<hbm>> -> memref<1x160x128xi32, #tpu.memory_space<hbm>>
      %dma_start3A_120 = tpu.memref_squeeze %dma_start3A_119 : memref<1x160x128xi32, #tpu.memory_space<hbm>> -> memref<160x128xi32, #tpu.memory_space<hbm>>
      %dma_start3A_121 = arith.constant 0 : i32
      %dma_start3A_122 = arith.constant 0 : i32
      %dma_start3A_123 = tpu.memref_slice %arg2[%arg1, %dma_start3A_121, %dma_start3A_122] : memref<16x160x128xi32, #tpu.memory_space<hbm>> -> memref<1x160x128xi32, #tpu.memory_space<hbm>>
      %dma_start3A_124 = tpu.memref_squeeze %dma_start3A_123 : memref<1x160x128xi32, #tpu.memory_space<hbm>> -> memref<160x128xi32, #tpu.memory_space<hbm>>
      tpu.enqueue_dma source(%dma_start3A_124 : memref<160x128xi32, #tpu.memory_space<hbm>>) target(%arg6 : memref<160x128xi32, #tpu.memory_space<vmem>>) target_semaphore(%run_scoped3A : memref<!tpu.dma_semaphore, #tpu.memory_space<semaphore_mem>>)
      %dma_wait3A_125 = arith.constant 0 : i32
      %dma_wait3A_126 = arith.constant 0 : i32
      %dma_wait3A_127 = tpu.memref_slice %arg2[%arg1, %dma_wait3A_125, %dma_wait3A_126] : memref<16x160x128xi32, #tpu.memory_space<hbm>> -> memref<1x160x128xi32, #tpu.memory_space<hbm>>
      %dma_wait3A_128 = tpu.memref_squeeze %dma_wait3A_127 : memref<1x160x128xi32, #tpu.memory_space<hbm>> -> memref<160x128xi32, #tpu.memory_space<hbm>>
      %dma_wait3A_129 = arith.constant 0 : i32
      %dma_wait3A_130 = arith.constant 0 : i32
      %dma_wait3A_131 = tpu.memref_slice %arg2[%arg1, %dma_wait3A_129, %dma_wait3A_130] : memref<16x160x128xi32, #tpu.memory_space<hbm>> -> memref<1x160x128xi32, #tpu.memory_space<hbm>>
      %dma_wait3A_132 = tpu.memref_squeeze %dma_wait3A_131 : memref<1x160x128xi32, #tpu.memory_space<hbm>> -> memref<160x128xi32, #tpu.memory_space<hbm>>
      tpu.wait_dma2 semaphore(%run_scoped3A : memref<!tpu.dma_semaphore, #tpu.memory_space<semaphore_mem>>) src(%dma_wait3A_132 : memref<160x128xi32, #tpu.memory_space<hbm>>) dst(%arg6 : memref<160x128xi32, #tpu.memory_space<vmem>>)
      tpu.yield
    }) : () -> ()
    %scan3A = arith.constant 0 : i32
    %scan3A_0 = arith.constant 128 : i32
    %scan3A_1 = arith.addi %scan3A, %scan3A_0 : i32
    %scan3A_2 = arith.constant 1 : i32
    scf.for %scan3A_117 = %scan3A to %scan3A_1 step %scan3A_2  : i32 {
      %mul3A_118 = arith.constant 1 : i32
      %mul3A_119 = arith.muli %scan3A_117, %mul3A_118 : i32
      %add3A_120 = arith.constant 0 : i32
      %add3A_121 = arith.addi %add3A_120, %mul3A_119 : i32
      %broadcast_in_dim3A = arith.constant 0.000000e+00 : f32
      %broadcast_in_dim3A_122 = vector.broadcast %broadcast_in_dim3A : f32 to vector<16xf32>
      %swap3A = arith.index_cast %add3A_121 : i32 to index
      %swap3A_123 = arith.constant 0 : index
      %swap3A_124 = tpu.vector_load %arg17[%swap3A, %swap3A_123] {strides = array<i32>} : memref<128x64xf32, #tpu.memory_space<vmem>>, vector<1x16xf32>,
      %swap3A_125 = vector.shape_cast %swap3A_124 : vector<1x16xf32> to vector<16xf32>
      %swap3A_126 = vector.shape_cast %broadcast_in_dim3A_122 : vector<16xf32> to vector<1x16xf32>
      tpu.vector_store %arg17[%swap3A, %swap3A_123], %swap3A_126 {strides = array<i32>} : memref<128x64xf32, #tpu.memory_space<vmem>>, vector<1x16xf32>,
      %broadcast_in_dim3A_127 = arith.constant 0.000000e+00 : f32
      %broadcast_in_dim3A_128 = vector.broadcast %broadcast_in_dim3A_127 : f32 to vector<16xf32>
      %swap3A_129 = arith.index_cast %add3A_121 : i32 to index
      %swap3A_130 = arith.constant 16 : index
      %swap3A_131 = tpu.vector_load %arg17[%swap3A_129, %swap3A_130] {strides = array<i32>} : memref<128x64xf32, #tpu.memory_space<vmem>>, vector<1x16xf32>,
      %swap3A_132 = vector.shape_cast %swap3A_131 : vector<1x16xf32> to vector<16xf32>
      %swap3A_133 = vector.shape_cast %broadcast_in_dim3A_128 : vector<16xf32> to vector<1x16xf32>
      tpu.vector_store %arg17[%swap3A_129, %swap3A_130], %swap3A_133 {strides = array<i32>} : memref<128x64xf32, #tpu.memory_space<vmem>>, vector<1x16xf32>,
      %broadcast_in_dim3A_134 = arith.constant 0.000000e+00 : f32
      %broadcast_in_dim3A_135 = vector.broadcast %broadcast_in_dim3A_134 : f32 to vector<16xf32>
      %swap3A_136 = arith.index_cast %add3A_121 : i32 to index
      %swap3A_137 = arith.constant 32 : index
      %swap3A_138 = tpu.vector_load %arg17[%swap3A_136, %swap3A_137] {strides = array<i32>} : memref<128x64xf32, #tpu.memory_space<vmem>>, vector<1x16xf32>,
      %swap3A_139 = vector.shape_cast %swap3A_138 : vector<1x16xf32> to vector<16xf32>
      %swap3A_140 = vector.shape_cast %broadcast_in_dim3A_135 : vector<16xf32> to vector<1x16xf32>
      tpu.vector_store %arg17[%swap3A_136, %swap3A_137], %swap3A_140 {strides = array<i32>} : memref<128x64xf32, #tpu.memory_space<vmem>>, vector<1x16xf32>,
      %broadcast_in_dim3A_141 = arith.constant 0.000000e+00 : f32
      %broadcast_in_dim3A_142 = vector.broadcast %broadcast_in_dim3A_141 : f32 to vector<16xf32>
      %swap3A_143 = arith.index_cast %add3A_121 : i32 to index
      %swap3A_144 = arith.constant 48 : index
      %swap3A_145 = tpu.vector_load %arg17[%swap3A_143, %swap3A_144] {strides = array<i32>} : memref<128x64xf32, #tpu.memory_space<vmem>>, vector<1x16xf32>,
      %swap3A_146 = vector.shape_cast %swap3A_145 : vector<1x16xf32> to vector<16xf32>
      %swap3A_147 = vector.shape_cast %broadcast_in_dim3A_142 : vector<16xf32> to vector<1x16xf32>
      tpu.vector_store %arg17[%swap3A_143, %swap3A_144], %swap3A_147 {strides = array<i32>} : memref<128x64xf32, #tpu.memory_space<vmem>>, vector<1x16xf32>,
    }
    %scan3A_3 = arith.constant 128 : i32
    %mul3A = arith.constant 640 : i32
    %mul3A_4 = arith.muli %arg1, %mul3A : i32
    %add3A = arith.constant 0 : i32
    %add3A_5 = arith.addi %mul3A_4, %add3A : i32
    "tpu.region"() ({
      %run_scoped3A = tpu.sem_alloc : memref<!tpu.dma_semaphore, #tpu.memory_space<semaphore_mem>>
      %dma_start3A_117 = arith.constant 0 : i32
      %dma_start3A_118 = tpu.memref_slice %arg18[%add3A_5, %dma_start3A_117] : memref<10240x64xf32, #tpu.memory_space<vmem_shared>> -> memref<128x64xf32, #tpu.memory_space<vmem_shared>>
      %dma_start3A_119 = arith.constant 0 : i32
      %dma_start3A_120 = tpu.memref_slice %arg18[%add3A_5, %dma_start3A_119] : memref<10240x64xf32, #tpu.memory_space<vmem_shared>> -> memref<128x64xf32, #tpu.memory_space<vmem_shared>>
      tpu.enqueue_dma source(%arg17 : memref<128x64xf32, #tpu.memory_space<vmem>>) target(%dma_start3A_120 : memref<128x64xf32, #tpu.memory_space<vmem_shared>>) target_semaphore(%run_scoped3A : memref<!tpu.dma_semaphore, #tpu.memory_space<semaphore_mem>>)
      %dma_wait3A_121 = arith.constant 0 : i32
      %dma_wait3A_122 = tpu.memref_slice %arg18[%add3A_5, %dma_wait3A_121] : memref<10240x64xf32, #tpu.memory_space<vmem_shared>> -> memref<128x64xf32, #tpu.memory_space<vmem_shared>>
      %dma_wait3A_123 = arith.constant 0 : i32
      %dma_wait3A_124 = tpu.memref_slice %arg18[%add3A_5, %dma_wait3A_123] : memref<10240x64xf32, #tpu.memory_space<vmem_shared>> -> memref<128x64xf32, #tpu.memory_space<vmem_shared>>
      tpu.wait_dma2 semaphore(%run_scoped3A : memref<!tpu.dma_semaphore, #tpu.memory_space<semaphore_mem>>) src(%arg17 : memref<128x64xf32, #tpu.memory_space<vmem>>) dst(%dma_wait3A_124 : memref<128x64xf32, #tpu.memory_space<vmem_shared>>)
      tpu.yield
    }) : () -> ()
    %mul3A_6 = arith.constant 640 : i32
    %mul3A_7 = arith.muli %arg1, %mul3A_6 : i32
    %add3A_8 = arith.constant 128 : i32
    %add3A_9 = arith.addi %mul3A_7, %add3A_8 : i32
    "tpu.region"() ({
      %run_scoped3A = tpu.sem_alloc : memref<!tpu.dma_semaphore, #tpu.memory_space<semaphore_mem>>
      %dma_start3A_117 = arith.constant 0 : i32
      %dma_start3A_118 = tpu.memref_slice %arg18[%add3A_9, %dma_start3A_117] : memref<10240x64xf32, #tpu.memory_space<vmem_shared>> -> memref<128x64xf32, #tpu.memory_space<vmem_shared>>
      %dma_start3A_119 = arith.constant 0 : i32
      %dma_start3A_120 = tpu.memref_slice %arg18[%add3A_9, %dma_start3A_119] : memref<10240x64xf32, #tpu.memory_space<vmem_shared>> -> memref<128x64xf32, #tpu.memory_space<vmem_shared>>
      tpu.enqueue_dma source(%arg17 : memref<128x64xf32, #tpu.memory_space<vmem>>) target(%dma_start3A_120 : memref<128x64xf32, #tpu.memory_space<vmem_shared>>) target_semaphore(%run_scoped3A : memref<!tpu.dma_semaphore, #tpu.memory_space<semaphore_mem>>)
      %dma_wait3A_121 = arith.constant 0 : i32
      %dma_wait3A_122 = tpu.memref_slice %arg18[%add3A_9, %dma_wait3A_121] : memref<10240x64xf32, #tpu.memory_space<vmem_shared>> -> memref<128x64xf32, #tpu.memory_space<vmem_shared>>
      %dma_wait3A_123 = arith.constant 0 : i32
      %dma_wait3A_124 = tpu.memref_slice %arg18[%add3A_9, %dma_wait3A_123] : memref<10240x64xf32, #tpu.memory_space<vmem_shared>> -> memref<128x64xf32, #tpu.memory_space<vmem_shared>>
      tpu.wait_dma2 semaphore(%run_scoped3A : memref<!tpu.dma_semaphore, #tpu.memory_space<semaphore_mem>>) src(%arg17 : memref<128x64xf32, #tpu.memory_space<vmem>>) dst(%dma_wait3A_124 : memref<128x64xf32, #tpu.memory_space<vmem_shared>>)
      tpu.yield
    }) : () -> ()
    %mul3A_10 = arith.constant 640 : i32
    %mul3A_11 = arith.muli %arg1, %mul3A_10 : i32
    %add3A_12 = arith.constant 256 : i32
    %add3A_13 = arith.addi %mul3A_11, %add3A_12 : i32
    "tpu.region"() ({
      %run_scoped3A = tpu.sem_alloc : memref<!tpu.dma_semaphore, #tpu.memory_space<semaphore_mem>>
      %dma_start3A_117 = arith.constant 0 : i32
      %dma_start3A_118 = tpu.memref_slice %arg18[%add3A_13, %dma_start3A_117] : memref<10240x64xf32, #tpu.memory_space<vmem_shared>> -> memref<128x64xf32, #tpu.memory_space<vmem_shared>>
      %dma_start3A_119 = arith.constant 0 : i32
      %dma_start3A_120 = tpu.memref_slice %arg18[%add3A_13, %dma_start3A_119] : memref<10240x64xf32, #tpu.memory_space<vmem_shared>> -> memref<128x64xf32, #tpu.memory_space<vmem_shared>>
      tpu.enqueue_dma source(%arg17 : memref<128x64xf32, #tpu.memory_space<vmem>>) target(%dma_start3A_120 : memref<128x64xf32, #tpu.memory_space<vmem_shared>>) target_semaphore(%run_scoped3A : memref<!tpu.dma_semaphore, #tpu.memory_space<semaphore_mem>>)
      %dma_wait3A_121 = arith.constant 0 : i32
      %dma_wait3A_122 = tpu.memref_slice %arg18[%add3A_13, %dma_wait3A_121] : memref<10240x64xf32, #tpu.memory_space<vmem_shared>> -> memref<128x64xf32, #tpu.memory_space<vmem_shared>>
      %dma_wait3A_123 = arith.constant 0 : i32
      %dma_wait3A_124 = tpu.memref_slice %arg18[%add3A_13, %dma_wait3A_123] : memref<10240x64xf32, #tpu.memory_space<vmem_shared>> -> memref<128x64xf32, #tpu.memory_space<vmem_shared>>
      tpu.wait_dma2 semaphore(%run_scoped3A : memref<!tpu.dma_semaphore, #tpu.memory_space<semaphore_mem>>) src(%arg17 : memref<128x64xf32, #tpu.memory_space<vmem>>) dst(%dma_wait3A_124 : memref<128x64xf32, #tpu.memory_space<vmem_shared>>)
      tpu.yield
    }) : () -> ()
    %mul3A_14 = arith.constant 640 : i32
    %mul3A_15 = arith.muli %arg1, %mul3A_14 : i32
    %add3A_16 = arith.constant 384 : i32
    %add3A_17 = arith.addi %mul3A_15, %add3A_16 : i32
    "tpu.region"() ({
      %run_scoped3A = tpu.sem_alloc : memref<!tpu.dma_semaphore, #tpu.memory_space<semaphore_mem>>
      %dma_start3A_117 = arith.constant 0 : i32
      %dma_start3A_118 = tpu.memref_slice %arg18[%add3A_17, %dma_start3A_117] : memref<10240x64xf32, #tpu.memory_space<vmem_shared>> -> memref<128x64xf32, #tpu.memory_space<vmem_shared>>
      %dma_start3A_119 = arith.constant 0 : i32
      %dma_start3A_120 = tpu.memref_slice %arg18[%add3A_17, %dma_start3A_119] : memref<10240x64xf32, #tpu.memory_space<vmem_shared>> -> memref<128x64xf32, #tpu.memory_space<vmem_shared>>
      tpu.enqueue_dma source(%arg17 : memref<128x64xf32, #tpu.memory_space<vmem>>) target(%dma_start3A_120 : memref<128x64xf32, #tpu.memory_space<vmem_shared>>) target_semaphore(%run_scoped3A : memref<!tpu.dma_semaphore, #tpu.memory_space<semaphore_mem>>)
      %dma_wait3A_121 = arith.constant 0 : i32
      %dma_wait3A_122 = tpu.memref_slice %arg18[%add3A_17, %dma_wait3A_121] : memref<10240x64xf32, #tpu.memory_space<vmem_shared>> -> memref<128x64xf32, #tpu.memory_space<vmem_shared>>
      %dma_wait3A_123 = arith.constant 0 : i32
      %dma_wait3A_124 = tpu.memref_slice %arg18[%add3A_17, %dma_wait3A_123] : memref<10240x64xf32, #tpu.memory_space<vmem_shared>> -> memref<128x64xf32, #tpu.memory_space<vmem_shared>>
      tpu.wait_dma2 semaphore(%run_scoped3A : memref<!tpu.dma_semaphore, #tpu.memory_space<semaphore_mem>>) src(%arg17 : memref<128x64xf32, #tpu.memory_space<vmem>>) dst(%dma_wait3A_124 : memref<128x64xf32, #tpu.memory_space<vmem_shared>>)
      tpu.yield
    }) : () -> ()
    %mul3A_18 = arith.constant 640 : i32
    %mul3A_19 = arith.muli %arg1, %mul3A_18 : i32
    %add3A_20 = arith.constant 512 : i32
    %add3A_21 = arith.addi %mul3A_19, %add3A_20 : i32
    "tpu.region"() ({
      %run_scoped3A = tpu.sem_alloc : memref<!tpu.dma_semaphore, #tpu.memory_space<semaphore_mem>>
      %dma_start3A_117 = arith.constant 0 : i32
      %dma_start3A_118 = tpu.memref_slice %arg18[%add3A_21, %dma_start3A_117] : memref<10240x64xf32, #tpu.memory_space<vmem_shared>> -> memref<128x64xf32, #tpu.memory_space<vmem_shared>>
      %dma_start3A_119 = arith.constant 0 : i32
      %dma_start3A_120 = tpu.memref_slice %arg18[%add3A_21, %dma_start3A_119] : memref<10240x64xf32, #tpu.memory_space<vmem_shared>> -> memref<128x64xf32, #tpu.memory_space<vmem_shared>>
      tpu.enqueue_dma source(%arg17 : memref<128x64xf32, #tpu.memory_space<vmem>>) target(%dma_start3A_120 : memref<128x64xf32, #tpu.memory_space<vmem_shared>>) target_semaphore(%run_scoped3A : memref<!tpu.dma_semaphore, #tpu.memory_space<semaphore_mem>>)
      %dma_wait3A_121 = arith.constant 0 : i32
      %dma_wait3A_122 = tpu.memref_slice %arg18[%add3A_21, %dma_wait3A_121] : memref<10240x64xf32, #tpu.memory_space<vmem_shared>> -> memref<128x64xf32, #tpu.memory_space<vmem_shared>>
      %dma_wait3A_123 = arith.constant 0 : i32
      %dma_wait3A_124 = tpu.memref_slice %arg18[%add3A_21, %dma_wait3A_123] : memref<10240x64xf32, #tpu.memory_space<vmem_shared>> -> memref<128x64xf32, #tpu.memory_space<vmem_shared>>
      tpu.wait_dma2 semaphore(%run_scoped3A : memref<!tpu.dma_semaphore, #tpu.memory_space<semaphore_mem>>) src(%arg17 : memref<128x64xf32, #tpu.memory_space<vmem>>) dst(%dma_wait3A_124 : memref<128x64xf32, #tpu.memory_space<vmem_shared>>)
      tpu.yield
    }) : () -> ()
    %barrier3A = arith.constant 0 : index
    tpu.barrier barrier_id(%barrier3A)
    %dma_start3A = arith.constant 0 : i32
    %dma_start3A_22 = arith.constant 0 : i32
    %dma_start3A_23 = tpu.memref_slice %arg6[%dma_start3A, %dma_start3A_22] : memref<160x128xi32, #tpu.memory_space<vmem>> -> memref<1x128xi32, #tpu.memory_space<vmem>>
    %dma_start3A_24 = tpu.memref_squeeze %dma_start3A_23 : memref<1x128xi32, #tpu.memory_space<vmem>> -> memref<128xi32, #tpu.memory_space<vmem>>
    %dma_start3A_25 = arith.constant 0 : i32
    %dma_start3A_26 = arith.constant 0 : i32
    %dma_start3A_27 = tpu.memref_slice %arg4[%arg0, %dma_start3A_25, %dma_start3A_26] : memref<2x10000x64xf32, #tpu.memory_space<hbm>> -> memref<1x10000x64xf32, #tpu.memory_space<hbm>>
    %dma_start3A_28 = tpu.memref_squeeze %dma_start3A_27 : memref<1x10000x64xf32, #tpu.memory_space<hbm>> -> memref<10000x64xf32, #tpu.memory_space<hbm>>
    %dma_start3A_29 = arith.constant 0 : i32
    %dma_start3A_30 = arith.constant 0 : i32
    %dma_start3A_31 = tpu.memref_slice %dma_start3A_28[%dma_start3A_29, %dma_start3A_30] : memref<10000x64xf32, #tpu.memory_space<hbm>> -> memref<10000x64xf32, #tpu.memory_space<hbm>>
    tpu.enqueue_indirect_dma source(%dma_start3A_31 : memref<10000x64xf32, #tpu.memory_space<hbm>>) target(%arg12 : memref<128x64xf32, #tpu.memory_space<vmem>>) offsets(%dma_start3A_24 : memref<128xi32, #tpu.memory_space<vmem>>) semaphore(%arg19 : memref<!tpu.dma_semaphore, #tpu.memory_space<semaphore_mem>>)
    %dma_start3A_32 = arith.constant 0 : i32
    %dma_start3A_33 = arith.constant 0 : i32
    %dma_start3A_34 = tpu.memref_slice %arg3[%arg1, %dma_start3A_32, %dma_start3A_33] : memref<16x160x128xi32, #tpu.memory_space<hbm>> -> memref<1x1x128xi32, #tpu.memory_space<hbm>>
    %dma_start3A_35 = tpu.memref_squeeze %dma_start3A_34 : memref<1x1x128xi32, #tpu.memory_space<hbm>> -> memref<128xi32, #tpu.memory_space<hbm>>
    %dma_start3A_36 = arith.constant 0 : i32
    %dma_start3A_37 = tpu.memref_slice %arg3[%arg1, %dma_start3A_32, %dma_start3A_36] : memref<16x160x128xi32, #tpu.memory_space<hbm>> -> memref<1x1x128xi32, #tpu.memory_space<hbm>>
    %dma_start3A_38 = tpu.memref_squeeze %dma_start3A_37 : memref<1x1x128xi32, #tpu.memory_space<hbm>> -> memref<128xi32, #tpu.memory_space<hbm>>
    tpu.enqueue_dma source(%dma_start3A_38 : memref<128xi32, #tpu.memory_space<hbm>>) target(%arg7 : memref<128xi32, #tpu.memory_space<vmem>>) target_semaphore(%arg24 : memref<!tpu.dma_semaphore, #tpu.memory_space<semaphore_mem>>)
    %dma_start3A_39 = arith.constant 1 : i32
    %dma_start3A_40 = arith.constant 0 : i32
    %dma_start3A_41 = tpu.memref_slice %arg6[%dma_start3A_39, %dma_start3A_40] : memref<160x128xi32, #tpu.memory_space<vmem>> -> memref<1x128xi32, #tpu.memory_space<vmem>>
    %dma_start3A_42 = tpu.memref_squeeze %dma_start3A_41 : memref<1x128xi32, #tpu.memory_space<vmem>> -> memref<128xi32, #tpu.memory_space<vmem>>
    %dma_start3A_43 = arith.constant 0 : i32
    %dma_start3A_44 = arith.constant 0 : i32
    %dma_start3A_45 = tpu.memref_slice %arg4[%arg0, %dma_start3A_43, %dma_start3A_44] : memref<2x10000x64xf32, #tpu.memory_space<hbm>> -> memref<1x10000x64xf32, #tpu.memory_space<hbm>>
    %dma_start3A_46 = tpu.memref_squeeze %dma_start3A_45 : memref<1x10000x64xf32, #tpu.memory_space<hbm>> -> memref<10000x64xf32, #tpu.memory_space<hbm>>
    %dma_start3A_47 = arith.constant 0 : i32
    %dma_start3A_48 = arith.constant 0 : i32
    %dma_start3A_49 = tpu.memref_slice %dma_start3A_46[%dma_start3A_47, %dma_start3A_48] : memref<10000x64xf32, #tpu.memory_space<hbm>> -> memref<10000x64xf32, #tpu.memory_space<hbm>>
    tpu.enqueue_indirect_dma source(%dma_start3A_49 : memref<10000x64xf32, #tpu.memory_space<hbm>>) target(%arg13 : memref<128x64xf32, #tpu.memory_space<vmem>>) offsets(%dma_start3A_42 : memref<128xi32, #tpu.memory_space<vmem>>) semaphore(%arg20 : memref<!tpu.dma_semaphore, #tpu.memory_space<semaphore_mem>>)
    %dma_start3A_50 = arith.constant 1 : i32
    %dma_start3A_51 = arith.constant 0 : i32
    %dma_start3A_52 = tpu.memref_slice %arg3[%arg1, %dma_start3A_50, %dma_start3A_51] : memref<16x160x128xi32, #tpu.memory_space<hbm>> -> memref<1x1x128xi32, #tpu.memory_space<hbm>>
    %dma_start3A_53 = tpu.memref_squeeze %dma_start3A_52 : memref<1x1x128xi32, #tpu.memory_space<hbm>> -> memref<128xi32, #tpu.memory_space<hbm>>
    %dma_start3A_54 = arith.constant 0 : i32
    %dma_start3A_55 = tpu.memref_slice %arg3[%arg1, %dma_start3A_50, %dma_start3A_54] : memref<16x160x128xi32, #tpu.memory_space<hbm>> -> memref<1x1x128xi32, #tpu.memory_space<hbm>>
    %dma_start3A_56 = tpu.memref_squeeze %dma_start3A_55 : memref<1x1x128xi32, #tpu.memory_space<hbm>> -> memref<128xi32, #tpu.memory_space<hbm>>
    tpu.enqueue_dma source(%dma_start3A_56 : memref<128xi32, #tpu.memory_space<hbm>>) target(%arg8 : memref<128xi32, #tpu.memory_space<vmem>>) target_semaphore(%arg25 : memref<!tpu.dma_semaphore, #tpu.memory_space<semaphore_mem>>)
    %dma_start3A_57 = arith.constant 2 : i32
    %dma_start3A_58 = arith.constant 0 : i32
    %dma_start3A_59 = tpu.memref_slice %arg6[%dma_start3A_57, %dma_start3A_58] : memref<160x128xi32, #tpu.memory_space<vmem>> -> memref<1x128xi32, #tpu.memory_space<vmem>>
    %dma_start3A_60 = tpu.memref_squeeze %dma_start3A_59 : memref<1x128xi32, #tpu.memory_space<vmem>> -> memref<128xi32, #tpu.memory_space<vmem>>
    %dma_start3A_61 = arith.constant 0 : i32
    %dma_start3A_62 = arith.constant 0 : i32
    %dma_start3A_63 = tpu.memref_slice %arg4[%arg0, %dma_start3A_61, %dma_start3A_62] : memref<2x10000x64xf32, #tpu.memory_space<hbm>> -> memref<1x10000x64xf32, #tpu.memory_space<hbm>>
    %dma_start3A_64 = tpu.memref_squeeze %dma_start3A_63 : memref<1x10000x64xf32, #tpu.memory_space<hbm>> -> memref<10000x64xf32, #tpu.memory_space<hbm>>
    %dma_start3A_65 = arith.constant 0 : i32
    %dma_start3A_66 = arith.constant 0 : i32
    %dma_start3A_67 = tpu.memref_slice %dma_start3A_64[%dma_start3A_65, %dma_start3A_66] : memref<10000x64xf32, #tpu.memory_space<hbm>> -> memref<10000x64xf32, #tpu.memory_space<hbm>>
    tpu.enqueue_indirect_dma source(%dma_start3A_67 : memref<10000x64xf32, #tpu.memory_space<hbm>>) target(%arg14 : memref<128x64xf32, #tpu.memory_space<vmem>>) offsets(%dma_start3A_60 : memref<128xi32, #tpu.memory_space<vmem>>) semaphore(%arg21 : memref<!tpu.dma_semaphore, #tpu.memory_space<semaphore_mem>>)
    %dma_start3A_68 = arith.constant 2 : i32
    %dma_start3A_69 = arith.constant 0 : i32
    %dma_start3A_70 = tpu.memref_slice %arg3[%arg1, %dma_start3A_68, %dma_start3A_69] : memref<16x160x128xi32, #tpu.memory_space<hbm>> -> memref<1x1x128xi32, #tpu.memory_space<hbm>>
    %dma_start3A_71 = tpu.memref_squeeze %dma_start3A_70 : memref<1x1x128xi32, #tpu.memory_space<hbm>> -> memref<128xi32, #tpu.memory_space<hbm>>
    %dma_start3A_72 = arith.constant 0 : i32
    %dma_start3A_73 = tpu.memref_slice %arg3[%arg1, %dma_start3A_68, %dma_start3A_72] : memref<16x160x128xi32, #tpu.memory_space<hbm>> -> memref<1x1x128xi32, #tpu.memory_space<hbm>>
    %dma_start3A_74 = tpu.memref_squeeze %dma_start3A_73 : memref<1x1x128xi32, #tpu.memory_space<hbm>> -> memref<128xi32, #tpu.memory_space<hbm>>
    tpu.enqueue_dma source(%dma_start3A_74 : memref<128xi32, #tpu.memory_space<hbm>>) target(%arg9 : memref<128xi32, #tpu.memory_space<vmem>>) target_semaphore(%arg26 : memref<!tpu.dma_semaphore, #tpu.memory_space<semaphore_mem>>)
    %dma_start3A_75 = arith.constant 3 : i32
    %dma_start3A_76 = arith.constant 0 : i32
    %dma_start3A_77 = tpu.memref_slice %arg6[%dma_start3A_75, %dma_start3A_76] : memref<160x128xi32, #tpu.memory_space<vmem>> -> memref<1x128xi32, #tpu.memory_space<vmem>>
    %dma_start3A_78 = tpu.memref_squeeze %dma_start3A_77 : memref<1x128xi32, #tpu.memory_space<vmem>> -> memref<128xi32, #tpu.memory_space<vmem>>
    %dma_start3A_79 = arith.constant 0 : i32
    %dma_start3A_80 = arith.constant 0 : i32
    %dma_start3A_81 = tpu.memref_slice %arg4[%arg0, %dma_start3A_79, %dma_start3A_80] : memref<2x10000x64xf32, #tpu.memory_space<hbm>> -> memref<1x10000x64xf32, #tpu.memory_space<hbm>>
    %dma_start3A_82 = tpu.memref_squeeze %dma_start3A_81 : memref<1x10000x64xf32, #tpu.memory_space<hbm>> -> memref<10000x64xf32, #tpu.memory_space<hbm>>
    %dma_start3A_83 = arith.constant 0 : i32
    %dma_start3A_84 = arith.constant 0 : i32
    %dma_start3A_85 = tpu.memref_slice %dma_start3A_82[%dma_start3A_83, %dma_start3A_84] : memref<10000x64xf32, #tpu.memory_space<hbm>> -> memref<10000x64xf32, #tpu.memory_space<hbm>>
    tpu.enqueue_indirect_dma source(%dma_start3A_85 : memref<10000x64xf32, #tpu.memory_space<hbm>>) target(%arg15 : memref<128x64xf32, #tpu.memory_space<vmem>>) offsets(%dma_start3A_78 : memref<128xi32, #tpu.memory_space<vmem>>) semaphore(%arg22 : memref<!tpu.dma_semaphore, #tpu.memory_space<semaphore_mem>>)
    %dma_start3A_86 = arith.constant 3 : i32
    %dma_start3A_87 = arith.constant 0 : i32
    %dma_start3A_88 = tpu.memref_slice %arg3[%arg1, %dma_start3A_86, %dma_start3A_87] : memref<16x160x128xi32, #tpu.memory_space<hbm>> -> memref<1x1x128xi32, #tpu.memory_space<hbm>>
    %dma_start3A_89 = tpu.memref_squeeze %dma_start3A_88 : memref<1x1x128xi32, #tpu.memory_space<hbm>> -> memref<128xi32, #tpu.memory_space<hbm>>
    %dma_start3A_90 = arith.constant 0 : i32
    %dma_start3A_91 = tpu.memref_slice %arg3[%arg1, %dma_start3A_86, %dma_start3A_90] : memref<16x160x128xi32, #tpu.memory_space<hbm>> -> memref<1x1x128xi32, #tpu.memory_space<hbm>>
    %dma_start3A_92 = tpu.memref_squeeze %dma_start3A_91 : memref<1x1x128xi32, #tpu.memory_space<hbm>> -> memref<128xi32, #tpu.memory_space<hbm>>
    tpu.enqueue_dma source(%dma_start3A_92 : memref<128xi32, #tpu.memory_space<hbm>>) target(%arg10 : memref<128xi32, #tpu.memory_space<vmem>>) target_semaphore(%arg27 : memref<!tpu.dma_semaphore, #tpu.memory_space<semaphore_mem>>)
    %scan3A_93 = arith.constant 0 : i32
    %scan3A_94 = arith.constant 32 : i32
    %scan3A_95 = arith.addi %scan3A_93, %scan3A_94 : i32
    %scan3A_96 = arith.constant 1 : i32
    scf.for %scan3A_117 = %scan3A_93 to %scan3A_95 step %scan3A_96  : i32 {
      %mul3A_118 = arith.constant 1 : i32
      %mul3A_119 = arith.muli %scan3A_117, %mul3A_118 : i32
      %add3A_120 = arith.constant 0 : i32
      %add3A_121 = arith.addi %add3A_120, %mul3A_119 : i32
      %mul3A_122 = arith.constant 5 : i32
      %mul3A_123 = arith.muli %add3A_121, %mul3A_122 : i32
      %add3A_124 = arith.constant 0 : i32
      %add3A_125 = arith.addi %mul3A_123, %add3A_124 : i32
      %add3A_126 = arith.constant 4 : i32
      %add3A_127 = arith.addi %add3A_125, %add3A_126 : i32
      %gt3A = arith.constant 0 : i32
      %gt3A_128 = arith.cmpi sgt, %add3A_121, %gt3A : i32
      %convert_element_type3A = arith.extui %gt3A_128 : i1 to i32
      %cond3A = arith.constant 0 : i32
      %cond3A_129 = arith.cmpi ne, %convert_element_type3A, %cond3A : i32
      scf.if %cond3A_129 {
        %dma_wait3A_286 = arith.constant 0 : i32
        %dma_wait3A_287 = arith.constant 0 : i32
        %dma_wait3A_288 = tpu.memref_slice %arg18[%dma_wait3A_286, %dma_wait3A_287] : memref<10240x64xf32, #tpu.memory_space<vmem_shared>> -> memref<10240x64xf32, #tpu.memory_space<vmem_shared>>
        tpu.wait_indirect_dma semaphore(%arg33 : memref<!tpu.dma_semaphore, #tpu.memory_space<semaphore_mem>>) src(%arg16 : memref<128x64xf32, #tpu.memory_space<vmem>>) dst(%dma_wait3A_288 : memref<10240x64xf32, #tpu.memory_space<vmem_shared>>)
      } else {
      }
      %dma_start3A_130 = arith.constant 0 : i32
      %dma_start3A_131 = tpu.memref_slice %arg6[%add3A_127, %dma_start3A_130] : memref<160x128xi32, #tpu.memory_space<vmem>> -> memref<1x128xi32, #tpu.memory_space<vmem>>
      %dma_start3A_132 = tpu.memref_squeeze %dma_start3A_131 : memref<1x128xi32, #tpu.memory_space<vmem>> -> memref<128xi32, #tpu.memory_space<vmem>>
      %dma_start3A_133 = arith.constant 0 : i32
      %dma_start3A_134 = arith.constant 0 : i32
      %dma_start3A_135 = tpu.memref_slice %arg4[%arg0, %dma_start3A_133, %dma_start3A_134] : memref<2x10000x64xf32, #tpu.memory_space<hbm>> -> memref<1x10000x64xf32, #tpu.memory_space<hbm>>
      %dma_start3A_136 = tpu.memref_squeeze %dma_start3A_135 : memref<1x10000x64xf32, #tpu.memory_space<hbm>> -> memref<10000x64xf32, #tpu.memory_space<hbm>>
      %dma_start3A_137 = arith.constant 0 : i32
      %dma_start3A_138 = arith.constant 0 : i32
      %dma_start3A_139 = tpu.memref_slice %dma_start3A_136[%dma_start3A_137, %dma_start3A_138] : memref<10000x64xf32, #tpu.memory_space<hbm>> -> memref<10000x64xf32, #tpu.memory_space<hbm>>
      tpu.enqueue_indirect_dma source(%dma_start3A_139 : memref<10000x64xf32, #tpu.memory_space<hbm>>) target(%arg16 : memref<128x64xf32, #tpu.memory_space<vmem>>) offsets(%dma_start3A_132 : memref<128xi32, #tpu.memory_space<vmem>>) semaphore(%arg23 : memref<!tpu.dma_semaphore, #tpu.memory_space<semaphore_mem>>)
      %dma_start3A_140 = arith.constant 0 : i32
      %dma_start3A_141 = tpu.memref_slice %arg3[%arg1, %add3A_127, %dma_start3A_140] : memref<16x160x128xi32, #tpu.memory_space<hbm>> -> memref<1x1x128xi32, #tpu.memory_space<hbm>>
      %dma_start3A_142 = tpu.memref_squeeze %dma_start3A_141 : memref<1x1x128xi32, #tpu.memory_space<hbm>> -> memref<128xi32, #tpu.memory_space<hbm>>
      %dma_start3A_143 = arith.constant 0 : i32
      %dma_start3A_144 = tpu.memref_slice %arg3[%arg1, %add3A_127, %dma_start3A_143] : memref<16x160x128xi32, #tpu.memory_space<hbm>> -> memref<1x1x128xi32, #tpu.memory_space<hbm>>
      %dma_start3A_145 = tpu.memref_squeeze %dma_start3A_144 : memref<1x1x128xi32, #tpu.memory_space<hbm>> -> memref<128xi32, #tpu.memory_space<hbm>>
      tpu.enqueue_dma source(%dma_start3A_145 : memref<128xi32, #tpu.memory_space<hbm>>) target(%arg11 : memref<128xi32, #tpu.memory_space<vmem>>) target_semaphore(%arg28 : memref<!tpu.dma_semaphore, #tpu.memory_space<semaphore_mem>>)
      %add3A_146 = arith.constant 0 : i32
      %add3A_147 = arith.addi %mul3A_123, %add3A_146 : i32
      %dma_wait3A_148 = arith.constant 0 : i32
      %dma_wait3A_149 = tpu.memref_slice %arg6[%add3A_147, %dma_wait3A_148] : memref<160x128xi32, #tpu.memory_space<vmem>> -> memref<1x128xi32, #tpu.memory_space<vmem>>
      %dma_wait3A_150 = tpu.memref_squeeze %dma_wait3A_149 : memref<1x128xi32, #tpu.memory_space<vmem>> -> memref<128xi32, #tpu.memory_space<vmem>>
      %dma_wait3A_151 = arith.constant 0 : i32
      %dma_wait3A_152 = arith.constant 0 : i32
      %dma_wait3A_153 = tpu.memref_slice %arg4[%arg0, %dma_wait3A_151, %dma_wait3A_152] : memref<2x10000x64xf32, #tpu.memory_space<hbm>> -> memref<1x10000x64xf32, #tpu.memory_space<hbm>>
      %dma_wait3A_154 = tpu.memref_squeeze %dma_wait3A_153 : memref<1x10000x64xf32, #tpu.memory_space<hbm>> -> memref<10000x64xf32, #tpu.memory_space<hbm>>
      %dma_wait3A_155 = arith.constant 0 : i32
      %dma_wait3A_156 = arith.constant 0 : i32
      %dma_wait3A_157 = tpu.memref_slice %dma_wait3A_154[%dma_wait3A_155, %dma_wait3A_156] : memref<10000x64xf32, #tpu.memory_space<hbm>> -> memref<10000x64xf32, #tpu.memory_space<hbm>>
      tpu.wait_indirect_dma semaphore(%arg19 : memref<!tpu.dma_semaphore, #tpu.memory_space<semaphore_mem>>) src(%dma_wait3A_157 : memref<10000x64xf32, #tpu.memory_space<hbm>>) dst(%arg12 : memref<128x64xf32, #tpu.memory_space<vmem>>)
      %dma_wait3A_158 = arith.constant 0 : i32
      %dma_wait3A_159 = tpu.memref_slice %arg3[%arg1, %add3A_147, %dma_wait3A_158] : memref<16x160x128xi32, #tpu.memory_space<hbm>> -> memref<1x1x128xi32, #tpu.memory_space<hbm>>
      %dma_wait3A_160 = tpu.memref_squeeze %dma_wait3A_159 : memref<1x1x128xi32, #tpu.memory_space<hbm>> -> memref<128xi32, #tpu.memory_space<hbm>>
      %dma_wait3A_161 = arith.constant 0 : i32
      %dma_wait3A_162 = tpu.memref_slice %arg3[%arg1, %add3A_147, %dma_wait3A_161] : memref<16x160x128xi32, #tpu.memory_space<hbm>> -> memref<1x1x128xi32, #tpu.memory_space<hbm>>
      %dma_wait3A_163 = tpu.memref_squeeze %dma_wait3A_162 : memref<1x1x128xi32, #tpu.memory_space<hbm>> -> memref<128xi32, #tpu.memory_space<hbm>>
      tpu.wait_dma2 semaphore(%arg24 : memref<!tpu.dma_semaphore, #tpu.memory_space<semaphore_mem>>) src(%dma_wait3A_163 : memref<128xi32, #tpu.memory_space<hbm>>) dst(%arg7 : memref<128xi32, #tpu.memory_space<vmem>>)
      %dma_start3A_164 = arith.constant 0 : i32
      %dma_start3A_165 = arith.constant 0 : i32
      %dma_start3A_166 = tpu.memref_slice %arg18[%dma_start3A_164, %dma_start3A_165] : memref<10240x64xf32, #tpu.memory_space<vmem_shared>> -> memref<10240x64xf32, #tpu.memory_space<vmem_shared>>
      tpu.enqueue_indirect_dma source(%arg12 : memref<128x64xf32, #tpu.memory_space<vmem>>) target(%dma_start3A_166 : memref<10240x64xf32, #tpu.memory_space<vmem_shared>>) offsets(%arg7 : memref<128xi32, #tpu.memory_space<vmem>>) semaphore(%arg29 : memref<!tpu.dma_semaphore, #tpu.memory_space<semaphore_mem>>) {add = true}
      %add3A_167 = arith.constant 1 : i32
      %add3A_168 = arith.addi %mul3A_123, %add3A_167 : i32
      %add3A_169 = arith.constant 4 : i32
      %add3A_170 = arith.addi %add3A_168, %add3A_169 : i32
      %lt3A = arith.constant 31 : i32
      %lt3A_171 = arith.cmpi slt, %add3A_121, %lt3A : i32
      %convert_element_type3A_172 = arith.extui %lt3A_171 : i1 to i32
      %cond3A_173 = arith.constant 0 : i32
      %cond3A_174 = arith.cmpi ne, %convert_element_type3A_172, %cond3A_173 : i32
      scf.if %cond3A_174 {
        %dma_wait3A_286 = arith.constant 0 : i32
        %dma_wait3A_287 = arith.constant 0 : i32
        %dma_wait3A_288 = tpu.memref_slice %arg18[%dma_wait3A_286, %dma_wait3A_287] : memref<10240x64xf32, #tpu.memory_space<vmem_shared>> -> memref<10240x64xf32, #tpu.memory_space<vmem_shared>>
        tpu.wait_indirect_dma semaphore(%arg29 : memref<!tpu.dma_semaphore, #tpu.memory_space<semaphore_mem>>) src(%arg12 : memref<128x64xf32, #tpu.memory_space<vmem>>) dst(%dma_wait3A_288 : memref<10240x64xf32, #tpu.memory_space<vmem_shared>>)
        %dma_start3A_289 = arith.constant 0 : i32
        %dma_start3A_290 = tpu.memref_slice %arg6[%add3A_170, %dma_start3A_289] : memref<160x128xi32, #tpu.memory_space<vmem>> -> memref<1x128xi32, #tpu.memory_space<vmem>>
        %dma_start3A_291 = tpu.memref_squeeze %dma_start3A_290 : memref<1x128xi32, #tpu.memory_space<vmem>> -> memref<128xi32, #tpu.memory_space<vmem>>
        %dma_start3A_292 = arith.constant 0 : i32
        %dma_start3A_293 = arith.constant 0 : i32
        %dma_start3A_294 = tpu.memref_slice %arg4[%arg0, %dma_start3A_292, %dma_start3A_293] : memref<2x10000x64xf32, #tpu.memory_space<hbm>> -> memref<1x10000x64xf32, #tpu.memory_space<hbm>>
        %dma_start3A_295 = tpu.memref_squeeze %dma_start3A_294 : memref<1x10000x64xf32, #tpu.memory_space<hbm>> -> memref<10000x64xf32, #tpu.memory_space<hbm>>
        %dma_start3A_296 = arith.constant 0 : i32
        %dma_start3A_297 = arith.constant 0 : i32
        %dma_start3A_298 = tpu.memref_slice %dma_start3A_295[%dma_start3A_296, %dma_start3A_297] : memref<10000x64xf32, #tpu.memory_space<hbm>> -> memref<10000x64xf32, #tpu.memory_space<hbm>>
        tpu.enqueue_indirect_dma source(%dma_start3A_298 : memref<10000x64xf32, #tpu.memory_space<hbm>>) target(%arg12 : memref<128x64xf32, #tpu.memory_space<vmem>>) offsets(%dma_start3A_291 : memref<128xi32, #tpu.memory_space<vmem>>) semaphore(%arg19 : memref<!tpu.dma_semaphore, #tpu.memory_space<semaphore_mem>>)
        %dma_start3A_299 = arith.constant 0 : i32
        %dma_start3A_300 = tpu.memref_slice %arg3[%arg1, %add3A_170, %dma_start3A_299] : memref<16x160x128xi32, #tpu.memory_space<hbm>> -> memref<1x1x128xi32, #tpu.memory_space<hbm>>
        %dma_start3A_301 = tpu.memref_squeeze %dma_start3A_300 : memref<1x1x128xi32, #tpu.memory_space<hbm>> -> memref<128xi32, #tpu.memory_space<hbm>>
        %dma_start3A_302 = arith.constant 0 : i32
        %dma_start3A_303 = tpu.memref_slice %arg3[%arg1, %add3A_170, %dma_start3A_302] : memref<16x160x128xi32, #tpu.memory_space<hbm>> -> memref<1x1x128xi32, #tpu.memory_space<hbm>>
        %dma_start3A_304 = tpu.memref_squeeze %dma_start3A_303 : memref<1x1x128xi32, #tpu.memory_space<hbm>> -> memref<128xi32, #tpu.memory_space<hbm>>
        tpu.enqueue_dma source(%dma_start3A_304 : memref<128xi32, #tpu.memory_space<hbm>>) target(%arg7 : memref<128xi32, #tpu.memory_space<vmem>>) target_semaphore(%arg24 : memref<!tpu.dma_semaphore, #tpu.memory_space<semaphore_mem>>)
      } else {
      }
      %add3A_175 = arith.constant 1 : i32
      %add3A_176 = arith.addi %mul3A_123, %add3A_175 : i32
      %dma_wait3A_177 = arith.constant 0 : i32
      %dma_wait3A_178 = tpu.memref_slice %arg6[%add3A_176, %dma_wait3A_177] : memref<160x128xi32, #tpu.memory_space<vmem>> -> memref<1x128xi32, #tpu.memory_space<vmem>>
      %dma_wait3A_179 = tpu.memref_squeeze %dma_wait3A_178 : memref<1x128xi32, #tpu.memory_space<vmem>> -> memref<128xi32, #tpu.memory_space<vmem>>
      %dma_wait3A_180 = arith.constant 0 : i32
      %dma_wait3A_181 = arith.constant 0 : i32
      %dma_wait3A_182 = tpu.memref_slice %arg4[%arg0, %dma_wait3A_180, %dma_wait3A_181] : memref<2x10000x64xf32, #tpu.memory_space<hbm>> -> memref<1x10000x64xf32, #tpu.memory_space<hbm>>
      %dma_wait3A_183 = tpu.memref_squeeze %dma_wait3A_182 : memref<1x10000x64xf32, #tpu.memory_space<hbm>> -> memref<10000x64xf32, #tpu.memory_space<hbm>>
      %dma_wait3A_184 = arith.constant 0 : i32
      %dma_wait3A_185 = arith.constant 0 : i32
      %dma_wait3A_186 = tpu.memref_slice %dma_wait3A_183[%dma_wait3A_184, %dma_wait3A_185] : memref<10000x64xf32, #tpu.memory_space<hbm>> -> memref<10000x64xf32, #tpu.memory_space<hbm>>
      tpu.wait_indirect_dma semaphore(%arg20 : memref<!tpu.dma_semaphore, #tpu.memory_space<semaphore_mem>>) src(%dma_wait3A_186 : memref<10000x64xf32, #tpu.memory_space<hbm>>) dst(%arg13 : memref<128x64xf32, #tpu.memory_space<vmem>>)
      %dma_wait3A_187 = arith.constant 0 : i32
      %dma_wait3A_188 = tpu.memref_slice %arg3[%arg1, %add3A_176, %dma_wait3A_187] : memref<16x160x128xi32, #tpu.memory_space<hbm>> -> memref<1x1x128xi32, #tpu.memory_space<hbm>>
      %dma_wait3A_189 = tpu.memref_squeeze %dma_wait3A_188 : memref<1x1x128xi32, #tpu.memory_space<hbm>> -> memref<128xi32, #tpu.memory_space<hbm>>
      %dma_wait3A_190 = arith.constant 0 : i32
      %dma_wait3A_191 = tpu.memref_slice %arg3[%arg1, %add3A_176, %dma_wait3A_190] : memref<16x160x128xi32, #tpu.memory_space<hbm>> -> memref<1x1x128xi32, #tpu.memory_space<hbm>>
      %dma_wait3A_192 = tpu.memref_squeeze %dma_wait3A_191 : memref<1x1x128xi32, #tpu.memory_space<hbm>> -> memref<128xi32, #tpu.memory_space<hbm>>
      tpu.wait_dma2 semaphore(%arg25 : memref<!tpu.dma_semaphore, #tpu.memory_space<semaphore_mem>>) src(%dma_wait3A_192 : memref<128xi32, #tpu.memory_space<hbm>>) dst(%arg8 : memref<128xi32, #tpu.memory_space<vmem>>)
      %dma_start3A_193 = arith.constant 0 : i32
      %dma_start3A_194 = arith.constant 0 : i32
      %dma_start3A_195 = tpu.memref_slice %arg18[%dma_start3A_193, %dma_start3A_194] : memref<10240x64xf32, #tpu.memory_space<vmem_shared>> -> memref<10240x64xf32, #tpu.memory_space<vmem_shared>>
      tpu.enqueue_indirect_dma source(%arg13 : memref<128x64xf32, #tpu.memory_space<vmem>>) target(%dma_start3A_195 : memref<10240x64xf32, #tpu.memory_space<vmem_shared>>) offsets(%arg8 : memref<128xi32, #tpu.memory_space<vmem>>) semaphore(%arg30 : memref<!tpu.dma_semaphore, #tpu.memory_space<semaphore_mem>>) {add = true}
      %add3A_196 = arith.constant 2 : i32
      %add3A_197 = arith.addi %mul3A_123, %add3A_196 : i32
      %add3A_198 = arith.constant 4 : i32
      %add3A_199 = arith.addi %add3A_197, %add3A_198 : i32
      %lt3A_200 = arith.constant 31 : i32
      %lt3A_201 = arith.cmpi slt, %add3A_121, %lt3A_200 : i32
      %convert_element_type3A_202 = arith.extui %lt3A_201 : i1 to i32
      %cond3A_203 = arith.constant 0 : i32
      %cond3A_204 = arith.cmpi ne, %convert_element_type3A_202, %cond3A_203 : i32
      scf.if %cond3A_204 {
        %dma_wait3A_286 = arith.constant 0 : i32
        %dma_wait3A_287 = arith.constant 0 : i32
        %dma_wait3A_288 = tpu.memref_slice %arg18[%dma_wait3A_286, %dma_wait3A_287] : memref<10240x64xf32, #tpu.memory_space<vmem_shared>> -> memref<10240x64xf32, #tpu.memory_space<vmem_shared>>
        tpu.wait_indirect_dma semaphore(%arg30 : memref<!tpu.dma_semaphore, #tpu.memory_space<semaphore_mem>>) src(%arg13 : memref<128x64xf32, #tpu.memory_space<vmem>>) dst(%dma_wait3A_288 : memref<10240x64xf32, #tpu.memory_space<vmem_shared>>)
        %dma_start3A_289 = arith.constant 0 : i32
        %dma_start3A_290 = tpu.memref_slice %arg6[%add3A_199, %dma_start3A_289] : memref<160x128xi32, #tpu.memory_space<vmem>> -> memref<1x128xi32, #tpu.memory_space<vmem>>
        %dma_start3A_291 = tpu.memref_squeeze %dma_start3A_290 : memref<1x128xi32, #tpu.memory_space<vmem>> -> memref<128xi32, #tpu.memory_space<vmem>>
        %dma_start3A_292 = arith.constant 0 : i32
        %dma_start3A_293 = arith.constant 0 : i32
        %dma_start3A_294 = tpu.memref_slice %arg4[%arg0, %dma_start3A_292, %dma_start3A_293] : memref<2x10000x64xf32, #tpu.memory_space<hbm>> -> memref<1x10000x64xf32, #tpu.memory_space<hbm>>
        %dma_start3A_295 = tpu.memref_squeeze %dma_start3A_294 : memref<1x10000x64xf32, #tpu.memory_space<hbm>> -> memref<10000x64xf32, #tpu.memory_space<hbm>>
        %dma_start3A_296 = arith.constant 0 : i32
        %dma_start3A_297 = arith.constant 0 : i32
        %dma_start3A_298 = tpu.memref_slice %dma_start3A_295[%dma_start3A_296, %dma_start3A_297] : memref<10000x64xf32, #tpu.memory_space<hbm>> -> memref<10000x64xf32, #tpu.memory_space<hbm>>
        tpu.enqueue_indirect_dma source(%dma_start3A_298 : memref<10000x64xf32, #tpu.memory_space<hbm>>) target(%arg13 : memref<128x64xf32, #tpu.memory_space<vmem>>) offsets(%dma_start3A_291 : memref<128xi32, #tpu.memory_space<vmem>>) semaphore(%arg20 : memref<!tpu.dma_semaphore, #tpu.memory_space<semaphore_mem>>)
        %dma_start3A_299 = arith.constant 0 : i32
        %dma_start3A_300 = tpu.memref_slice %arg3[%arg1, %add3A_199, %dma_start3A_299] : memref<16x160x128xi32, #tpu.memory_space<hbm>> -> memref<1x1x128xi32, #tpu.memory_space<hbm>>
        %dma_start3A_301 = tpu.memref_squeeze %dma_start3A_300 : memref<1x1x128xi32, #tpu.memory_space<hbm>> -> memref<128xi32, #tpu.memory_space<hbm>>
        %dma_start3A_302 = arith.constant 0 : i32
        %dma_start3A_303 = tpu.memref_slice %arg3[%arg1, %add3A_199, %dma_start3A_302] : memref<16x160x128xi32, #tpu.memory_space<hbm>> -> memref<1x1x128xi32, #tpu.memory_space<hbm>>
        %dma_start3A_304 = tpu.memref_squeeze %dma_start3A_303 : memref<1x1x128xi32, #tpu.memory_space<hbm>> -> memref<128xi32, #tpu.memory_space<hbm>>
        tpu.enqueue_dma source(%dma_start3A_304 : memref<128xi32, #tpu.memory_space<hbm>>) target(%arg8 : memref<128xi32, #tpu.memory_space<vmem>>) target_semaphore(%arg25 : memref<!tpu.dma_semaphore, #tpu.memory_space<semaphore_mem>>)
      } else {
      }
      %add3A_205 = arith.constant 2 : i32
      %add3A_206 = arith.addi %mul3A_123, %add3A_205 : i32
      %dma_wait3A_207 = arith.constant 0 : i32
      %dma_wait3A_208 = tpu.memref_slice %arg6[%add3A_206, %dma_wait3A_207] : memref<160x128xi32, #tpu.memory_space<vmem>> -> memref<1x128xi32, #tpu.memory_space<vmem>>
      %dma_wait3A_209 = tpu.memref_squeeze %dma_wait3A_208 : memref<1x128xi32, #tpu.memory_space<vmem>> -> memref<128xi32, #tpu.memory_space<vmem>>
      %dma_wait3A_210 = arith.constant 0 : i32
      %dma_wait3A_211 = arith.constant 0 : i32
      %dma_wait3A_212 = tpu.memref_slice %arg4[%arg0, %dma_wait3A_210, %dma_wait3A_211] : memref<2x10000x64xf32, #tpu.memory_space<hbm>> -> memref<1x10000x64xf32, #tpu.memory_space<hbm>>
      %dma_wait3A_213 = tpu.memref_squeeze %dma_wait3A_212 : memref<1x10000x64xf32, #tpu.memory_space<hbm>> -> memref<10000x64xf32, #tpu.memory_space<hbm>>
      %dma_wait3A_214 = arith.constant 0 : i32
      %dma_wait3A_215 = arith.constant 0 : i32
      %dma_wait3A_216 = tpu.memref_slice %dma_wait3A_213[%dma_wait3A_214, %dma_wait3A_215] : memref<10000x64xf32, #tpu.memory_space<hbm>> -> memref<10000x64xf32, #tpu.memory_space<hbm>>
      tpu.wait_indirect_dma semaphore(%arg21 : memref<!tpu.dma_semaphore, #tpu.memory_space<semaphore_mem>>) src(%dma_wait3A_216 : memref<10000x64xf32, #tpu.memory_space<hbm>>) dst(%arg14 : memref<128x64xf32, #tpu.memory_space<vmem>>)
      %dma_wait3A_217 = arith.constant 0 : i32
      %dma_wait3A_218 = tpu.memref_slice %arg3[%arg1, %add3A_206, %dma_wait3A_217] : memref<16x160x128xi32, #tpu.memory_space<hbm>> -> memref<1x1x128xi32, #tpu.memory_space<hbm>>
      %dma_wait3A_219 = tpu.memref_squeeze %dma_wait3A_218 : memref<1x1x128xi32, #tpu.memory_space<hbm>> -> memref<128xi32, #tpu.memory_space<hbm>>
      %dma_wait3A_220 = arith.constant 0 : i32
      %dma_wait3A_221 = tpu.memref_slice %arg3[%arg1, %add3A_206, %dma_wait3A_220] : memref<16x160x128xi32, #tpu.memory_space<hbm>> -> memref<1x1x128xi32, #tpu.memory_space<hbm>>
      %dma_wait3A_222 = tpu.memref_squeeze %dma_wait3A_221 : memref<1x1x128xi32, #tpu.memory_space<hbm>> -> memref<128xi32, #tpu.memory_space<hbm>>
      tpu.wait_dma2 semaphore(%arg26 : memref<!tpu.dma_semaphore, #tpu.memory_space<semaphore_mem>>) src(%dma_wait3A_222 : memref<128xi32, #tpu.memory_space<hbm>>) dst(%arg9 : memref<128xi32, #tpu.memory_space<vmem>>)
      %dma_start3A_223 = arith.constant 0 : i32
      %dma_start3A_224 = arith.constant 0 : i32
      %dma_start3A_225 = tpu.memref_slice %arg18[%dma_start3A_223, %dma_start3A_224] : memref<10240x64xf32, #tpu.memory_space<vmem_shared>> -> memref<10240x64xf32, #tpu.memory_space<vmem_shared>>
      tpu.enqueue_indirect_dma source(%arg14 : memref<128x64xf32, #tpu.memory_space<vmem>>) target(%dma_start3A_225 : memref<10240x64xf32, #tpu.memory_space<vmem_shared>>) offsets(%arg9 : memref<128xi32, #tpu.memory_space<vmem>>) semaphore(%arg31 : memref<!tpu.dma_semaphore, #tpu.memory_space<semaphore_mem>>) {add = true}
      %add3A_226 = arith.constant 3 : i32
      %add3A_227 = arith.addi %mul3A_123, %add3A_226 : i32
      %add3A_228 = arith.constant 4 : i32
      %add3A_229 = arith.addi %add3A_227, %add3A_228 : i32
      %lt3A_230 = arith.constant 31 : i32
      %lt3A_231 = arith.cmpi slt, %add3A_121, %lt3A_230 : i32
      %convert_element_type3A_232 = arith.extui %lt3A_231 : i1 to i32
      %cond3A_233 = arith.constant 0 : i32
      %cond3A_234 = arith.cmpi ne, %convert_element_type3A_232, %cond3A_233 : i32
      scf.if %cond3A_234 {
        %dma_wait3A_286 = arith.constant 0 : i32
        %dma_wait3A_287 = arith.constant 0 : i32
        %dma_wait3A_288 = tpu.memref_slice %arg18[%dma_wait3A_286, %dma_wait3A_287] : memref<10240x64xf32, #tpu.memory_space<vmem_shared>> -> memref<10240x64xf32, #tpu.memory_space<vmem_shared>>
        tpu.wait_indirect_dma semaphore(%arg31 : memref<!tpu.dma_semaphore, #tpu.memory_space<semaphore_mem>>) src(%arg14 : memref<128x64xf32, #tpu.memory_space<vmem>>) dst(%dma_wait3A_288 : memref<10240x64xf32, #tpu.memory_space<vmem_shared>>)
        %dma_start3A_289 = arith.constant 0 : i32
        %dma_start3A_290 = tpu.memref_slice %arg6[%add3A_229, %dma_start3A_289] : memref<160x128xi32, #tpu.memory_space<vmem>> -> memref<1x128xi32, #tpu.memory_space<vmem>>
        %dma_start3A_291 = tpu.memref_squeeze %dma_start3A_290 : memref<1x128xi32, #tpu.memory_space<vmem>> -> memref<128xi32, #tpu.memory_space<vmem>>
        %dma_start3A_292 = arith.constant 0 : i32
        %dma_start3A_293 = arith.constant 0 : i32
        %dma_start3A_294 = tpu.memref_slice %arg4[%arg0, %dma_start3A_292, %dma_start3A_293] : memref<2x10000x64xf32, #tpu.memory_space<hbm>> -> memref<1x10000x64xf32, #tpu.memory_space<hbm>>
        %dma_start3A_295 = tpu.memref_squeeze %dma_start3A_294 : memref<1x10000x64xf32, #tpu.memory_space<hbm>> -> memref<10000x64xf32, #tpu.memory_space<hbm>>
        %dma_start3A_296 = arith.constant 0 : i32
        %dma_start3A_297 = arith.constant 0 : i32
        %dma_start3A_298 = tpu.memref_slice %dma_start3A_295[%dma_start3A_296, %dma_start3A_297] : memref<10000x64xf32, #tpu.memory_space<hbm>> -> memref<10000x64xf32, #tpu.memory_space<hbm>>
        tpu.enqueue_indirect_dma source(%dma_start3A_298 : memref<10000x64xf32, #tpu.memory_space<hbm>>) target(%arg14 : memref<128x64xf32, #tpu.memory_space<vmem>>) offsets(%dma_start3A_291 : memref<128xi32, #tpu.memory_space<vmem>>) semaphore(%arg21 : memref<!tpu.dma_semaphore, #tpu.memory_space<semaphore_mem>>)
        %dma_start3A_299 = arith.constant 0 : i32
        %dma_start3A_300 = tpu.memref_slice %arg3[%arg1, %add3A_229, %dma_start3A_299] : memref<16x160x128xi32, #tpu.memory_space<hbm>> -> memref<1x1x128xi32, #tpu.memory_space<hbm>>
        %dma_start3A_301 = tpu.memref_squeeze %dma_start3A_300 : memref<1x1x128xi32, #tpu.memory_space<hbm>> -> memref<128xi32, #tpu.memory_space<hbm>>
        %dma_start3A_302 = arith.constant 0 : i32
        %dma_start3A_303 = tpu.memref_slice %arg3[%arg1, %add3A_229, %dma_start3A_302] : memref<16x160x128xi32, #tpu.memory_space<hbm>> -> memref<1x1x128xi32, #tpu.memory_space<hbm>>
        %dma_start3A_304 = tpu.memref_squeeze %dma_start3A_303 : memref<1x1x128xi32, #tpu.memory_space<hbm>> -> memref<128xi32, #tpu.memory_space<hbm>>
        tpu.enqueue_dma source(%dma_start3A_304 : memref<128xi32, #tpu.memory_space<hbm>>) target(%arg9 : memref<128xi32, #tpu.memory_space<vmem>>) target_semaphore(%arg26 : memref<!tpu.dma_semaphore, #tpu.memory_space<semaphore_mem>>)
      } else {
      }
      %add3A_235 = arith.constant 3 : i32
      %add3A_236 = arith.addi %mul3A_123, %add3A_235 : i32
      %dma_wait3A_237 = arith.constant 0 : i32
      %dma_wait3A_238 = tpu.memref_slice %arg6[%add3A_236, %dma_wait3A_237] : memref<160x128xi32, #tpu.memory_space<vmem>> -> memref<1x128xi32, #tpu.memory_space<vmem>>
      %dma_wait3A_239 = tpu.memref_squeeze %dma_wait3A_238 : memref<1x128xi32, #tpu.memory_space<vmem>> -> memref<128xi32, #tpu.memory_space<vmem>>
      %dma_wait3A_240 = arith.constant 0 : i32
      %dma_wait3A_241 = arith.constant 0 : i32
      %dma_wait3A_242 = tpu.memref_slice %arg4[%arg0, %dma_wait3A_240, %dma_wait3A_241] : memref<2x10000x64xf32, #tpu.memory_space<hbm>> -> memref<1x10000x64xf32, #tpu.memory_space<hbm>>
      %dma_wait3A_243 = tpu.memref_squeeze %dma_wait3A_242 : memref<1x10000x64xf32, #tpu.memory_space<hbm>> -> memref<10000x64xf32, #tpu.memory_space<hbm>>
      %dma_wait3A_244 = arith.constant 0 : i32
      %dma_wait3A_245 = arith.constant 0 : i32
      %dma_wait3A_246 = tpu.memref_slice %dma_wait3A_243[%dma_wait3A_244, %dma_wait3A_245] : memref<10000x64xf32, #tpu.memory_space<hbm>> -> memref<10000x64xf32, #tpu.memory_space<hbm>>
      tpu.wait_indirect_dma semaphore(%arg22 : memref<!tpu.dma_semaphore, #tpu.memory_space<semaphore_mem>>) src(%dma_wait3A_246 : memref<10000x64xf32, #tpu.memory_space<hbm>>) dst(%arg15 : memref<128x64xf32, #tpu.memory_space<vmem>>)
      %dma_wait3A_247 = arith.constant 0 : i32
      %dma_wait3A_248 = tpu.memref_slice %arg3[%arg1, %add3A_236, %dma_wait3A_247] : memref<16x160x128xi32, #tpu.memory_space<hbm>> -> memref<1x1x128xi32, #tpu.memory_space<hbm>>
      %dma_wait3A_249 = tpu.memref_squeeze %dma_wait3A_248 : memref<1x1x128xi32, #tpu.memory_space<hbm>> -> memref<128xi32, #tpu.memory_space<hbm>>
      %dma_wait3A_250 = arith.constant 0 : i32
      %dma_wait3A_251 = tpu.memref_slice %arg3[%arg1, %add3A_236, %dma_wait3A_250] : memref<16x160x128xi32, #tpu.memory_space<hbm>> -> memref<1x1x128xi32, #tpu.memory_space<hbm>>
      %dma_wait3A_252 = tpu.memref_squeeze %dma_wait3A_251 : memref<1x1x128xi32, #tpu.memory_space<hbm>> -> memref<128xi32, #tpu.memory_space<hbm>>
      tpu.wait_dma2 semaphore(%arg27 : memref<!tpu.dma_semaphore, #tpu.memory_space<semaphore_mem>>) src(%dma_wait3A_252 : memref<128xi32, #tpu.memory_space<hbm>>) dst(%arg10 : memref<128xi32, #tpu.memory_space<vmem>>)
      %dma_start3A_253 = arith.constant 0 : i32
      %dma_start3A_254 = arith.constant 0 : i32
      %dma_start3A_255 = tpu.memref_slice %arg18[%dma_start3A_253, %dma_start3A_254] : memref<10240x64xf32, #tpu.memory_space<vmem_shared>> -> memref<10240x64xf32, #tpu.memory_space<vmem_shared>>
      tpu.enqueue_indirect_dma source(%arg15 : memref<128x64xf32, #tpu.memory_space<vmem>>) target(%dma_start3A_255 : memref<10240x64xf32, #tpu.memory_space<vmem_shared>>) offsets(%arg10 : memref<128xi32, #tpu.memory_space<vmem>>) semaphore(%arg32 : memref<!tpu.dma_semaphore, #tpu.memory_space<semaphore_mem>>) {add = true}
      %add3A_256 = arith.constant 4 : i32
      %add3A_257 = arith.addi %mul3A_123, %add3A_256 : i32
      %add3A_258 = arith.constant 4 : i32
      %add3A_259 = arith.addi %add3A_257, %add3A_258 : i32
      %lt3A_260 = arith.constant 31 : i32
      %lt3A_261 = arith.cmpi slt, %add3A_121, %lt3A_260 : i32
      %convert_element_type3A_262 = arith.extui %lt3A_261 : i1 to i32
      %cond3A_263 = arith.constant 0 : i32
      %cond3A_264 = arith.cmpi ne, %convert_element_type3A_262, %cond3A_263 : i32
      scf.if %cond3A_264 {
        %dma_wait3A_286 = arith.constant 0 : i32
        %dma_wait3A_287 = arith.constant 0 : i32
        %dma_wait3A_288 = tpu.memref_slice %arg18[%dma_wait3A_286, %dma_wait3A_287] : memref<10240x64xf32, #tpu.memory_space<vmem_shared>> -> memref<10240x64xf32, #tpu.memory_space<vmem_shared>>
        tpu.wait_indirect_dma semaphore(%arg32 : memref<!tpu.dma_semaphore, #tpu.memory_space<semaphore_mem>>) src(%arg15 : memref<128x64xf32, #tpu.memory_space<vmem>>) dst(%dma_wait3A_288 : memref<10240x64xf32, #tpu.memory_space<vmem_shared>>)
        %dma_start3A_289 = arith.constant 0 : i32
        %dma_start3A_290 = tpu.memref_slice %arg6[%add3A_259, %dma_start3A_289] : memref<160x128xi32, #tpu.memory_space<vmem>> -> memref<1x128xi32, #tpu.memory_space<vmem>>
        %dma_start3A_291 = tpu.memref_squeeze %dma_start3A_290 : memref<1x128xi32, #tpu.memory_space<vmem>> -> memref<128xi32, #tpu.memory_space<vmem>>
        %dma_start3A_292 = arith.constant 0 : i32
        %dma_start3A_293 = arith.constant 0 : i32
        %dma_start3A_294 = tpu.memref_slice %arg4[%arg0, %dma_start3A_292, %dma_start3A_293] : memref<2x10000x64xf32, #tpu.memory_space<hbm>> -> memref<1x10000x64xf32, #tpu.memory_space<hbm>>
        %dma_start3A_295 = tpu.memref_squeeze %dma_start3A_294 : memref<1x10000x64xf32, #tpu.memory_space<hbm>> -> memref<10000x64xf32, #tpu.memory_space<hbm>>
        %dma_start3A_296 = arith.constant 0 : i32
        %dma_start3A_297 = arith.constant 0 : i32
        %dma_start3A_298 = tpu.memref_slice %dma_start3A_295[%dma_start3A_296, %dma_start3A_297] : memref<10000x64xf32, #tpu.memory_space<hbm>> -> memref<10000x64xf32, #tpu.memory_space<hbm>>
        tpu.enqueue_indirect_dma source(%dma_start3A_298 : memref<10000x64xf32, #tpu.memory_space<hbm>>) target(%arg15 : memref<128x64xf32, #tpu.memory_space<vmem>>) offsets(%dma_start3A_291 : memref<128xi32, #tpu.memory_space<vmem>>) semaphore(%arg22 : memref<!tpu.dma_semaphore, #tpu.memory_space<semaphore_mem>>)
        %dma_start3A_299 = arith.constant 0 : i32
        %dma_start3A_300 = tpu.memref_slice %arg3[%arg1, %add3A_259, %dma_start3A_299] : memref<16x160x128xi32, #tpu.memory_space<hbm>> -> memref<1x1x128xi32, #tpu.memory_space<hbm>>
        %dma_start3A_301 = tpu.memref_squeeze %dma_start3A_300 : memref<1x1x128xi32, #tpu.memory_space<hbm>> -> memref<128xi32, #tpu.memory_space<hbm>>
        %dma_start3A_302 = arith.constant 0 : i32
        %dma_start3A_303 = tpu.memref_slice %arg3[%arg1, %add3A_259, %dma_start3A_302] : memref<16x160x128xi32, #tpu.memory_space<hbm>> -> memref<1x1x128xi32, #tpu.memory_space<hbm>>
        %dma_start3A_304 = tpu.memref_squeeze %dma_start3A_303 : memref<1x1x128xi32, #tpu.memory_space<hbm>> -> memref<128xi32, #tpu.memory_space<hbm>>
        tpu.enqueue_dma source(%dma_start3A_304 : memref<128xi32, #tpu.memory_space<hbm>>) target(%arg10 : memref<128xi32, #tpu.memory_space<vmem>>) target_semaphore(%arg27 : memref<!tpu.dma_semaphore, #tpu.memory_space<semaphore_mem>>)
      } else {
      }
      %add3A_265 = arith.constant 4 : i32
      %add3A_266 = arith.addi %mul3A_123, %add3A_265 : i32
      %dma_wait3A_267 = arith.constant 0 : i32
      %dma_wait3A_268 = tpu.memref_slice %arg6[%add3A_266, %dma_wait3A_267] : memref<160x128xi32, #tpu.memory_space<vmem>> -> memref<1x128xi32, #tpu.memory_space<vmem>>
      %dma_wait3A_269 = tpu.memref_squeeze %dma_wait3A_268 : memref<1x128xi32, #tpu.memory_space<vmem>> -> memref<128xi32, #tpu.memory_space<vmem>>
      %dma_wait3A_270 = arith.constant 0 : i32
      %dma_wait3A_271 = arith.constant 0 : i32
      %dma_wait3A_272 = tpu.memref_slice %arg4[%arg0, %dma_wait3A_270, %dma_wait3A_271] : memref<2x10000x64xf32, #tpu.memory_space<hbm>> -> memref<1x10000x64xf32, #tpu.memory_space<hbm>>
      %dma_wait3A_273 = tpu.memref_squeeze %dma_wait3A_272 : memref<1x10000x64xf32, #tpu.memory_space<hbm>> -> memref<10000x64xf32, #tpu.memory_space<hbm>>
      %dma_wait3A_274 = arith.constant 0 : i32
      %dma_wait3A_275 = arith.constant 0 : i32
      %dma_wait3A_276 = tpu.memref_slice %dma_wait3A_273[%dma_wait3A_274, %dma_wait3A_275] : memref<10000x64xf32, #tpu.memory_space<hbm>> -> memref<10000x64xf32, #tpu.memory_space<hbm>>
      tpu.wait_indirect_dma semaphore(%arg23 : memref<!tpu.dma_semaphore, #tpu.memory_space<semaphore_mem>>) src(%dma_wait3A_276 : memref<10000x64xf32, #tpu.memory_space<hbm>>) dst(%arg16 : memref<128x64xf32, #tpu.memory_space<vmem>>)
      %dma_wait3A_277 = arith.constant 0 : i32
      %dma_wait3A_278 = tpu.memref_slice %arg3[%arg1, %add3A_266, %dma_wait3A_277] : memref<16x160x128xi32, #tpu.memory_space<hbm>> -> memref<1x1x128xi32, #tpu.memory_space<hbm>>
      %dma_wait3A_279 = tpu.memref_squeeze %dma_wait3A_278 : memref<1x1x128xi32, #tpu.memory_space<hbm>> -> memref<128xi32, #tpu.memory_space<hbm>>
      %dma_wait3A_280 = arith.constant 0 : i32
      %dma_wait3A_281 = tpu.memref_slice %arg3[%arg1, %add3A_266, %dma_wait3A_280] : memref<16x160x128xi32, #tpu.memory_space<hbm>> -> memref<1x1x128xi32, #tpu.memory_space<hbm>>
      %dma_wait3A_282 = tpu.memref_squeeze %dma_wait3A_281 : memref<1x1x128xi32, #tpu.memory_space<hbm>> -> memref<128xi32, #tpu.memory_space<hbm>>
      tpu.wait_dma2 semaphore(%arg28 : memref<!tpu.dma_semaphore, #tpu.memory_space<semaphore_mem>>) src(%dma_wait3A_282 : memref<128xi32, #tpu.memory_space<hbm>>) dst(%arg11 : memref<128xi32, #tpu.memory_space<vmem>>)
      %dma_start3A_283 = arith.constant 0 : i32
      %dma_start3A_284 = arith.constant 0 : i32
      %dma_start3A_285 = tpu.memref_slice %arg18[%dma_start3A_283, %dma_start3A_284] : memref<10240x64xf32, #tpu.memory_space<vmem_shared>> -> memref<10240x64xf32, #tpu.memory_space<vmem_shared>>
      tpu.enqueue_indirect_dma source(%arg16 : memref<128x64xf32, #tpu.memory_space<vmem>>) target(%dma_start3A_285 : memref<10240x64xf32, #tpu.memory_space<vmem_shared>>) offsets(%arg11 : memref<128xi32, #tpu.memory_space<vmem>>) semaphore(%arg33 : memref<!tpu.dma_semaphore, #tpu.memory_space<semaphore_mem>>) {add = true}
    }
    %scan3A_97 = arith.constant 32 : i32
    %dma_wait3A = arith.constant 0 : i32
    %dma_wait3A_98 = arith.constant 0 : i32
    %dma_wait3A_99 = tpu.memref_slice %arg18[%dma_wait3A, %dma_wait3A_98] : memref<10240x64xf32, #tpu.memory_space<vmem_shared>> -> memref<10240x64xf32, #tpu.memory_space<vmem_shared>>
    tpu.wait_indirect_dma semaphore(%arg29 : memref<!tpu.dma_semaphore, #tpu.memory_space<semaphore_mem>>) src(%arg12 : memref<128x64xf32, #tpu.memory_space<vmem>>) dst(%dma_wait3A_99 : memref<10240x64xf32, #tpu.memory_space<vmem_shared>>)
    %dma_wait3A_100 = arith.constant 0 : i32
    %dma_wait3A_101 = arith.constant 0 : i32
    %dma_wait3A_102 = tpu.memref_slice %arg18[%dma_wait3A_100, %dma_wait3A_101] : memref<10240x64xf32, #tpu.memory_space<vmem_shared>> -> memref<10240x64xf32, #tpu.memory_space<vmem_shared>>
    tpu.wait_indirect_dma semaphore(%arg30 : memref<!tpu.dma_semaphore, #tpu.memory_space<semaphore_mem>>) src(%arg13 : memref<128x64xf32, #tpu.memory_space<vmem>>) dst(%dma_wait3A_102 : memref<10240x64xf32, #tpu.memory_space<vmem_shared>>)
    %dma_wait3A_103 = arith.constant 0 : i32
    %dma_wait3A_104 = arith.constant 0 : i32
    %dma_wait3A_105 = tpu.memref_slice %arg18[%dma_wait3A_103, %dma_wait3A_104] : memref<10240x64xf32, #tpu.memory_space<vmem_shared>> -> memref<10240x64xf32, #tpu.memory_space<vmem_shared>>
    tpu.wait_indirect_dma semaphore(%arg31 : memref<!tpu.dma_semaphore, #tpu.memory_space<semaphore_mem>>) src(%arg14 : memref<128x64xf32, #tpu.memory_space<vmem>>) dst(%dma_wait3A_105 : memref<10240x64xf32, #tpu.memory_space<vmem_shared>>)
    %dma_wait3A_106 = arith.constant 0 : i32
    %dma_wait3A_107 = arith.constant 0 : i32
    %dma_wait3A_108 = tpu.memref_slice %arg18[%dma_wait3A_106, %dma_wait3A_107] : memref<10240x64xf32, #tpu.memory_space<vmem_shared>> -> memref<10240x64xf32, #tpu.memory_space<vmem_shared>>
    tpu.wait_indirect_dma semaphore(%arg32 : memref<!tpu.dma_semaphore, #tpu.memory_space<semaphore_mem>>) src(%arg15 : memref<128x64xf32, #tpu.memory_space<vmem>>) dst(%dma_wait3A_108 : memref<10240x64xf32, #tpu.memory_space<vmem_shared>>)
    %dma_wait3A_109 = arith.constant 0 : i32
    %dma_wait3A_110 = arith.constant 0 : i32
    %dma_wait3A_111 = tpu.memref_slice %arg18[%dma_wait3A_109, %dma_wait3A_110] : memref<10240x64xf32, #tpu.memory_space<vmem_shared>> -> memref<10240x64xf32, #tpu.memory_space<vmem_shared>>
    tpu.wait_indirect_dma semaphore(%arg33 : memref<!tpu.dma_semaphore, #tpu.memory_space<semaphore_mem>>) src(%arg16 : memref<128x64xf32, #tpu.memory_space<vmem>>) dst(%dma_wait3A_111 : memref<10240x64xf32, #tpu.memory_space<vmem_shared>>)
    %barrier3A_112 = arith.constant 0 : index
    tpu.barrier barrier_id(%barrier3A_112)
    %mul3A_113 = arith.constant 640 : i32
    %mul3A_114 = arith.muli %arg1, %mul3A_113 : i32
    %mul3A_115 = arith.constant 640 : i32
    %mul3A_116 = arith.muli %arg1, %mul3A_115 : i32
    "tpu.region"() ({
      %run_scoped3A = tpu.sem_alloc : memref<!tpu.dma_semaphore, #tpu.memory_space<semaphore_mem>>
      %dma_start3A_117 = arith.constant 0 : i32
      %dma_start3A_118 = tpu.memref_slice %arg5[%arg0, %mul3A_116, %dma_start3A_117] : memref<2x10240x64xf32, #tpu.memory_space<hbm>> -> memref<1x640x64xf32, #tpu.memory_space<hbm>>
      %dma_start3A_119 = tpu.memref_squeeze %dma_start3A_118 : memref<1x640x64xf32, #tpu.memory_space<hbm>> -> memref<640x64xf32, #tpu.memory_space<hbm>>
      %dma_start3A_120 = arith.constant 0 : i32
      %dma_start3A_121 = tpu.memref_slice %arg18[%mul3A_114, %dma_start3A_120] : memref<10240x64xf32, #tpu.memory_space<vmem_shared>> -> memref<640x64xf32, #tpu.memory_space<vmem_shared>>
      tpu.enqueue_dma source(%dma_start3A_121 : memref<640x64xf32, #tpu.memory_space<vmem_shared>>) target(%dma_start3A_119 : memref<640x64xf32, #tpu.memory_space<hbm>>) target_semaphore(%run_scoped3A : memref<!tpu.dma_semaphore, #tpu.memory_space<semaphore_mem>>)
      %dma_wait3A_122 = arith.constant 0 : i32
      %dma_wait3A_123 = tpu.memref_slice %arg5[%arg0, %mul3A_116, %dma_wait3A_122] : memref<2x10240x64xf32, #tpu.memory_space<hbm>> -> memref<1x640x64xf32, #tpu.memory_space<hbm>>
      %dma_wait3A_124 = tpu.memref_squeeze %dma_wait3A_123 : memref<1x640x64xf32, #tpu.memory_space<hbm>> -> memref<640x64xf32, #tpu.memory_space<hbm>>
      %dma_wait3A_125 = arith.constant 0 : i32
      %dma_wait3A_126 = tpu.memref_slice %arg18[%mul3A_114, %dma_wait3A_125] : memref<10240x64xf32, #tpu.memory_space<vmem_shared>> -> memref<640x64xf32, #tpu.memory_space<vmem_shared>>
      tpu.wait_dma2 semaphore(%run_scoped3A : memref<!tpu.dma_semaphore, #tpu.memory_space<semaphore_mem>>) src(%dma_wait3A_126 : memref<640x64xf32, #tpu.memory_space<vmem_shared>>) dst(%dma_wait3A_124 : memref<640x64xf32, #tpu.memory_space<hbm>>)
      tpu.yield
    }) : () -> ()
    return
  }
}

#map = affine_map<(d0, d1) -> (0, 0, 0)>
module attributes {stable_mosaic.version = 14 : i64} {
  func.func @_agg_sc(%arg0: i32, %arg1: i32, %arg2: memref<16x160x128xi32, #tpu.memory_space<hbm>>, %arg3: memref<16x160x128xi32, #tpu.memory_space<hbm>>, %arg4: memref<2x10000x64xf32, #tpu.memory_space<hbm>>, %arg5: memref<2x10240x64xf32, #tpu.memory_space<hbm>>, %arg6: memref<160x128xi32, #tpu.memory_space<vmem>>, %arg7: memref<128xi32, #tpu.memory_space<vmem>>, %arg8: memref<128xi32, #tpu.memory_space<vmem>>, %arg9: memref<128xi32, #tpu.memory_space<vmem>>, %arg10: memref<128xi32, #tpu.memory_space<vmem>>, %arg11: memref<128xi32, #tpu.memory_space<vmem>>, %arg12: memref<128x64xf32, #tpu.memory_space<vmem>>, %arg13: memref<128x64xf32, #tpu.memory_space<vmem>>, %arg14: memref<128x64xf32, #tpu.memory_space<vmem>>, %arg15: memref<128x64xf32, #tpu.memory_space<vmem>>, %arg16: memref<128x64xf32, #tpu.memory_space<vmem>>, %arg17: memref<128x64xf32, #tpu.memory_space<vmem>>, %arg18: memref<10240x64xf32, #tpu.memory_space<vmem_shared>>, %arg19: memref<!tpu.dma_semaphore, #tpu.memory_space<semaphore_mem>>, %arg20: memref<!tpu.dma_semaphore, #tpu.memory_space<semaphore_mem>>, %arg21: memref<!tpu.dma_semaphore, #tpu.memory_space<semaphore_mem>>, %arg22: memref<!tpu.dma_semaphore, #tpu.memory_space<semaphore_mem>>, %arg23: memref<!tpu.dma_semaphore, #tpu.memory_space<semaphore_mem>>, %arg24: memref<!tpu.dma_semaphore, #tpu.memory_space<semaphore_mem>>, %arg25: memref<!tpu.dma_semaphore, #tpu.memory_space<semaphore_mem>>, %arg26: memref<!tpu.dma_semaphore, #tpu.memory_space<semaphore_mem>>, %arg27: memref<!tpu.dma_semaphore, #tpu.memory_space<semaphore_mem>>, %arg28: memref<!tpu.dma_semaphore, #tpu.memory_space<semaphore_mem>>, %arg29: memref<!tpu.dma_semaphore, #tpu.memory_space<semaphore_mem>>, %arg30: memref<!tpu.dma_semaphore, #tpu.memory_space<semaphore_mem>>, %arg31: memref<!tpu.dma_semaphore, #tpu.memory_space<semaphore_mem>>, %arg32: memref<!tpu.dma_semaphore, #tpu.memory_space<semaphore_mem>>, %arg33: memref<!tpu.dma_semaphore, #tpu.memory_space<semaphore_mem>>) attributes {dimension_semantics = [#tpu.dimension_semantics<core_parallel>, #tpu.dimension_semantics<subcore_parallel>], iteration_bounds = array<i64: 2, 16>, scalar_prefetch = 0 : i64, scratch_operands = 28 : i64, tpu.core_type = #tpu.core_type<sc_vector_subcore>, window_params = [{transform_indices = #map}, {transform_indices = #map}, {transform_indices = #map}, {transform_indices = #map}]} {
    "tpu.region"() ({
      %run_scoped3A = tpu.sem_alloc : memref<!tpu.dma_semaphore, #tpu.memory_space<semaphore_mem>>
      %dma_start3A_117 = arith.constant 0 : i32
      %dma_start3A_118 = arith.constant 0 : i32
      %dma_start3A_119 = tpu.memref_slice %arg2[%arg1, %dma_start3A_117, %dma_start3A_118] : memref<16x160x128xi32, #tpu.memory_space<hbm>> -> memref<1x160x128xi32, #tpu.memory_space<hbm>>
      %dma_start3A_120 = tpu.memref_squeeze %dma_start3A_119 : memref<1x160x128xi32, #tpu.memory_space<hbm>> -> memref<160x128xi32, #tpu.memory_space<hbm>>
      %dma_start3A_121 = arith.constant 0 : i32
      %dma_start3A_122 = arith.constant 0 : i32
      %dma_start3A_123 = tpu.memref_slice %arg2[%arg1, %dma_start3A_121, %dma_start3A_122] : memref<16x160x128xi32, #tpu.memory_space<hbm>> -> memref<1x160x128xi32, #tpu.memory_space<hbm>>
      %dma_start3A_124 = tpu.memref_squeeze %dma_start3A_123 : memref<1x160x128xi32, #tpu.memory_space<hbm>> -> memref<160x128xi32, #tpu.memory_space<hbm>>
      tpu.enqueue_dma source(%dma_start3A_124 : memref<160x128xi32, #tpu.memory_space<hbm>>) target(%arg6 : memref<160x128xi32, #tpu.memory_space<vmem>>) target_semaphore(%run_scoped3A : memref<!tpu.dma_semaphore, #tpu.memory_space<semaphore_mem>>)
      %dma_wait3A_125 = arith.constant 0 : i32
      %dma_wait3A_126 = arith.constant 0 : i32
      %dma_wait3A_127 = tpu.memref_slice %arg2[%arg1, %dma_wait3A_125, %dma_wait3A_126] : memref<16x160x128xi32, #tpu.memory_space<hbm>> -> memref<1x160x128xi32, #tpu.memory_space<hbm>>
      %dma_wait3A_128 = tpu.memref_squeeze %dma_wait3A_127 : memref<1x160x128xi32, #tpu.memory_space<hbm>> -> memref<160x128xi32, #tpu.memory_space<hbm>>
      %dma_wait3A_129 = arith.constant 0 : i32
      %dma_wait3A_130 = arith.constant 0 : i32
      %dma_wait3A_131 = tpu.memref_slice %arg2[%arg1, %dma_wait3A_129, %dma_wait3A_130] : memref<16x160x128xi32, #tpu.memory_space<hbm>> -> memref<1x160x128xi32, #tpu.memory_space<hbm>>
      %dma_wait3A_132 = tpu.memref_squeeze %dma_wait3A_131 : memref<1x160x128xi32, #tpu.memory_space<hbm>> -> memref<160x128xi32, #tpu.memory_space<hbm>>
      tpu.wait_dma2 semaphore(%run_scoped3A : memref<!tpu.dma_semaphore, #tpu.memory_space<semaphore_mem>>) src(%dma_wait3A_132 : memref<160x128xi32, #tpu.memory_space<hbm>>) dst(%arg6 : memref<160x128xi32, #tpu.memory_space<vmem>>)
      tpu.yield
    }) : () -> ()
    %scan3A = arith.constant 0 : i32
    %scan3A_0 = arith.constant 128 : i32
    %scan3A_1 = arith.addi %scan3A, %scan3A_0 : i32
    %scan3A_2 = arith.constant 1 : i32
    scf.for %scan3A_117 = %scan3A to %scan3A_1 step %scan3A_2  : i32 {
      %mul3A_118 = arith.constant 1 : i32
      %mul3A_119 = arith.muli %scan3A_117, %mul3A_118 : i32
      %add3A_120 = arith.constant 0 : i32
      %add3A_121 = arith.addi %add3A_120, %mul3A_119 : i32
      %broadcast_in_dim3A = arith.constant 0.000000e+00 : f32
      %broadcast_in_dim3A_122 = vector.broadcast %broadcast_in_dim3A : f32 to vector<16xf32>
      %swap3A = arith.index_cast %add3A_121 : i32 to index
      %swap3A_123 = arith.constant 0 : index
      %swap3A_124 = tpu.vector_load %arg17[%swap3A, %swap3A_123] {strides = array<i32>} : memref<128x64xf32, #tpu.memory_space<vmem>>, vector<1x16xf32>,
      %swap3A_125 = vector.shape_cast %swap3A_124 : vector<1x16xf32> to vector<16xf32>
      %swap3A_126 = vector.shape_cast %broadcast_in_dim3A_122 : vector<16xf32> to vector<1x16xf32>
      tpu.vector_store %arg17[%swap3A, %swap3A_123], %swap3A_126 {strides = array<i32>} : memref<128x64xf32, #tpu.memory_space<vmem>>, vector<1x16xf32>,
      %broadcast_in_dim3A_127 = arith.constant 0.000000e+00 : f32
      %broadcast_in_dim3A_128 = vector.broadcast %broadcast_in_dim3A_127 : f32 to vector<16xf32>
      %swap3A_129 = arith.index_cast %add3A_121 : i32 to index
      %swap3A_130 = arith.constant 16 : index
      %swap3A_131 = tpu.vector_load %arg17[%swap3A_129, %swap3A_130] {strides = array<i32>} : memref<128x64xf32, #tpu.memory_space<vmem>>, vector<1x16xf32>,
      %swap3A_132 = vector.shape_cast %swap3A_131 : vector<1x16xf32> to vector<16xf32>
      %swap3A_133 = vector.shape_cast %broadcast_in_dim3A_128 : vector<16xf32> to vector<1x16xf32>
      tpu.vector_store %arg17[%swap3A_129, %swap3A_130], %swap3A_133 {strides = array<i32>} : memref<128x64xf32, #tpu.memory_space<vmem>>, vector<1x16xf32>,
      %broadcast_in_dim3A_134 = arith.constant 0.000000e+00 : f32
      %broadcast_in_dim3A_135 = vector.broadcast %broadcast_in_dim3A_134 : f32 to vector<16xf32>
      %swap3A_136 = arith.index_cast %add3A_121 : i32 to index
      %swap3A_137 = arith.constant 32 : index
      %swap3A_138 = tpu.vector_load %arg17[%swap3A_136, %swap3A_137] {strides = array<i32>} : memref<128x64xf32, #tpu.memory_space<vmem>>, vector<1x16xf32>,
      %swap3A_139 = vector.shape_cast %swap3A_138 : vector<1x16xf32> to vector<16xf32>
      %swap3A_140 = vector.shape_cast %broadcast_in_dim3A_135 : vector<16xf32> to vector<1x16xf32>
      tpu.vector_store %arg17[%swap3A_136, %swap3A_137], %swap3A_140 {strides = array<i32>} : memref<128x64xf32, #tpu.memory_space<vmem>>, vector<1x16xf32>,
      %broadcast_in_dim3A_141 = arith.constant 0.000000e+00 : f32
      %broadcast_in_dim3A_142 = vector.broadcast %broadcast_in_dim3A_141 : f32 to vector<16xf32>
      %swap3A_143 = arith.index_cast %add3A_121 : i32 to index
      %swap3A_144 = arith.constant 48 : index
      %swap3A_145 = tpu.vector_load %arg17[%swap3A_143, %swap3A_144] {strides = array<i32>} : memref<128x64xf32, #tpu.memory_space<vmem>>, vector<1x16xf32>,
      %swap3A_146 = vector.shape_cast %swap3A_145 : vector<1x16xf32> to vector<16xf32>
      %swap3A_147 = vector.shape_cast %broadcast_in_dim3A_142 : vector<16xf32> to vector<1x16xf32>
      tpu.vector_store %arg17[%swap3A_143, %swap3A_144], %swap3A_147 {strides = array<i32>} : memref<128x64xf32, #tpu.memory_space<vmem>>, vector<1x16xf32>,
    }
    %scan3A_3 = arith.constant 128 : i32
    %mul3A = arith.constant 640 : i32
    %mul3A_4 = arith.muli %arg1, %mul3A : i32
    %add3A = arith.constant 0 : i32
    %add3A_5 = arith.addi %mul3A_4, %add3A : i32
    "tpu.region"() ({
      %run_scoped3A = tpu.sem_alloc : memref<!tpu.dma_semaphore, #tpu.memory_space<semaphore_mem>>
      %dma_start3A_117 = arith.constant 0 : i32
      %dma_start3A_118 = tpu.memref_slice %arg18[%add3A_5, %dma_start3A_117] : memref<10240x64xf32, #tpu.memory_space<vmem_shared>> -> memref<128x64xf32, #tpu.memory_space<vmem_shared>>
      %dma_start3A_119 = arith.constant 0 : i32
      %dma_start3A_120 = tpu.memref_slice %arg18[%add3A_5, %dma_start3A_119] : memref<10240x64xf32, #tpu.memory_space<vmem_shared>> -> memref<128x64xf32, #tpu.memory_space<vmem_shared>>
      tpu.enqueue_dma source(%arg17 : memref<128x64xf32, #tpu.memory_space<vmem>>) target(%dma_start3A_120 : memref<128x64xf32, #tpu.memory_space<vmem_shared>>) target_semaphore(%run_scoped3A : memref<!tpu.dma_semaphore, #tpu.memory_space<semaphore_mem>>)
      %dma_wait3A_121 = arith.constant 0 : i32
      %dma_wait3A_122 = tpu.memref_slice %arg18[%add3A_5, %dma_wait3A_121] : memref<10240x64xf32, #tpu.memory_space<vmem_shared>> -> memref<128x64xf32, #tpu.memory_space<vmem_shared>>
      %dma_wait3A_123 = arith.constant 0 : i32
      %dma_wait3A_124 = tpu.memref_slice %arg18[%add3A_5, %dma_wait3A_123] : memref<10240x64xf32, #tpu.memory_space<vmem_shared>> -> memref<128x64xf32, #tpu.memory_space<vmem_shared>>
      tpu.wait_dma2 semaphore(%run_scoped3A : memref<!tpu.dma_semaphore, #tpu.memory_space<semaphore_mem>>) src(%arg17 : memref<128x64xf32, #tpu.memory_space<vmem>>) dst(%dma_wait3A_124 : memref<128x64xf32, #tpu.memory_space<vmem_shared>>)
      tpu.yield
    }) : () -> ()
    %mul3A_6 = arith.constant 640 : i32
    %mul3A_7 = arith.muli %arg1, %mul3A_6 : i32
    %add3A_8 = arith.constant 128 : i32
    %add3A_9 = arith.addi %mul3A_7, %add3A_8 : i32
    "tpu.region"() ({
      %run_scoped3A = tpu.sem_alloc : memref<!tpu.dma_semaphore, #tpu.memory_space<semaphore_mem>>
      %dma_start3A_117 = arith.constant 0 : i32
      %dma_start3A_118 = tpu.memref_slice %arg18[%add3A_9, %dma_start3A_117] : memref<10240x64xf32, #tpu.memory_space<vmem_shared>> -> memref<128x64xf32, #tpu.memory_space<vmem_shared>>
      %dma_start3A_119 = arith.constant 0 : i32
      %dma_start3A_120 = tpu.memref_slice %arg18[%add3A_9, %dma_start3A_119] : memref<10240x64xf32, #tpu.memory_space<vmem_shared>> -> memref<128x64xf32, #tpu.memory_space<vmem_shared>>
      tpu.enqueue_dma source(%arg17 : memref<128x64xf32, #tpu.memory_space<vmem>>) target(%dma_start3A_120 : memref<128x64xf32, #tpu.memory_space<vmem_shared>>) target_semaphore(%run_scoped3A : memref<!tpu.dma_semaphore, #tpu.memory_space<semaphore_mem>>)
      %dma_wait3A_121 = arith.constant 0 : i32
      %dma_wait3A_122 = tpu.memref_slice %arg18[%add3A_9, %dma_wait3A_121] : memref<10240x64xf32, #tpu.memory_space<vmem_shared>> -> memref<128x64xf32, #tpu.memory_space<vmem_shared>>
      %dma_wait3A_123 = arith.constant 0 : i32
      %dma_wait3A_124 = tpu.memref_slice %arg18[%add3A_9, %dma_wait3A_123] : memref<10240x64xf32, #tpu.memory_space<vmem_shared>> -> memref<128x64xf32, #tpu.memory_space<vmem_shared>>
      tpu.wait_dma2 semaphore(%run_scoped3A : memref<!tpu.dma_semaphore, #tpu.memory_space<semaphore_mem>>) src(%arg17 : memref<128x64xf32, #tpu.memory_space<vmem>>) dst(%dma_wait3A_124 : memref<128x64xf32, #tpu.memory_space<vmem_shared>>)
      tpu.yield
    }) : () -> ()
    %mul3A_10 = arith.constant 640 : i32
    %mul3A_11 = arith.muli %arg1, %mul3A_10 : i32
    %add3A_12 = arith.constant 256 : i32
    %add3A_13 = arith.addi %mul3A_11, %add3A_12 : i32
    "tpu.region"() ({
      %run_scoped3A = tpu.sem_alloc : memref<!tpu.dma_semaphore, #tpu.memory_space<semaphore_mem>>
      %dma_start3A_117 = arith.constant 0 : i32
      %dma_start3A_118 = tpu.memref_slice %arg18[%add3A_13, %dma_start3A_117] : memref<10240x64xf32, #tpu.memory_space<vmem_shared>> -> memref<128x64xf32, #tpu.memory_space<vmem_shared>>
      %dma_start3A_119 = arith.constant 0 : i32
      %dma_start3A_120 = tpu.memref_slice %arg18[%add3A_13, %dma_start3A_119] : memref<10240x64xf32, #tpu.memory_space<vmem_shared>> -> memref<128x64xf32, #tpu.memory_space<vmem_shared>>
      tpu.enqueue_dma source(%arg17 : memref<128x64xf32, #tpu.memory_space<vmem>>) target(%dma_start3A_120 : memref<128x64xf32, #tpu.memory_space<vmem_shared>>) target_semaphore(%run_scoped3A : memref<!tpu.dma_semaphore, #tpu.memory_space<semaphore_mem>>)
      %dma_wait3A_121 = arith.constant 0 : i32
      %dma_wait3A_122 = tpu.memref_slice %arg18[%add3A_13, %dma_wait3A_121] : memref<10240x64xf32, #tpu.memory_space<vmem_shared>> -> memref<128x64xf32, #tpu.memory_space<vmem_shared>>
      %dma_wait3A_123 = arith.constant 0 : i32
      %dma_wait3A_124 = tpu.memref_slice %arg18[%add3A_13, %dma_wait3A_123] : memref<10240x64xf32, #tpu.memory_space<vmem_shared>> -> memref<128x64xf32, #tpu.memory_space<vmem_shared>>
      tpu.wait_dma2 semaphore(%run_scoped3A : memref<!tpu.dma_semaphore, #tpu.memory_space<semaphore_mem>>) src(%arg17 : memref<128x64xf32, #tpu.memory_space<vmem>>) dst(%dma_wait3A_124 : memref<128x64xf32, #tpu.memory_space<vmem_shared>>)
      tpu.yield
    }) : () -> ()
    %mul3A_14 = arith.constant 640 : i32
    %mul3A_15 = arith.muli %arg1, %mul3A_14 : i32
    %add3A_16 = arith.constant 384 : i32
    %add3A_17 = arith.addi %mul3A_15, %add3A_16 : i32
    "tpu.region"() ({
      %run_scoped3A = tpu.sem_alloc : memref<!tpu.dma_semaphore, #tpu.memory_space<semaphore_mem>>
      %dma_start3A_117 = arith.constant 0 : i32
      %dma_start3A_118 = tpu.memref_slice %arg18[%add3A_17, %dma_start3A_117] : memref<10240x64xf32, #tpu.memory_space<vmem_shared>> -> memref<128x64xf32, #tpu.memory_space<vmem_shared>>
      %dma_start3A_119 = arith.constant 0 : i32
      %dma_start3A_120 = tpu.memref_slice %arg18[%add3A_17, %dma_start3A_119] : memref<10240x64xf32, #tpu.memory_space<vmem_shared>> -> memref<128x64xf32, #tpu.memory_space<vmem_shared>>
      tpu.enqueue_dma source(%arg17 : memref<128x64xf32, #tpu.memory_space<vmem>>) target(%dma_start3A_120 : memref<128x64xf32, #tpu.memory_space<vmem_shared>>) target_semaphore(%run_scoped3A : memref<!tpu.dma_semaphore, #tpu.memory_space<semaphore_mem>>)
      %dma_wait3A_121 = arith.constant 0 : i32
      %dma_wait3A_122 = tpu.memref_slice %arg18[%add3A_17, %dma_wait3A_121] : memref<10240x64xf32, #tpu.memory_space<vmem_shared>> -> memref<128x64xf32, #tpu.memory_space<vmem_shared>>
      %dma_wait3A_123 = arith.constant 0 : i32
      %dma_wait3A_124 = tpu.memref_slice %arg18[%add3A_17, %dma_wait3A_123] : memref<10240x64xf32, #tpu.memory_space<vmem_shared>> -> memref<128x64xf32, #tpu.memory_space<vmem_shared>>
      tpu.wait_dma2 semaphore(%run_scoped3A : memref<!tpu.dma_semaphore, #tpu.memory_space<semaphore_mem>>) src(%arg17 : memref<128x64xf32, #tpu.memory_space<vmem>>) dst(%dma_wait3A_124 : memref<128x64xf32, #tpu.memory_space<vmem_shared>>)
      tpu.yield
    }) : () -> ()
    %mul3A_18 = arith.constant 640 : i32
    %mul3A_19 = arith.muli %arg1, %mul3A_18 : i32
    %add3A_20 = arith.constant 512 : i32
    %add3A_21 = arith.addi %mul3A_19, %add3A_20 : i32
    "tpu.region"() ({
      %run_scoped3A = tpu.sem_alloc : memref<!tpu.dma_semaphore, #tpu.memory_space<semaphore_mem>>
      %dma_start3A_117 = arith.constant 0 : i32
      %dma_start3A_118 = tpu.memref_slice %arg18[%add3A_21, %dma_start3A_117] : memref<10240x64xf32, #tpu.memory_space<vmem_shared>> -> memref<128x64xf32, #tpu.memory_space<vmem_shared>>
      %dma_start3A_119 = arith.constant 0 : i32
      %dma_start3A_120 = tpu.memref_slice %arg18[%add3A_21, %dma_start3A_119] : memref<10240x64xf32, #tpu.memory_space<vmem_shared>> -> memref<128x64xf32, #tpu.memory_space<vmem_shared>>
      tpu.enqueue_dma source(%arg17 : memref<128x64xf32, #tpu.memory_space<vmem>>) target(%dma_start3A_120 : memref<128x64xf32, #tpu.memory_space<vmem_shared>>) target_semaphore(%run_scoped3A : memref<!tpu.dma_semaphore, #tpu.memory_space<semaphore_mem>>)
      %dma_wait3A_121 = arith.constant 0 : i32
      %dma_wait3A_122 = tpu.memref_slice %arg18[%add3A_21, %dma_wait3A_121] : memref<10240x64xf32, #tpu.memory_space<vmem_shared>> -> memref<128x64xf32, #tpu.memory_space<vmem_shared>>
      %dma_wait3A_123 = arith.constant 0 : i32
      %dma_wait3A_124 = tpu.memref_slice %arg18[%add3A_21, %dma_wait3A_123] : memref<10240x64xf32, #tpu.memory_space<vmem_shared>> -> memref<128x64xf32, #tpu.memory_space<vmem_shared>>
      tpu.wait_dma2 semaphore(%run_scoped3A : memref<!tpu.dma_semaphore, #tpu.memory_space<semaphore_mem>>) src(%arg17 : memref<128x64xf32, #tpu.memory_space<vmem>>) dst(%dma_wait3A_124 : memref<128x64xf32, #tpu.memory_space<vmem_shared>>)
      tpu.yield
    }) : () -> ()
    %barrier3A = arith.constant 0 : index
    tpu.barrier barrier_id(%barrier3A)
    %dma_start3A = arith.constant 0 : i32
    %dma_start3A_22 = arith.constant 0 : i32
    %dma_start3A_23 = tpu.memref_slice %arg6[%dma_start3A, %dma_start3A_22] : memref<160x128xi32, #tpu.memory_space<vmem>> -> memref<1x128xi32, #tpu.memory_space<vmem>>
    %dma_start3A_24 = tpu.memref_squeeze %dma_start3A_23 : memref<1x128xi32, #tpu.memory_space<vmem>> -> memref<128xi32, #tpu.memory_space<vmem>>
    %dma_start3A_25 = arith.constant 0 : i32
    %dma_start3A_26 = arith.constant 0 : i32
    %dma_start3A_27 = tpu.memref_slice %arg4[%arg0, %dma_start3A_25, %dma_start3A_26] : memref<2x10000x64xf32, #tpu.memory_space<hbm>> -> memref<1x10000x64xf32, #tpu.memory_space<hbm>>
    %dma_start3A_28 = tpu.memref_squeeze %dma_start3A_27 : memref<1x10000x64xf32, #tpu.memory_space<hbm>> -> memref<10000x64xf32, #tpu.memory_space<hbm>>
    %dma_start3A_29 = arith.constant 0 : i32
    %dma_start3A_30 = arith.constant 0 : i32
    %dma_start3A_31 = tpu.memref_slice %dma_start3A_28[%dma_start3A_29, %dma_start3A_30] : memref<10000x64xf32, #tpu.memory_space<hbm>> -> memref<10000x64xf32, #tpu.memory_space<hbm>>
    tpu.enqueue_indirect_dma source(%dma_start3A_31 : memref<10000x64xf32, #tpu.memory_space<hbm>>) target(%arg12 : memref<128x64xf32, #tpu.memory_space<vmem>>) offsets(%dma_start3A_24 : memref<128xi32, #tpu.memory_space<vmem>>) semaphore(%arg19 : memref<!tpu.dma_semaphore, #tpu.memory_space<semaphore_mem>>)
    %dma_start3A_32 = arith.constant 0 : i32
    %dma_start3A_33 = arith.constant 0 : i32
    %dma_start3A_34 = tpu.memref_slice %arg3[%arg1, %dma_start3A_32, %dma_start3A_33] : memref<16x160x128xi32, #tpu.memory_space<hbm>> -> memref<1x1x128xi32, #tpu.memory_space<hbm>>
    %dma_start3A_35 = tpu.memref_squeeze %dma_start3A_34 : memref<1x1x128xi32, #tpu.memory_space<hbm>> -> memref<128xi32, #tpu.memory_space<hbm>>
    %dma_start3A_36 = arith.constant 0 : i32
    %dma_start3A_37 = tpu.memref_slice %arg3[%arg1, %dma_start3A_32, %dma_start3A_36] : memref<16x160x128xi32, #tpu.memory_space<hbm>> -> memref<1x1x128xi32, #tpu.memory_space<hbm>>
    %dma_start3A_38 = tpu.memref_squeeze %dma_start3A_37 : memref<1x1x128xi32, #tpu.memory_space<hbm>> -> memref<128xi32, #tpu.memory_space<hbm>>
    tpu.enqueue_dma source(%dma_start3A_38 : memref<128xi32, #tpu.memory_space<hbm>>) target(%arg7 : memref<128xi32, #tpu.memory_space<vmem>>) target_semaphore(%arg24 : memref<!tpu.dma_semaphore, #tpu.memory_space<semaphore_mem>>)
    %dma_start3A_39 = arith.constant 1 : i32
    %dma_start3A_40 = arith.constant 0 : i32
    %dma_start3A_41 = tpu.memref_slice %arg6[%dma_start3A_39, %dma_start3A_40] : memref<160x128xi32, #tpu.memory_space<vmem>> -> memref<1x128xi32, #tpu.memory_space<vmem>>
    %dma_start3A_42 = tpu.memref_squeeze %dma_start3A_41 : memref<1x128xi32, #tpu.memory_space<vmem>> -> memref<128xi32, #tpu.memory_space<vmem>>
    %dma_start3A_43 = arith.constant 0 : i32
    %dma_start3A_44 = arith.constant 0 : i32
    %dma_start3A_45 = tpu.memref_slice %arg4[%arg0, %dma_start3A_43, %dma_start3A_44] : memref<2x10000x64xf32, #tpu.memory_space<hbm>> -> memref<1x10000x64xf32, #tpu.memory_space<hbm>>
    %dma_start3A_46 = tpu.memref_squeeze %dma_start3A_45 : memref<1x10000x64xf32, #tpu.memory_space<hbm>> -> memref<10000x64xf32, #tpu.memory_space<hbm>>
    %dma_start3A_47 = arith.constant 0 : i32
    %dma_start3A_48 = arith.constant 0 : i32
    %dma_start3A_49 = tpu.memref_slice %dma_start3A_46[%dma_start3A_47, %dma_start3A_48] : memref<10000x64xf32, #tpu.memory_space<hbm>> -> memref<10000x64xf32, #tpu.memory_space<hbm>>
    tpu.enqueue_indirect_dma source(%dma_start3A_49 : memref<10000x64xf32, #tpu.memory_space<hbm>>) target(%arg13 : memref<128x64xf32, #tpu.memory_space<vmem>>) offsets(%dma_start3A_42 : memref<128xi32, #tpu.memory_space<vmem>>) semaphore(%arg20 : memref<!tpu.dma_semaphore, #tpu.memory_space<semaphore_mem>>)
    %dma_start3A_50 = arith.constant 1 : i32
    %dma_start3A_51 = arith.constant 0 : i32
    %dma_start3A_52 = tpu.memref_slice %arg3[%arg1, %dma_start3A_50, %dma_start3A_51] : memref<16x160x128xi32, #tpu.memory_space<hbm>> -> memref<1x1x128xi32, #tpu.memory_space<hbm>>
    %dma_start3A_53 = tpu.memref_squeeze %dma_start3A_52 : memref<1x1x128xi32, #tpu.memory_space<hbm>> -> memref<128xi32, #tpu.memory_space<hbm>>
    %dma_start3A_54 = arith.constant 0 : i32
    %dma_start3A_55 = tpu.memref_slice %arg3[%arg1, %dma_start3A_50, %dma_start3A_54] : memref<16x160x128xi32, #tpu.memory_space<hbm>> -> memref<1x1x128xi32, #tpu.memory_space<hbm>>
    %dma_start3A_56 = tpu.memref_squeeze %dma_start3A_55 : memref<1x1x128xi32, #tpu.memory_space<hbm>> -> memref<128xi32, #tpu.memory_space<hbm>>
    tpu.enqueue_dma source(%dma_start3A_56 : memref<128xi32, #tpu.memory_space<hbm>>) target(%arg8 : memref<128xi32, #tpu.memory_space<vmem>>) target_semaphore(%arg25 : memref<!tpu.dma_semaphore, #tpu.memory_space<semaphore_mem>>)
    %dma_start3A_57 = arith.constant 2 : i32
    %dma_start3A_58 = arith.constant 0 : i32
    %dma_start3A_59 = tpu.memref_slice %arg6[%dma_start3A_57, %dma_start3A_58] : memref<160x128xi32, #tpu.memory_space<vmem>> -> memref<1x128xi32, #tpu.memory_space<vmem>>
    %dma_start3A_60 = tpu.memref_squeeze %dma_start3A_59 : memref<1x128xi32, #tpu.memory_space<vmem>> -> memref<128xi32, #tpu.memory_space<vmem>>
    %dma_start3A_61 = arith.constant 0 : i32
    %dma_start3A_62 = arith.constant 0 : i32
    %dma_start3A_63 = tpu.memref_slice %arg4[%arg0, %dma_start3A_61, %dma_start3A_62] : memref<2x10000x64xf32, #tpu.memory_space<hbm>> -> memref<1x10000x64xf32, #tpu.memory_space<hbm>>
    %dma_start3A_64 = tpu.memref_squeeze %dma_start3A_63 : memref<1x10000x64xf32, #tpu.memory_space<hbm>> -> memref<10000x64xf32, #tpu.memory_space<hbm>>
    %dma_start3A_65 = arith.constant 0 : i32
    %dma_start3A_66 = arith.constant 0 : i32
    %dma_start3A_67 = tpu.memref_slice %dma_start3A_64[%dma_start3A_65, %dma_start3A_66] : memref<10000x64xf32, #tpu.memory_space<hbm>> -> memref<10000x64xf32, #tpu.memory_space<hbm>>
    tpu.enqueue_indirect_dma source(%dma_start3A_67 : memref<10000x64xf32, #tpu.memory_space<hbm>>) target(%arg14 : memref<128x64xf32, #tpu.memory_space<vmem>>) offsets(%dma_start3A_60 : memref<128xi32, #tpu.memory_space<vmem>>) semaphore(%arg21 : memref<!tpu.dma_semaphore, #tpu.memory_space<semaphore_mem>>)
    %dma_start3A_68 = arith.constant 2 : i32
    %dma_start3A_69 = arith.constant 0 : i32
    %dma_start3A_70 = tpu.memref_slice %arg3[%arg1, %dma_start3A_68, %dma_start3A_69] : memref<16x160x128xi32, #tpu.memory_space<hbm>> -> memref<1x1x128xi32, #tpu.memory_space<hbm>>
    %dma_start3A_71 = tpu.memref_squeeze %dma_start3A_70 : memref<1x1x128xi32, #tpu.memory_space<hbm>> -> memref<128xi32, #tpu.memory_space<hbm>>
    %dma_start3A_72 = arith.constant 0 : i32
    %dma_start3A_73 = tpu.memref_slice %arg3[%arg1, %dma_start3A_68, %dma_start3A_72] : memref<16x160x128xi32, #tpu.memory_space<hbm>> -> memref<1x1x128xi32, #tpu.memory_space<hbm>>
    %dma_start3A_74 = tpu.memref_squeeze %dma_start3A_73 : memref<1x1x128xi32, #tpu.memory_space<hbm>> -> memref<128xi32, #tpu.memory_space<hbm>>
    tpu.enqueue_dma source(%dma_start3A_74 : memref<128xi32, #tpu.memory_space<hbm>>) target(%arg9 : memref<128xi32, #tpu.memory_space<vmem>>) target_semaphore(%arg26 : memref<!tpu.dma_semaphore, #tpu.memory_space<semaphore_mem>>)
    %dma_start3A_75 = arith.constant 3 : i32
    %dma_start3A_76 = arith.constant 0 : i32
    %dma_start3A_77 = tpu.memref_slice %arg6[%dma_start3A_75, %dma_start3A_76] : memref<160x128xi32, #tpu.memory_space<vmem>> -> memref<1x128xi32, #tpu.memory_space<vmem>>
    %dma_start3A_78 = tpu.memref_squeeze %dma_start3A_77 : memref<1x128xi32, #tpu.memory_space<vmem>> -> memref<128xi32, #tpu.memory_space<vmem>>
    %dma_start3A_79 = arith.constant 0 : i32
    %dma_start3A_80 = arith.constant 0 : i32
    %dma_start3A_81 = tpu.memref_slice %arg4[%arg0, %dma_start3A_79, %dma_start3A_80] : memref<2x10000x64xf32, #tpu.memory_space<hbm>> -> memref<1x10000x64xf32, #tpu.memory_space<hbm>>
    %dma_start3A_82 = tpu.memref_squeeze %dma_start3A_81 : memref<1x10000x64xf32, #tpu.memory_space<hbm>> -> memref<10000x64xf32, #tpu.memory_space<hbm>>
    %dma_start3A_83 = arith.constant 0 : i32
    %dma_start3A_84 = arith.constant 0 : i32
    %dma_start3A_85 = tpu.memref_slice %dma_start3A_82[%dma_start3A_83, %dma_start3A_84] : memref<10000x64xf32, #tpu.memory_space<hbm>> -> memref<10000x64xf32, #tpu.memory_space<hbm>>
    tpu.enqueue_indirect_dma source(%dma_start3A_85 : memref<10000x64xf32, #tpu.memory_space<hbm>>) target(%arg15 : memref<128x64xf32, #tpu.memory_space<vmem>>) offsets(%dma_start3A_78 : memref<128xi32, #tpu.memory_space<vmem>>) semaphore(%arg22 : memref<!tpu.dma_semaphore, #tpu.memory_space<semaphore_mem>>)
    %dma_start3A_86 = arith.constant 3 : i32
    %dma_start3A_87 = arith.constant 0 : i32
    %dma_start3A_88 = tpu.memref_slice %arg3[%arg1, %dma_start3A_86, %dma_start3A_87] : memref<16x160x128xi32, #tpu.memory_space<hbm>> -> memref<1x1x128xi32, #tpu.memory_space<hbm>>
    %dma_start3A_89 = tpu.memref_squeeze %dma_start3A_88 : memref<1x1x128xi32, #tpu.memory_space<hbm>> -> memref<128xi32, #tpu.memory_space<hbm>>
    %dma_start3A_90 = arith.constant 0 : i32
    %dma_start3A_91 = tpu.memref_slice %arg3[%arg1, %dma_start3A_86, %dma_start3A_90] : memref<16x160x128xi32, #tpu.memory_space<hbm>> -> memref<1x1x128xi32, #tpu.memory_space<hbm>>
    %dma_start3A_92 = tpu.memref_squeeze %dma_start3A_91 : memref<1x1x128xi32, #tpu.memory_space<hbm>> -> memref<128xi32, #tpu.memory_space<hbm>>
    tpu.enqueue_dma source(%dma_start3A_92 : memref<128xi32, #tpu.memory_space<hbm>>) target(%arg10 : memref<128xi32, #tpu.memory_space<vmem>>) target_semaphore(%arg27 : memref<!tpu.dma_semaphore, #tpu.memory_space<semaphore_mem>>)
    %scan3A_93 = arith.constant 0 : i32
    %scan3A_94 = arith.constant 32 : i32
    %scan3A_95 = arith.addi %scan3A_93, %scan3A_94 : i32
    %scan3A_96 = arith.constant 1 : i32
    scf.for %scan3A_117 = %scan3A_93 to %scan3A_95 step %scan3A_96  : i32 {
      %mul3A_118 = arith.constant 1 : i32
      %mul3A_119 = arith.muli %scan3A_117, %mul3A_118 : i32
      %add3A_120 = arith.constant 0 : i32
      %add3A_121 = arith.addi %add3A_120, %mul3A_119 : i32
      %mul3A_122 = arith.constant 5 : i32
      %mul3A_123 = arith.muli %add3A_121, %mul3A_122 : i32
      %add3A_124 = arith.constant 0 : i32
      %add3A_125 = arith.addi %mul3A_123, %add3A_124 : i32
      %add3A_126 = arith.constant 4 : i32
      %add3A_127 = arith.addi %add3A_125, %add3A_126 : i32
      %gt3A = arith.constant 0 : i32
      %gt3A_128 = arith.cmpi sgt, %add3A_121, %gt3A : i32
      %convert_element_type3A = arith.extui %gt3A_128 : i1 to i32
      %cond3A = arith.constant 0 : i32
      %cond3A_129 = arith.cmpi ne, %convert_element_type3A, %cond3A : i32
      scf.if %cond3A_129 {
        %dma_wait3A_286 = arith.constant 0 : i32
        %dma_wait3A_287 = arith.constant 0 : i32
        %dma_wait3A_288 = tpu.memref_slice %arg18[%dma_wait3A_286, %dma_wait3A_287] : memref<10240x64xf32, #tpu.memory_space<vmem_shared>> -> memref<10240x64xf32, #tpu.memory_space<vmem_shared>>
        tpu.wait_indirect_dma semaphore(%arg33 : memref<!tpu.dma_semaphore, #tpu.memory_space<semaphore_mem>>) src(%arg16 : memref<128x64xf32, #tpu.memory_space<vmem>>) dst(%dma_wait3A_288 : memref<10240x64xf32, #tpu.memory_space<vmem_shared>>)
      } else {
      }
      %dma_start3A_130 = arith.constant 0 : i32
      %dma_start3A_131 = tpu.memref_slice %arg6[%add3A_127, %dma_start3A_130] : memref<160x128xi32, #tpu.memory_space<vmem>> -> memref<1x128xi32, #tpu.memory_space<vmem>>
      %dma_start3A_132 = tpu.memref_squeeze %dma_start3A_131 : memref<1x128xi32, #tpu.memory_space<vmem>> -> memref<128xi32, #tpu.memory_space<vmem>>
      %dma_start3A_133 = arith.constant 0 : i32
      %dma_start3A_134 = arith.constant 0 : i32
      %dma_start3A_135 = tpu.memref_slice %arg4[%arg0, %dma_start3A_133, %dma_start3A_134] : memref<2x10000x64xf32, #tpu.memory_space<hbm>> -> memref<1x10000x64xf32, #tpu.memory_space<hbm>>
      %dma_start3A_136 = tpu.memref_squeeze %dma_start3A_135 : memref<1x10000x64xf32, #tpu.memory_space<hbm>> -> memref<10000x64xf32, #tpu.memory_space<hbm>>
      %dma_start3A_137 = arith.constant 0 : i32
      %dma_start3A_138 = arith.constant 0 : i32
      %dma_start3A_139 = tpu.memref_slice %dma_start3A_136[%dma_start3A_137, %dma_start3A_138] : memref<10000x64xf32, #tpu.memory_space<hbm>> -> memref<10000x64xf32, #tpu.memory_space<hbm>>
      tpu.enqueue_indirect_dma source(%dma_start3A_139 : memref<10000x64xf32, #tpu.memory_space<hbm>>) target(%arg16 : memref<128x64xf32, #tpu.memory_space<vmem>>) offsets(%dma_start3A_132 : memref<128xi32, #tpu.memory_space<vmem>>) semaphore(%arg23 : memref<!tpu.dma_semaphore, #tpu.memory_space<semaphore_mem>>)
      %dma_start3A_140 = arith.constant 0 : i32
      %dma_start3A_141 = tpu.memref_slice %arg3[%arg1, %add3A_127, %dma_start3A_140] : memref<16x160x128xi32, #tpu.memory_space<hbm>> -> memref<1x1x128xi32, #tpu.memory_space<hbm>>
      %dma_start3A_142 = tpu.memref_squeeze %dma_start3A_141 : memref<1x1x128xi32, #tpu.memory_space<hbm>> -> memref<128xi32, #tpu.memory_space<hbm>>
      %dma_start3A_143 = arith.constant 0 : i32
      %dma_start3A_144 = tpu.memref_slice %arg3[%arg1, %add3A_127, %dma_start3A_143] : memref<16x160x128xi32, #tpu.memory_space<hbm>> -> memref<1x1x128xi32, #tpu.memory_space<hbm>>
      %dma_start3A_145 = tpu.memref_squeeze %dma_start3A_144 : memref<1x1x128xi32, #tpu.memory_space<hbm>> -> memref<128xi32, #tpu.memory_space<hbm>>
      tpu.enqueue_dma source(%dma_start3A_145 : memref<128xi32, #tpu.memory_space<hbm>>) target(%arg11 : memref<128xi32, #tpu.memory_space<vmem>>) target_semaphore(%arg28 : memref<!tpu.dma_semaphore, #tpu.memory_space<semaphore_mem>>)
      %add3A_146 = arith.constant 0 : i32
      %add3A_147 = arith.addi %mul3A_123, %add3A_146 : i32
      %dma_wait3A_148 = arith.constant 0 : i32
      %dma_wait3A_149 = tpu.memref_slice %arg6[%add3A_147, %dma_wait3A_148] : memref<160x128xi32, #tpu.memory_space<vmem>> -> memref<1x128xi32, #tpu.memory_space<vmem>>
      %dma_wait3A_150 = tpu.memref_squeeze %dma_wait3A_149 : memref<1x128xi32, #tpu.memory_space<vmem>> -> memref<128xi32, #tpu.memory_space<vmem>>
      %dma_wait3A_151 = arith.constant 0 : i32
      %dma_wait3A_152 = arith.constant 0 : i32
      %dma_wait3A_153 = tpu.memref_slice %arg4[%arg0, %dma_wait3A_151, %dma_wait3A_152] : memref<2x10000x64xf32, #tpu.memory_space<hbm>> -> memref<1x10000x64xf32, #tpu.memory_space<hbm>>
      %dma_wait3A_154 = tpu.memref_squeeze %dma_wait3A_153 : memref<1x10000x64xf32, #tpu.memory_space<hbm>> -> memref<10000x64xf32, #tpu.memory_space<hbm>>
      %dma_wait3A_155 = arith.constant 0 : i32
      %dma_wait3A_156 = arith.constant 0 : i32
      %dma_wait3A_157 = tpu.memref_slice %dma_wait3A_154[%dma_wait3A_155, %dma_wait3A_156] : memref<10000x64xf32, #tpu.memory_space<hbm>> -> memref<10000x64xf32, #tpu.memory_space<hbm>>
      tpu.wait_indirect_dma semaphore(%arg19 : memref<!tpu.dma_semaphore, #tpu.memory_space<semaphore_mem>>) src(%dma_wait3A_157 : memref<10000x64xf32, #tpu.memory_space<hbm>>) dst(%arg12 : memref<128x64xf32, #tpu.memory_space<vmem>>)
      %dma_wait3A_158 = arith.constant 0 : i32
      %dma_wait3A_159 = tpu.memref_slice %arg3[%arg1, %add3A_147, %dma_wait3A_158] : memref<16x160x128xi32, #tpu.memory_space<hbm>> -> memref<1x1x128xi32, #tpu.memory_space<hbm>>
      %dma_wait3A_160 = tpu.memref_squeeze %dma_wait3A_159 : memref<1x1x128xi32, #tpu.memory_space<hbm>> -> memref<128xi32, #tpu.memory_space<hbm>>
      %dma_wait3A_161 = arith.constant 0 : i32
      %dma_wait3A_162 = tpu.memref_slice %arg3[%arg1, %add3A_147, %dma_wait3A_161] : memref<16x160x128xi32, #tpu.memory_space<hbm>> -> memref<1x1x128xi32, #tpu.memory_space<hbm>>
      %dma_wait3A_163 = tpu.memref_squeeze %dma_wait3A_162 : memref<1x1x128xi32, #tpu.memory_space<hbm>> -> memref<128xi32, #tpu.memory_space<hbm>>
      tpu.wait_dma2 semaphore(%arg24 : memref<!tpu.dma_semaphore, #tpu.memory_space<semaphore_mem>>) src(%dma_wait3A_163 : memref<128xi32, #tpu.memory_space<hbm>>) dst(%arg7 : memref<128xi32, #tpu.memory_space<vmem>>)
      %dma_start3A_164 = arith.constant 0 : i32
      %dma_start3A_165 = arith.constant 0 : i32
      %dma_start3A_166 = tpu.memref_slice %arg18[%dma_start3A_164, %dma_start3A_165] : memref<10240x64xf32, #tpu.memory_space<vmem_shared>> -> memref<10240x64xf32, #tpu.memory_space<vmem_shared>>
      tpu.enqueue_indirect_dma source(%arg12 : memref<128x64xf32, #tpu.memory_space<vmem>>) target(%dma_start3A_166 : memref<10240x64xf32, #tpu.memory_space<vmem_shared>>) offsets(%arg7 : memref<128xi32, #tpu.memory_space<vmem>>) semaphore(%arg29 : memref<!tpu.dma_semaphore, #tpu.memory_space<semaphore_mem>>) {add = true}
      %add3A_167 = arith.constant 1 : i32
      %add3A_168 = arith.addi %mul3A_123, %add3A_167 : i32
      %add3A_169 = arith.constant 4 : i32
      %add3A_170 = arith.addi %add3A_168, %add3A_169 : i32
      %lt3A = arith.constant 31 : i32
      %lt3A_171 = arith.cmpi slt, %add3A_121, %lt3A : i32
      %convert_element_type3A_172 = arith.extui %lt3A_171 : i1 to i32
      %cond3A_173 = arith.constant 0 : i32
      %cond3A_174 = arith.cmpi ne, %convert_element_type3A_172, %cond3A_173 : i32
      scf.if %cond3A_174 {
        %dma_wait3A_286 = arith.constant 0 : i32
        %dma_wait3A_287 = arith.constant 0 : i32
        %dma_wait3A_288 = tpu.memref_slice %arg18[%dma_wait3A_286, %dma_wait3A_287] : memref<10240x64xf32, #tpu.memory_space<vmem_shared>> -> memref<10240x64xf32, #tpu.memory_space<vmem_shared>>
        tpu.wait_indirect_dma semaphore(%arg29 : memref<!tpu.dma_semaphore, #tpu.memory_space<semaphore_mem>>) src(%arg12 : memref<128x64xf32, #tpu.memory_space<vmem>>) dst(%dma_wait3A_288 : memref<10240x64xf32, #tpu.memory_space<vmem_shared>>)
        %dma_start3A_289 = arith.constant 0 : i32
        %dma_start3A_290 = tpu.memref_slice %arg6[%add3A_170, %dma_start3A_289] : memref<160x128xi32, #tpu.memory_space<vmem>> -> memref<1x128xi32, #tpu.memory_space<vmem>>
        %dma_start3A_291 = tpu.memref_squeeze %dma_start3A_290 : memref<1x128xi32, #tpu.memory_space<vmem>> -> memref<128xi32, #tpu.memory_space<vmem>>
        %dma_start3A_292 = arith.constant 0 : i32
        %dma_start3A_293 = arith.constant 0 : i32
        %dma_start3A_294 = tpu.memref_slice %arg4[%arg0, %dma_start3A_292, %dma_start3A_293] : memref<2x10000x64xf32, #tpu.memory_space<hbm>> -> memref<1x10000x64xf32, #tpu.memory_space<hbm>>
        %dma_start3A_295 = tpu.memref_squeeze %dma_start3A_294 : memref<1x10000x64xf32, #tpu.memory_space<hbm>> -> memref<10000x64xf32, #tpu.memory_space<hbm>>
        %dma_start3A_296 = arith.constant 0 : i32
        %dma_start3A_297 = arith.constant 0 : i32
        %dma_start3A_298 = tpu.memref_slice %dma_start3A_295[%dma_start3A_296, %dma_start3A_297] : memref<10000x64xf32, #tpu.memory_space<hbm>> -> memref<10000x64xf32, #tpu.memory_space<hbm>>
        tpu.enqueue_indirect_dma source(%dma_start3A_298 : memref<10000x64xf32, #tpu.memory_space<hbm>>) target(%arg12 : memref<128x64xf32, #tpu.memory_space<vmem>>) offsets(%dma_start3A_291 : memref<128xi32, #tpu.memory_space<vmem>>) semaphore(%arg19 : memref<!tpu.dma_semaphore, #tpu.memory_space<semaphore_mem>>)
        %dma_start3A_299 = arith.constant 0 : i32
        %dma_start3A_300 = tpu.memref_slice %arg3[%arg1, %add3A_170, %dma_start3A_299] : memref<16x160x128xi32, #tpu.memory_space<hbm>> -> memref<1x1x128xi32, #tpu.memory_space<hbm>>
        %dma_start3A_301 = tpu.memref_squeeze %dma_start3A_300 : memref<1x1x128xi32, #tpu.memory_space<hbm>> -> memref<128xi32, #tpu.memory_space<hbm>>
        %dma_start3A_302 = arith.constant 0 : i32
        %dma_start3A_303 = tpu.memref_slice %arg3[%arg1, %add3A_170, %dma_start3A_302] : memref<16x160x128xi32, #tpu.memory_space<hbm>> -> memref<1x1x128xi32, #tpu.memory_space<hbm>>
        %dma_start3A_304 = tpu.memref_squeeze %dma_start3A_303 : memref<1x1x128xi32, #tpu.memory_space<hbm>> -> memref<128xi32, #tpu.memory_space<hbm>>
        tpu.enqueue_dma source(%dma_start3A_304 : memref<128xi32, #tpu.memory_space<hbm>>) target(%arg7 : memref<128xi32, #tpu.memory_space<vmem>>) target_semaphore(%arg24 : memref<!tpu.dma_semaphore, #tpu.memory_space<semaphore_mem>>)
      } else {
      }
      %add3A_175 = arith.constant 1 : i32
      %add3A_176 = arith.addi %mul3A_123, %add3A_175 : i32
      %dma_wait3A_177 = arith.constant 0 : i32
      %dma_wait3A_178 = tpu.memref_slice %arg6[%add3A_176, %dma_wait3A_177] : memref<160x128xi32, #tpu.memory_space<vmem>> -> memref<1x128xi32, #tpu.memory_space<vmem>>
      %dma_wait3A_179 = tpu.memref_squeeze %dma_wait3A_178 : memref<1x128xi32, #tpu.memory_space<vmem>> -> memref<128xi32, #tpu.memory_space<vmem>>
      %dma_wait3A_180 = arith.constant 0 : i32
      %dma_wait3A_181 = arith.constant 0 : i32
      %dma_wait3A_182 = tpu.memref_slice %arg4[%arg0, %dma_wait3A_180, %dma_wait3A_181] : memref<2x10000x64xf32, #tpu.memory_space<hbm>> -> memref<1x10000x64xf32, #tpu.memory_space<hbm>>
      %dma_wait3A_183 = tpu.memref_squeeze %dma_wait3A_182 : memref<1x10000x64xf32, #tpu.memory_space<hbm>> -> memref<10000x64xf32, #tpu.memory_space<hbm>>
      %dma_wait3A_184 = arith.constant 0 : i32
      %dma_wait3A_185 = arith.constant 0 : i32
      %dma_wait3A_186 = tpu.memref_slice %dma_wait3A_183[%dma_wait3A_184, %dma_wait3A_185] : memref<10000x64xf32, #tpu.memory_space<hbm>> -> memref<10000x64xf32, #tpu.memory_space<hbm>>
      tpu.wait_indirect_dma semaphore(%arg20 : memref<!tpu.dma_semaphore, #tpu.memory_space<semaphore_mem>>) src(%dma_wait3A_186 : memref<10000x64xf32, #tpu.memory_space<hbm>>) dst(%arg13 : memref<128x64xf32, #tpu.memory_space<vmem>>)
      %dma_wait3A_187 = arith.constant 0 : i32
      %dma_wait3A_188 = tpu.memref_slice %arg3[%arg1, %add3A_176, %dma_wait3A_187] : memref<16x160x128xi32, #tpu.memory_space<hbm>> -> memref<1x1x128xi32, #tpu.memory_space<hbm>>
      %dma_wait3A_189 = tpu.memref_squeeze %dma_wait3A_188 : memref<1x1x128xi32, #tpu.memory_space<hbm>> -> memref<128xi32, #tpu.memory_space<hbm>>
      %dma_wait3A_190 = arith.constant 0 : i32
      %dma_wait3A_191 = tpu.memref_slice %arg3[%arg1, %add3A_176, %dma_wait3A_190] : memref<16x160x128xi32, #tpu.memory_space<hbm>> -> memref<1x1x128xi32, #tpu.memory_space<hbm>>
      %dma_wait3A_192 = tpu.memref_squeeze %dma_wait3A_191 : memref<1x1x128xi32, #tpu.memory_space<hbm>> -> memref<128xi32, #tpu.memory_space<hbm>>
      tpu.wait_dma2 semaphore(%arg25 : memref<!tpu.dma_semaphore, #tpu.memory_space<semaphore_mem>>) src(%dma_wait3A_192 : memref<128xi32, #tpu.memory_space<hbm>>) dst(%arg8 : memref<128xi32, #tpu.memory_space<vmem>>)
      %dma_start3A_193 = arith.constant 0 : i32
      %dma_start3A_194 = arith.constant 0 : i32
      %dma_start3A_195 = tpu.memref_slice %arg18[%dma_start3A_193, %dma_start3A_194] : memref<10240x64xf32, #tpu.memory_space<vmem_shared>> -> memref<10240x64xf32, #tpu.memory_space<vmem_shared>>
      tpu.enqueue_indirect_dma source(%arg13 : memref<128x64xf32, #tpu.memory_space<vmem>>) target(%dma_start3A_195 : memref<10240x64xf32, #tpu.memory_space<vmem_shared>>) offsets(%arg8 : memref<128xi32, #tpu.memory_space<vmem>>) semaphore(%arg30 : memref<!tpu.dma_semaphore, #tpu.memory_space<semaphore_mem>>) {add = true}
      %add3A_196 = arith.constant 2 : i32
      %add3A_197 = arith.addi %mul3A_123, %add3A_196 : i32
      %add3A_198 = arith.constant 4 : i32
      %add3A_199 = arith.addi %add3A_197, %add3A_198 : i32
      %lt3A_200 = arith.constant 31 : i32
      %lt3A_201 = arith.cmpi slt, %add3A_121, %lt3A_200 : i32
      %convert_element_type3A_202 = arith.extui %lt3A_201 : i1 to i32
      %cond3A_203 = arith.constant 0 : i32
      %cond3A_204 = arith.cmpi ne, %convert_element_type3A_202, %cond3A_203 : i32
      scf.if %cond3A_204 {
        %dma_wait3A_286 = arith.constant 0 : i32
        %dma_wait3A_287 = arith.constant 0 : i32
        %dma_wait3A_288 = tpu.memref_slice %arg18[%dma_wait3A_286, %dma_wait3A_287] : memref<10240x64xf32, #tpu.memory_space<vmem_shared>> -> memref<10240x64xf32, #tpu.memory_space<vmem_shared>>
        tpu.wait_indirect_dma semaphore(%arg30 : memref<!tpu.dma_semaphore, #tpu.memory_space<semaphore_mem>>) src(%arg13 : memref<128x64xf32, #tpu.memory_space<vmem>>) dst(%dma_wait3A_288 : memref<10240x64xf32, #tpu.memory_space<vmem_shared>>)
        %dma_start3A_289 = arith.constant 0 : i32
        %dma_start3A_290 = tpu.memref_slice %arg6[%add3A_199, %dma_start3A_289] : memref<160x128xi32, #tpu.memory_space<vmem>> -> memref<1x128xi32, #tpu.memory_space<vmem>>
        %dma_start3A_291 = tpu.memref_squeeze %dma_start3A_290 : memref<1x128xi32, #tpu.memory_space<vmem>> -> memref<128xi32, #tpu.memory_space<vmem>>
        %dma_start3A_292 = arith.constant 0 : i32
        %dma_start3A_293 = arith.constant 0 : i32
        %dma_start3A_294 = tpu.memref_slice %arg4[%arg0, %dma_start3A_292, %dma_start3A_293] : memref<2x10000x64xf32, #tpu.memory_space<hbm>> -> memref<1x10000x64xf32, #tpu.memory_space<hbm>>
        %dma_start3A_295 = tpu.memref_squeeze %dma_start3A_294 : memref<1x10000x64xf32, #tpu.memory_space<hbm>> -> memref<10000x64xf32, #tpu.memory_space<hbm>>
        %dma_start3A_296 = arith.constant 0 : i32
        %dma_start3A_297 = arith.constant 0 : i32
        %dma_start3A_298 = tpu.memref_slice %dma_start3A_295[%dma_start3A_296, %dma_start3A_297] : memref<10000x64xf32, #tpu.memory_space<hbm>> -> memref<10000x64xf32, #tpu.memory_space<hbm>>
        tpu.enqueue_indirect_dma source(%dma_start3A_298 : memref<10000x64xf32, #tpu.memory_space<hbm>>) target(%arg13 : memref<128x64xf32, #tpu.memory_space<vmem>>) offsets(%dma_start3A_291 : memref<128xi32, #tpu.memory_space<vmem>>) semaphore(%arg20 : memref<!tpu.dma_semaphore, #tpu.memory_space<semaphore_mem>>)
        %dma_start3A_299 = arith.constant 0 : i32
        %dma_start3A_300 = tpu.memref_slice %arg3[%arg1, %add3A_199, %dma_start3A_299] : memref<16x160x128xi32, #tpu.memory_space<hbm>> -> memref<1x1x128xi32, #tpu.memory_space<hbm>>
        %dma_start3A_301 = tpu.memref_squeeze %dma_start3A_300 : memref<1x1x128xi32, #tpu.memory_space<hbm>> -> memref<128xi32, #tpu.memory_space<hbm>>
        %dma_start3A_302 = arith.constant 0 : i32
        %dma_start3A_303 = tpu.memref_slice %arg3[%arg1, %add3A_199, %dma_start3A_302] : memref<16x160x128xi32, #tpu.memory_space<hbm>> -> memref<1x1x128xi32, #tpu.memory_space<hbm>>
        %dma_start3A_304 = tpu.memref_squeeze %dma_start3A_303 : memref<1x1x128xi32, #tpu.memory_space<hbm>> -> memref<128xi32, #tpu.memory_space<hbm>>
        tpu.enqueue_dma source(%dma_start3A_304 : memref<128xi32, #tpu.memory_space<hbm>>) target(%arg8 : memref<128xi32, #tpu.memory_space<vmem>>) target_semaphore(%arg25 : memref<!tpu.dma_semaphore, #tpu.memory_space<semaphore_mem>>)
      } else {
      }
      %add3A_205 = arith.constant 2 : i32
      %add3A_206 = arith.addi %mul3A_123, %add3A_205 : i32
      %dma_wait3A_207 = arith.constant 0 : i32
      %dma_wait3A_208 = tpu.memref_slice %arg6[%add3A_206, %dma_wait3A_207] : memref<160x128xi32, #tpu.memory_space<vmem>> -> memref<1x128xi32, #tpu.memory_space<vmem>>
      %dma_wait3A_209 = tpu.memref_squeeze %dma_wait3A_208 : memref<1x128xi32, #tpu.memory_space<vmem>> -> memref<128xi32, #tpu.memory_space<vmem>>
      %dma_wait3A_210 = arith.constant 0 : i32
      %dma_wait3A_211 = arith.constant 0 : i32
      %dma_wait3A_212 = tpu.memref_slice %arg4[%arg0, %dma_wait3A_210, %dma_wait3A_211] : memref<2x10000x64xf32, #tpu.memory_space<hbm>> -> memref<1x10000x64xf32, #tpu.memory_space<hbm>>
      %dma_wait3A_213 = tpu.memref_squeeze %dma_wait3A_212 : memref<1x10000x64xf32, #tpu.memory_space<hbm>> -> memref<10000x64xf32, #tpu.memory_space<hbm>>
      %dma_wait3A_214 = arith.constant 0 : i32
      %dma_wait3A_215 = arith.constant 0 : i32
      %dma_wait3A_216 = tpu.memref_slice %dma_wait3A_213[%dma_wait3A_214, %dma_wait3A_215] : memref<10000x64xf32, #tpu.memory_space<hbm>> -> memref<10000x64xf32, #tpu.memory_space<hbm>>
      tpu.wait_indirect_dma semaphore(%arg21 : memref<!tpu.dma_semaphore, #tpu.memory_space<semaphore_mem>>) src(%dma_wait3A_216 : memref<10000x64xf32, #tpu.memory_space<hbm>>) dst(%arg14 : memref<128x64xf32, #tpu.memory_space<vmem>>)
      %dma_wait3A_217 = arith.constant 0 : i32
      %dma_wait3A_218 = tpu.memref_slice %arg3[%arg1, %add3A_206, %dma_wait3A_217] : memref<16x160x128xi32, #tpu.memory_space<hbm>> -> memref<1x1x128xi32, #tpu.memory_space<hbm>>
      %dma_wait3A_219 = tpu.memref_squeeze %dma_wait3A_218 : memref<1x1x128xi32, #tpu.memory_space<hbm>> -> memref<128xi32, #tpu.memory_space<hbm>>
      %dma_wait3A_220 = arith.constant 0 : i32
      %dma_wait3A_221 = tpu.memref_slice %arg3[%arg1, %add3A_206, %dma_wait3A_220] : memref<16x160x128xi32, #tpu.memory_space<hbm>> -> memref<1x1x128xi32, #tpu.memory_space<hbm>>
      %dma_wait3A_222 = tpu.memref_squeeze %dma_wait3A_221 : memref<1x1x128xi32, #tpu.memory_space<hbm>> -> memref<128xi32, #tpu.memory_space<hbm>>
      tpu.wait_dma2 semaphore(%arg26 : memref<!tpu.dma_semaphore, #tpu.memory_space<semaphore_mem>>) src(%dma_wait3A_222 : memref<128xi32, #tpu.memory_space<hbm>>) dst(%arg9 : memref<128xi32, #tpu.memory_space<vmem>>)
      %dma_start3A_223 = arith.constant 0 : i32
      %dma_start3A_224 = arith.constant 0 : i32
      %dma_start3A_225 = tpu.memref_slice %arg18[%dma_start3A_223, %dma_start3A_224] : memref<10240x64xf32, #tpu.memory_space<vmem_shared>> -> memref<10240x64xf32, #tpu.memory_space<vmem_shared>>
      tpu.enqueue_indirect_dma source(%arg14 : memref<128x64xf32, #tpu.memory_space<vmem>>) target(%dma_start3A_225 : memref<10240x64xf32, #tpu.memory_space<vmem_shared>>) offsets(%arg9 : memref<128xi32, #tpu.memory_space<vmem>>) semaphore(%arg31 : memref<!tpu.dma_semaphore, #tpu.memory_space<semaphore_mem>>) {add = true}
      %add3A_226 = arith.constant 3 : i32
      %add3A_227 = arith.addi %mul3A_123, %add3A_226 : i32
      %add3A_228 = arith.constant 4 : i32
      %add3A_229 = arith.addi %add3A_227, %add3A_228 : i32
      %lt3A_230 = arith.constant 31 : i32
      %lt3A_231 = arith.cmpi slt, %add3A_121, %lt3A_230 : i32
      %convert_element_type3A_232 = arith.extui %lt3A_231 : i1 to i32
      %cond3A_233 = arith.constant 0 : i32
      %cond3A_234 = arith.cmpi ne, %convert_element_type3A_232, %cond3A_233 : i32
      scf.if %cond3A_234 {
        %dma_wait3A_286 = arith.constant 0 : i32
        %dma_wait3A_287 = arith.constant 0 : i32
        %dma_wait3A_288 = tpu.memref_slice %arg18[%dma_wait3A_286, %dma_wait3A_287] : memref<10240x64xf32, #tpu.memory_space<vmem_shared>> -> memref<10240x64xf32, #tpu.memory_space<vmem_shared>>
        tpu.wait_indirect_dma semaphore(%arg31 : memref<!tpu.dma_semaphore, #tpu.memory_space<semaphore_mem>>) src(%arg14 : memref<128x64xf32, #tpu.memory_space<vmem>>) dst(%dma_wait3A_288 : memref<10240x64xf32, #tpu.memory_space<vmem_shared>>)
        %dma_start3A_289 = arith.constant 0 : i32
        %dma_start3A_290 = tpu.memref_slice %arg6[%add3A_229, %dma_start3A_289] : memref<160x128xi32, #tpu.memory_space<vmem>> -> memref<1x128xi32, #tpu.memory_space<vmem>>
        %dma_start3A_291 = tpu.memref_squeeze %dma_start3A_290 : memref<1x128xi32, #tpu.memory_space<vmem>> -> memref<128xi32, #tpu.memory_space<vmem>>
        %dma_start3A_292 = arith.constant 0 : i32
        %dma_start3A_293 = arith.constant 0 : i32
        %dma_start3A_294 = tpu.memref_slice %arg4[%arg0, %dma_start3A_292, %dma_start3A_293] : memref<2x10000x64xf32, #tpu.memory_space<hbm>> -> memref<1x10000x64xf32, #tpu.memory_space<hbm>>
        %dma_start3A_295 = tpu.memref_squeeze %dma_start3A_294 : memref<1x10000x64xf32, #tpu.memory_space<hbm>> -> memref<10000x64xf32, #tpu.memory_space<hbm>>
        %dma_start3A_296 = arith.constant 0 : i32
        %dma_start3A_297 = arith.constant 0 : i32
        %dma_start3A_298 = tpu.memref_slice %dma_start3A_295[%dma_start3A_296, %dma_start3A_297] : memref<10000x64xf32, #tpu.memory_space<hbm>> -> memref<10000x64xf32, #tpu.memory_space<hbm>>
        tpu.enqueue_indirect_dma source(%dma_start3A_298 : memref<10000x64xf32, #tpu.memory_space<hbm>>) target(%arg14 : memref<128x64xf32, #tpu.memory_space<vmem>>) offsets(%dma_start3A_291 : memref<128xi32, #tpu.memory_space<vmem>>) semaphore(%arg21 : memref<!tpu.dma_semaphore, #tpu.memory_space<semaphore_mem>>)
        %dma_start3A_299 = arith.constant 0 : i32
        %dma_start3A_300 = tpu.memref_slice %arg3[%arg1, %add3A_229, %dma_start3A_299] : memref<16x160x128xi32, #tpu.memory_space<hbm>> -> memref<1x1x128xi32, #tpu.memory_space<hbm>>
        %dma_start3A_301 = tpu.memref_squeeze %dma_start3A_300 : memref<1x1x128xi32, #tpu.memory_space<hbm>> -> memref<128xi32, #tpu.memory_space<hbm>>
        %dma_start3A_302 = arith.constant 0 : i32
        %dma_start3A_303 = tpu.memref_slice %arg3[%arg1, %add3A_229, %dma_start3A_302] : memref<16x160x128xi32, #tpu.memory_space<hbm>> -> memref<1x1x128xi32, #tpu.memory_space<hbm>>
        %dma_start3A_304 = tpu.memref_squeeze %dma_start3A_303 : memref<1x1x128xi32, #tpu.memory_space<hbm>> -> memref<128xi32, #tpu.memory_space<hbm>>
        tpu.enqueue_dma source(%dma_start3A_304 : memref<128xi32, #tpu.memory_space<hbm>>) target(%arg9 : memref<128xi32, #tpu.memory_space<vmem>>) target_semaphore(%arg26 : memref<!tpu.dma_semaphore, #tpu.memory_space<semaphore_mem>>)
      } else {
      }
      %add3A_235 = arith.constant 3 : i32
      %add3A_236 = arith.addi %mul3A_123, %add3A_235 : i32
      %dma_wait3A_237 = arith.constant 0 : i32
      %dma_wait3A_238 = tpu.memref_slice %arg6[%add3A_236, %dma_wait3A_237] : memref<160x128xi32, #tpu.memory_space<vmem>> -> memref<1x128xi32, #tpu.memory_space<vmem>>
      %dma_wait3A_239 = tpu.memref_squeeze %dma_wait3A_238 : memref<1x128xi32, #tpu.memory_space<vmem>> -> memref<128xi32, #tpu.memory_space<vmem>>
      %dma_wait3A_240 = arith.constant 0 : i32
      %dma_wait3A_241 = arith.constant 0 : i32
      %dma_wait3A_242 = tpu.memref_slice %arg4[%arg0, %dma_wait3A_240, %dma_wait3A_241] : memref<2x10000x64xf32, #tpu.memory_space<hbm>> -> memref<1x10000x64xf32, #tpu.memory_space<hbm>>
      %dma_wait3A_243 = tpu.memref_squeeze %dma_wait3A_242 : memref<1x10000x64xf32, #tpu.memory_space<hbm>> -> memref<10000x64xf32, #tpu.memory_space<hbm>>
      %dma_wait3A_244 = arith.constant 0 : i32
      %dma_wait3A_245 = arith.constant 0 : i32
      %dma_wait3A_246 = tpu.memref_slice %dma_wait3A_243[%dma_wait3A_244, %dma_wait3A_245] : memref<10000x64xf32, #tpu.memory_space<hbm>> -> memref<10000x64xf32, #tpu.memory_space<hbm>>
      tpu.wait_indirect_dma semaphore(%arg22 : memref<!tpu.dma_semaphore, #tpu.memory_space<semaphore_mem>>) src(%dma_wait3A_246 : memref<10000x64xf32, #tpu.memory_space<hbm>>) dst(%arg15 : memref<128x64xf32, #tpu.memory_space<vmem>>)
      %dma_wait3A_247 = arith.constant 0 : i32
      %dma_wait3A_248 = tpu.memref_slice %arg3[%arg1, %add3A_236, %dma_wait3A_247] : memref<16x160x128xi32, #tpu.memory_space<hbm>> -> memref<1x1x128xi32, #tpu.memory_space<hbm>>
      %dma_wait3A_249 = tpu.memref_squeeze %dma_wait3A_248 : memref<1x1x128xi32, #tpu.memory_space<hbm>> -> memref<128xi32, #tpu.memory_space<hbm>>
      %dma_wait3A_250 = arith.constant 0 : i32
      %dma_wait3A_251 = tpu.memref_slice %arg3[%arg1, %add3A_236, %dma_wait3A_250] : memref<16x160x128xi32, #tpu.memory_space<hbm>> -> memref<1x1x128xi32, #tpu.memory_space<hbm>>
      %dma_wait3A_252 = tpu.memref_squeeze %dma_wait3A_251 : memref<1x1x128xi32, #tpu.memory_space<hbm>> -> memref<128xi32, #tpu.memory_space<hbm>>
      tpu.wait_dma2 semaphore(%arg27 : memref<!tpu.dma_semaphore, #tpu.memory_space<semaphore_mem>>) src(%dma_wait3A_252 : memref<128xi32, #tpu.memory_space<hbm>>) dst(%arg10 : memref<128xi32, #tpu.memory_space<vmem>>)
      %dma_start3A_253 = arith.constant 0 : i32
      %dma_start3A_254 = arith.constant 0 : i32
      %dma_start3A_255 = tpu.memref_slice %arg18[%dma_start3A_253, %dma_start3A_254] : memref<10240x64xf32, #tpu.memory_space<vmem_shared>> -> memref<10240x64xf32, #tpu.memory_space<vmem_shared>>
      tpu.enqueue_indirect_dma source(%arg15 : memref<128x64xf32, #tpu.memory_space<vmem>>) target(%dma_start3A_255 : memref<10240x64xf32, #tpu.memory_space<vmem_shared>>) offsets(%arg10 : memref<128xi32, #tpu.memory_space<vmem>>) semaphore(%arg32 : memref<!tpu.dma_semaphore, #tpu.memory_space<semaphore_mem>>) {add = true}
      %add3A_256 = arith.constant 4 : i32
      %add3A_257 = arith.addi %mul3A_123, %add3A_256 : i32
      %add3A_258 = arith.constant 4 : i32
      %add3A_259 = arith.addi %add3A_257, %add3A_258 : i32
      %lt3A_260 = arith.constant 31 : i32
      %lt3A_261 = arith.cmpi slt, %add3A_121, %lt3A_260 : i32
      %convert_element_type3A_262 = arith.extui %lt3A_261 : i1 to i32
      %cond3A_263 = arith.constant 0 : i32
      %cond3A_264 = arith.cmpi ne, %convert_element_type3A_262, %cond3A_263 : i32
      scf.if %cond3A_264 {
        %dma_wait3A_286 = arith.constant 0 : i32
        %dma_wait3A_287 = arith.constant 0 : i32
        %dma_wait3A_288 = tpu.memref_slice %arg18[%dma_wait3A_286, %dma_wait3A_287] : memref<10240x64xf32, #tpu.memory_space<vmem_shared>> -> memref<10240x64xf32, #tpu.memory_space<vmem_shared>>
        tpu.wait_indirect_dma semaphore(%arg32 : memref<!tpu.dma_semaphore, #tpu.memory_space<semaphore_mem>>) src(%arg15 : memref<128x64xf32, #tpu.memory_space<vmem>>) dst(%dma_wait3A_288 : memref<10240x64xf32, #tpu.memory_space<vmem_shared>>)
        %dma_start3A_289 = arith.constant 0 : i32
        %dma_start3A_290 = tpu.memref_slice %arg6[%add3A_259, %dma_start3A_289] : memref<160x128xi32, #tpu.memory_space<vmem>> -> memref<1x128xi32, #tpu.memory_space<vmem>>
        %dma_start3A_291 = tpu.memref_squeeze %dma_start3A_290 : memref<1x128xi32, #tpu.memory_space<vmem>> -> memref<128xi32, #tpu.memory_space<vmem>>
        %dma_start3A_292 = arith.constant 0 : i32
        %dma_start3A_293 = arith.constant 0 : i32
        %dma_start3A_294 = tpu.memref_slice %arg4[%arg0, %dma_start3A_292, %dma_start3A_293] : memref<2x10000x64xf32, #tpu.memory_space<hbm>> -> memref<1x10000x64xf32, #tpu.memory_space<hbm>>
        %dma_start3A_295 = tpu.memref_squeeze %dma_start3A_294 : memref<1x10000x64xf32, #tpu.memory_space<hbm>> -> memref<10000x64xf32, #tpu.memory_space<hbm>>
        %dma_start3A_296 = arith.constant 0 : i32
        %dma_start3A_297 = arith.constant 0 : i32
        %dma_start3A_298 = tpu.memref_slice %dma_start3A_295[%dma_start3A_296, %dma_start3A_297] : memref<10000x64xf32, #tpu.memory_space<hbm>> -> memref<10000x64xf32, #tpu.memory_space<hbm>>
        tpu.enqueue_indirect_dma source(%dma_start3A_298 : memref<10000x64xf32, #tpu.memory_space<hbm>>) target(%arg15 : memref<128x64xf32, #tpu.memory_space<vmem>>) offsets(%dma_start3A_291 : memref<128xi32, #tpu.memory_space<vmem>>) semaphore(%arg22 : memref<!tpu.dma_semaphore, #tpu.memory_space<semaphore_mem>>)
        %dma_start3A_299 = arith.constant 0 : i32
        %dma_start3A_300 = tpu.memref_slice %arg3[%arg1, %add3A_259, %dma_start3A_299] : memref<16x160x128xi32, #tpu.memory_space<hbm>> -> memref<1x1x128xi32, #tpu.memory_space<hbm>>
        %dma_start3A_301 = tpu.memref_squeeze %dma_start3A_300 : memref<1x1x128xi32, #tpu.memory_space<hbm>> -> memref<128xi32, #tpu.memory_space<hbm>>
        %dma_start3A_302 = arith.constant 0 : i32
        %dma_start3A_303 = tpu.memref_slice %arg3[%arg1, %add3A_259, %dma_start3A_302] : memref<16x160x128xi32, #tpu.memory_space<hbm>> -> memref<1x1x128xi32, #tpu.memory_space<hbm>>
        %dma_start3A_304 = tpu.memref_squeeze %dma_start3A_303 : memref<1x1x128xi32, #tpu.memory_space<hbm>> -> memref<128xi32, #tpu.memory_space<hbm>>
        tpu.enqueue_dma source(%dma_start3A_304 : memref<128xi32, #tpu.memory_space<hbm>>) target(%arg10 : memref<128xi32, #tpu.memory_space<vmem>>) target_semaphore(%arg27 : memref<!tpu.dma_semaphore, #tpu.memory_space<semaphore_mem>>)
      } else {
      }
      %add3A_265 = arith.constant 4 : i32
      %add3A_266 = arith.addi %mul3A_123, %add3A_265 : i32
      %dma_wait3A_267 = arith.constant 0 : i32
      %dma_wait3A_268 = tpu.memref_slice %arg6[%add3A_266, %dma_wait3A_267] : memref<160x128xi32, #tpu.memory_space<vmem>> -> memref<1x128xi32, #tpu.memory_space<vmem>>
      %dma_wait3A_269 = tpu.memref_squeeze %dma_wait3A_268 : memref<1x128xi32, #tpu.memory_space<vmem>> -> memref<128xi32, #tpu.memory_space<vmem>>
      %dma_wait3A_270 = arith.constant 0 : i32
      %dma_wait3A_271 = arith.constant 0 : i32
      %dma_wait3A_272 = tpu.memref_slice %arg4[%arg0, %dma_wait3A_270, %dma_wait3A_271] : memref<2x10000x64xf32, #tpu.memory_space<hbm>> -> memref<1x10000x64xf32, #tpu.memory_space<hbm>>
      %dma_wait3A_273 = tpu.memref_squeeze %dma_wait3A_272 : memref<1x10000x64xf32, #tpu.memory_space<hbm>> -> memref<10000x64xf32, #tpu.memory_space<hbm>>
      %dma_wait3A_274 = arith.constant 0 : i32
      %dma_wait3A_275 = arith.constant 0 : i32
      %dma_wait3A_276 = tpu.memref_slice %dma_wait3A_273[%dma_wait3A_274, %dma_wait3A_275] : memref<10000x64xf32, #tpu.memory_space<hbm>> -> memref<10000x64xf32, #tpu.memory_space<hbm>>
      tpu.wait_indirect_dma semaphore(%arg23 : memref<!tpu.dma_semaphore, #tpu.memory_space<semaphore_mem>>) src(%dma_wait3A_276 : memref<10000x64xf32, #tpu.memory_space<hbm>>) dst(%arg16 : memref<128x64xf32, #tpu.memory_space<vmem>>)
      %dma_wait3A_277 = arith.constant 0 : i32
      %dma_wait3A_278 = tpu.memref_slice %arg3[%arg1, %add3A_266, %dma_wait3A_277] : memref<16x160x128xi32, #tpu.memory_space<hbm>> -> memref<1x1x128xi32, #tpu.memory_space<hbm>>
      %dma_wait3A_279 = tpu.memref_squeeze %dma_wait3A_278 : memref<1x1x128xi32, #tpu.memory_space<hbm>> -> memref<128xi32, #tpu.memory_space<hbm>>
      %dma_wait3A_280 = arith.constant 0 : i32
      %dma_wait3A_281 = tpu.memref_slice %arg3[%arg1, %add3A_266, %dma_wait3A_280] : memref<16x160x128xi32, #tpu.memory_space<hbm>> -> memref<1x1x128xi32, #tpu.memory_space<hbm>>
      %dma_wait3A_282 = tpu.memref_squeeze %dma_wait3A_281 : memref<1x1x128xi32, #tpu.memory_space<hbm>> -> memref<128xi32, #tpu.memory_space<hbm>>
      tpu.wait_dma2 semaphore(%arg28 : memref<!tpu.dma_semaphore, #tpu.memory_space<semaphore_mem>>) src(%dma_wait3A_282 : memref<128xi32, #tpu.memory_space<hbm>>) dst(%arg11 : memref<128xi32, #tpu.memory_space<vmem>>)
      %dma_start3A_283 = arith.constant 0 : i32
      %dma_start3A_284 = arith.constant 0 : i32
      %dma_start3A_285 = tpu.memref_slice %arg18[%dma_start3A_283, %dma_start3A_284] : memref<10240x64xf32, #tpu.memory_space<vmem_shared>> -> memref<10240x64xf32, #tpu.memory_space<vmem_shared>>
      tpu.enqueue_indirect_dma source(%arg16 : memref<128x64xf32, #tpu.memory_space<vmem>>) target(%dma_start3A_285 : memref<10240x64xf32, #tpu.memory_space<vmem_shared>>) offsets(%arg11 : memref<128xi32, #tpu.memory_space<vmem>>) semaphore(%arg33 : memref<!tpu.dma_semaphore, #tpu.memory_space<semaphore_mem>>) {add = true}
    }
    %scan3A_97 = arith.constant 32 : i32
    %dma_wait3A = arith.constant 0 : i32
    %dma_wait3A_98 = arith.constant 0 : i32
    %dma_wait3A_99 = tpu.memref_slice %arg18[%dma_wait3A, %dma_wait3A_98] : memref<10240x64xf32, #tpu.memory_space<vmem_shared>> -> memref<10240x64xf32, #tpu.memory_space<vmem_shared>>
    tpu.wait_indirect_dma semaphore(%arg29 : memref<!tpu.dma_semaphore, #tpu.memory_space<semaphore_mem>>) src(%arg12 : memref<128x64xf32, #tpu.memory_space<vmem>>) dst(%dma_wait3A_99 : memref<10240x64xf32, #tpu.memory_space<vmem_shared>>)
    %dma_wait3A_100 = arith.constant 0 : i32
    %dma_wait3A_101 = arith.constant 0 : i32
    %dma_wait3A_102 = tpu.memref_slice %arg18[%dma_wait3A_100, %dma_wait3A_101] : memref<10240x64xf32, #tpu.memory_space<vmem_shared>> -> memref<10240x64xf32, #tpu.memory_space<vmem_shared>>
    tpu.wait_indirect_dma semaphore(%arg30 : memref<!tpu.dma_semaphore, #tpu.memory_space<semaphore_mem>>) src(%arg13 : memref<128x64xf32, #tpu.memory_space<vmem>>) dst(%dma_wait3A_102 : memref<10240x64xf32, #tpu.memory_space<vmem_shared>>)
    %dma_wait3A_103 = arith.constant 0 : i32
    %dma_wait3A_104 = arith.constant 0 : i32
    %dma_wait3A_105 = tpu.memref_slice %arg18[%dma_wait3A_103, %dma_wait3A_104] : memref<10240x64xf32, #tpu.memory_space<vmem_shared>> -> memref<10240x64xf32, #tpu.memory_space<vmem_shared>>
    tpu.wait_indirect_dma semaphore(%arg31 : memref<!tpu.dma_semaphore, #tpu.memory_space<semaphore_mem>>) src(%arg14 : memref<128x64xf32, #tpu.memory_space<vmem>>) dst(%dma_wait3A_105 : memref<10240x64xf32, #tpu.memory_space<vmem_shared>>)
    %dma_wait3A_106 = arith.constant 0 : i32
    %dma_wait3A_107 = arith.constant 0 : i32
    %dma_wait3A_108 = tpu.memref_slice %arg18[%dma_wait3A_106, %dma_wait3A_107] : memref<10240x64xf32, #tpu.memory_space<vmem_shared>> -> memref<10240x64xf32, #tpu.memory_space<vmem_shared>>
    tpu.wait_indirect_dma semaphore(%arg32 : memref<!tpu.dma_semaphore, #tpu.memory_space<semaphore_mem>>) src(%arg15 : memref<128x64xf32, #tpu.memory_space<vmem>>) dst(%dma_wait3A_108 : memref<10240x64xf32, #tpu.memory_space<vmem_shared>>)
    %dma_wait3A_109 = arith.constant 0 : i32
    %dma_wait3A_110 = arith.constant 0 : i32
    %dma_wait3A_111 = tpu.memref_slice %arg18[%dma_wait3A_109, %dma_wait3A_110] : memref<10240x64xf32, #tpu.memory_space<vmem_shared>> -> memref<10240x64xf32, #tpu.memory_space<vmem_shared>>
    tpu.wait_indirect_dma semaphore(%arg33 : memref<!tpu.dma_semaphore, #tpu.memory_space<semaphore_mem>>) src(%arg16 : memref<128x64xf32, #tpu.memory_space<vmem>>) dst(%dma_wait3A_111 : memref<10240x64xf32, #tpu.memory_space<vmem_shared>>)
    %barrier3A_112 = arith.constant 0 : index
    tpu.barrier barrier_id(%barrier3A_112)
    %mul3A_113 = arith.constant 640 : i32
    %mul3A_114 = arith.muli %arg1, %mul3A_113 : i32
    %mul3A_115 = arith.constant 640 : i32
    %mul3A_116 = arith.muli %arg1, %mul3A_115 : i32
    "tpu.region"() ({
      %run_scoped3A = tpu.sem_alloc : memref<!tpu.dma_semaphore, #tpu.memory_space<semaphore_mem>>
      %dma_start3A_117 = arith.constant 0 : i32
      %dma_start3A_118 = tpu.memref_slice %arg5[%arg0, %mul3A_116, %dma_start3A_117] : memref<2x10240x64xf32, #tpu.memory_space<hbm>> -> memref<1x640x64xf32, #tpu.memory_space<hbm>>
      %dma_start3A_119 = tpu.memref_squeeze %dma_start3A_118 : memref<1x640x64xf32, #tpu.memory_space<hbm>> -> memref<640x64xf32, #tpu.memory_space<hbm>>
      %dma_start3A_120 = arith.constant 0 : i32
      %dma_start3A_121 = tpu.memref_slice %arg18[%mul3A_114, %dma_start3A_120] : memref<10240x64xf32, #tpu.memory_space<vmem_shared>> -> memref<640x64xf32, #tpu.memory_space<vmem_shared>>
      tpu.enqueue_dma source(%dma_start3A_121 : memref<640x64xf32, #tpu.memory_space<vmem_shared>>) target(%dma_start3A_119 : memref<640x64xf32, #tpu.memory_space<hbm>>) target_semaphore(%run_scoped3A : memref<!tpu.dma_semaphore, #tpu.memory_space<semaphore_mem>>)
      %dma_wait3A_122 = arith.constant 0 : i32
      %dma_wait3A_123 = tpu.memref_slice %arg5[%arg0, %mul3A_116, %dma_wait3A_122] : memref<2x10240x64xf32, #tpu.memory_space<hbm>> -> memref<1x640x64xf32, #tpu.memory_space<hbm>>
      %dma_wait3A_124 = tpu.memref_squeeze %dma_wait3A_123 : memref<1x640x64xf32, #tpu.memory_space<hbm>> -> memref<640x64xf32, #tpu.memory_space<hbm>>
      %dma_wait3A_125 = arith.constant 0 : i32
      %dma_wait3A_126 = tpu.memref_slice %arg18[%mul3A_114, %dma_wait3A_125] : memref<10240x64xf32, #tpu.memory_space<vmem_shared>> -> memref<640x64xf32, #tpu.memory_space<vmem_shared>>
      tpu.wait_dma2 semaphore(%run_scoped3A : memref<!tpu.dma_semaphore, #tpu.memory_space<semaphore_mem>>) src(%dma_wait3A_126 : memref<640x64xf32, #tpu.memory_space<vmem_shared>>) dst(%dma_wait3A_124 : memref<640x64xf32, #tpu.memory_space<hbm>>)
      tpu.yield
    }) : () -> ()
    return
  }
}

#map = affine_map<(d0, d1) -> (0, 0, 0)>
module attributes {stable_mosaic.version = 14 : i64} {
  func.func @_agg_sc(%arg0: i32, %arg1: i32, %arg2: memref<16x160x128xi32, #tpu.memory_space<hbm>>, %arg3: memref<16x160x128xi32, #tpu.memory_space<hbm>>, %arg4: memref<2x10000x64xf32, #tpu.memory_space<hbm>>, %arg5: memref<2x10240x64xf32, #tpu.memory_space<hbm>>, %arg6: memref<160x128xi32, #tpu.memory_space<vmem>>, %arg7: memref<128xi32, #tpu.memory_space<vmem>>, %arg8: memref<128xi32, #tpu.memory_space<vmem>>, %arg9: memref<128xi32, #tpu.memory_space<vmem>>, %arg10: memref<128xi32, #tpu.memory_space<vmem>>, %arg11: memref<128xi32, #tpu.memory_space<vmem>>, %arg12: memref<128x64xf32, #tpu.memory_space<vmem>>, %arg13: memref<128x64xf32, #tpu.memory_space<vmem>>, %arg14: memref<128x64xf32, #tpu.memory_space<vmem>>, %arg15: memref<128x64xf32, #tpu.memory_space<vmem>>, %arg16: memref<128x64xf32, #tpu.memory_space<vmem>>, %arg17: memref<128x64xf32, #tpu.memory_space<vmem>>, %arg18: memref<10240x64xf32, #tpu.memory_space<vmem_shared>>, %arg19: memref<!tpu.dma_semaphore, #tpu.memory_space<semaphore_mem>>, %arg20: memref<!tpu.dma_semaphore, #tpu.memory_space<semaphore_mem>>, %arg21: memref<!tpu.dma_semaphore, #tpu.memory_space<semaphore_mem>>, %arg22: memref<!tpu.dma_semaphore, #tpu.memory_space<semaphore_mem>>, %arg23: memref<!tpu.dma_semaphore, #tpu.memory_space<semaphore_mem>>, %arg24: memref<!tpu.dma_semaphore, #tpu.memory_space<semaphore_mem>>, %arg25: memref<!tpu.dma_semaphore, #tpu.memory_space<semaphore_mem>>, %arg26: memref<!tpu.dma_semaphore, #tpu.memory_space<semaphore_mem>>, %arg27: memref<!tpu.dma_semaphore, #tpu.memory_space<semaphore_mem>>, %arg28: memref<!tpu.dma_semaphore, #tpu.memory_space<semaphore_mem>>, %arg29: memref<!tpu.dma_semaphore, #tpu.memory_space<semaphore_mem>>, %arg30: memref<!tpu.dma_semaphore, #tpu.memory_space<semaphore_mem>>, %arg31: memref<!tpu.dma_semaphore, #tpu.memory_space<semaphore_mem>>, %arg32: memref<!tpu.dma_semaphore, #tpu.memory_space<semaphore_mem>>, %arg33: memref<!tpu.dma_semaphore, #tpu.memory_space<semaphore_mem>>) attributes {dimension_semantics = [#tpu.dimension_semantics<core_parallel>, #tpu.dimension_semantics<subcore_parallel>], iteration_bounds = array<i64: 2, 16>, scalar_prefetch = 0 : i64, scratch_operands = 28 : i64, tpu.core_type = #tpu.core_type<sc_vector_subcore>, window_params = [{transform_indices = #map}, {transform_indices = #map}, {transform_indices = #map}, {transform_indices = #map}]} {
    "tpu.region"() ({
      %run_scoped3A = tpu.sem_alloc : memref<!tpu.dma_semaphore, #tpu.memory_space<semaphore_mem>>
      %dma_start3A_117 = arith.constant 0 : i32
      %dma_start3A_118 = arith.constant 0 : i32
      %dma_start3A_119 = tpu.memref_slice %arg2[%arg1, %dma_start3A_117, %dma_start3A_118] : memref<16x160x128xi32, #tpu.memory_space<hbm>> -> memref<1x160x128xi32, #tpu.memory_space<hbm>>
      %dma_start3A_120 = tpu.memref_squeeze %dma_start3A_119 : memref<1x160x128xi32, #tpu.memory_space<hbm>> -> memref<160x128xi32, #tpu.memory_space<hbm>>
      %dma_start3A_121 = arith.constant 0 : i32
      %dma_start3A_122 = arith.constant 0 : i32
      %dma_start3A_123 = tpu.memref_slice %arg2[%arg1, %dma_start3A_121, %dma_start3A_122] : memref<16x160x128xi32, #tpu.memory_space<hbm>> -> memref<1x160x128xi32, #tpu.memory_space<hbm>>
      %dma_start3A_124 = tpu.memref_squeeze %dma_start3A_123 : memref<1x160x128xi32, #tpu.memory_space<hbm>> -> memref<160x128xi32, #tpu.memory_space<hbm>>
      tpu.enqueue_dma source(%dma_start3A_124 : memref<160x128xi32, #tpu.memory_space<hbm>>) target(%arg6 : memref<160x128xi32, #tpu.memory_space<vmem>>) target_semaphore(%run_scoped3A : memref<!tpu.dma_semaphore, #tpu.memory_space<semaphore_mem>>)
      %dma_wait3A_125 = arith.constant 0 : i32
      %dma_wait3A_126 = arith.constant 0 : i32
      %dma_wait3A_127 = tpu.memref_slice %arg2[%arg1, %dma_wait3A_125, %dma_wait3A_126] : memref<16x160x128xi32, #tpu.memory_space<hbm>> -> memref<1x160x128xi32, #tpu.memory_space<hbm>>
      %dma_wait3A_128 = tpu.memref_squeeze %dma_wait3A_127 : memref<1x160x128xi32, #tpu.memory_space<hbm>> -> memref<160x128xi32, #tpu.memory_space<hbm>>
      %dma_wait3A_129 = arith.constant 0 : i32
      %dma_wait3A_130 = arith.constant 0 : i32
      %dma_wait3A_131 = tpu.memref_slice %arg2[%arg1, %dma_wait3A_129, %dma_wait3A_130] : memref<16x160x128xi32, #tpu.memory_space<hbm>> -> memref<1x160x128xi32, #tpu.memory_space<hbm>>
      %dma_wait3A_132 = tpu.memref_squeeze %dma_wait3A_131 : memref<1x160x128xi32, #tpu.memory_space<hbm>> -> memref<160x128xi32, #tpu.memory_space<hbm>>
      tpu.wait_dma2 semaphore(%run_scoped3A : memref<!tpu.dma_semaphore, #tpu.memory_space<semaphore_mem>>) src(%dma_wait3A_132 : memref<160x128xi32, #tpu.memory_space<hbm>>) dst(%arg6 : memref<160x128xi32, #tpu.memory_space<vmem>>)
      tpu.yield
    }) : () -> ()
    %scan3A = arith.constant 0 : i32
    %scan3A_0 = arith.constant 128 : i32
    %scan3A_1 = arith.addi %scan3A, %scan3A_0 : i32
    %scan3A_2 = arith.constant 1 : i32
    scf.for %scan3A_117 = %scan3A to %scan3A_1 step %scan3A_2  : i32 {
      %mul3A_118 = arith.constant 1 : i32
      %mul3A_119 = arith.muli %scan3A_117, %mul3A_118 : i32
      %add3A_120 = arith.constant 0 : i32
      %add3A_121 = arith.addi %add3A_120, %mul3A_119 : i32
      %broadcast_in_dim3A = arith.constant 0.000000e+00 : f32
      %broadcast_in_dim3A_122 = vector.broadcast %broadcast_in_dim3A : f32 to vector<16xf32>
      %swap3A = arith.index_cast %add3A_121 : i32 to index
      %swap3A_123 = arith.constant 0 : index
      %swap3A_124 = tpu.vector_load %arg17[%swap3A, %swap3A_123] {strides = array<i32>} : memref<128x64xf32, #tpu.memory_space<vmem>>, vector<1x16xf32>,
      %swap3A_125 = vector.shape_cast %swap3A_124 : vector<1x16xf32> to vector<16xf32>
      %swap3A_126 = vector.shape_cast %broadcast_in_dim3A_122 : vector<16xf32> to vector<1x16xf32>
      tpu.vector_store %arg17[%swap3A, %swap3A_123], %swap3A_126 {strides = array<i32>} : memref<128x64xf32, #tpu.memory_space<vmem>>, vector<1x16xf32>,
      %broadcast_in_dim3A_127 = arith.constant 0.000000e+00 : f32
      %broadcast_in_dim3A_128 = vector.broadcast %broadcast_in_dim3A_127 : f32 to vector<16xf32>
      %swap3A_129 = arith.index_cast %add3A_121 : i32 to index
      %swap3A_130 = arith.constant 16 : index
      %swap3A_131 = tpu.vector_load %arg17[%swap3A_129, %swap3A_130] {strides = array<i32>} : memref<128x64xf32, #tpu.memory_space<vmem>>, vector<1x16xf32>,
      %swap3A_132 = vector.shape_cast %swap3A_131 : vector<1x16xf32> to vector<16xf32>
      %swap3A_133 = vector.shape_cast %broadcast_in_dim3A_128 : vector<16xf32> to vector<1x16xf32>
      tpu.vector_store %arg17[%swap3A_129, %swap3A_130], %swap3A_133 {strides = array<i32>} : memref<128x64xf32, #tpu.memory_space<vmem>>, vector<1x16xf32>,
      %broadcast_in_dim3A_134 = arith.constant 0.000000e+00 : f32
      %broadcast_in_dim3A_135 = vector.broadcast %broadcast_in_dim3A_134 : f32 to vector<16xf32>
      %swap3A_136 = arith.index_cast %add3A_121 : i32 to index
      %swap3A_137 = arith.constant 32 : index
      %swap3A_138 = tpu.vector_load %arg17[%swap3A_136, %swap3A_137] {strides = array<i32>} : memref<128x64xf32, #tpu.memory_space<vmem>>, vector<1x16xf32>,
      %swap3A_139 = vector.shape_cast %swap3A_138 : vector<1x16xf32> to vector<16xf32>
      %swap3A_140 = vector.shape_cast %broadcast_in_dim3A_135 : vector<16xf32> to vector<1x16xf32>
      tpu.vector_store %arg17[%swap3A_136, %swap3A_137], %swap3A_140 {strides = array<i32>} : memref<128x64xf32, #tpu.memory_space<vmem>>, vector<1x16xf32>,
      %broadcast_in_dim3A_141 = arith.constant 0.000000e+00 : f32
      %broadcast_in_dim3A_142 = vector.broadcast %broadcast_in_dim3A_141 : f32 to vector<16xf32>
      %swap3A_143 = arith.index_cast %add3A_121 : i32 to index
      %swap3A_144 = arith.constant 48 : index
      %swap3A_145 = tpu.vector_load %arg17[%swap3A_143, %swap3A_144] {strides = array<i32>} : memref<128x64xf32, #tpu.memory_space<vmem>>, vector<1x16xf32>,
      %swap3A_146 = vector.shape_cast %swap3A_145 : vector<1x16xf32> to vector<16xf32>
      %swap3A_147 = vector.shape_cast %broadcast_in_dim3A_142 : vector<16xf32> to vector<1x16xf32>
      tpu.vector_store %arg17[%swap3A_143, %swap3A_144], %swap3A_147 {strides = array<i32>} : memref<128x64xf32, #tpu.memory_space<vmem>>, vector<1x16xf32>,
    }
    %scan3A_3 = arith.constant 128 : i32
    %mul3A = arith.constant 640 : i32
    %mul3A_4 = arith.muli %arg1, %mul3A : i32
    %add3A = arith.constant 0 : i32
    %add3A_5 = arith.addi %mul3A_4, %add3A : i32
    "tpu.region"() ({
      %run_scoped3A = tpu.sem_alloc : memref<!tpu.dma_semaphore, #tpu.memory_space<semaphore_mem>>
      %dma_start3A_117 = arith.constant 0 : i32
      %dma_start3A_118 = tpu.memref_slice %arg18[%add3A_5, %dma_start3A_117] : memref<10240x64xf32, #tpu.memory_space<vmem_shared>> -> memref<128x64xf32, #tpu.memory_space<vmem_shared>>
      %dma_start3A_119 = arith.constant 0 : i32
      %dma_start3A_120 = tpu.memref_slice %arg18[%add3A_5, %dma_start3A_119] : memref<10240x64xf32, #tpu.memory_space<vmem_shared>> -> memref<128x64xf32, #tpu.memory_space<vmem_shared>>
      tpu.enqueue_dma source(%arg17 : memref<128x64xf32, #tpu.memory_space<vmem>>) target(%dma_start3A_120 : memref<128x64xf32, #tpu.memory_space<vmem_shared>>) target_semaphore(%run_scoped3A : memref<!tpu.dma_semaphore, #tpu.memory_space<semaphore_mem>>)
      %dma_wait3A_121 = arith.constant 0 : i32
      %dma_wait3A_122 = tpu.memref_slice %arg18[%add3A_5, %dma_wait3A_121] : memref<10240x64xf32, #tpu.memory_space<vmem_shared>> -> memref<128x64xf32, #tpu.memory_space<vmem_shared>>
      %dma_wait3A_123 = arith.constant 0 : i32
      %dma_wait3A_124 = tpu.memref_slice %arg18[%add3A_5, %dma_wait3A_123] : memref<10240x64xf32, #tpu.memory_space<vmem_shared>> -> memref<128x64xf32, #tpu.memory_space<vmem_shared>>
      tpu.wait_dma2 semaphore(%run_scoped3A : memref<!tpu.dma_semaphore, #tpu.memory_space<semaphore_mem>>) src(%arg17 : memref<128x64xf32, #tpu.memory_space<vmem>>) dst(%dma_wait3A_124 : memref<128x64xf32, #tpu.memory_space<vmem_shared>>)
      tpu.yield
    }) : () -> ()
    %mul3A_6 = arith.constant 640 : i32
    %mul3A_7 = arith.muli %arg1, %mul3A_6 : i32
    %add3A_8 = arith.constant 128 : i32
    %add3A_9 = arith.addi %mul3A_7, %add3A_8 : i32
    "tpu.region"() ({
      %run_scoped3A = tpu.sem_alloc : memref<!tpu.dma_semaphore, #tpu.memory_space<semaphore_mem>>
      %dma_start3A_117 = arith.constant 0 : i32
      %dma_start3A_118 = tpu.memref_slice %arg18[%add3A_9, %dma_start3A_117] : memref<10240x64xf32, #tpu.memory_space<vmem_shared>> -> memref<128x64xf32, #tpu.memory_space<vmem_shared>>
      %dma_start3A_119 = arith.constant 0 : i32
      %dma_start3A_120 = tpu.memref_slice %arg18[%add3A_9, %dma_start3A_119] : memref<10240x64xf32, #tpu.memory_space<vmem_shared>> -> memref<128x64xf32, #tpu.memory_space<vmem_shared>>
      tpu.enqueue_dma source(%arg17 : memref<128x64xf32, #tpu.memory_space<vmem>>) target(%dma_start3A_120 : memref<128x64xf32, #tpu.memory_space<vmem_shared>>) target_semaphore(%run_scoped3A : memref<!tpu.dma_semaphore, #tpu.memory_space<semaphore_mem>>)
      %dma_wait3A_121 = arith.constant 0 : i32
      %dma_wait3A_122 = tpu.memref_slice %arg18[%add3A_9, %dma_wait3A_121] : memref<10240x64xf32, #tpu.memory_space<vmem_shared>> -> memref<128x64xf32, #tpu.memory_space<vmem_shared>>
      %dma_wait3A_123 = arith.constant 0 : i32
      %dma_wait3A_124 = tpu.memref_slice %arg18[%add3A_9, %dma_wait3A_123] : memref<10240x64xf32, #tpu.memory_space<vmem_shared>> -> memref<128x64xf32, #tpu.memory_space<vmem_shared>>
      tpu.wait_dma2 semaphore(%run_scoped3A : memref<!tpu.dma_semaphore, #tpu.memory_space<semaphore_mem>>) src(%arg17 : memref<128x64xf32, #tpu.memory_space<vmem>>) dst(%dma_wait3A_124 : memref<128x64xf32, #tpu.memory_space<vmem_shared>>)
      tpu.yield
    }) : () -> ()
    %mul3A_10 = arith.constant 640 : i32
    %mul3A_11 = arith.muli %arg1, %mul3A_10 : i32
    %add3A_12 = arith.constant 256 : i32
    %add3A_13 = arith.addi %mul3A_11, %add3A_12 : i32
    "tpu.region"() ({
      %run_scoped3A = tpu.sem_alloc : memref<!tpu.dma_semaphore, #tpu.memory_space<semaphore_mem>>
      %dma_start3A_117 = arith.constant 0 : i32
      %dma_start3A_118 = tpu.memref_slice %arg18[%add3A_13, %dma_start3A_117] : memref<10240x64xf32, #tpu.memory_space<vmem_shared>> -> memref<128x64xf32, #tpu.memory_space<vmem_shared>>
      %dma_start3A_119 = arith.constant 0 : i32
      %dma_start3A_120 = tpu.memref_slice %arg18[%add3A_13, %dma_start3A_119] : memref<10240x64xf32, #tpu.memory_space<vmem_shared>> -> memref<128x64xf32, #tpu.memory_space<vmem_shared>>
      tpu.enqueue_dma source(%arg17 : memref<128x64xf32, #tpu.memory_space<vmem>>) target(%dma_start3A_120 : memref<128x64xf32, #tpu.memory_space<vmem_shared>>) target_semaphore(%run_scoped3A : memref<!tpu.dma_semaphore, #tpu.memory_space<semaphore_mem>>)
      %dma_wait3A_121 = arith.constant 0 : i32
      %dma_wait3A_122 = tpu.memref_slice %arg18[%add3A_13, %dma_wait3A_121] : memref<10240x64xf32, #tpu.memory_space<vmem_shared>> -> memref<128x64xf32, #tpu.memory_space<vmem_shared>>
      %dma_wait3A_123 = arith.constant 0 : i32
      %dma_wait3A_124 = tpu.memref_slice %arg18[%add3A_13, %dma_wait3A_123] : memref<10240x64xf32, #tpu.memory_space<vmem_shared>> -> memref<128x64xf32, #tpu.memory_space<vmem_shared>>
      tpu.wait_dma2 semaphore(%run_scoped3A : memref<!tpu.dma_semaphore, #tpu.memory_space<semaphore_mem>>) src(%arg17 : memref<128x64xf32, #tpu.memory_space<vmem>>) dst(%dma_wait3A_124 : memref<128x64xf32, #tpu.memory_space<vmem_shared>>)
      tpu.yield
    }) : () -> ()
    %mul3A_14 = arith.constant 640 : i32
    %mul3A_15 = arith.muli %arg1, %mul3A_14 : i32
    %add3A_16 = arith.constant 384 : i32
    %add3A_17 = arith.addi %mul3A_15, %add3A_16 : i32
    "tpu.region"() ({
      %run_scoped3A = tpu.sem_alloc : memref<!tpu.dma_semaphore, #tpu.memory_space<semaphore_mem>>
      %dma_start3A_117 = arith.constant 0 : i32
      %dma_start3A_118 = tpu.memref_slice %arg18[%add3A_17, %dma_start3A_117] : memref<10240x64xf32, #tpu.memory_space<vmem_shared>> -> memref<128x64xf32, #tpu.memory_space<vmem_shared>>
      %dma_start3A_119 = arith.constant 0 : i32
      %dma_start3A_120 = tpu.memref_slice %arg18[%add3A_17, %dma_start3A_119] : memref<10240x64xf32, #tpu.memory_space<vmem_shared>> -> memref<128x64xf32, #tpu.memory_space<vmem_shared>>
      tpu.enqueue_dma source(%arg17 : memref<128x64xf32, #tpu.memory_space<vmem>>) target(%dma_start3A_120 : memref<128x64xf32, #tpu.memory_space<vmem_shared>>) target_semaphore(%run_scoped3A : memref<!tpu.dma_semaphore, #tpu.memory_space<semaphore_mem>>)
      %dma_wait3A_121 = arith.constant 0 : i32
      %dma_wait3A_122 = tpu.memref_slice %arg18[%add3A_17, %dma_wait3A_121] : memref<10240x64xf32, #tpu.memory_space<vmem_shared>> -> memref<128x64xf32, #tpu.memory_space<vmem_shared>>
      %dma_wait3A_123 = arith.constant 0 : i32
      %dma_wait3A_124 = tpu.memref_slice %arg18[%add3A_17, %dma_wait3A_123] : memref<10240x64xf32, #tpu.memory_space<vmem_shared>> -> memref<128x64xf32, #tpu.memory_space<vmem_shared>>
      tpu.wait_dma2 semaphore(%run_scoped3A : memref<!tpu.dma_semaphore, #tpu.memory_space<semaphore_mem>>) src(%arg17 : memref<128x64xf32, #tpu.memory_space<vmem>>) dst(%dma_wait3A_124 : memref<128x64xf32, #tpu.memory_space<vmem_shared>>)
      tpu.yield
    }) : () -> ()
    %mul3A_18 = arith.constant 640 : i32
    %mul3A_19 = arith.muli %arg1, %mul3A_18 : i32
    %add3A_20 = arith.constant 512 : i32
    %add3A_21 = arith.addi %mul3A_19, %add3A_20 : i32
    "tpu.region"() ({
      %run_scoped3A = tpu.sem_alloc : memref<!tpu.dma_semaphore, #tpu.memory_space<semaphore_mem>>
      %dma_start3A_117 = arith.constant 0 : i32
      %dma_start3A_118 = tpu.memref_slice %arg18[%add3A_21, %dma_start3A_117] : memref<10240x64xf32, #tpu.memory_space<vmem_shared>> -> memref<128x64xf32, #tpu.memory_space<vmem_shared>>
      %dma_start3A_119 = arith.constant 0 : i32
      %dma_start3A_120 = tpu.memref_slice %arg18[%add3A_21, %dma_start3A_119] : memref<10240x64xf32, #tpu.memory_space<vmem_shared>> -> memref<128x64xf32, #tpu.memory_space<vmem_shared>>
      tpu.enqueue_dma source(%arg17 : memref<128x64xf32, #tpu.memory_space<vmem>>) target(%dma_start3A_120 : memref<128x64xf32, #tpu.memory_space<vmem_shared>>) target_semaphore(%run_scoped3A : memref<!tpu.dma_semaphore, #tpu.memory_space<semaphore_mem>>)
      %dma_wait3A_121 = arith.constant 0 : i32
      %dma_wait3A_122 = tpu.memref_slice %arg18[%add3A_21, %dma_wait3A_121] : memref<10240x64xf32, #tpu.memory_space<vmem_shared>> -> memref<128x64xf32, #tpu.memory_space<vmem_shared>>
      %dma_wait3A_123 = arith.constant 0 : i32
      %dma_wait3A_124 = tpu.memref_slice %arg18[%add3A_21, %dma_wait3A_123] : memref<10240x64xf32, #tpu.memory_space<vmem_shared>> -> memref<128x64xf32, #tpu.memory_space<vmem_shared>>
      tpu.wait_dma2 semaphore(%run_scoped3A : memref<!tpu.dma_semaphore, #tpu.memory_space<semaphore_mem>>) src(%arg17 : memref<128x64xf32, #tpu.memory_space<vmem>>) dst(%dma_wait3A_124 : memref<128x64xf32, #tpu.memory_space<vmem_shared>>)
      tpu.yield
    }) : () -> ()
    %barrier3A = arith.constant 0 : index
    tpu.barrier barrier_id(%barrier3A)
    %dma_start3A = arith.constant 0 : i32
    %dma_start3A_22 = arith.constant 0 : i32
    %dma_start3A_23 = tpu.memref_slice %arg6[%dma_start3A, %dma_start3A_22] : memref<160x128xi32, #tpu.memory_space<vmem>> -> memref<1x128xi32, #tpu.memory_space<vmem>>
    %dma_start3A_24 = tpu.memref_squeeze %dma_start3A_23 : memref<1x128xi32, #tpu.memory_space<vmem>> -> memref<128xi32, #tpu.memory_space<vmem>>
    %dma_start3A_25 = arith.constant 0 : i32
    %dma_start3A_26 = arith.constant 0 : i32
    %dma_start3A_27 = tpu.memref_slice %arg4[%arg0, %dma_start3A_25, %dma_start3A_26] : memref<2x10000x64xf32, #tpu.memory_space<hbm>> -> memref<1x10000x64xf32, #tpu.memory_space<hbm>>
    %dma_start3A_28 = tpu.memref_squeeze %dma_start3A_27 : memref<1x10000x64xf32, #tpu.memory_space<hbm>> -> memref<10000x64xf32, #tpu.memory_space<hbm>>
    %dma_start3A_29 = arith.constant 0 : i32
    %dma_start3A_30 = arith.constant 0 : i32
    %dma_start3A_31 = tpu.memref_slice %dma_start3A_28[%dma_start3A_29, %dma_start3A_30] : memref<10000x64xf32, #tpu.memory_space<hbm>> -> memref<10000x64xf32, #tpu.memory_space<hbm>>
    tpu.enqueue_indirect_dma source(%dma_start3A_31 : memref<10000x64xf32, #tpu.memory_space<hbm>>) target(%arg12 : memref<128x64xf32, #tpu.memory_space<vmem>>) offsets(%dma_start3A_24 : memref<128xi32, #tpu.memory_space<vmem>>) semaphore(%arg19 : memref<!tpu.dma_semaphore, #tpu.memory_space<semaphore_mem>>)
    %dma_start3A_32 = arith.constant 0 : i32
    %dma_start3A_33 = arith.constant 0 : i32
    %dma_start3A_34 = tpu.memref_slice %arg3[%arg1, %dma_start3A_32, %dma_start3A_33] : memref<16x160x128xi32, #tpu.memory_space<hbm>> -> memref<1x1x128xi32, #tpu.memory_space<hbm>>
    %dma_start3A_35 = tpu.memref_squeeze %dma_start3A_34 : memref<1x1x128xi32, #tpu.memory_space<hbm>> -> memref<128xi32, #tpu.memory_space<hbm>>
    %dma_start3A_36 = arith.constant 0 : i32
    %dma_start3A_37 = tpu.memref_slice %arg3[%arg1, %dma_start3A_32, %dma_start3A_36] : memref<16x160x128xi32, #tpu.memory_space<hbm>> -> memref<1x1x128xi32, #tpu.memory_space<hbm>>
    %dma_start3A_38 = tpu.memref_squeeze %dma_start3A_37 : memref<1x1x128xi32, #tpu.memory_space<hbm>> -> memref<128xi32, #tpu.memory_space<hbm>>
    tpu.enqueue_dma source(%dma_start3A_38 : memref<128xi32, #tpu.memory_space<hbm>>) target(%arg7 : memref<128xi32, #tpu.memory_space<vmem>>) target_semaphore(%arg24 : memref<!tpu.dma_semaphore, #tpu.memory_space<semaphore_mem>>)
    %dma_start3A_39 = arith.constant 1 : i32
    %dma_start3A_40 = arith.constant 0 : i32
    %dma_start3A_41 = tpu.memref_slice %arg6[%dma_start3A_39, %dma_start3A_40] : memref<160x128xi32, #tpu.memory_space<vmem>> -> memref<1x128xi32, #tpu.memory_space<vmem>>
    %dma_start3A_42 = tpu.memref_squeeze %dma_start3A_41 : memref<1x128xi32, #tpu.memory_space<vmem>> -> memref<128xi32, #tpu.memory_space<vmem>>
    %dma_start3A_43 = arith.constant 0 : i32
    %dma_start3A_44 = arith.constant 0 : i32
    %dma_start3A_45 = tpu.memref_slice %arg4[%arg0, %dma_start3A_43, %dma_start3A_44] : memref<2x10000x64xf32, #tpu.memory_space<hbm>> -> memref<1x10000x64xf32, #tpu.memory_space<hbm>>
    %dma_start3A_46 = tpu.memref_squeeze %dma_start3A_45 : memref<1x10000x64xf32, #tpu.memory_space<hbm>> -> memref<10000x64xf32, #tpu.memory_space<hbm>>
    %dma_start3A_47 = arith.constant 0 : i32
    %dma_start3A_48 = arith.constant 0 : i32
    %dma_start3A_49 = tpu.memref_slice %dma_start3A_46[%dma_start3A_47, %dma_start3A_48] : memref<10000x64xf32, #tpu.memory_space<hbm>> -> memref<10000x64xf32, #tpu.memory_space<hbm>>
    tpu.enqueue_indirect_dma source(%dma_start3A_49 : memref<10000x64xf32, #tpu.memory_space<hbm>>) target(%arg13 : memref<128x64xf32, #tpu.memory_space<vmem>>) offsets(%dma_start3A_42 : memref<128xi32, #tpu.memory_space<vmem>>) semaphore(%arg20 : memref<!tpu.dma_semaphore, #tpu.memory_space<semaphore_mem>>)
    %dma_start3A_50 = arith.constant 1 : i32
    %dma_start3A_51 = arith.constant 0 : i32
    %dma_start3A_52 = tpu.memref_slice %arg3[%arg1, %dma_start3A_50, %dma_start3A_51] : memref<16x160x128xi32, #tpu.memory_space<hbm>> -> memref<1x1x128xi32, #tpu.memory_space<hbm>>
    %dma_start3A_53 = tpu.memref_squeeze %dma_start3A_52 : memref<1x1x128xi32, #tpu.memory_space<hbm>> -> memref<128xi32, #tpu.memory_space<hbm>>
    %dma_start3A_54 = arith.constant 0 : i32
    %dma_start3A_55 = tpu.memref_slice %arg3[%arg1, %dma_start3A_50, %dma_start3A_54] : memref<16x160x128xi32, #tpu.memory_space<hbm>> -> memref<1x1x128xi32, #tpu.memory_space<hbm>>
    %dma_start3A_56 = tpu.memref_squeeze %dma_start3A_55 : memref<1x1x128xi32, #tpu.memory_space<hbm>> -> memref<128xi32, #tpu.memory_space<hbm>>
    tpu.enqueue_dma source(%dma_start3A_56 : memref<128xi32, #tpu.memory_space<hbm>>) target(%arg8 : memref<128xi32, #tpu.memory_space<vmem>>) target_semaphore(%arg25 : memref<!tpu.dma_semaphore, #tpu.memory_space<semaphore_mem>>)
    %dma_start3A_57 = arith.constant 2 : i32
    %dma_start3A_58 = arith.constant 0 : i32
    %dma_start3A_59 = tpu.memref_slice %arg6[%dma_start3A_57, %dma_start3A_58] : memref<160x128xi32, #tpu.memory_space<vmem>> -> memref<1x128xi32, #tpu.memory_space<vmem>>
    %dma_start3A_60 = tpu.memref_squeeze %dma_start3A_59 : memref<1x128xi32, #tpu.memory_space<vmem>> -> memref<128xi32, #tpu.memory_space<vmem>>
    %dma_start3A_61 = arith.constant 0 : i32
    %dma_start3A_62 = arith.constant 0 : i32
    %dma_start3A_63 = tpu.memref_slice %arg4[%arg0, %dma_start3A_61, %dma_start3A_62] : memref<2x10000x64xf32, #tpu.memory_space<hbm>> -> memref<1x10000x64xf32, #tpu.memory_space<hbm>>
    %dma_start3A_64 = tpu.memref_squeeze %dma_start3A_63 : memref<1x10000x64xf32, #tpu.memory_space<hbm>> -> memref<10000x64xf32, #tpu.memory_space<hbm>>
    %dma_start3A_65 = arith.constant 0 : i32
    %dma_start3A_66 = arith.constant 0 : i32
    %dma_start3A_67 = tpu.memref_slice %dma_start3A_64[%dma_start3A_65, %dma_start3A_66] : memref<10000x64xf32, #tpu.memory_space<hbm>> -> memref<10000x64xf32, #tpu.memory_space<hbm>>
    tpu.enqueue_indirect_dma source(%dma_start3A_67 : memref<10000x64xf32, #tpu.memory_space<hbm>>) target(%arg14 : memref<128x64xf32, #tpu.memory_space<vmem>>) offsets(%dma_start3A_60 : memref<128xi32, #tpu.memory_space<vmem>>) semaphore(%arg21 : memref<!tpu.dma_semaphore, #tpu.memory_space<semaphore_mem>>)
    %dma_start3A_68 = arith.constant 2 : i32
    %dma_start3A_69 = arith.constant 0 : i32
    %dma_start3A_70 = tpu.memref_slice %arg3[%arg1, %dma_start3A_68, %dma_start3A_69] : memref<16x160x128xi32, #tpu.memory_space<hbm>> -> memref<1x1x128xi32, #tpu.memory_space<hbm>>
    %dma_start3A_71 = tpu.memref_squeeze %dma_start3A_70 : memref<1x1x128xi32, #tpu.memory_space<hbm>> -> memref<128xi32, #tpu.memory_space<hbm>>
    %dma_start3A_72 = arith.constant 0 : i32
    %dma_start3A_73 = tpu.memref_slice %arg3[%arg1, %dma_start3A_68, %dma_start3A_72] : memref<16x160x128xi32, #tpu.memory_space<hbm>> -> memref<1x1x128xi32, #tpu.memory_space<hbm>>
    %dma_start3A_74 = tpu.memref_squeeze %dma_start3A_73 : memref<1x1x128xi32, #tpu.memory_space<hbm>> -> memref<128xi32, #tpu.memory_space<hbm>>
    tpu.enqueue_dma source(%dma_start3A_74 : memref<128xi32, #tpu.memory_space<hbm>>) target(%arg9 : memref<128xi32, #tpu.memory_space<vmem>>) target_semaphore(%arg26 : memref<!tpu.dma_semaphore, #tpu.memory_space<semaphore_mem>>)
    %dma_start3A_75 = arith.constant 3 : i32
    %dma_start3A_76 = arith.constant 0 : i32
    %dma_start3A_77 = tpu.memref_slice %arg6[%dma_start3A_75, %dma_start3A_76] : memref<160x128xi32, #tpu.memory_space<vmem>> -> memref<1x128xi32, #tpu.memory_space<vmem>>
    %dma_start3A_78 = tpu.memref_squeeze %dma_start3A_77 : memref<1x128xi32, #tpu.memory_space<vmem>> -> memref<128xi32, #tpu.memory_space<vmem>>
    %dma_start3A_79 = arith.constant 0 : i32
    %dma_start3A_80 = arith.constant 0 : i32
    %dma_start3A_81 = tpu.memref_slice %arg4[%arg0, %dma_start3A_79, %dma_start3A_80] : memref<2x10000x64xf32, #tpu.memory_space<hbm>> -> memref<1x10000x64xf32, #tpu.memory_space<hbm>>
    %dma_start3A_82 = tpu.memref_squeeze %dma_start3A_81 : memref<1x10000x64xf32, #tpu.memory_space<hbm>> -> memref<10000x64xf32, #tpu.memory_space<hbm>>
    %dma_start3A_83 = arith.constant 0 : i32
    %dma_start3A_84 = arith.constant 0 : i32
    %dma_start3A_85 = tpu.memref_slice %dma_start3A_82[%dma_start3A_83, %dma_start3A_84] : memref<10000x64xf32, #tpu.memory_space<hbm>> -> memref<10000x64xf32, #tpu.memory_space<hbm>>
    tpu.enqueue_indirect_dma source(%dma_start3A_85 : memref<10000x64xf32, #tpu.memory_space<hbm>>) target(%arg15 : memref<128x64xf32, #tpu.memory_space<vmem>>) offsets(%dma_start3A_78 : memref<128xi32, #tpu.memory_space<vmem>>) semaphore(%arg22 : memref<!tpu.dma_semaphore, #tpu.memory_space<semaphore_mem>>)
    %dma_start3A_86 = arith.constant 3 : i32
    %dma_start3A_87 = arith.constant 0 : i32
    %dma_start3A_88 = tpu.memref_slice %arg3[%arg1, %dma_start3A_86, %dma_start3A_87] : memref<16x160x128xi32, #tpu.memory_space<hbm>> -> memref<1x1x128xi32, #tpu.memory_space<hbm>>
    %dma_start3A_89 = tpu.memref_squeeze %dma_start3A_88 : memref<1x1x128xi32, #tpu.memory_space<hbm>> -> memref<128xi32, #tpu.memory_space<hbm>>
    %dma_start3A_90 = arith.constant 0 : i32
    %dma_start3A_91 = tpu.memref_slice %arg3[%arg1, %dma_start3A_86, %dma_start3A_90] : memref<16x160x128xi32, #tpu.memory_space<hbm>> -> memref<1x1x128xi32, #tpu.memory_space<hbm>>
    %dma_start3A_92 = tpu.memref_squeeze %dma_start3A_91 : memref<1x1x128xi32, #tpu.memory_space<hbm>> -> memref<128xi32, #tpu.memory_space<hbm>>
    tpu.enqueue_dma source(%dma_start3A_92 : memref<128xi32, #tpu.memory_space<hbm>>) target(%arg10 : memref<128xi32, #tpu.memory_space<vmem>>) target_semaphore(%arg27 : memref<!tpu.dma_semaphore, #tpu.memory_space<semaphore_mem>>)
    %scan3A_93 = arith.constant 0 : i32
    %scan3A_94 = arith.constant 32 : i32
    %scan3A_95 = arith.addi %scan3A_93, %scan3A_94 : i32
    %scan3A_96 = arith.constant 1 : i32
    scf.for %scan3A_117 = %scan3A_93 to %scan3A_95 step %scan3A_96  : i32 {
      %mul3A_118 = arith.constant 1 : i32
      %mul3A_119 = arith.muli %scan3A_117, %mul3A_118 : i32
      %add3A_120 = arith.constant 0 : i32
      %add3A_121 = arith.addi %add3A_120, %mul3A_119 : i32
      %mul3A_122 = arith.constant 5 : i32
      %mul3A_123 = arith.muli %add3A_121, %mul3A_122 : i32
      %add3A_124 = arith.constant 0 : i32
      %add3A_125 = arith.addi %mul3A_123, %add3A_124 : i32
      %add3A_126 = arith.constant 4 : i32
      %add3A_127 = arith.addi %add3A_125, %add3A_126 : i32
      %gt3A = arith.constant 0 : i32
      %gt3A_128 = arith.cmpi sgt, %add3A_121, %gt3A : i32
      %convert_element_type3A = arith.extui %gt3A_128 : i1 to i32
      %cond3A = arith.constant 0 : i32
      %cond3A_129 = arith.cmpi ne, %convert_element_type3A, %cond3A : i32
      scf.if %cond3A_129 {
        %dma_wait3A_286 = arith.constant 0 : i32
        %dma_wait3A_287 = arith.constant 0 : i32
        %dma_wait3A_288 = tpu.memref_slice %arg18[%dma_wait3A_286, %dma_wait3A_287] : memref<10240x64xf32, #tpu.memory_space<vmem_shared>> -> memref<10240x64xf32, #tpu.memory_space<vmem_shared>>
        tpu.wait_indirect_dma semaphore(%arg33 : memref<!tpu.dma_semaphore, #tpu.memory_space<semaphore_mem>>) src(%arg16 : memref<128x64xf32, #tpu.memory_space<vmem>>) dst(%dma_wait3A_288 : memref<10240x64xf32, #tpu.memory_space<vmem_shared>>)
      } else {
      }
      %dma_start3A_130 = arith.constant 0 : i32
      %dma_start3A_131 = tpu.memref_slice %arg6[%add3A_127, %dma_start3A_130] : memref<160x128xi32, #tpu.memory_space<vmem>> -> memref<1x128xi32, #tpu.memory_space<vmem>>
      %dma_start3A_132 = tpu.memref_squeeze %dma_start3A_131 : memref<1x128xi32, #tpu.memory_space<vmem>> -> memref<128xi32, #tpu.memory_space<vmem>>
      %dma_start3A_133 = arith.constant 0 : i32
      %dma_start3A_134 = arith.constant 0 : i32
      %dma_start3A_135 = tpu.memref_slice %arg4[%arg0, %dma_start3A_133, %dma_start3A_134] : memref<2x10000x64xf32, #tpu.memory_space<hbm>> -> memref<1x10000x64xf32, #tpu.memory_space<hbm>>
      %dma_start3A_136 = tpu.memref_squeeze %dma_start3A_135 : memref<1x10000x64xf32, #tpu.memory_space<hbm>> -> memref<10000x64xf32, #tpu.memory_space<hbm>>
      %dma_start3A_137 = arith.constant 0 : i32
      %dma_start3A_138 = arith.constant 0 : i32
      %dma_start3A_139 = tpu.memref_slice %dma_start3A_136[%dma_start3A_137, %dma_start3A_138] : memref<10000x64xf32, #tpu.memory_space<hbm>> -> memref<10000x64xf32, #tpu.memory_space<hbm>>
      tpu.enqueue_indirect_dma source(%dma_start3A_139 : memref<10000x64xf32, #tpu.memory_space<hbm>>) target(%arg16 : memref<128x64xf32, #tpu.memory_space<vmem>>) offsets(%dma_start3A_132 : memref<128xi32, #tpu.memory_space<vmem>>) semaphore(%arg23 : memref<!tpu.dma_semaphore, #tpu.memory_space<semaphore_mem>>)
      %dma_start3A_140 = arith.constant 0 : i32
      %dma_start3A_141 = tpu.memref_slice %arg3[%arg1, %add3A_127, %dma_start3A_140] : memref<16x160x128xi32, #tpu.memory_space<hbm>> -> memref<1x1x128xi32, #tpu.memory_space<hbm>>
      %dma_start3A_142 = tpu.memref_squeeze %dma_start3A_141 : memref<1x1x128xi32, #tpu.memory_space<hbm>> -> memref<128xi32, #tpu.memory_space<hbm>>
      %dma_start3A_143 = arith.constant 0 : i32
      %dma_start3A_144 = tpu.memref_slice %arg3[%arg1, %add3A_127, %dma_start3A_143] : memref<16x160x128xi32, #tpu.memory_space<hbm>> -> memref<1x1x128xi32, #tpu.memory_space<hbm>>
      %dma_start3A_145 = tpu.memref_squeeze %dma_start3A_144 : memref<1x1x128xi32, #tpu.memory_space<hbm>> -> memref<128xi32, #tpu.memory_space<hbm>>
      tpu.enqueue_dma source(%dma_start3A_145 : memref<128xi32, #tpu.memory_space<hbm>>) target(%arg11 : memref<128xi32, #tpu.memory_space<vmem>>) target_semaphore(%arg28 : memref<!tpu.dma_semaphore, #tpu.memory_space<semaphore_mem>>)
      %add3A_146 = arith.constant 0 : i32
      %add3A_147 = arith.addi %mul3A_123, %add3A_146 : i32
      %dma_wait3A_148 = arith.constant 0 : i32
      %dma_wait3A_149 = tpu.memref_slice %arg6[%add3A_147, %dma_wait3A_148] : memref<160x128xi32, #tpu.memory_space<vmem>> -> memref<1x128xi32, #tpu.memory_space<vmem>>
      %dma_wait3A_150 = tpu.memref_squeeze %dma_wait3A_149 : memref<1x128xi32, #tpu.memory_space<vmem>> -> memref<128xi32, #tpu.memory_space<vmem>>
      %dma_wait3A_151 = arith.constant 0 : i32
      %dma_wait3A_152 = arith.constant 0 : i32
      %dma_wait3A_153 = tpu.memref_slice %arg4[%arg0, %dma_wait3A_151, %dma_wait3A_152] : memref<2x10000x64xf32, #tpu.memory_space<hbm>> -> memref<1x10000x64xf32, #tpu.memory_space<hbm>>
      %dma_wait3A_154 = tpu.memref_squeeze %dma_wait3A_153 : memref<1x10000x64xf32, #tpu.memory_space<hbm>> -> memref<10000x64xf32, #tpu.memory_space<hbm>>
      %dma_wait3A_155 = arith.constant 0 : i32
      %dma_wait3A_156 = arith.constant 0 : i32
      %dma_wait3A_157 = tpu.memref_slice %dma_wait3A_154[%dma_wait3A_155, %dma_wait3A_156] : memref<10000x64xf32, #tpu.memory_space<hbm>> -> memref<10000x64xf32, #tpu.memory_space<hbm>>
      tpu.wait_indirect_dma semaphore(%arg19 : memref<!tpu.dma_semaphore, #tpu.memory_space<semaphore_mem>>) src(%dma_wait3A_157 : memref<10000x64xf32, #tpu.memory_space<hbm>>) dst(%arg12 : memref<128x64xf32, #tpu.memory_space<vmem>>)
      %dma_wait3A_158 = arith.constant 0 : i32
      %dma_wait3A_159 = tpu.memref_slice %arg3[%arg1, %add3A_147, %dma_wait3A_158] : memref<16x160x128xi32, #tpu.memory_space<hbm>> -> memref<1x1x128xi32, #tpu.memory_space<hbm>>
      %dma_wait3A_160 = tpu.memref_squeeze %dma_wait3A_159 : memref<1x1x128xi32, #tpu.memory_space<hbm>> -> memref<128xi32, #tpu.memory_space<hbm>>
      %dma_wait3A_161 = arith.constant 0 : i32
      %dma_wait3A_162 = tpu.memref_slice %arg3[%arg1, %add3A_147, %dma_wait3A_161] : memref<16x160x128xi32, #tpu.memory_space<hbm>> -> memref<1x1x128xi32, #tpu.memory_space<hbm>>
      %dma_wait3A_163 = tpu.memref_squeeze %dma_wait3A_162 : memref<1x1x128xi32, #tpu.memory_space<hbm>> -> memref<128xi32, #tpu.memory_space<hbm>>
      tpu.wait_dma2 semaphore(%arg24 : memref<!tpu.dma_semaphore, #tpu.memory_space<semaphore_mem>>) src(%dma_wait3A_163 : memref<128xi32, #tpu.memory_space<hbm>>) dst(%arg7 : memref<128xi32, #tpu.memory_space<vmem>>)
      %dma_start3A_164 = arith.constant 0 : i32
      %dma_start3A_165 = arith.constant 0 : i32
      %dma_start3A_166 = tpu.memref_slice %arg18[%dma_start3A_164, %dma_start3A_165] : memref<10240x64xf32, #tpu.memory_space<vmem_shared>> -> memref<10240x64xf32, #tpu.memory_space<vmem_shared>>
      tpu.enqueue_indirect_dma source(%arg12 : memref<128x64xf32, #tpu.memory_space<vmem>>) target(%dma_start3A_166 : memref<10240x64xf32, #tpu.memory_space<vmem_shared>>) offsets(%arg7 : memref<128xi32, #tpu.memory_space<vmem>>) semaphore(%arg29 : memref<!tpu.dma_semaphore, #tpu.memory_space<semaphore_mem>>) {add = true}
      %add3A_167 = arith.constant 1 : i32
      %add3A_168 = arith.addi %mul3A_123, %add3A_167 : i32
      %add3A_169 = arith.constant 4 : i32
      %add3A_170 = arith.addi %add3A_168, %add3A_169 : i32
      %lt3A = arith.constant 31 : i32
      %lt3A_171 = arith.cmpi slt, %add3A_121, %lt3A : i32
      %convert_element_type3A_172 = arith.extui %lt3A_171 : i1 to i32
      %cond3A_173 = arith.constant 0 : i32
      %cond3A_174 = arith.cmpi ne, %convert_element_type3A_172, %cond3A_173 : i32
      scf.if %cond3A_174 {
        %dma_wait3A_286 = arith.constant 0 : i32
        %dma_wait3A_287 = arith.constant 0 : i32
        %dma_wait3A_288 = tpu.memref_slice %arg18[%dma_wait3A_286, %dma_wait3A_287] : memref<10240x64xf32, #tpu.memory_space<vmem_shared>> -> memref<10240x64xf32, #tpu.memory_space<vmem_shared>>
        tpu.wait_indirect_dma semaphore(%arg29 : memref<!tpu.dma_semaphore, #tpu.memory_space<semaphore_mem>>) src(%arg12 : memref<128x64xf32, #tpu.memory_space<vmem>>) dst(%dma_wait3A_288 : memref<10240x64xf32, #tpu.memory_space<vmem_shared>>)
        %dma_start3A_289 = arith.constant 0 : i32
        %dma_start3A_290 = tpu.memref_slice %arg6[%add3A_170, %dma_start3A_289] : memref<160x128xi32, #tpu.memory_space<vmem>> -> memref<1x128xi32, #tpu.memory_space<vmem>>
        %dma_start3A_291 = tpu.memref_squeeze %dma_start3A_290 : memref<1x128xi32, #tpu.memory_space<vmem>> -> memref<128xi32, #tpu.memory_space<vmem>>
        %dma_start3A_292 = arith.constant 0 : i32
        %dma_start3A_293 = arith.constant 0 : i32
        %dma_start3A_294 = tpu.memref_slice %arg4[%arg0, %dma_start3A_292, %dma_start3A_293] : memref<2x10000x64xf32, #tpu.memory_space<hbm>> -> memref<1x10000x64xf32, #tpu.memory_space<hbm>>
        %dma_start3A_295 = tpu.memref_squeeze %dma_start3A_294 : memref<1x10000x64xf32, #tpu.memory_space<hbm>> -> memref<10000x64xf32, #tpu.memory_space<hbm>>
        %dma_start3A_296 = arith.constant 0 : i32
        %dma_start3A_297 = arith.constant 0 : i32
        %dma_start3A_298 = tpu.memref_slice %dma_start3A_295[%dma_start3A_296, %dma_start3A_297] : memref<10000x64xf32, #tpu.memory_space<hbm>> -> memref<10000x64xf32, #tpu.memory_space<hbm>>
        tpu.enqueue_indirect_dma source(%dma_start3A_298 : memref<10000x64xf32, #tpu.memory_space<hbm>>) target(%arg12 : memref<128x64xf32, #tpu.memory_space<vmem>>) offsets(%dma_start3A_291 : memref<128xi32, #tpu.memory_space<vmem>>) semaphore(%arg19 : memref<!tpu.dma_semaphore, #tpu.memory_space<semaphore_mem>>)
        %dma_start3A_299 = arith.constant 0 : i32
        %dma_start3A_300 = tpu.memref_slice %arg3[%arg1, %add3A_170, %dma_start3A_299] : memref<16x160x128xi32, #tpu.memory_space<hbm>> -> memref<1x1x128xi32, #tpu.memory_space<hbm>>
        %dma_start3A_301 = tpu.memref_squeeze %dma_start3A_300 : memref<1x1x128xi32, #tpu.memory_space<hbm>> -> memref<128xi32, #tpu.memory_space<hbm>>
        %dma_start3A_302 = arith.constant 0 : i32
        %dma_start3A_303 = tpu.memref_slice %arg3[%arg1, %add3A_170, %dma_start3A_302] : memref<16x160x128xi32, #tpu.memory_space<hbm>> -> memref<1x1x128xi32, #tpu.memory_space<hbm>>
        %dma_start3A_304 = tpu.memref_squeeze %dma_start3A_303 : memref<1x1x128xi32, #tpu.memory_space<hbm>> -> memref<128xi32, #tpu.memory_space<hbm>>
        tpu.enqueue_dma source(%dma_start3A_304 : memref<128xi32, #tpu.memory_space<hbm>>) target(%arg7 : memref<128xi32, #tpu.memory_space<vmem>>) target_semaphore(%arg24 : memref<!tpu.dma_semaphore, #tpu.memory_space<semaphore_mem>>)
      } else {
      }
      %add3A_175 = arith.constant 1 : i32
      %add3A_176 = arith.addi %mul3A_123, %add3A_175 : i32
      %dma_wait3A_177 = arith.constant 0 : i32
      %dma_wait3A_178 = tpu.memref_slice %arg6[%add3A_176, %dma_wait3A_177] : memref<160x128xi32, #tpu.memory_space<vmem>> -> memref<1x128xi32, #tpu.memory_space<vmem>>
      %dma_wait3A_179 = tpu.memref_squeeze %dma_wait3A_178 : memref<1x128xi32, #tpu.memory_space<vmem>> -> memref<128xi32, #tpu.memory_space<vmem>>
      %dma_wait3A_180 = arith.constant 0 : i32
      %dma_wait3A_181 = arith.constant 0 : i32
      %dma_wait3A_182 = tpu.memref_slice %arg4[%arg0, %dma_wait3A_180, %dma_wait3A_181] : memref<2x10000x64xf32, #tpu.memory_space<hbm>> -> memref<1x10000x64xf32, #tpu.memory_space<hbm>>
      %dma_wait3A_183 = tpu.memref_squeeze %dma_wait3A_182 : memref<1x10000x64xf32, #tpu.memory_space<hbm>> -> memref<10000x64xf32, #tpu.memory_space<hbm>>
      %dma_wait3A_184 = arith.constant 0 : i32
      %dma_wait3A_185 = arith.constant 0 : i32
      %dma_wait3A_186 = tpu.memref_slice %dma_wait3A_183[%dma_wait3A_184, %dma_wait3A_185] : memref<10000x64xf32, #tpu.memory_space<hbm>> -> memref<10000x64xf32, #tpu.memory_space<hbm>>
      tpu.wait_indirect_dma semaphore(%arg20 : memref<!tpu.dma_semaphore, #tpu.memory_space<semaphore_mem>>) src(%dma_wait3A_186 : memref<10000x64xf32, #tpu.memory_space<hbm>>) dst(%arg13 : memref<128x64xf32, #tpu.memory_space<vmem>>)
      %dma_wait3A_187 = arith.constant 0 : i32
      %dma_wait3A_188 = tpu.memref_slice %arg3[%arg1, %add3A_176, %dma_wait3A_187] : memref<16x160x128xi32, #tpu.memory_space<hbm>> -> memref<1x1x128xi32, #tpu.memory_space<hbm>>
      %dma_wait3A_189 = tpu.memref_squeeze %dma_wait3A_188 : memref<1x1x128xi32, #tpu.memory_space<hbm>> -> memref<128xi32, #tpu.memory_space<hbm>>
      %dma_wait3A_190 = arith.constant 0 : i32
      %dma_wait3A_191 = tpu.memref_slice %arg3[%arg1, %add3A_176, %dma_wait3A_190] : memref<16x160x128xi32, #tpu.memory_space<hbm>> -> memref<1x1x128xi32, #tpu.memory_space<hbm>>
      %dma_wait3A_192 = tpu.memref_squeeze %dma_wait3A_191 : memref<1x1x128xi32, #tpu.memory_space<hbm>> -> memref<128xi32, #tpu.memory_space<hbm>>
      tpu.wait_dma2 semaphore(%arg25 : memref<!tpu.dma_semaphore, #tpu.memory_space<semaphore_mem>>) src(%dma_wait3A_192 : memref<128xi32, #tpu.memory_space<hbm>>) dst(%arg8 : memref<128xi32, #tpu.memory_space<vmem>>)
      %dma_start3A_193 = arith.constant 0 : i32
      %dma_start3A_194 = arith.constant 0 : i32
      %dma_start3A_195 = tpu.memref_slice %arg18[%dma_start3A_193, %dma_start3A_194] : memref<10240x64xf32, #tpu.memory_space<vmem_shared>> -> memref<10240x64xf32, #tpu.memory_space<vmem_shared>>
      tpu.enqueue_indirect_dma source(%arg13 : memref<128x64xf32, #tpu.memory_space<vmem>>) target(%dma_start3A_195 : memref<10240x64xf32, #tpu.memory_space<vmem_shared>>) offsets(%arg8 : memref<128xi32, #tpu.memory_space<vmem>>) semaphore(%arg30 : memref<!tpu.dma_semaphore, #tpu.memory_space<semaphore_mem>>) {add = true}
      %add3A_196 = arith.constant 2 : i32
      %add3A_197 = arith.addi %mul3A_123, %add3A_196 : i32
      %add3A_198 = arith.constant 4 : i32
      %add3A_199 = arith.addi %add3A_197, %add3A_198 : i32
      %lt3A_200 = arith.constant 31 : i32
      %lt3A_201 = arith.cmpi slt, %add3A_121, %lt3A_200 : i32
      %convert_element_type3A_202 = arith.extui %lt3A_201 : i1 to i32
      %cond3A_203 = arith.constant 0 : i32
      %cond3A_204 = arith.cmpi ne, %convert_element_type3A_202, %cond3A_203 : i32
      scf.if %cond3A_204 {
        %dma_wait3A_286 = arith.constant 0 : i32
        %dma_wait3A_287 = arith.constant 0 : i32
        %dma_wait3A_288 = tpu.memref_slice %arg18[%dma_wait3A_286, %dma_wait3A_287] : memref<10240x64xf32, #tpu.memory_space<vmem_shared>> -> memref<10240x64xf32, #tpu.memory_space<vmem_shared>>
        tpu.wait_indirect_dma semaphore(%arg30 : memref<!tpu.dma_semaphore, #tpu.memory_space<semaphore_mem>>) src(%arg13 : memref<128x64xf32, #tpu.memory_space<vmem>>) dst(%dma_wait3A_288 : memref<10240x64xf32, #tpu.memory_space<vmem_shared>>)
        %dma_start3A_289 = arith.constant 0 : i32
        %dma_start3A_290 = tpu.memref_slice %arg6[%add3A_199, %dma_start3A_289] : memref<160x128xi32, #tpu.memory_space<vmem>> -> memref<1x128xi32, #tpu.memory_space<vmem>>
        %dma_start3A_291 = tpu.memref_squeeze %dma_start3A_290 : memref<1x128xi32, #tpu.memory_space<vmem>> -> memref<128xi32, #tpu.memory_space<vmem>>
        %dma_start3A_292 = arith.constant 0 : i32
        %dma_start3A_293 = arith.constant 0 : i32
        %dma_start3A_294 = tpu.memref_slice %arg4[%arg0, %dma_start3A_292, %dma_start3A_293] : memref<2x10000x64xf32, #tpu.memory_space<hbm>> -> memref<1x10000x64xf32, #tpu.memory_space<hbm>>
        %dma_start3A_295 = tpu.memref_squeeze %dma_start3A_294 : memref<1x10000x64xf32, #tpu.memory_space<hbm>> -> memref<10000x64xf32, #tpu.memory_space<hbm>>
        %dma_start3A_296 = arith.constant 0 : i32
        %dma_start3A_297 = arith.constant 0 : i32
        %dma_start3A_298 = tpu.memref_slice %dma_start3A_295[%dma_start3A_296, %dma_start3A_297] : memref<10000x64xf32, #tpu.memory_space<hbm>> -> memref<10000x64xf32, #tpu.memory_space<hbm>>
        tpu.enqueue_indirect_dma source(%dma_start3A_298 : memref<10000x64xf32, #tpu.memory_space<hbm>>) target(%arg13 : memref<128x64xf32, #tpu.memory_space<vmem>>) offsets(%dma_start3A_291 : memref<128xi32, #tpu.memory_space<vmem>>) semaphore(%arg20 : memref<!tpu.dma_semaphore, #tpu.memory_space<semaphore_mem>>)
        %dma_start3A_299 = arith.constant 0 : i32
        %dma_start3A_300 = tpu.memref_slice %arg3[%arg1, %add3A_199, %dma_start3A_299] : memref<16x160x128xi32, #tpu.memory_space<hbm>> -> memref<1x1x128xi32, #tpu.memory_space<hbm>>
        %dma_start3A_301 = tpu.memref_squeeze %dma_start3A_300 : memref<1x1x128xi32, #tpu.memory_space<hbm>> -> memref<128xi32, #tpu.memory_space<hbm>>
        %dma_start3A_302 = arith.constant 0 : i32
        %dma_start3A_303 = tpu.memref_slice %arg3[%arg1, %add3A_199, %dma_start3A_302] : memref<16x160x128xi32, #tpu.memory_space<hbm>> -> memref<1x1x128xi32, #tpu.memory_space<hbm>>
        %dma_start3A_304 = tpu.memref_squeeze %dma_start3A_303 : memref<1x1x128xi32, #tpu.memory_space<hbm>> -> memref<128xi32, #tpu.memory_space<hbm>>
        tpu.enqueue_dma source(%dma_start3A_304 : memref<128xi32, #tpu.memory_space<hbm>>) target(%arg8 : memref<128xi32, #tpu.memory_space<vmem>>) target_semaphore(%arg25 : memref<!tpu.dma_semaphore, #tpu.memory_space<semaphore_mem>>)
      } else {
      }
      %add3A_205 = arith.constant 2 : i32
      %add3A_206 = arith.addi %mul3A_123, %add3A_205 : i32
      %dma_wait3A_207 = arith.constant 0 : i32
      %dma_wait3A_208 = tpu.memref_slice %arg6[%add3A_206, %dma_wait3A_207] : memref<160x128xi32, #tpu.memory_space<vmem>> -> memref<1x128xi32, #tpu.memory_space<vmem>>
      %dma_wait3A_209 = tpu.memref_squeeze %dma_wait3A_208 : memref<1x128xi32, #tpu.memory_space<vmem>> -> memref<128xi32, #tpu.memory_space<vmem>>
      %dma_wait3A_210 = arith.constant 0 : i32
      %dma_wait3A_211 = arith.constant 0 : i32
      %dma_wait3A_212 = tpu.memref_slice %arg4[%arg0, %dma_wait3A_210, %dma_wait3A_211] : memref<2x10000x64xf32, #tpu.memory_space<hbm>> -> memref<1x10000x64xf32, #tpu.memory_space<hbm>>
      %dma_wait3A_213 = tpu.memref_squeeze %dma_wait3A_212 : memref<1x10000x64xf32, #tpu.memory_space<hbm>> -> memref<10000x64xf32, #tpu.memory_space<hbm>>
      %dma_wait3A_214 = arith.constant 0 : i32
      %dma_wait3A_215 = arith.constant 0 : i32
      %dma_wait3A_216 = tpu.memref_slice %dma_wait3A_213[%dma_wait3A_214, %dma_wait3A_215] : memref<10000x64xf32, #tpu.memory_space<hbm>> -> memref<10000x64xf32, #tpu.memory_space<hbm>>
      tpu.wait_indirect_dma semaphore(%arg21 : memref<!tpu.dma_semaphore, #tpu.memory_space<semaphore_mem>>) src(%dma_wait3A_216 : memref<10000x64xf32, #tpu.memory_space<hbm>>) dst(%arg14 : memref<128x64xf32, #tpu.memory_space<vmem>>)
      %dma_wait3A_217 = arith.constant 0 : i32
      %dma_wait3A_218 = tpu.memref_slice %arg3[%arg1, %add3A_206, %dma_wait3A_217] : memref<16x160x128xi32, #tpu.memory_space<hbm>> -> memref<1x1x128xi32, #tpu.memory_space<hbm>>
      %dma_wait3A_219 = tpu.memref_squeeze %dma_wait3A_218 : memref<1x1x128xi32, #tpu.memory_space<hbm>> -> memref<128xi32, #tpu.memory_space<hbm>>
      %dma_wait3A_220 = arith.constant 0 : i32
      %dma_wait3A_221 = tpu.memref_slice %arg3[%arg1, %add3A_206, %dma_wait3A_220] : memref<16x160x128xi32, #tpu.memory_space<hbm>> -> memref<1x1x128xi32, #tpu.memory_space<hbm>>
      %dma_wait3A_222 = tpu.memref_squeeze %dma_wait3A_221 : memref<1x1x128xi32, #tpu.memory_space<hbm>> -> memref<128xi32, #tpu.memory_space<hbm>>
      tpu.wait_dma2 semaphore(%arg26 : memref<!tpu.dma_semaphore, #tpu.memory_space<semaphore_mem>>) src(%dma_wait3A_222 : memref<128xi32, #tpu.memory_space<hbm>>) dst(%arg9 : memref<128xi32, #tpu.memory_space<vmem>>)
      %dma_start3A_223 = arith.constant 0 : i32
      %dma_start3A_224 = arith.constant 0 : i32
      %dma_start3A_225 = tpu.memref_slice %arg18[%dma_start3A_223, %dma_start3A_224] : memref<10240x64xf32, #tpu.memory_space<vmem_shared>> -> memref<10240x64xf32, #tpu.memory_space<vmem_shared>>
      tpu.enqueue_indirect_dma source(%arg14 : memref<128x64xf32, #tpu.memory_space<vmem>>) target(%dma_start3A_225 : memref<10240x64xf32, #tpu.memory_space<vmem_shared>>) offsets(%arg9 : memref<128xi32, #tpu.memory_space<vmem>>) semaphore(%arg31 : memref<!tpu.dma_semaphore, #tpu.memory_space<semaphore_mem>>) {add = true}
      %add3A_226 = arith.constant 3 : i32
      %add3A_227 = arith.addi %mul3A_123, %add3A_226 : i32
      %add3A_228 = arith.constant 4 : i32
      %add3A_229 = arith.addi %add3A_227, %add3A_228 : i32
      %lt3A_230 = arith.constant 31 : i32
      %lt3A_231 = arith.cmpi slt, %add3A_121, %lt3A_230 : i32
      %convert_element_type3A_232 = arith.extui %lt3A_231 : i1 to i32
      %cond3A_233 = arith.constant 0 : i32
      %cond3A_234 = arith.cmpi ne, %convert_element_type3A_232, %cond3A_233 : i32
      scf.if %cond3A_234 {
        %dma_wait3A_286 = arith.constant 0 : i32
        %dma_wait3A_287 = arith.constant 0 : i32
        %dma_wait3A_288 = tpu.memref_slice %arg18[%dma_wait3A_286, %dma_wait3A_287] : memref<10240x64xf32, #tpu.memory_space<vmem_shared>> -> memref<10240x64xf32, #tpu.memory_space<vmem_shared>>
        tpu.wait_indirect_dma semaphore(%arg31 : memref<!tpu.dma_semaphore, #tpu.memory_space<semaphore_mem>>) src(%arg14 : memref<128x64xf32, #tpu.memory_space<vmem>>) dst(%dma_wait3A_288 : memref<10240x64xf32, #tpu.memory_space<vmem_shared>>)
        %dma_start3A_289 = arith.constant 0 : i32
        %dma_start3A_290 = tpu.memref_slice %arg6[%add3A_229, %dma_start3A_289] : memref<160x128xi32, #tpu.memory_space<vmem>> -> memref<1x128xi32, #tpu.memory_space<vmem>>
        %dma_start3A_291 = tpu.memref_squeeze %dma_start3A_290 : memref<1x128xi32, #tpu.memory_space<vmem>> -> memref<128xi32, #tpu.memory_space<vmem>>
        %dma_start3A_292 = arith.constant 0 : i32
        %dma_start3A_293 = arith.constant 0 : i32
        %dma_start3A_294 = tpu.memref_slice %arg4[%arg0, %dma_start3A_292, %dma_start3A_293] : memref<2x10000x64xf32, #tpu.memory_space<hbm>> -> memref<1x10000x64xf32, #tpu.memory_space<hbm>>
        %dma_start3A_295 = tpu.memref_squeeze %dma_start3A_294 : memref<1x10000x64xf32, #tpu.memory_space<hbm>> -> memref<10000x64xf32, #tpu.memory_space<hbm>>
        %dma_start3A_296 = arith.constant 0 : i32
        %dma_start3A_297 = arith.constant 0 : i32
        %dma_start3A_298 = tpu.memref_slice %dma_start3A_295[%dma_start3A_296, %dma_start3A_297] : memref<10000x64xf32, #tpu.memory_space<hbm>> -> memref<10000x64xf32, #tpu.memory_space<hbm>>
        tpu.enqueue_indirect_dma source(%dma_start3A_298 : memref<10000x64xf32, #tpu.memory_space<hbm>>) target(%arg14 : memref<128x64xf32, #tpu.memory_space<vmem>>) offsets(%dma_start3A_291 : memref<128xi32, #tpu.memory_space<vmem>>) semaphore(%arg21 : memref<!tpu.dma_semaphore, #tpu.memory_space<semaphore_mem>>)
        %dma_start3A_299 = arith.constant 0 : i32
        %dma_start3A_300 = tpu.memref_slice %arg3[%arg1, %add3A_229, %dma_start3A_299] : memref<16x160x128xi32, #tpu.memory_space<hbm>> -> memref<1x1x128xi32, #tpu.memory_space<hbm>>
        %dma_start3A_301 = tpu.memref_squeeze %dma_start3A_300 : memref<1x1x128xi32, #tpu.memory_space<hbm>> -> memref<128xi32, #tpu.memory_space<hbm>>
        %dma_start3A_302 = arith.constant 0 : i32
        %dma_start3A_303 = tpu.memref_slice %arg3[%arg1, %add3A_229, %dma_start3A_302] : memref<16x160x128xi32, #tpu.memory_space<hbm>> -> memref<1x1x128xi32, #tpu.memory_space<hbm>>
        %dma_start3A_304 = tpu.memref_squeeze %dma_start3A_303 : memref<1x1x128xi32, #tpu.memory_space<hbm>> -> memref<128xi32, #tpu.memory_space<hbm>>
        tpu.enqueue_dma source(%dma_start3A_304 : memref<128xi32, #tpu.memory_space<hbm>>) target(%arg9 : memref<128xi32, #tpu.memory_space<vmem>>) target_semaphore(%arg26 : memref<!tpu.dma_semaphore, #tpu.memory_space<semaphore_mem>>)
      } else {
      }
      %add3A_235 = arith.constant 3 : i32
      %add3A_236 = arith.addi %mul3A_123, %add3A_235 : i32
      %dma_wait3A_237 = arith.constant 0 : i32
      %dma_wait3A_238 = tpu.memref_slice %arg6[%add3A_236, %dma_wait3A_237] : memref<160x128xi32, #tpu.memory_space<vmem>> -> memref<1x128xi32, #tpu.memory_space<vmem>>
      %dma_wait3A_239 = tpu.memref_squeeze %dma_wait3A_238 : memref<1x128xi32, #tpu.memory_space<vmem>> -> memref<128xi32, #tpu.memory_space<vmem>>
      %dma_wait3A_240 = arith.constant 0 : i32
      %dma_wait3A_241 = arith.constant 0 : i32
      %dma_wait3A_242 = tpu.memref_slice %arg4[%arg0, %dma_wait3A_240, %dma_wait3A_241] : memref<2x10000x64xf32, #tpu.memory_space<hbm>> -> memref<1x10000x64xf32, #tpu.memory_space<hbm>>
      %dma_wait3A_243 = tpu.memref_squeeze %dma_wait3A_242 : memref<1x10000x64xf32, #tpu.memory_space<hbm>> -> memref<10000x64xf32, #tpu.memory_space<hbm>>
      %dma_wait3A_244 = arith.constant 0 : i32
      %dma_wait3A_245 = arith.constant 0 : i32
      %dma_wait3A_246 = tpu.memref_slice %dma_wait3A_243[%dma_wait3A_244, %dma_wait3A_245] : memref<10000x64xf32, #tpu.memory_space<hbm>> -> memref<10000x64xf32, #tpu.memory_space<hbm>>
      tpu.wait_indirect_dma semaphore(%arg22 : memref<!tpu.dma_semaphore, #tpu.memory_space<semaphore_mem>>) src(%dma_wait3A_246 : memref<10000x64xf32, #tpu.memory_space<hbm>>) dst(%arg15 : memref<128x64xf32, #tpu.memory_space<vmem>>)
      %dma_wait3A_247 = arith.constant 0 : i32
      %dma_wait3A_248 = tpu.memref_slice %arg3[%arg1, %add3A_236, %dma_wait3A_247] : memref<16x160x128xi32, #tpu.memory_space<hbm>> -> memref<1x1x128xi32, #tpu.memory_space<hbm>>
      %dma_wait3A_249 = tpu.memref_squeeze %dma_wait3A_248 : memref<1x1x128xi32, #tpu.memory_space<hbm>> -> memref<128xi32, #tpu.memory_space<hbm>>
      %dma_wait3A_250 = arith.constant 0 : i32
      %dma_wait3A_251 = tpu.memref_slice %arg3[%arg1, %add3A_236, %dma_wait3A_250] : memref<16x160x128xi32, #tpu.memory_space<hbm>> -> memref<1x1x128xi32, #tpu.memory_space<hbm>>
      %dma_wait3A_252 = tpu.memref_squeeze %dma_wait3A_251 : memref<1x1x128xi32, #tpu.memory_space<hbm>> -> memref<128xi32, #tpu.memory_space<hbm>>
      tpu.wait_dma2 semaphore(%arg27 : memref<!tpu.dma_semaphore, #tpu.memory_space<semaphore_mem>>) src(%dma_wait3A_252 : memref<128xi32, #tpu.memory_space<hbm>>) dst(%arg10 : memref<128xi32, #tpu.memory_space<vmem>>)
      %dma_start3A_253 = arith.constant 0 : i32
      %dma_start3A_254 = arith.constant 0 : i32
      %dma_start3A_255 = tpu.memref_slice %arg18[%dma_start3A_253, %dma_start3A_254] : memref<10240x64xf32, #tpu.memory_space<vmem_shared>> -> memref<10240x64xf32, #tpu.memory_space<vmem_shared>>
      tpu.enqueue_indirect_dma source(%arg15 : memref<128x64xf32, #tpu.memory_space<vmem>>) target(%dma_start3A_255 : memref<10240x64xf32, #tpu.memory_space<vmem_shared>>) offsets(%arg10 : memref<128xi32, #tpu.memory_space<vmem>>) semaphore(%arg32 : memref<!tpu.dma_semaphore, #tpu.memory_space<semaphore_mem>>) {add = true}
      %add3A_256 = arith.constant 4 : i32
      %add3A_257 = arith.addi %mul3A_123, %add3A_256 : i32
      %add3A_258 = arith.constant 4 : i32
      %add3A_259 = arith.addi %add3A_257, %add3A_258 : i32
      %lt3A_260 = arith.constant 31 : i32
      %lt3A_261 = arith.cmpi slt, %add3A_121, %lt3A_260 : i32
      %convert_element_type3A_262 = arith.extui %lt3A_261 : i1 to i32
      %cond3A_263 = arith.constant 0 : i32
      %cond3A_264 = arith.cmpi ne, %convert_element_type3A_262, %cond3A_263 : i32
      scf.if %cond3A_264 {
        %dma_wait3A_286 = arith.constant 0 : i32
        %dma_wait3A_287 = arith.constant 0 : i32
        %dma_wait3A_288 = tpu.memref_slice %arg18[%dma_wait3A_286, %dma_wait3A_287] : memref<10240x64xf32, #tpu.memory_space<vmem_shared>> -> memref<10240x64xf32, #tpu.memory_space<vmem_shared>>
        tpu.wait_indirect_dma semaphore(%arg32 : memref<!tpu.dma_semaphore, #tpu.memory_space<semaphore_mem>>) src(%arg15 : memref<128x64xf32, #tpu.memory_space<vmem>>) dst(%dma_wait3A_288 : memref<10240x64xf32, #tpu.memory_space<vmem_shared>>)
        %dma_start3A_289 = arith.constant 0 : i32
        %dma_start3A_290 = tpu.memref_slice %arg6[%add3A_259, %dma_start3A_289] : memref<160x128xi32, #tpu.memory_space<vmem>> -> memref<1x128xi32, #tpu.memory_space<vmem>>
        %dma_start3A_291 = tpu.memref_squeeze %dma_start3A_290 : memref<1x128xi32, #tpu.memory_space<vmem>> -> memref<128xi32, #tpu.memory_space<vmem>>
        %dma_start3A_292 = arith.constant 0 : i32
        %dma_start3A_293 = arith.constant 0 : i32
        %dma_start3A_294 = tpu.memref_slice %arg4[%arg0, %dma_start3A_292, %dma_start3A_293] : memref<2x10000x64xf32, #tpu.memory_space<hbm>> -> memref<1x10000x64xf32, #tpu.memory_space<hbm>>
        %dma_start3A_295 = tpu.memref_squeeze %dma_start3A_294 : memref<1x10000x64xf32, #tpu.memory_space<hbm>> -> memref<10000x64xf32, #tpu.memory_space<hbm>>
        %dma_start3A_296 = arith.constant 0 : i32
        %dma_start3A_297 = arith.constant 0 : i32
        %dma_start3A_298 = tpu.memref_slice %dma_start3A_295[%dma_start3A_296, %dma_start3A_297] : memref<10000x64xf32, #tpu.memory_space<hbm>> -> memref<10000x64xf32, #tpu.memory_space<hbm>>
        tpu.enqueue_indirect_dma source(%dma_start3A_298 : memref<10000x64xf32, #tpu.memory_space<hbm>>) target(%arg15 : memref<128x64xf32, #tpu.memory_space<vmem>>) offsets(%dma_start3A_291 : memref<128xi32, #tpu.memory_space<vmem>>) semaphore(%arg22 : memref<!tpu.dma_semaphore, #tpu.memory_space<semaphore_mem>>)
        %dma_start3A_299 = arith.constant 0 : i32
        %dma_start3A_300 = tpu.memref_slice %arg3[%arg1, %add3A_259, %dma_start3A_299] : memref<16x160x128xi32, #tpu.memory_space<hbm>> -> memref<1x1x128xi32, #tpu.memory_space<hbm>>
        %dma_start3A_301 = tpu.memref_squeeze %dma_start3A_300 : memref<1x1x128xi32, #tpu.memory_space<hbm>> -> memref<128xi32, #tpu.memory_space<hbm>>
        %dma_start3A_302 = arith.constant 0 : i32
        %dma_start3A_303 = tpu.memref_slice %arg3[%arg1, %add3A_259, %dma_start3A_302] : memref<16x160x128xi32, #tpu.memory_space<hbm>> -> memref<1x1x128xi32, #tpu.memory_space<hbm>>
        %dma_start3A_304 = tpu.memref_squeeze %dma_start3A_303 : memref<1x1x128xi32, #tpu.memory_space<hbm>> -> memref<128xi32, #tpu.memory_space<hbm>>
        tpu.enqueue_dma source(%dma_start3A_304 : memref<128xi32, #tpu.memory_space<hbm>>) target(%arg10 : memref<128xi32, #tpu.memory_space<vmem>>) target_semaphore(%arg27 : memref<!tpu.dma_semaphore, #tpu.memory_space<semaphore_mem>>)
      } else {
      }
      %add3A_265 = arith.constant 4 : i32
      %add3A_266 = arith.addi %mul3A_123, %add3A_265 : i32
      %dma_wait3A_267 = arith.constant 0 : i32
      %dma_wait3A_268 = tpu.memref_slice %arg6[%add3A_266, %dma_wait3A_267] : memref<160x128xi32, #tpu.memory_space<vmem>> -> memref<1x128xi32, #tpu.memory_space<vmem>>
      %dma_wait3A_269 = tpu.memref_squeeze %dma_wait3A_268 : memref<1x128xi32, #tpu.memory_space<vmem>> -> memref<128xi32, #tpu.memory_space<vmem>>
      %dma_wait3A_270 = arith.constant 0 : i32
      %dma_wait3A_271 = arith.constant 0 : i32
      %dma_wait3A_272 = tpu.memref_slice %arg4[%arg0, %dma_wait3A_270, %dma_wait3A_271] : memref<2x10000x64xf32, #tpu.memory_space<hbm>> -> memref<1x10000x64xf32, #tpu.memory_space<hbm>>
      %dma_wait3A_273 = tpu.memref_squeeze %dma_wait3A_272 : memref<1x10000x64xf32, #tpu.memory_space<hbm>> -> memref<10000x64xf32, #tpu.memory_space<hbm>>
      %dma_wait3A_274 = arith.constant 0 : i32
      %dma_wait3A_275 = arith.constant 0 : i32
      %dma_wait3A_276 = tpu.memref_slice %dma_wait3A_273[%dma_wait3A_274, %dma_wait3A_275] : memref<10000x64xf32, #tpu.memory_space<hbm>> -> memref<10000x64xf32, #tpu.memory_space<hbm>>
      tpu.wait_indirect_dma semaphore(%arg23 : memref<!tpu.dma_semaphore, #tpu.memory_space<semaphore_mem>>) src(%dma_wait3A_276 : memref<10000x64xf32, #tpu.memory_space<hbm>>) dst(%arg16 : memref<128x64xf32, #tpu.memory_space<vmem>>)
      %dma_wait3A_277 = arith.constant 0 : i32
      %dma_wait3A_278 = tpu.memref_slice %arg3[%arg1, %add3A_266, %dma_wait3A_277] : memref<16x160x128xi32, #tpu.memory_space<hbm>> -> memref<1x1x128xi32, #tpu.memory_space<hbm>>
      %dma_wait3A_279 = tpu.memref_squeeze %dma_wait3A_278 : memref<1x1x128xi32, #tpu.memory_space<hbm>> -> memref<128xi32, #tpu.memory_space<hbm>>
      %dma_wait3A_280 = arith.constant 0 : i32
      %dma_wait3A_281 = tpu.memref_slice %arg3[%arg1, %add3A_266, %dma_wait3A_280] : memref<16x160x128xi32, #tpu.memory_space<hbm>> -> memref<1x1x128xi32, #tpu.memory_space<hbm>>
      %dma_wait3A_282 = tpu.memref_squeeze %dma_wait3A_281 : memref<1x1x128xi32, #tpu.memory_space<hbm>> -> memref<128xi32, #tpu.memory_space<hbm>>
      tpu.wait_dma2 semaphore(%arg28 : memref<!tpu.dma_semaphore, #tpu.memory_space<semaphore_mem>>) src(%dma_wait3A_282 : memref<128xi32, #tpu.memory_space<hbm>>) dst(%arg11 : memref<128xi32, #tpu.memory_space<vmem>>)
      %dma_start3A_283 = arith.constant 0 : i32
      %dma_start3A_284 = arith.constant 0 : i32
      %dma_start3A_285 = tpu.memref_slice %arg18[%dma_start3A_283, %dma_start3A_284] : memref<10240x64xf32, #tpu.memory_space<vmem_shared>> -> memref<10240x64xf32, #tpu.memory_space<vmem_shared>>
      tpu.enqueue_indirect_dma source(%arg16 : memref<128x64xf32, #tpu.memory_space<vmem>>) target(%dma_start3A_285 : memref<10240x64xf32, #tpu.memory_space<vmem_shared>>) offsets(%arg11 : memref<128xi32, #tpu.memory_space<vmem>>) semaphore(%arg33 : memref<!tpu.dma_semaphore, #tpu.memory_space<semaphore_mem>>) {add = true}
    }
    %scan3A_97 = arith.constant 32 : i32
    %dma_wait3A = arith.constant 0 : i32
    %dma_wait3A_98 = arith.constant 0 : i32
    %dma_wait3A_99 = tpu.memref_slice %arg18[%dma_wait3A, %dma_wait3A_98] : memref<10240x64xf32, #tpu.memory_space<vmem_shared>> -> memref<10240x64xf32, #tpu.memory_space<vmem_shared>>
    tpu.wait_indirect_dma semaphore(%arg29 : memref<!tpu.dma_semaphore, #tpu.memory_space<semaphore_mem>>) src(%arg12 : memref<128x64xf32, #tpu.memory_space<vmem>>) dst(%dma_wait3A_99 : memref<10240x64xf32, #tpu.memory_space<vmem_shared>>)
    %dma_wait3A_100 = arith.constant 0 : i32
    %dma_wait3A_101 = arith.constant 0 : i32
    %dma_wait3A_102 = tpu.memref_slice %arg18[%dma_wait3A_100, %dma_wait3A_101] : memref<10240x64xf32, #tpu.memory_space<vmem_shared>> -> memref<10240x64xf32, #tpu.memory_space<vmem_shared>>
    tpu.wait_indirect_dma semaphore(%arg30 : memref<!tpu.dma_semaphore, #tpu.memory_space<semaphore_mem>>) src(%arg13 : memref<128x64xf32, #tpu.memory_space<vmem>>) dst(%dma_wait3A_102 : memref<10240x64xf32, #tpu.memory_space<vmem_shared>>)
    %dma_wait3A_103 = arith.constant 0 : i32
    %dma_wait3A_104 = arith.constant 0 : i32
    %dma_wait3A_105 = tpu.memref_slice %arg18[%dma_wait3A_103, %dma_wait3A_104] : memref<10240x64xf32, #tpu.memory_space<vmem_shared>> -> memref<10240x64xf32, #tpu.memory_space<vmem_shared>>
    tpu.wait_indirect_dma semaphore(%arg31 : memref<!tpu.dma_semaphore, #tpu.memory_space<semaphore_mem>>) src(%arg14 : memref<128x64xf32, #tpu.memory_space<vmem>>) dst(%dma_wait3A_105 : memref<10240x64xf32, #tpu.memory_space<vmem_shared>>)
    %dma_wait3A_106 = arith.constant 0 : i32
    %dma_wait3A_107 = arith.constant 0 : i32
    %dma_wait3A_108 = tpu.memref_slice %arg18[%dma_wait3A_106, %dma_wait3A_107] : memref<10240x64xf32, #tpu.memory_space<vmem_shared>> -> memref<10240x64xf32, #tpu.memory_space<vmem_shared>>
    tpu.wait_indirect_dma semaphore(%arg32 : memref<!tpu.dma_semaphore, #tpu.memory_space<semaphore_mem>>) src(%arg15 : memref<128x64xf32, #tpu.memory_space<vmem>>) dst(%dma_wait3A_108 : memref<10240x64xf32, #tpu.memory_space<vmem_shared>>)
    %dma_wait3A_109 = arith.constant 0 : i32
    %dma_wait3A_110 = arith.constant 0 : i32
    %dma_wait3A_111 = tpu.memref_slice %arg18[%dma_wait3A_109, %dma_wait3A_110] : memref<10240x64xf32, #tpu.memory_space<vmem_shared>> -> memref<10240x64xf32, #tpu.memory_space<vmem_shared>>
    tpu.wait_indirect_dma semaphore(%arg33 : memref<!tpu.dma_semaphore, #tpu.memory_space<semaphore_mem>>) src(%arg16 : memref<128x64xf32, #tpu.memory_space<vmem>>) dst(%dma_wait3A_111 : memref<10240x64xf32, #tpu.memory_space<vmem_shared>>)
    %barrier3A_112 = arith.constant 0 : index
    tpu.barrier barrier_id(%barrier3A_112)
    %mul3A_113 = arith.constant 640 : i32
    %mul3A_114 = arith.muli %arg1, %mul3A_113 : i32
    %mul3A_115 = arith.constant 640 : i32
    %mul3A_116 = arith.muli %arg1, %mul3A_115 : i32
    "tpu.region"() ({
      %run_scoped3A = tpu.sem_alloc : memref<!tpu.dma_semaphore, #tpu.memory_space<semaphore_mem>>
      %dma_start3A_117 = arith.constant 0 : i32
      %dma_start3A_118 = tpu.memref_slice %arg5[%arg0, %mul3A_116, %dma_start3A_117] : memref<2x10240x64xf32, #tpu.memory_space<hbm>> -> memref<1x640x64xf32, #tpu.memory_space<hbm>>
      %dma_start3A_119 = tpu.memref_squeeze %dma_start3A_118 : memref<1x640x64xf32, #tpu.memory_space<hbm>> -> memref<640x64xf32, #tpu.memory_space<hbm>>
      %dma_start3A_120 = arith.constant 0 : i32
      %dma_start3A_121 = tpu.memref_slice %arg18[%mul3A_114, %dma_start3A_120] : memref<10240x64xf32, #tpu.memory_space<vmem_shared>> -> memref<640x64xf32, #tpu.memory_space<vmem_shared>>
      tpu.enqueue_dma source(%dma_start3A_121 : memref<640x64xf32, #tpu.memory_space<vmem_shared>>) target(%dma_start3A_119 : memref<640x64xf32, #tpu.memory_space<hbm>>) target_semaphore(%run_scoped3A : memref<!tpu.dma_semaphore, #tpu.memory_space<semaphore_mem>>)
      %dma_wait3A_122 = arith.constant 0 : i32
      %dma_wait3A_123 = tpu.memref_slice %arg5[%arg0, %mul3A_116, %dma_wait3A_122] : memref<2x10240x64xf32, #tpu.memory_space<hbm>> -> memref<1x640x64xf32, #tpu.memory_space<hbm>>
      %dma_wait3A_124 = tpu.memref_squeeze %dma_wait3A_123 : memref<1x640x64xf32, #tpu.memory_space<hbm>> -> memref<640x64xf32, #tpu.memory_space<hbm>>
      %dma_wait3A_125 = arith.constant 0 : i32
      %dma_wait3A_126 = tpu.memref_slice %arg18[%mul3A_114, %dma_wait3A_125] : memref<10240x64xf32, #tpu.memory_space<vmem_shared>> -> memref<640x64xf32, #tpu.memory_space<vmem_shared>>
      tpu.wait_dma2 semaphore(%run_scoped3A : memref<!tpu.dma_semaphore, #tpu.memory_space<semaphore_mem>>) src(%dma_wait3A_126 : memref<640x64xf32, #tpu.memory_space<vmem_shared>>) dst(%dma_wait3A_124 : memref<640x64xf32, #tpu.memory_space<hbm>>)
      tpu.yield
    }) : () -> ()
    return
  }
}

module attributes {stable_mosaic.version = 14 : i64} {
  func.func @_prep_body(%arg0: i32, %arg1: memref<2000x64xf32, #tpu.memory_space<vmem>>, %arg2: memref<2000x64xf32, #tpu.memory_space<vmem>>, %arg3: memref<2000x128xf32, #tpu.memory_space<vmem>>, %arg4: memref<128x128xf32, #tpu.memory_space<vmem>>, %arg5: memref<2000x1xf32, #tpu.memory_space<vmem>>, %arg6: memref<2x2000x64xf32, #tpu.memory_space<vmem>>) attributes {dimension_semantics = [#tpu.dimension_semantics<arbitrary>], iteration_bounds = array<i64: 5>, scalar_prefetch = 0 : i64, scratch_operands = 0 : i64, tpu.core_type = #tpu.core_type<tc>, window_params = [{transform_indices = @transform_0, window_bounds = array<i64: 2000, 64>}, {transform_indices = @transform_1, window_bounds = array<i64: 2000, 64>}, {transform_indices = @transform_2, window_bounds = array<i64: 2000, 128>}, {pipeline_mode = #tpu.pipeline_mode<synchronous>, transform_indices = @transform_3, window_bounds = array<i64: 128, 128>}, {transform_indices = @transform_4, window_bounds = array<i64: 2000, 1>}, {transform_indices = @transform_5, window_bounds = array<i64: 2, 2000, 64>}]} {
    %get3A = arith.constant 0 : index
    %get3A_0 = arith.constant 0 : index
    %get3A_1 = vector.load %arg1[%get3A, %get3A_0] : memref<2000x64xf32, #tpu.memory_space<vmem>>, vector<2000x1xf32>
    %get3A_2 = arith.constant 0 : index
    %get3A_3 = arith.constant 0 : index
    %get3A_4 = vector.load %arg2[%get3A_2, %get3A_3] : memref<2000x64xf32, #tpu.memory_space<vmem>>, vector<2000x1xf32>
    %add3A = arith.addf %get3A_1, %get3A_4 : vector<2000x1xf32>
    %add3A_5 = arith.constant 1.000000e+00 : f32
    %add3A_6 = vector.broadcast %add3A_5 : f32 to vector<2000x1xf32>
    %add3A_7 = arith.addf %add3A, %add3A_6 : vector<2000x1xf32>
    %rsqrt3A = math.rsqrt %add3A_7 : vector<2000x1xf32>
    %swap3A = arith.constant 0 : index
    %swap3A_8 = arith.constant 0 : index
    %swap3A_9 = vector.load %arg5[%swap3A, %swap3A_8] : memref<2000x1xf32, #tpu.memory_space<vmem>>, vector<2000x1xf32>
    tpu.vector_store %arg5[%swap3A, %swap3A_8], %rsqrt3A {strides = array<i32>} : memref<2000x1xf32, #tpu.memory_space<vmem>>, vector<2000x1xf32>,
    %get3A_10 = arith.constant 0 : index
    %get3A_11 = arith.constant 0 : index
    %get3A_12 = vector.load %arg3[%get3A_10, %get3A_11] : memref<2000x128xf32, #tpu.memory_space<vmem>>, vector<2000x128xf32>
    %get3A_13 = arith.constant 0 : index
    %get3A_14 = arith.constant 0 : index
    %get3A_15 = vector.load %arg4[%get3A_13, %get3A_14] : memref<128x128xf32, #tpu.memory_space<vmem>>, vector<128x128xf32>
    %dot_general3A = arith.constant dense<0.000000e+00> : vector<2000x128xf32>
    %dot_general3A_16 = tpu.matmul %get3A_12, %get3A_15, %dot_general3A {dimension_numbers = #tpu.dot_dimension_numbers<[1], [0], [0], [1], [0, 0, 1, 1], [], []>, transpose_lhs_hint = false} : vector<2000x128xf32>, vector<128x128xf32>, vector<2000x128xf32> -> vector<2000x128xf32>
    %mul3A = vector.broadcast %rsqrt3A : vector<2000x1xf32> to vector<2000x128xf32>
    %mul3A_17 = arith.mulf %mul3A, %dot_general3A_16 : vector<2000x128xf32>
    %slice3A = vector.extract_strided_slice %mul3A_17 {offsets = [0, 0], sizes = [2000, 64], strides = [1, 1]} : vector<2000x128xf32> to vector<2000x64xf32>
    %swap3A_18 = arith.constant 0 : index
    %swap3A_19 = arith.constant 0 : index
    %swap3A_20 = arith.constant 0 : index
    %swap3A_21 = vector.load %arg6[%swap3A_18, %swap3A_19, %swap3A_20] : memref<2x2000x64xf32, #tpu.memory_space<vmem>>, vector<1x2000x64xf32>
    %swap3A_22 = vector.shape_cast %swap3A_21 : vector<1x2000x64xf32> to vector<2000x64xf32>
    %swap3A_23 = vector.shape_cast %slice3A : vector<2000x64xf32> to vector<1x2000x64xf32>
    tpu.vector_store %arg6[%swap3A_18, %swap3A_19, %swap3A_20], %swap3A_23 {strides = array<i32>} : memref<2x2000x64xf32, #tpu.memory_space<vmem>>, vector<1x2000x64xf32>,
    %slice3A_24 = vector.extract_strided_slice %mul3A_17 {offsets = [0, 64], sizes = [2000, 64], strides = [1, 1]} : vector<2000x128xf32> to vector<2000x64xf32>
    %swap3A_25 = arith.constant 1 : index
    %swap3A_26 = arith.constant 0 : index
    %swap3A_27 = arith.constant 0 : index
    %swap3A_28 = vector.load %arg6[%swap3A_25, %swap3A_26, %swap3A_27] : memref<2x2000x64xf32, #tpu.memory_space<vmem>>, vector<1x2000x64xf32>
    %swap3A_29 = vector.shape_cast %swap3A_28 : vector<1x2000x64xf32> to vector<2000x64xf32>
    %swap3A_30 = vector.shape_cast %slice3A_24 : vector<2000x64xf32> to vector<1x2000x64xf32>
    tpu.vector_store %arg6[%swap3A_25, %swap3A_26, %swap3A_27], %swap3A_30 {strides = array<i32>} : memref<2x2000x64xf32, #tpu.memory_space<vmem>>, vector<1x2000x64xf32>,
    return
  }
  func.func @transform_0(%arg0: i32) -> (i32, i32) {
    %c0_i32 = arith.constant 0 : i32
    %c0_i32_0 = arith.constant 0 : i32
    return %arg0, %c0_i32 : i32, i32
  }
  func.func @transform_1(%arg0: i32) -> (i32, i32) {
    %c0_i32 = arith.constant 0 : i32
    %c0_i32_0 = arith.constant 0 : i32
    return %arg0, %c0_i32 : i32, i32
  }
  func.func @transform_2(%arg0: i32) -> (i32, i32) {
    %c0_i32 = arith.constant 0 : i32
    %c0_i32_0 = arith.constant 0 : i32
    return %arg0, %c0_i32 : i32, i32
  }
  func.func @transform_3(%arg0: i32) -> (i32, i32) {
    %c0_i32 = arith.constant 0 : i32
    %c0_i32_0 = arith.constant 0 : i32
    %c0_i32_1 = arith.constant 0 : i32
    return %c0_i32, %c0_i32_0 : i32, i32
  }
  func.func @transform_4(%arg0: i32) -> (i32, i32) {
    %c0_i32 = arith.constant 0 : i32
    %c0_i32_0 = arith.constant 0 : i32
    return %arg0, %c0_i32 : i32, i32
  }
  func.func @transform_5(%arg0: i32) -> (i32, i32, i32) {
    %c0_i32 = arith.constant 0 : i32
    %c0_i32_0 = arith.constant 0 : i32
    %c0_i32_1 = arith.constant 0 : i32
    return %c0_i32, %arg0, %c0_i32_0 : i32, i32, i32
  }
}

module attributes {stable_mosaic.version = 14 : i64} {
  func.func @_comb_body(%arg0: i32, %arg1: memref<2x2000x64xf32, #tpu.memory_space<vmem>>, %arg2: memref<2x2000x64xf32, #tpu.memory_space<vmem>>, %arg3: memref<2000x1xf32, #tpu.memory_space<vmem>>, %arg4: memref<1x128xf32, #tpu.memory_space<vmem>>, %arg5: memref<128x128xf32, #tpu.memory_space<vmem>>, %arg6: memref<2000x128xf32, #tpu.memory_space<vmem>>, %arg7: memref<2000x128xf32, #tpu.memory_space<vmem>>, %arg8: memref<2x2000x64xf32, #tpu.memory_space<vmem>>) attributes {dimension_semantics = [#tpu.dimension_semantics<arbitrary>], iteration_bounds = array<i64: 5>, scalar_prefetch = 0 : i64, scratch_operands = 0 : i64, tpu.core_type = #tpu.core_type<tc>, window_params = [{transform_indices = @transform_0, window_bounds = array<i64: 2, 2000, 64>}, {transform_indices = @transform_1, window_bounds = array<i64: 2, 2000, 64>}, {transform_indices = @transform_2, window_bounds = array<i64: 2000, 1>}, {pipeline_mode = #tpu.pipeline_mode<synchronous>, transform_indices = @transform_3, window_bounds = array<i64: 1, 128>}, {pipeline_mode = #tpu.pipeline_mode<synchronous>, transform_indices = @transform_4, window_bounds = array<i64: 128, 128>}, {transform_indices = @transform_5, window_bounds = array<i64: 2000, 128>}, {transform_indices = @transform_6, window_bounds = array<i64: 2000, 128>}, {transform_indices = @transform_7, window_bounds = array<i64: 2, 2000, 64>}]} {
    %get3A = arith.constant 0 : index
    %get3A_0 = arith.constant 0 : index
    %get3A_1 = arith.constant 0 : index
    %get3A_2 = vector.load %arg1[%get3A, %get3A_0, %get3A_1] : memref<2x2000x64xf32, #tpu.memory_space<vmem>>, vector<1x2000x64xf32>
    %get3A_3 = vector.shape_cast %get3A_2 : vector<1x2000x64xf32> to vector<2000x64xf32>
    %get3A_4 = arith.constant 1 : index
    %get3A_5 = arith.constant 0 : index
    %get3A_6 = arith.constant 0 : index
    %get3A_7 = vector.load %arg1[%get3A_4, %get3A_5, %get3A_6] : memref<2x2000x64xf32, #tpu.memory_space<vmem>>, vector<1x2000x64xf32>
    %get3A_8 = vector.shape_cast %get3A_7 : vector<1x2000x64xf32> to vector<2000x64xf32>
    %concatenate3A = tpu.concatenate %get3A_3, %get3A_8 in 1 : vector<2000x64xf32>, vector<2000x64xf32> -> vector<2000x128xf32>
    %get3A_9 = arith.constant 0 : index
    %get3A_10 = arith.constant 0 : index
    %get3A_11 = arith.constant 0 : index
    %get3A_12 = vector.load %arg2[%get3A_9, %get3A_10, %get3A_11] : memref<2x2000x64xf32, #tpu.memory_space<vmem>>, vector<1x2000x64xf32>
    %get3A_13 = vector.shape_cast %get3A_12 : vector<1x2000x64xf32> to vector<2000x64xf32>
    %get3A_14 = arith.constant 1 : index
    %get3A_15 = arith.constant 0 : index
    %get3A_16 = arith.constant 0 : index
    %get3A_17 = vector.load %arg2[%get3A_14, %get3A_15, %get3A_16] : memref<2x2000x64xf32, #tpu.memory_space<vmem>>, vector<1x2000x64xf32>
    %get3A_18 = vector.shape_cast %get3A_17 : vector<1x2000x64xf32> to vector<2000x64xf32>
    %concatenate3A_19 = tpu.concatenate %get3A_13, %get3A_18 in 1 : vector<2000x64xf32>, vector<2000x64xf32> -> vector<2000x128xf32>
    %get3A_20 = arith.constant 0 : index
    %get3A_21 = arith.constant 0 : index
    %get3A_22 = vector.load %arg3[%get3A_20, %get3A_21] : memref<2000x1xf32, #tpu.memory_space<vmem>>, vector<2000x1xf32>
    %add3A = arith.addf %concatenate3A, %concatenate3A_19 : vector<2000x128xf32>
    %mul3A = vector.broadcast %get3A_22 : vector<2000x1xf32> to vector<2000x128xf32>
    %mul3A_23 = arith.mulf %mul3A, %add3A : vector<2000x128xf32>
    %get3A_24 = arith.constant 0 : index
    %get3A_25 = arith.constant 0 : index
    %get3A_26 = vector.load %arg4[%get3A_24, %get3A_25] : memref<1x128xf32, #tpu.memory_space<vmem>>, vector<1x128xf32>
    %add3A_27 = vector.broadcast %get3A_26 : vector<1x128xf32> to vector<2000x128xf32>
    %add3A_28 = arith.addf %mul3A_23, %add3A_27 : vector<2000x128xf32>
    %max3A = arith.constant 0.000000e+00 : f32
    %max3A_29 = vector.broadcast %max3A : f32 to vector<2000x128xf32>
    %max3A_30 = arith.maximumf %add3A_28, %max3A_29 : vector<2000x128xf32>
    %get3A_31 = arith.constant 0 : index
    %get3A_32 = arith.constant 0 : index
    %get3A_33 = vector.load %arg6[%get3A_31, %get3A_32] : memref<2000x128xf32, #tpu.memory_space<vmem>>, vector<2000x128xf32>
    %max3A_34 = arith.maximumf %get3A_33, %max3A_30 : vector<2000x128xf32>
    %swap3A = arith.constant 0 : index
    %swap3A_35 = arith.constant 0 : index
    %swap3A_36 = vector.load %arg7[%swap3A, %swap3A_35] : memref<2000x128xf32, #tpu.memory_space<vmem>>, vector<2000x128xf32>
    tpu.vector_store %arg7[%swap3A, %swap3A_35], %max3A_34 {strides = array<i32>} : memref<2000x128xf32, #tpu.memory_space<vmem>>, vector<2000x128xf32>,
    %get3A_37 = arith.constant 0 : index
    %get3A_38 = arith.constant 0 : index
    %get3A_39 = vector.load %arg3[%get3A_37, %get3A_38] : memref<2000x1xf32, #tpu.memory_space<vmem>>, vector<2000x1xf32>
    %get3A_40 = arith.constant 0 : index
    %get3A_41 = arith.constant 0 : index
    %get3A_42 = vector.load %arg5[%get3A_40, %get3A_41] : memref<128x128xf32, #tpu.memory_space<vmem>>, vector<128x128xf32>
    %dot_general3A = arith.constant dense<0.000000e+00> : vector<2000x128xf32>
    %dot_general3A_43 = tpu.matmul %max3A_30, %get3A_42, %dot_general3A {dimension_numbers = #tpu.dot_dimension_numbers<[1], [0], [0], [1], [0, 0, 1, 1], [], []>, transpose_lhs_hint = false} : vector<2000x128xf32>, vector<128x128xf32>, vector<2000x128xf32> -> vector<2000x128xf32>
    %mul3A_44 = vector.broadcast %get3A_39 : vector<2000x1xf32> to vector<2000x128xf32>
    %mul3A_45 = arith.mulf %mul3A_44, %dot_general3A_43 : vector<2000x128xf32>
    %slice3A = vector.extract_strided_slice %mul3A_45 {offsets = [0, 0], sizes = [2000, 64], strides = [1, 1]} : vector<2000x128xf32> to vector<2000x64xf32>
    %swap3A_46 = arith.constant 0 : index
    %swap3A_47 = arith.constant 0 : index
    %swap3A_48 = arith.constant 0 : index
    %swap3A_49 = vector.load %arg8[%swap3A_46, %swap3A_47, %swap3A_48] : memref<2x2000x64xf32, #tpu.memory_space<vmem>>, vector<1x2000x64xf32>
    %swap3A_50 = vector.shape_cast %swap3A_49 : vector<1x2000x64xf32> to vector<2000x64xf32>
    %swap3A_51 = vector.shape_cast %slice3A : vector<2000x64xf32> to vector<1x2000x64xf32>
    tpu.vector_store %arg8[%swap3A_46, %swap3A_47, %swap3A_48], %swap3A_51 {strides = array<i32>} : memref<2x2000x64xf32, #tpu.memory_space<vmem>>, vector<1x2000x64xf32>,
    %slice3A_52 = vector.extract_strided_slice %mul3A_45 {offsets = [0, 64], sizes = [2000, 64], strides = [1, 1]} : vector<2000x128xf32> to vector<2000x64xf32>
    %swap3A_53 = arith.constant 1 : index
    %swap3A_54 = arith.constant 0 : index
    %swap3A_55 = arith.constant 0 : index
    %swap3A_56 = vector.load %arg8[%swap3A_53, %swap3A_54, %swap3A_55] : memref<2x2000x64xf32, #tpu.memory_space<vmem>>, vector<1x2000x64xf32>
    %swap3A_57 = vector.shape_cast %swap3A_56 : vector<1x2000x64xf32> to vector<2000x64xf32>
    %swap3A_58 = vector.shape_cast %slice3A_52 : vector<2000x64xf32> to vector<1x2000x64xf32>
    tpu.vector_store %arg8[%swap3A_53, %swap3A_54, %swap3A_55], %swap3A_58 {strides = array<i32>} : memref<2x2000x64xf32, #tpu.memory_space<vmem>>, vector<1x2000x64xf32>,
    return
  }
  func.func @transform_0(%arg0: i32) -> (i32, i32, i32) {
    %c0_i32 = arith.constant 0 : i32
    %c0_i32_0 = arith.constant 0 : i32
    %c0_i32_1 = arith.constant 0 : i32
    return %c0_i32, %arg0, %c0_i32_0 : i32, i32, i32
  }
  func.func @transform_1(%arg0: i32) -> (i32, i32, i32) {
    %c0_i32 = arith.constant 0 : i32
    %c0_i32_0 = arith.constant 0 : i32
    %c0_i32_1 = arith.constant 0 : i32
    return %c0_i32, %arg0, %c0_i32_0 : i32, i32, i32
  }
  func.func @transform_2(%arg0: i32) -> (i32, i32) {
    %c0_i32 = arith.constant 0 : i32
    %c0_i32_0 = arith.constant 0 : i32
    return %arg0, %c0_i32 : i32, i32
  }
  func.func @transform_3(%arg0: i32) -> (i32, i32) {
    %c0_i32 = arith.constant 0 : i32
    %c0_i32_0 = arith.constant 0 : i32
    %c0_i32_1 = arith.constant 0 : i32
    return %c0_i32, %c0_i32_0 : i32, i32
  }
  func.func @transform_4(%arg0: i32) -> (i32, i32) {
    %c0_i32 = arith.constant 0 : i32
    %c0_i32_0 = arith.constant 0 : i32
    %c0_i32_1 = arith.constant 0 : i32
    return %c0_i32, %c0_i32_0 : i32, i32
  }
  func.func @transform_5(%arg0: i32) -> (i32, i32) {
    %c0_i32 = arith.constant 0 : i32
    %c0_i32_0 = arith.constant 0 : i32
    return %arg0, %c0_i32 : i32, i32
  }
  func.func @transform_6(%arg0: i32) -> (i32, i32) {
    %c0_i32 = arith.constant 0 : i32
    %c0_i32_0 = arith.constant 0 : i32
    return %arg0, %c0_i32 : i32, i32
  }
  func.func @transform_7(%arg0: i32) -> (i32, i32, i32) {
    %c0_i32 = arith.constant 0 : i32
    %c0_i32_0 = arith.constant 0 : i32
    %c0_i32_1 = arith.constant 0 : i32
    return %c0_i32, %arg0, %c0_i32_0 : i32, i32, i32
  }
}

module attributes {stable_mosaic.version = 14 : i64} {
  func.func @_final_body(%arg0: i32, %arg1: memref<2x2000x64xf32, #tpu.memory_space<vmem>>, %arg2: memref<2x2000x64xf32, #tpu.memory_space<vmem>>, %arg3: memref<2000x1xf32, #tpu.memory_space<vmem>>, %arg4: memref<1x128xf32, #tpu.memory_space<vmem>>, %arg5: memref<2000x128xf32, #tpu.memory_space<vmem>>, %arg6: memref<128x40xf32, #tpu.memory_space<vmem>>, %arg7: memref<1x40xf32, #tpu.memory_space<vmem>>, %arg8: memref<2000x40xf32, #tpu.memory_space<vmem>>) attributes {dimension_semantics = [#tpu.dimension_semantics<arbitrary>], iteration_bounds = array<i64: 5>, scalar_prefetch = 0 : i64, scratch_operands = 0 : i64, tpu.core_type = #tpu.core_type<tc>, window_params = [{transform_indices = @transform_0, window_bounds = array<i64: 2, 2000, 64>}, {transform_indices = @transform_1, window_bounds = array<i64: 2, 2000, 64>}, {transform_indices = @transform_2, window_bounds = array<i64: 2000, 1>}, {pipeline_mode = #tpu.pipeline_mode<synchronous>, transform_indices = @transform_3, window_bounds = array<i64: 1, 128>}, {transform_indices = @transform_4, window_bounds = array<i64: 2000, 128>}, {pipeline_mode = #tpu.pipeline_mode<synchronous>, transform_indices = @transform_5, window_bounds = array<i64: 128, 40>}, {pipeline_mode = #tpu.pipeline_mode<synchronous>, transform_indices = @transform_6, window_bounds = array<i64: 1, 40>}, {transform_indices = @transform_7, window_bounds = array<i64: 2000, 40>}]} {
    %get3A = arith.constant 0 : index
    %get3A_0 = arith.constant 0 : index
    %get3A_1 = arith.constant 0 : index
    %get3A_2 = vector.load %arg1[%get3A, %get3A_0, %get3A_1] : memref<2x2000x64xf32, #tpu.memory_space<vmem>>, vector<1x2000x64xf32>
    %get3A_3 = vector.shape_cast %get3A_2 : vector<1x2000x64xf32> to vector<2000x64xf32>
    %get3A_4 = arith.constant 1 : index
    %get3A_5 = arith.constant 0 : index
    %get3A_6 = arith.constant 0 : index
    %get3A_7 = vector.load %arg1[%get3A_4, %get3A_5, %get3A_6] : memref<2x2000x64xf32, #tpu.memory_space<vmem>>, vector<1x2000x64xf32>
    %get3A_8 = vector.shape_cast %get3A_7 : vector<1x2000x64xf32> to vector<2000x64xf32>
    %concatenate3A = tpu.concatenate %get3A_3, %get3A_8 in 1 : vector<2000x64xf32>, vector<2000x64xf32> -> vector<2000x128xf32>
    %get3A_9 = arith.constant 0 : index
    %get3A_10 = arith.constant 0 : index
    %get3A_11 = arith.constant 0 : index
    %get3A_12 = vector.load %arg2[%get3A_9, %get3A_10, %get3A_11] : memref<2x2000x64xf32, #tpu.memory_space<vmem>>, vector<1x2000x64xf32>
    %get3A_13 = vector.shape_cast %get3A_12 : vector<1x2000x64xf32> to vector<2000x64xf32>
    %get3A_14 = arith.constant 1 : index
    %get3A_15 = arith.constant 0 : index
    %get3A_16 = arith.constant 0 : index
    %get3A_17 = vector.load %arg2[%get3A_14, %get3A_15, %get3A_16] : memref<2x2000x64xf32, #tpu.memory_space<vmem>>, vector<1x2000x64xf32>
    %get3A_18 = vector.shape_cast %get3A_17 : vector<1x2000x64xf32> to vector<2000x64xf32>
    %concatenate3A_19 = tpu.concatenate %get3A_13, %get3A_18 in 1 : vector<2000x64xf32>, vector<2000x64xf32> -> vector<2000x128xf32>
    %get3A_20 = arith.constant 0 : index
    %get3A_21 = arith.constant 0 : index
    %get3A_22 = vector.load %arg3[%get3A_20, %get3A_21] : memref<2000x1xf32, #tpu.memory_space<vmem>>, vector<2000x1xf32>
    %add3A = arith.addf %concatenate3A, %concatenate3A_19 : vector<2000x128xf32>
    %mul3A = vector.broadcast %get3A_22 : vector<2000x1xf32> to vector<2000x128xf32>
    %mul3A_23 = arith.mulf %mul3A, %add3A : vector<2000x128xf32>
    %get3A_24 = arith.constant 0 : index
    %get3A_25 = arith.constant 0 : index
    %get3A_26 = vector.load %arg4[%get3A_24, %get3A_25] : memref<1x128xf32, #tpu.memory_space<vmem>>, vector<1x128xf32>
    %add3A_27 = vector.broadcast %get3A_26 : vector<1x128xf32> to vector<2000x128xf32>
    %add3A_28 = arith.addf %mul3A_23, %add3A_27 : vector<2000x128xf32>
    %max3A = arith.constant 0.000000e+00 : f32
    %max3A_29 = vector.broadcast %max3A : f32 to vector<2000x128xf32>
    %max3A_30 = arith.maximumf %add3A_28, %max3A_29 : vector<2000x128xf32>
    %get3A_31 = arith.constant 0 : index
    %get3A_32 = arith.constant 0 : index
    %get3A_33 = vector.load %arg5[%get3A_31, %get3A_32] : memref<2000x128xf32, #tpu.memory_space<vmem>>, vector<2000x128xf32>
    %max3A_34 = arith.maximumf %get3A_33, %max3A_30 : vector<2000x128xf32>
    %get3A_35 = arith.constant 0 : index
    %get3A_36 = arith.constant 0 : index
    %get3A_37 = vector.load %arg6[%get3A_35, %get3A_36] : memref<128x40xf32, #tpu.memory_space<vmem>>, vector<128x40xf32>
    %dot_general3A = arith.constant dense<0.000000e+00> : vector<2000x40xf32>
    %dot_general3A_38 = tpu.matmul %max3A_34, %get3A_37, %dot_general3A {dimension_numbers = #tpu.dot_dimension_numbers<[1], [0], [0], [1], [0, 0, 1, 1], [], []>, transpose_lhs_hint = false} : vector<2000x128xf32>, vector<128x40xf32>, vector<2000x40xf32> -> vector<2000x40xf32>
    %get3A_39 = arith.constant 0 : index
    %get3A_40 = arith.constant 0 : index
    %get3A_41 = vector.load %arg7[%get3A_39, %get3A_40] : memref<1x40xf32, #tpu.memory_space<vmem>>, vector<1x40xf32>
    %add3A_42 = vector.broadcast %get3A_41 : vector<1x40xf32> to vector<2000x40xf32>
    %add3A_43 = arith.addf %dot_general3A_38, %add3A_42 : vector<2000x40xf32>
    %reduce_max3A = arith.constant dense<0xFF800000> : vector<2000xf32>
    %reduce_max3A_44 = vector.multi_reduction <maximumf>, %add3A_43, %reduce_max3A [1] : vector<2000x40xf32> to vector<2000xf32>
    %broadcast_in_dim3A = vector.shape_cast %reduce_max3A_44 : vector<2000xf32> to vector<2000x1xf32>
    %sub3A = vector.broadcast %broadcast_in_dim3A : vector<2000x1xf32> to vector<2000x40xf32>
    %sub3A_45 = arith.subf %add3A_43, %sub3A : vector<2000x40xf32>
    %exp3A = math.exp %sub3A_45 : vector<2000x40xf32>
    %reduce_sum3A = arith.constant dense<0.000000e+00> : vector<2000xf32>
    %reduce_sum3A_46 = vector.multi_reduction <add>, %exp3A, %reduce_sum3A [1] : vector<2000x40xf32> to vector<2000xf32>
    %broadcast_in_dim3A_47 = vector.shape_cast %reduce_sum3A_46 : vector<2000xf32> to vector<2000x1xf32>
    %log3A = math.log %broadcast_in_dim3A_47 : vector<2000x1xf32>
    %sub3A_48 = vector.broadcast %log3A : vector<2000x1xf32> to vector<2000x40xf32>
    %sub3A_49 = arith.subf %sub3A_45, %sub3A_48 : vector<2000x40xf32>
    %swap3A = arith.constant 0 : index
    %swap3A_50 = arith.constant 0 : index
    %swap3A_51 = vector.load %arg8[%swap3A, %swap3A_50] : memref<2000x40xf32, #tpu.memory_space<vmem>>, vector<2000x40xf32>
    tpu.vector_store %arg8[%swap3A, %swap3A_50], %sub3A_49 {strides = array<i32>} : memref<2000x40xf32, #tpu.memory_space<vmem>>, vector<2000x40xf32>,
    return
  }
  func.func @transform_0(%arg0: i32) -> (i32, i32, i32) {
    %c0_i32 = arith.constant 0 : i32
    %c0_i32_0 = arith.constant 0 : i32
    %c0_i32_1 = arith.constant 0 : i32
    return %c0_i32, %arg0, %c0_i32_0 : i32, i32, i32
  }
  func.func @transform_1(%arg0: i32) -> (i32, i32, i32) {
    %c0_i32 = arith.constant 0 : i32
    %c0_i32_0 = arith.constant 0 : i32
    %c0_i32_1 = arith.constant 0 : i32
    return %c0_i32, %arg0, %c0_i32_0 : i32, i32, i32
  }
  func.func @transform_2(%arg0: i32) -> (i32, i32) {
    %c0_i32 = arith.constant 0 : i32
    %c0_i32_0 = arith.constant 0 : i32
    return %arg0, %c0_i32 : i32, i32
  }
  func.func @transform_3(%arg0: i32) -> (i32, i32) {
    %c0_i32 = arith.constant 0 : i32
    %c0_i32_0 = arith.constant 0 : i32
    %c0_i32_1 = arith.constant 0 : i32
    return %c0_i32, %c0_i32_0 : i32, i32
  }
  func.func @transform_4(%arg0: i32) -> (i32, i32) {
    %c0_i32 = arith.constant 0 : i32
    %c0_i32_0 = arith.constant 0 : i32
    return %arg0, %c0_i32 : i32, i32
  }
  func.func @transform_5(%arg0: i32) -> (i32, i32) {
    %c0_i32 = arith.constant 0 : i32
    %c0_i32_0 = arith.constant 0 : i32
    %c0_i32_1 = arith.constant 0 : i32
    return %c0_i32, %c0_i32_0 : i32, i32
  }
  func.func @transform_6(%arg0: i32) -> (i32, i32) {
    %c0_i32 = arith.constant 0 : i32
    %c0_i32_0 = arith.constant 0 : i32
    %c0_i32_1 = arith.constant 0 : i32
    return %c0_i32, %c0_i32_0 : i32, i32
  }
  func.func @transform_7(%arg0: i32) -> (i32, i32) {
    %c0_i32 = arith.constant 0 : i32
    %c0_i32_0 = arith.constant 0 : i32
    return %arg0, %c0_i32 : i32, i32
  }
}

</mosaic_0001>

<sc_bundles>
// kernel: kernel.12.cloned.1.call-start
scs
__scs_entry_jumppad:
0x0: {  	(pc) =	sbr.rel $0x88, $3  }
0x1: {  	(tag) =	ssettag $0x0;
	lr =	simm.s32 $0x1  }
0x2: {  	[smem:$0x3F95] =	sst lr;
	_ =	strace $0xD0000000  }
0x3: {  	_ = 	snop  }
0x4: {  	_ = 	snop  }
0x5: {  	_ = 	snop  }
0x6: {  	_ = 	snop  }
0x7: {  	_ = 	snop  }
__scs_overlays_trampoline_lowered:
0x8: {  	[smem:$0x3FA4] =	sst s0  }
0x9: {  	[smem:$0x3FA5] =	sst s1  }
0xa: {  	[smem:$0x3FA6] =	sst s2  }
0xb: {  	[smem:$0x3FA7] =	sst s3  }
0xc: {  	[smem:$0x3FA8] =	sst s4  }
0xd: {  	[smem:$0x3FA9] =	sst s5  }
0xe: {  	[smem:$0x3FAA] =	sst s6  }
0xf: {  	[smem:$0x3FAB] =	sst s7  }
0x10: {  	[smem:$0x3FAC] =	sst s8  }
0x11: {  	[smem:$0x3FAD] =	sst s9;
	s0 =	simm.s32 @!p0 $0x0  }
0x12: {  	s1 =	sld [smem:$0x3F93];
	s0 =	simm.s32 @p0 $0x1  }
0x13: {  	[smem:$0x3FAE] =	sst s0;
	s0 =	simm.s32 @!p1 $0x0  }
0x14: {  	s2 =	sld [smem:$0x3F92];
	s0 =	simm.s32 @p1 $0x1  }
0x15: {  	[smem:$0x3FAF] =	sst s0;
	s0 =	simm.s32 @!p2 $0x0  }
0x16: {  	s3 =	sld [smem:$0x3FDB];
	s0 =	simm.s32 @p2 $0x1  }
0x17: {  	s4 =	simm.s32 $0x1BF5;
	[smem:$0x3FB1] =	sst s0  }
0x18: {  	s0 =	sld [smem:$0x3F94];
	_ =	swait.ge [sflag:s4], $0x0  }
0x19: {  	s7 =	sld [smem:$0x3F95]  }
0x1a: {  	s8 =	sadd.s32 $0xFFFFE003, lr  }
0x1b: {  	s9 =	sadd.s32 $0xFFFFFEF7, lr;
	s5 =	simm.s32 $0xFFFFFFFF;
	p2 =	slt.u32 s8, $0xFFFFF086  }
0x1c: {  	p1 =	slt.u32 s9, $0xF7A;
	s5 =	simm.s32 @!p2 $0x0  }
0x1d: {  	s5 =	simm.s32 @p1 $0x1;
	p0 =	seq.s32 s7, s2  }
0x1e: {  	s7 =	smul.u32 @!p0 $0xF7A, s2;
	p2 =	seq.s32 @!p0 s5, $0x0  }
0x1f: {  	s9 =	smul.u32 $0xF7A, s1;
	s8 =	simm.s32 @!p0 $0x1BF5;
	p2 =	por !p2, p0  }
0x20: {  	[sflag:s8] =	ssyncset.s32 @!p0 $0xFFFFF086;
	s6 =	sadd.s32 @!p0 s3, s7;
	s7 =	simm.s32 @!p0 $0x108  }
0x21: {  	s3 =	sadd.s32 s3, s9;
	s6 =	sadd.s32 @!p0 $0x88, s6;
	s7 =	simm.s32 @p2 $0x1082  }
0x22: {  	[simem:s7], [sflag:s8] =	dma.local @!p0 [hbm:s6], $0xF7A  }
0x23: {  	s9 =	sor.u32 $0xD0000000, s2;
	s6 =	simm.s32 $0x108;
	_ =	swait.ge @!p0 [sflag:s8], $0x0  }
0x24: {  	s3 =	sadd.s32 $0x88, s3;
	s6 =	simm.s32 @!p1 $0x1082;
	[sflag:s4] =	ssyncset.s32 $0xFFFFF086  }
0x25: {  	[simem:s6], [sflag:s4] =	dma.local [hbm:s3], $0xF7A  }
0x26: {  	[smem:$0x3F95] =	sst s1;
	(tag) =	ssettag s2;
	_ =	strace s9  }
0x27: {  	s1 =	sld [smem:$0x3FA5]  }
0x28: {  	s2 =	sld [smem:$0x3FA6]  }
0x29: {  	s4 =	sld [smem:$0x3FA8]  }
0x2a: {  	p0 =	seq.s32 s5, $0x0;
	s5 =	sld [smem:$0x3FA9]  }
0x2b: {  	s6 =	sld [smem:$0x3FAA]  }
0x2c: {  	s7 =	sld [smem:$0x3FAB]  }
0x2d: {  	s3 =	simm.s32 $0x108;
	s8 =	sld [smem:$0x3FAC]  }
0x2e: {  	s3 =	simm.s32 @!p0 $0x1082;
	s9 =	sld [smem:$0x3FAD]  }
0x2f: {  	lr =	sadd.s32 s0, s3;
	s0 =	sld [smem:$0x3FA4]  }
0x30: {  	s3 =	sld [smem:$0x3FA7]  }
0x31: {  	[smem:$0x3FB0] =	sst s10  }
0x32: {  	s10 =	sld [smem:$0x3FAE];
	_ =	sdelay $0x3  }
0x33: {  	p0 =	seq.s32 s10, $0x1;
	s10 =	sld [smem:$0x3FB0];
	_ =	sdelay $0x3  }
0x34: {  	[smem:$0x3FB0] =	sst s10  }
0x35: {  	s10 =	sld [smem:$0x3FAF];
	_ =	sdelay $0x3  }
0x36: {  	p1 =	seq.s32 s10, $0x1;
	s10 =	sld [smem:$0x3FB0];
	_ =	sdelay $0x3  }
0x37: {  	[smem:$0x3FB0] =	sst s10  }
0x38: {  	s10 =	sld [smem:$0x3FB1]  }
0x39: {  	_ = 	snop;
	(pc) =	sbr.ind lr, $3  }
0x3a: {  	_ = 	snop  }
0x3b: {  	_ = 	snop  }
0x3c: {  	p2 =	seq.s32 s10, $0x1;
	s10 =	sld [smem:$0x3FB0]  }
0x3d: {  	_ =	shalt  }
0x3e: {  	_ =	shalt  }
0x3f: {  	_ =	shalt  }
0x40: {  	_ =	shalt  }
0x41: {  	_ =	shalt  }
0x42: {  	_ =	shalt  }
0x43: {  	_ =	shalt  }
0x44: {  	_ =	shalt  }
0x45: {  	_ =	shalt  }
0x46: {  	_ =	shalt  }
0x47: {  	_ =	shalt  }
0x48: {  	_ =	shalt  }
0x49: {  	_ =	shalt  }
0x4a: {  	_ =	shalt  }
0x4b: {  	_ =	shalt  }
0x4c: {  	_ =	shalt  }
0x4d: {  	_ =	shalt  }
0x4e: {  	_ =	shalt  }
0x4f: {  	_ =	shalt  }
0x50: {  	_ =	shalt  }
0x51: {  	_ =	shalt  }
0x52: {  	_ =	shalt  }
0x53: {  	_ =	shalt  }
0x54: {  	_ =	shalt  }
0x55: {  	_ =	shalt  }
0x56: {  	_ =	shalt  }
0x57: {  	_ =	shalt  }
0x58: {  	_ =	shalt  }
0x59: {  	_ =	shalt  }
0x5a: {  	_ =	shalt  }
0x5b: {  	_ =	shalt  }
0x5c: {  	_ =	shalt  }
0x5d: {  	_ =	shalt  }
0x5e: {  	_ =	shalt  }
0x5f: {  	_ =	shalt  }
0x60: {  	_ =	shalt  }
0x61: {  	_ =	shalt  }
0x62: {  	_ =	shalt  }
0x63: {  	_ =	shalt  }
0x64: {  	_ =	shalt  }
0x65: {  	_ =	shalt  }
0x66: {  	_ =	shalt  }
0x67: {  	_ =	shalt  }
0x68: {  	_ =	shalt  }
0x69: {  	_ =	shalt  }
0x6a: {  	_ =	shalt  }
0x6b: {  	_ =	shalt  }
0x6c: {  	_ =	shalt  }
0x6d: {  	_ =	shalt  }
0x6e: {  	_ =	shalt  }
0x6f: {  	_ =	shalt  }
0x70: {  	_ =	shalt  }
0x71: {  	_ =	shalt  }
0x72: {  	_ =	shalt  }
0x73: {  	_ =	shalt  }
0x74: {  	_ =	shalt  }
0x75: {  	_ =	shalt  }
0x76: {  	_ =	shalt  }
0x77: {  	_ =	shalt  }
0x78: {  	_ =	shalt  }
0x79: {  	_ =	shalt  }
0x7a: {  	_ =	shalt  }
0x7b: {  	_ =	shalt  }
0x7c: {  	_ =	shalt  }
0x7d: {  	_ =	shalt  }
0x7e: {  	_ =	shalt  }
0x7f: {  	_ =	shalt  }
0x80: {  	_ =	shalt  }
0x81: {  	_ =	shalt  }
0x82: {  	_ =	shalt  }
0x83: {  	_ =	shalt  }
0x84: {  	_ =	shalt  }
0x85: {  	_ =	shalt  }
0x86: {  	_ =	shalt  }
0x87: {  	_ =	shalt  }
.Lfunc_end0:
.L_simem_size_0:
called_computation_lowered:
.L_overlay_start_0:
0x88: {  	s2 =	sld [smem:$0x3FD9]  }
0x89: {  	s3 =	sld [smem:$0x3FFE];
	_ =	sdelay $0x1  }
0x8a: {  	s1 =	srdreg.scid  }
0x8b: {  	s0 =	sand.u32 $0x1, s1  }
0x8c: {  	s16 =	sshll.u32 s0, $0xA;
	s2 =	sadd.s32 s3, s2  }
0x8d: {  	s2 =	sadd.s32 s2, s16  }
0x8e: {  	[smem:$0x3FBC] =	sst s2  }
0x8f: {  	_ = 	snop  }
0x90: {  	(tm) =	ssettm $0x1  }
0x91: {  	s17 =	sld [smem:$0x3FFB];
	_ =	sdelay $0x3  }
0x92: {  	_ =	strace s17  }
0x93: {  	s2 =	sld [smem:$0x3FFC];
	_ =	sdelay $0x3  }
0x94: {  	_ =	strace s2  }
0x95: {  	s2 =	sld [smem:$0x3FFD];
	_ =	sdelay $0x3  }
0x96: {  	_ =	strace s2  }
0x97: {  	_ =	strace $0x8FFFFFFF  }
0x98: {  	s18 =	sld [smem:$0x3FDB];
	_ =	sdelay $0x1  }
0x99: {  	s19 =	simm.s32 $_scs_section_size  }
0x9a: {  	s4 =	simm.s32 $_size__tile_overlayer_lowered;
	s5 =	simm.s32 $_tile_overlayer_lowered  }
0x9b: {  	s22 =	simm.s32 $0x1BFF;
	s21 =	sshll.u32 s5, $0x1;
	s2 =	sadd.s32 s19, s18  }
0x9c: {  	s6 =	simm.s32 $0x0;
	s20 =	sshll.u32 s4, $0x1;
	s4 =	sadd.s32 s21, s2  }
0x9d: {  	[timem:s6], [sflag:s22] =	dma.local [hbm:s4], s20  }
0x9e: {  	_ =	swait.ge [sflag:s22], s20  }
0x9f: {  	s3 =	ssub.s32 $0x0, s20;
	[sflag:s22] =	ssyncset.done $0x0  }
0xa0: {  	[sflag:s22] =	ssyncadd.s32 s3;
	_ =	sdelay $0x1  }
0xa1: {  	s23 =	simm.s32 $0x1B8B  }
0xa2: {  	_ =	swait.ge [sflag:s23], $0x1  }
0xa3: {  	[sflag:s23] =	ssyncset.done $0x0  }
0xa4: {  	s25 =	simm.s32 $0x1B8E;
	s24 =	sld [smem:$0x3FFE];
	[sflag:s23] =	ssyncadd.s32 $0xFFFFFFFF  }
0xa5: {  	s26 =	simm.s32 $execute0_lowered;
	[smem:$0x3FD2] =	sst s25  }
0xa6: {  	s4 =	sshll.u32 s26, $0x1;
	_ =	strace $0x80000046;
	[dreg:$0x1] =	wrdreg $0xFFFFFFFF  }
0xa7: {  	s28 =	simm.s32 $_size_execute0_lowered;
	s2 =	sadd.s32 s2, s4;
	[dreg:$0x0] =	wrdreg $0x0  }
0xa8: {  	s4 =	sshll.u32 s28, $0x1;
	[dreg:$0x2] =	wrdreg s2  }
0xa9: {  	[dreg:$0x3] =	wrdreg s4  }
0xaa: {  	[dreg:$0x4] =	wrdreg $0xC0  }
0xab: {  	_ =	task [dreg:s6], $0x5FFFF  }
0xac: {  	[dreg:$0x1] =	wrdreg $0xFFFFFFFF  }
0xad: {  	[dreg:$0x0] =	wrdreg $0x60  }
0xae: {  	[dreg:$0x2] =	wrdreg s24  }
0xaf: {  	[dreg:$0x3] =	wrdreg $0x41000  }
0xb0: {  	[dreg:$0x4] =	wrdreg $0x9  }
0xb1: {  	_ =	task.clear_ibuf [dreg:s6], $0x5FFFF;
	_ =	strace $0x90000046  }
0xb2: {  	s29 =	simm.s32 $0x9;
	_ =	strace $0x80000048  }
0xb3: {  	_ =	swait.ge [sflag:s29], $0x1  }
0xb4: {  	[sflag:s29] =	ssyncadd.s32 $0xFFFFFFFF  }
0xb5: {  	_ =	strace $0x90000048  }
0xb6: {  	_ =	sfence  }
0xb7: {  	s30 =	sld [smem:$0x0];
	_ =	sdelay $0x2  }
0xb8: {  	s31 =	sshll.u32 s1, $0xD;
	s1 =	sshrl.u32 s1, $0x2  }
0xb9: {  	s3 =	sand.u32 $0x4000, s31;
	s1 =	sadd.s32 s1, s30  }
0xba: {  	s0 =	sor.u32 s3, s0;
	s1 =	sshll.u32 s1, $0x11  }
0xbb: {  	s0 =	sor.u32 s1, s0  }
0xbc: {  	s0 =	sadd.s32 $0x8F2B, s0  }
0xbd: {  	[sflag:s0] =	ssyncadd.remote.s32 $0x1  }
0xbe: {  	_ =	sfence.sel $0xFFFF  }
0xbf: {  	[dreg:$0x0] =	wrdreg $0xFFFFFFFF;
	(pc) =	sbr.abs _section_cstart, $3  }
0xc0: {  	[dreg:$0x1] =	wrdreg $0xFFFFFFFF  }
0xc1: {  	_ =	task.clear_ibuf [dreg:s6], $0x2FFFF;
	_ =	strace $0x9FFFFFFF  }
0xc2: {  	(tm) =	ssettm $0x7FFFFFFF  }
0xc3: {  	_ =	shalt  }
tec
execute0_lowered:
.L_overlay_start_1:
0x0: {  	(tag) =	ssettag $0x1  }
0x1: {  	s1 =	srdreg.scid;
	s5 =	rddreg [dreg:$0x0]  }
0x2: {  	s0 =	stileid.u32;
	s2 =	rddreg [dreg:$0x1];
	s3 =	simm.s32 $0x0  }
0x3: {  	s14 =	simm.s32 $0x3;
	s15 =	simm.s32 $0x2100;
	s4 =	smul.u32 $0x5000, s0  }
0x4: {  	s17 =	simm.s32 $0x2;
	s18 =	simm.s32 $0x80;
	s31 =	smul.u32 $0xA000, s0  }
0x5: {  	s6 =	sand.u32 $0x1, s1;
	s1 =	rddreg [dreg:$0x2];
	s9 =	smul.u32 $0x28000, s0  }
0x6: {  	s19 =	simm.s32 $0x0;
	[smem:$0x7FF] =	sst s3;
	s7 =	smul.u32 $0x2800, s6  }
0x7: {  	s8 =	smul.u32 $0xA0000, s6;
	_ =	strace $0x80000047;
	s6 =	ssub.s32 $0x2, s6  }
0x8: {  	s11 =	sshrl.u32 s6, $0x1;
	s9 =	sshrl.u32 s9, $0x2;
	s4 =	sadd.s32 s7, s4  }
0x9: {  	s8 =	sadd.s32 s31, s8;
	s13 =	ssub.s32 s6, s11;
	s9 =	sadd.s32 s9, s2  }
0xa: {  	s4 =	sshrl.u32 s4, $0x3;
	s8 =	sshrl.u32 s8, $0x3;
	s6 =	sadd.s32 $0x2000, s9  }
0xb: {  	s7 =	sadd.s32 $0x4000, s9;
	s10 =	sadd.s32 s4, s5;
	s4 =	sadd.s32 $0xD400, s5  }
0xc: {  	s12 =	sadd.s32 s8, s5;
	s5 =	sadd.s32 s31, s2;
	s8 =	sadd.s32 $0x6000, s9  }
0xd: {  	s9 =	sadd.s32 $0x8000, s9;
	s10 =	sadd.s32 $0x3400, s10;
	s11 =	sadd.s32 $0xD800, s12  }
0xe: {  	v0 =	vimm.f32 $0.0e+00;
	s12 =	smax.u32 s13, $0x1;
	s13 =	simm.s32 $0x100;
	s16 =	sadd.s32 $0x10, s10  }
.LBB2_1:
0xf: {  	[tilespmem:s13], [sflag:$0x3] =	stream.linear.gather [hbm4b:s4+s3], $0x2000, $0x38;
	[tilespmem:$0xE100] =	vst v63  }
0x10: {  	_ =	swait.ge [sflag:s14], $0x2000  }
0x11: {  	[sflag:s14] =	ssyncset.done $0x0  }
0x12: {  	s21 =	simm.s32 $0x100;
	s20 =	simm.s32 $0x0;
	[sflag:s14] =	ssyncadd.s32 $0xFFFFE000  }
.LBB2_2:
0x13: {  	p0 =	sne.s32 s21, $0x7F00;
	[tilespmem:s20+$0x2130] =	vst v0;
	s22 =	smov.u32 s21;
	s21 =	sadd.s32 $0x100, s21  }
.Ltmp0:
0x14: {  	[tilespmem:s20+$0x2120] =	vst v0;
	(pc) =	sbr.rel @p0 .LBB2_2-.Ltmp0, $3  }
0x15: {  	[tilespmem:s20+$0x2100] =	vst v0  }
0x16: {  	[tilespmem:s20+$0x2110] =	vst v0;
	_ =	sdelay $0x1  }
0x17: {  	s20 =	sshra.s32 s22, $0x2  }
0x18: {  	[tilespmem:s20+$0x2130] =	vst v0  }
0x19: {  	[tilespmem:s20+$0x2120] =	vst v0  }
0x1a: {  	[tilespmem:s20+$0x2100] =	vst v0  }
0x1b: {  	[tilespmem:s20+$0x2110] =	vst v0  }
0x1c: {  	[spmem:s5] =	stream.linear.scatter [tilespmem:s15], [sflag:$0x3], $0x2000, $0x38;
	[tilespmem:$0xE100] =	vst v63  }
0x1d: {  	_ =	swait.ge [sflag:s14], $0x2000  }
0x1e: {  	[sflag:s14] =	ssyncset.done $0x0  }
0x1f: {  	[sflag:s14] =	ssyncadd.s32 $0xFFFFE000  }
0x20: {  	[spmem:s6] =	stream.linear.scatter [tilespmem:s15], [sflag:$0x3], $0x2000, $0x38;
	[tilespmem:$0xE100] =	vst v63  }
0x21: {  	_ =	swait.ge [sflag:s14], $0x2000  }
0x22: {  	[sflag:s14] =	ssyncset.done $0x0  }
0x23: {  	[sflag:s14] =	ssyncadd.s32 $0xFFFFE000  }
0x24: {  	[spmem:s7] =	stream.linear.scatter [tilespmem:s15], [sflag:$0x3], $0x2000, $0x38;
	[tilespmem:$0xE100] =	vst v63  }
0x25: {  	_ =	swait.ge [sflag:s14], $0x2000  }
0x26: {  	[sflag:s14] =	ssyncset.done $0x0  }
0x27: {  	[sflag:s14] =	ssyncadd.s32 $0xFFFFE000  }
0x28: {  	[spmem:s8] =	stream.linear.scatter [tilespmem:s15], [sflag:$0x3], $0x2000, $0x38;
	[tilespmem:$0xE100] =	vst v63  }
0x29: {  	_ =	swait.ge [sflag:s14], $0x2000  }
0x2a: {  	[sflag:s14] =	ssyncset.done $0x0  }
0x2b: {  	[sflag:s14] =	ssyncadd.s32 $0xFFFFE000  }
0x2c: {  	[spmem:s9] =	stream.linear.scatter [tilespmem:s15], [sflag:$0x3], $0x2000, $0x38;
	[tilespmem:$0xE100] =	vst v63  }
0x2d: {  	_ =	swait.ge [sflag:s14], $0x2000  }
0x2e: {  	s30 =	simm.s32 $0x0;
	[sflag:s14] =	ssyncset.done $0x0  }
0x2f: {  	s20 =	sand.u32 $0x1, s30;
	[sflag:s14] =	ssyncadd.s32 $0xFFFFE000  }
0x30: {  	p0 =	seq.s32 s20, $0x1;
	[bflag:$0x0] =	sbarrier.arrive $0xFFFF  }
0x31: {  	[tilespmem:s30], [sflag:$0x1] =	stream.linear.gather [hbm4b:s10+s30], $0x80, $0x38;
	[tilespmem:$0xE100] =	vst v63  }
0x32: {  	s20 =	simm.s32 @p0 $0x0;
	s21 =	simm.s32 @p0 $0x2  }
0x33: {  	[tilespmem:s20], [sflag:$0x1] =	stream.linear.gather @p0 [hbm4b:s16+s20], $0x80, $0x38;
	[tilespmem:$0xE100] =	vst v63  }
0x34: {  	_ =	swait.ge @p0 [sflag:s21], $0x80  }
0x35: {  	[sflag:s21] =	ssyncset.done @p0 $0x0  }
0x36: {  	s22 =	simm.s32 @p0 $0x100;
	s20 =	simm.s32 @p0 $0x80;
	[sflag:s21] =	ssyncadd.s32 @p0 $0xFFFFFF80  }
0x37: {  	[spmem:s2] =	stream.indirect.scatter.add.f32 @p0 [tilespmem:s22], [sflag:$0x3], $0x40, s20, s20, $0xb8;
	[tilespmem:$0xE100] =	vst v63  }
0x38: {  	s23 =	simm.s32 @!p0 $0x1;
	s21 =	simm.s32 @!p0 $0x80;
	s20 =	simm.s32 @!p0 $0x0  }
0x39: {  	[tilespmem:s21], [sflag:$0x2] =	stream.linear.gather @!p0 [hbm4b:s16+s20], $0x80, $0x38;
	[tilespmem:$0xE100] =	vst v63  }
0x3a: {  	_ =	swait.ge @!p0 [sflag:s23], $0x80  }
0x3b: {  	s24 =	simm.s32 $0x1;
	[sflag:s23] =	ssyncset.done @!p0 $0x0  }
0x3c: {  	s25 =	simm.s32 @!p0 $0x100;
	s22 =	simm.s32 @!p0 $0x4;
	[sflag:s23] =	ssyncadd.s32 @!p0 $0xFFFFFF80  }
0x3d: {  	[spmem:s2] =	stream.indirect.scatter.add.f32 @!p0 [tilespmem:s25], [sflag:$0x4], $0x40, s20, s21, $0xb8;
	[tilespmem:$0xE100] =	vst v63  }
0x3e: {  	s31 =	sand.u32 $0x1, s24;
	s22 =	simm.s32 @p0 $0x3;
	s21 =	simm.s32 $0x2  }
0x3f: {  	p0 =	seq.s32 s31, $0x1;
	s20 =	sadd.s32 $0x10, s16;
	_ =	swait.ge [sflag:s22], $0x2000  }
.LBB2_4:
0x40: {  	s23 =	simm.s32 @p0 $0x0;
	s24 =	simm.s32 @p0 $0x2;
	[sflag:s22] =	ssyncset.done $0x0  }
0x41: {  	s25 =	smov.u32 s21;
	s21 =	sadd.s32 $0x1, s21;
	[sflag:s22] =	ssyncadd.s32 $0xFFFFE000  }
0x42: {  	[tilespmem:s23], [sflag:$0x1] =	stream.linear.gather @p0 [hbm4b:s20+s23], $0x80, $0x38;
	[tilespmem:$0xE100] =	vst v63  }
0x43: {  	p1 =	sne.s32 s21, $0x4F;
	_ =	swait.ge @p0 [sflag:s24], $0x80  }
0x44: {  	s22 =	simm.s32 @p0 $0x80;
	s23 =	simm.s32 @p0 $0x100;
	[sflag:s24] =	ssyncset.done @p0 $0x0  }
0x45: {  	[sflag:s24] =	ssyncadd.s32 @p0 $0xFFFFFF80  }
0x46: {  	[spmem:s2] =	stream.indirect.scatter.add.f32 @p0 [tilespmem:s23], [sflag:$0x3], $0x40, s22, s22, $0xb8;
	[tilespmem:$0xE100] =	vst v63  }
0x47: {  	s26 =	simm.s32 @!p0 $0x1;
	s24 =	simm.s32 @!p0 $0x80;
	s23 =	simm.s32 @!p0 $0x0  }
0x48: {  	[tilespmem:s24], [sflag:$0x2] =	stream.linear.gather @!p0 [hbm4b:s20+s23], $0x80, $0x38;
	[tilespmem:$0xE100] =	vst v63  }
.Ltmp1:
0x49: {  	_ =	swait.ge @!p0 [sflag:s26], $0x80;
	(pc) =	sbr.rel @p1 .LBB2_4-.Ltmp1, $4  }
0x4a: {  	s28 =	simm.s32 @!p0 $0x100;
	s22 =	simm.s32 @!p0 $0x4;
	[sflag:s26] =	ssyncset.done @!p0 $0x0  }
0x4b: {  	s25 =	sand.u32 $0x1, s25;
	s22 =	simm.s32 @p0 $0x3;
	[sflag:s26] =	ssyncadd.s32 @!p0 $0xFFFFFF80  }
0x4c: {  	[spmem:s2] =	stream.indirect.scatter.add.f32 @!p0 [tilespmem:s28], [sflag:$0x4], $0x40, s23, s24, $0xb8;
	[tilespmem:$0xE100] =	vst v63  }
0x4d: {  	s20 =	sadd.s32 $0x10, s20;
	p0 =	seq.s32 s25, $0x1;
	_ =	swait.ge [sflag:s22], $0x2000  }
0x4e: {  	[sflag:s22] =	ssyncset.done $0x0  }
0x4f: {  	s21 =	simm.s32 @p0 $0x0;
	s23 =	simm.s32 @p0 $0x2;
	[sflag:s22] =	ssyncadd.s32 $0xFFFFE000  }
0x50: {  	[tilespmem:s21], [sflag:$0x1] =	stream.linear.gather @p0 [hbm4b:s20+s21], $0x80, $0x38;
	[tilespmem:$0xE100] =	vst v63  }
0x51: {  	_ =	swait.ge @p0 [sflag:s23], $0x80  }
0x52: {  	[sflag:s23] =	ssyncset.done @p0 $0x0  }
0x53: {  	s22 =	simm.s32 @p0 $0x100;
	s21 =	simm.s32 @p0 $0x80;
	[sflag:s23] =	ssyncadd.s32 @p0 $0xFFFFFF80  }
0x54: {  	[spmem:s2] =	stream.indirect.scatter.add.f32 @p0 [tilespmem:s22], [sflag:$0x3], $0x40, s21, s21, $0xb8;
	[tilespmem:$0xE100] =	vst v63  }
0x55: {  	s23 =	simm.s32 @!p0 $0x1;
	s21 =	simm.s32 @!p0 $0x0;
	s22 =	simm.s32 @!p0 $0x80  }
0x56: {  	[tilespmem:s22], [sflag:$0x2] =	stream.linear.gather @!p0 [hbm4b:s20+s21], $0x80, $0x38;
	[tilespmem:$0xE100] =	vst v63  }
0x57: {  	_ =	swait.ge @!p0 [sflag:s23], $0x80  }
0x58: {  	s20 =	simm.s32 @!p0 $0x4;
	[sflag:s23] =	ssyncset.done @!p0 $0x0  }
0x59: {  	s24 =	simm.s32 @!p0 $0x100;
	s20 =	simm.s32 @p0 $0x3;
	[sflag:s23] =	ssyncadd.s32 @!p0 $0xFFFFFF80  }
0x5a: {  	[spmem:s2] =	stream.indirect.scatter.add.f32 @!p0 [tilespmem:s24], [sflag:$0x4], $0x40, s21, s22, $0xb8;
	[tilespmem:$0xE100] =	vst v63  }
0x5b: {  	_ =	swait.ge [sflag:s20], $0x2000  }
0x5c: {  	[sflag:s20] =	ssyncset.done $0x0  }
0x5d: {  	[sflag:s20] =	ssyncadd.s32 $0xFFFFE000  }
0x5e: {  	_ =	swait.ge [sflag:s17], $0x80  }
0x5f: {  	[sflag:s17] =	ssyncset.done $0x0  }
0x60: {  	[sflag:s17] =	ssyncadd.s32 $0xFFFFFF80  }
0x61: {  	[spmem:s2] =	stream.indirect.scatter.add.f32 [tilespmem:s13], [sflag:$0x3], $0x40, s18, s18, $0xb8;
	[tilespmem:$0xE100] =	vst v63  }
0x62: {  	_ =	swait.ge [sflag:s14], $0x2000  }
0x63: {  	s30 =	sshll.u32 s0, $0x6;
	s19 =	sadd.s32 $0x1, s19;
	[sflag:s14] =	ssyncset.done $0x0  }
0x64: {  	s31 =	sshrl.u32 s5, $0x3;
	p0 =	sne.s32 s19, s12;
	[sflag:s14] =	ssyncadd.s32 $0xFFFFE000  }
.Ltmp2:
0x65: {  	s20 =	sor.u32 $0x1C03, s30;
	[bflag:$0x0] =	sbarrier.arrive $0xFFFF;
	(pc) =	sbr.rel @p0 .LBB2_1-.Ltmp2, $4  }
0x66: {  	[hbm:s11], [sflag:s20] =	dma.local [spmem:s31], $0x1400  }
0x67: {  	_ =	swait.ge [sflag:s14], $0x1400  }
0x68: {  	[sflag:s14] =	ssyncset.done $0x0  }
0x69: {  	[sflag:s14] =	ssyncadd.s32 $0xFFFFEC00  }
0x6a: {  	_ =	sfence.sel $0x180000  }
0x6b: {  	[bflag:$0x0] =	sbarrier.arrive $0xFFFF  }
0x6c: {  	p0 =	sne.s32 s0, $0x0;
	_ =	strace $0x90000047  }
0x6d: {  	s0 =	sadd.s32 @!p0 $0x100000, s1;
	[bflag:$0x2] =	sbarrier.arrive $0xFFFF  }
0x6e: {  	[sflag:s0] =	ssyncadd.tile.s32 @!p0 $0x1;
	_ =	shalt  }
.Lfunc_end2:
_tile_overlayer_lowered:
.L_overlay_start_2:
0x6f: {  	(tag) =	ssettag $0x2  }
0x70: {  	s0 =	rddreg [dreg:$0x0];
	s2 =	stileid.u32  }
0x71: {  	s1 =	rddreg [dreg:$0x1];
	p0 =	sne.s32 s2, $0x0  }
0x72: {  	s3 =	rddreg [dreg:$0x2];
	[bflag:$0x3] =	sbarrier.arrive $0xFFFF;
	s2 =	simm.s32 @!p0 $0x1C03  }
0x73: {  	[timem:s3], [sflag:s2] =	dma.local @!p0 [hbm:s0], s1  }
0x74: {  	s0 =	simm.s32 @!p0 $0x3  }
0x75: {  	_ =	swait.ge @!p0 [sflag:s0], s1  }
0x76: {  	s1 =	ssub.s32 @!p0 $0x0, s1;
	[sflag:s0] =	ssyncset.done @!p0 $0x0  }
0x77: {  	[sflag:s0] =	ssyncadd.s32 @!p0 s1  }
0x78: {  	[bflag:$0x3] =	sbarrier.arrive $0xFFFF  }
0x79: {  	_ =	shalt  }

// kernel: kernel.15.cloned.1.call-start
scs
__scs_entry_jumppad:
0x0: {  	(pc) =	sbr.rel $0x88, $3  }
0x1: {  	(tag) =	ssettag $0x0;
	lr =	simm.s32 $0x1  }
0x2: {  	[smem:$0x3F95] =	sst lr;
	_ =	strace $0xD0000000  }
0x3: {  	_ = 	snop  }
0x4: {  	_ = 	snop  }
0x5: {  	_ = 	snop  }
0x6: {  	_ = 	snop  }
0x7: {  	_ = 	snop  }
__scs_overlays_trampoline_lowered:
0x8: {  	[smem:$0x3FA4] =	sst s0  }
0x9: {  	[smem:$0x3FA5] =	sst s1  }
0xa: {  	[smem:$0x3FA6] =	sst s2  }
0xb: {  	[smem:$0x3FA7] =	sst s3  }
0xc: {  	[smem:$0x3FA8] =	sst s4  }
0xd: {  	[smem:$0x3FA9] =	sst s5  }
0xe: {  	[smem:$0x3FAA] =	sst s6  }
0xf: {  	[smem:$0x3FAB] =	sst s7  }
0x10: {  	[smem:$0x3FAC] =	sst s8  }
0x11: {  	[smem:$0x3FAD] =	sst s9;
	s0 =	simm.s32 @!p0 $0x0  }
0x12: {  	s1 =	sld [smem:$0x3F93];
	s0 =	simm.s32 @p0 $0x1  }
0x13: {  	[smem:$0x3FAE] =	sst s0;
	s0 =	simm.s32 @!p1 $0x0  }
0x14: {  	s2 =	sld [smem:$0x3F92];
	s0 =	simm.s32 @p1 $0x1  }
0x15: {  	[smem:$0x3FAF] =	sst s0;
	s0 =	simm.s32 @!p2 $0x0  }
0x16: {  	s3 =	sld [smem:$0x3FDB];
	s0 =	simm.s32 @p2 $0x1  }
0x17: {  	s4 =	simm.s32 $0x1BF5;
	[smem:$0x3FB1] =	sst s0  }
0x18: {  	s0 =	sld [smem:$0x3F94];
	_ =	swait.ge [sflag:s4], $0x0  }
0x19: {  	s7 =	sld [smem:$0x3F95]  }
0x1a: {  	s8 =	sadd.s32 $0xFFFFE003, lr  }
0x1b: {  	s9 =	sadd.s32 $0xFFFFFEF7, lr;
	s5 =	simm.s32 $0xFFFFFFFF;
	p2 =	slt.u32 s8, $0xFFFFF086  }
0x1c: {  	p1 =	slt.u32 s9, $0xF7A;
	s5 =	simm.s32 @!p2 $0x0  }
0x1d: {  	s5 =	simm.s32 @p1 $0x1;
	p0 =	seq.s32 s7, s2  }
0x1e: {  	s7 =	smul.u32 @!p0 $0xF7A, s2;
	p2 =	seq.s32 @!p0 s5, $0x0  }
0x1f: {  	s9 =	smul.u32 $0xF7A, s1;
	s8 =	simm.s32 @!p0 $0x1BF5;
	p2 =	por !p2, p0  }
0x20: {  	[sflag:s8] =	ssyncset.s32 @!p0 $0xFFFFF086;
	s6 =	sadd.s32 @!p0 s3, s7;
	s7 =	simm.s32 @!p0 $0x108  }
0x21: {  	s3 =	sadd.s32 s3, s9;
	s6 =	sadd.s32 @!p0 $0x88, s6;
	s7 =	simm.s32 @p2 $0x1082  }
0x22: {  	[simem:s7], [sflag:s8] =	dma.local @!p0 [hbm:s6], $0xF7A  }
0x23: {  	s9 =	sor.u32 $0xD0000000, s2;
	s6 =	simm.s32 $0x108;
	_ =	swait.ge @!p0 [sflag:s8], $0x0  }
0x24: {  	s3 =	sadd.s32 $0x88, s3;
	s6 =	simm.s32 @!p1 $0x1082;
	[sflag:s4] =	ssyncset.s32 $0xFFFFF086  }
0x25: {  	[simem:s6], [sflag:s4] =	dma.local [hbm:s3], $0xF7A  }
0x26: {  	[smem:$0x3F95] =	sst s1;
	(tag) =	ssettag s2;
	_ =	strace s9  }
0x27: {  	s1 =	sld [smem:$0x3FA5]  }
0x28: {  	s2 =	sld [smem:$0x3FA6]  }
0x29: {  	s4 =	sld [smem:$0x3FA8]  }
0x2a: {  	p0 =	seq.s32 s5, $0x0;
	s5 =	sld [smem:$0x3FA9]  }
0x2b: {  	s6 =	sld [smem:$0x3FAA]  }
0x2c: {  	s7 =	sld [smem:$0x3FAB]  }
0x2d: {  	s3 =	simm.s32 $0x108;
	s8 =	sld [smem:$0x3FAC]  }
0x2e: {  	s3 =	simm.s32 @!p0 $0x1082;
	s9 =	sld [smem:$0x3FAD]  }
0x2f: {  	lr =	sadd.s32 s0, s3;
	s0 =	sld [smem:$0x3FA4]  }
0x30: {  	s3 =	sld [smem:$0x3FA7]  }
0x31: {  	[smem:$0x3FB0] =	sst s10  }
0x32: {  	s10 =	sld [smem:$0x3FAE];
	_ =	sdelay $0x3  }
0x33: {  	p0 =	seq.s32 s10, $0x1;
	s10 =	sld [smem:$0x3FB0];
	_ =	sdelay $0x3  }
0x34: {  	[smem:$0x3FB0] =	sst s10  }
0x35: {  	s10 =	sld [smem:$0x3FAF];
	_ =	sdelay $0x3  }
0x36: {  	p1 =	seq.s32 s10, $0x1;
	s10 =	sld [smem:$0x3FB0];
	_ =	sdelay $0x3  }
0x37: {  	[smem:$0x3FB0] =	sst s10  }
0x38: {  	s10 =	sld [smem:$0x3FB1]  }
0x39: {  	_ = 	snop;
	(pc) =	sbr.ind lr, $3  }
0x3a: {  	_ = 	snop  }
0x3b: {  	_ = 	snop  }
0x3c: {  	p2 =	seq.s32 s10, $0x1;
	s10 =	sld [smem:$0x3FB0]  }
0x3d: {  	_ =	shalt  }
0x3e: {  	_ =	shalt  }
0x3f: {  	_ =	shalt  }
0x40: {  	_ =	shalt  }
0x41: {  	_ =	shalt  }
0x42: {  	_ =	shalt  }
0x43: {  	_ =	shalt  }
0x44: {  	_ =	shalt  }
0x45: {  	_ =	shalt  }
0x46: {  	_ =	shalt  }
0x47: {  	_ =	shalt  }
0x48: {  	_ =	shalt  }
0x49: {  	_ =	shalt  }
0x4a: {  	_ =	shalt  }
0x4b: {  	_ =	shalt  }
0x4c: {  	_ =	shalt  }
0x4d: {  	_ =	shalt  }
0x4e: {  	_ =	shalt  }
0x4f: {  	_ =	shalt  }
0x50: {  	_ =	shalt  }
0x51: {  	_ =	shalt  }
0x52: {  	_ =	shalt  }
0x53: {  	_ =	shalt  }
0x54: {  	_ =	shalt  }
0x55: {  	_ =	shalt  }
0x56: {  	_ =	shalt  }
0x57: {  	_ =	shalt  }
0x58: {  	_ =	shalt  }
0x59: {  	_ =	shalt  }
0x5a: {  	_ =	shalt  }
0x5b: {  	_ =	shalt  }
0x5c: {  	_ =	shalt  }
0x5d: {  	_ =	shalt  }
0x5e: {  	_ =	shalt  }
0x5f: {  	_ =	shalt  }
0x60: {  	_ =	shalt  }
0x61: {  	_ =	shalt  }
0x62: {  	_ =	shalt  }
0x63: {  	_ =	shalt  }
0x64: {  	_ =	shalt  }
0x65: {  	_ =	shalt  }
0x66: {  	_ =	shalt  }
0x67: {  	_ =	shalt  }
0x68: {  	_ =	shalt  }
0x69: {  	_ =	shalt  }
0x6a: {  	_ =	shalt  }
0x6b: {  	_ =	shalt  }
0x6c: {  	_ =	shalt  }
0x6d: {  	_ =	shalt  }
0x6e: {  	_ =	shalt  }
0x6f: {  	_ =	shalt  }
0x70: {  	_ =	shalt  }
0x71: {  	_ =	shalt  }
0x72: {  	_ =	shalt  }
0x73: {  	_ =	shalt  }
0x74: {  	_ =	shalt  }
0x75: {  	_ =	shalt  }
0x76: {  	_ =	shalt  }
0x77: {  	_ =	shalt  }
0x78: {  	_ =	shalt  }
0x79: {  	_ =	shalt  }
0x7a: {  	_ =	shalt  }
0x7b: {  	_ =	shalt  }
0x7c: {  	_ =	shalt  }
0x7d: {  	_ =	shalt  }
0x7e: {  	_ =	shalt  }
0x7f: {  	_ =	shalt  }
0x80: {  	_ =	shalt  }
0x81: {  	_ =	shalt  }
0x82: {  	_ =	shalt  }
0x83: {  	_ =	shalt  }
0x84: {  	_ =	shalt  }
0x85: {  	_ =	shalt  }
0x86: {  	_ =	shalt  }
0x87: {  	_ =	shalt  }
.Lfunc_end0:
.L_simem_size_0:
called_computation.1_lowered:
.L_overlay_start_0:
0x88: {  	s2 =	sld [smem:$0x3FD9]  }
0x89: {  	s3 =	sld [smem:$0x3FFE];
	_ =	sdelay $0x1  }
0x8a: {  	s1 =	srdreg.scid  }
0x8b: {  	s0 =	sand.u32 $0x1, s1  }
0x8c: {  	s17 =	sshll.u32 s0, $0xA;
	s2 =	sadd.s32 s3, s2  }
0x8d: {  	s2 =	sadd.s32 s2, s17  }
0x8e: {  	[smem:$0x3FBC] =	sst s2  }
0x8f: {  	_ = 	snop  }
0x90: {  	s2 =	sld [smem:$0x3FD0];
	(tm) =	ssettm $0x1  }
0x91: {  	s18 =	sld [smem:$0x3FFB];
	_ =	sdelay $0x3  }
0x92: {  	_ =	strace s18  }
0x93: {  	s3 =	sld [smem:$0x3FFC];
	_ =	sdelay $0x3  }
0x94: {  	_ =	strace s3  }
0x95: {  	s3 =	sld [smem:$0x3FFD];
	_ =	sdelay $0x3  }
0x96: {  	_ =	strace s3  }
0x97: {  	_ =	strace $0x8FFFFFFF  }
0x98: {  	s19 =	sld [smem:$0x3FDB];
	_ =	sdelay $0x1  }
0x99: {  	s4 =	simm.s32 $_scs_section_size  }
0x9a: {  	s5 =	simm.s32 $_size__tile_overlayer_lowered;
	s6 =	simm.s32 $_tile_overlayer_lowered  }
0x9b: {  	s22 =	simm.s32 $0x1BFF;
	s21 =	sshll.u32 s6, $0x1;
	s3 =	sadd.s32 s4, s19  }
0x9c: {  	s7 =	simm.s32 $0x0;
	s20 =	sshll.u32 s5, $0x1;
	s5 =	sadd.s32 s21, s3  }
0x9d: {  	[timem:s7], [sflag:s22] =	dma.local [hbm:s5], s20  }
0x9e: {  	_ =	swait.ge [sflag:s22], s20  }
0x9f: {  	s4 =	ssub.s32 $0x0, s20;
	[sflag:s22] =	ssyncset.done $0x0  }
0xa0: {  	[sflag:s22] =	ssyncadd.s32 s4;
	_ =	sdelay $0x1  }
0xa1: {  	s23 =	simm.s32 $0x1B8B  }
0xa2: {  	_ =	swait.ge [sflag:s23], $0x1  }
0xa3: {  	[sflag:s23] =	ssyncset.done $0x0  }
0xa4: {  	s25 =	simm.s32 $0x1B8E;
	s24 =	sld [smem:$0x3FFE];
	[sflag:s23] =	ssyncadd.s32 $0xFFFFFFFF  }
0xa5: {  	s26 =	simm.s32 $execute0_lowered;
	[smem:$0x3FD2] =	sst s25  }
0xa6: {  	s5 =	sshll.u32 s26, $0x1;
	_ =	strace $0x80000049;
	[dreg:$0x1] =	wrdreg $0xFFFFFFFF  }
0xa7: {  	s28 =	simm.s32 $_size_execute0_lowered;
	s3 =	sadd.s32 s3, s5;
	[dreg:$0x0] =	wrdreg $0x0  }
0xa8: {  	s5 =	sshll.u32 s28, $0x1;
	[dreg:$0x2] =	wrdreg s3  }
0xa9: {  	[dreg:$0x3] =	wrdreg s5  }
0xaa: {  	[dreg:$0x4] =	wrdreg $0xC0  }
0xab: {  	_ =	task [dreg:s7], $0x5FFFF  }
0xac: {  	[dreg:$0x1] =	wrdreg $0xFFFFFFFF  }
0xad: {  	[dreg:$0x0] =	wrdreg $0x60  }
0xae: {  	[dreg:$0x2] =	wrdreg s2  }
0xaf: {  	[dreg:$0x3] =	wrdreg s24  }
0xb0: {  	[dreg:$0x4] =	wrdreg $0x112800  }
0xb1: {  	[dreg:$0x5] =	wrdreg $0x9  }
0xb2: {  	_ =	task.clear_ibuf [dreg:s7], $0x6FFFF;
	_ =	strace $0x90000049  }
0xb3: {  	s29 =	simm.s32 $0x9;
	_ =	strace $0x8000004B  }
0xb4: {  	_ =	swait.ge [sflag:s29], $0x1  }
0xb5: {  	[sflag:s29] =	ssyncadd.s32 $0xFFFFFFFF  }
0xb6: {  	_ =	strace $0x9000004B  }
0xb7: {  	_ =	sfence  }
0xb8: {  	s30 =	sld [smem:$0x0];
	_ =	sdelay $0x2  }
0xb9: {  	s31 =	sshll.u32 s1, $0xD;
	s1 =	sshrl.u32 s1, $0x2  }
0xba: {  	s3 =	sand.u32 $0x4000, s31;
	s1 =	sadd.s32 s1, s30  }
0xbb: {  	s0 =	sor.u32 s3, s0;
	s1 =	sshll.u32 s1, $0x11  }
0xbc: {  	s0 =	sor.u32 s1, s0  }
0xbd: {  	s0 =	sadd.s32 $0x8F2B, s0  }
0xbe: {  	[sflag:s0] =	ssyncadd.remote.s32 $0x1  }
0xbf: {  	_ =	sfence.sel $0xFFFF  }
0xc0: {  	[dreg:$0x0] =	wrdreg $0xFFFFFFFF;
	(pc) =	sbr.abs _section_cstart, $3  }
0xc1: {  	[dreg:$0x1] =	wrdreg $0xFFFFFFFF  }
0xc2: {  	_ =	task.clear_ibuf [dreg:s7], $0x2FFFF;
	_ =	strace $0x9FFFFFFF  }
0xc3: {  	(tm) =	ssettm $0x7FFFFFFF  }
tec
execute0_lowered:
.L_overlay_start_1:
0x0: {  	(tag) =	ssettag $0x1  }
0x1: {  	s0 =	rddreg [dreg:$0x0]  }
0x2: {  	s1 =	rddreg [dreg:$0x1]  }
0x3: {  	s3 =	srdreg.scid;
	s12 =	stileid.u32  }
0x4: {  	s2 =	rddreg [dreg:$0x2];
	s28 =	simm.s32 $0x5100;
	s6 =	smul.u32 $0xA000, s12  }
0x5: {  	s29 =	simm.s32 $0x3;
	s30 =	simm.s32 $0x8;
	s16 =	smul.u32 $0x28000, s12  }
0x6: {  	s31 =	simm.s32 $0x5;
	s4 =	sand.u32 $0x1, s3;
	s10 =	smul.u32 $0x5000, s12  }
0x7: {  	s3 =	simm.s32 $0x0;
	s8 =	sadd.s32 $0x3400, s1;
	s5 =	smul.u32 $0x13880, s4  }
0x8: {  	[smem:$0x7FF] =	sst s3;
	s7 =	smul.u32 $0xA0000, s4;
	s4 =	ssub.s32 $0x2, s4  }
0x9: {  	s23 =	smul.u32 $0xA00, s12;
	_ =	strace $0x8000004A;
	s17 =	sshrl.u32 s4, $0x1  }
0xa: {  	s11 =	sshrl.u32 s10, $0x3;
	s13 =	sadd.s32 s6, s2;
	s9 =	sadd.s32 s5, s1  }
0xb: {  	s15 =	sadd.s32 s6, s7;
	s7 =	sshrl.u32 s16, $0x2;
	s4 =	ssub.s32 s4, s17  }
0xc: {  	s0 =	sadd.s32 s0, s11;
	s22 =	sadd.s32 s8, s11;
	[dreg:$0x5] =	wrdreg s13  }
0xd: {  	s17 =	sadd.s32 s23, s8;
	s23 =	simm.s32 $0x5200;
	[dreg:$0x4] =	wrdreg s0  }
0xe: {  	s5 =	sshrl.u32 s15, $0x3;
	s24 =	sadd.s32 $0x10, s22;
	[dreg:$0xa] =	wrdreg s22  }
0xf: {  	s7 =	sadd.s32 s7, s2;
	s25 =	sadd.s32 $0x20, s22;
	[dreg:$0xb] =	wrdreg s24  }
0x10: {  	s10 =	sadd.s32 $0x5B600, s9;
	s26 =	smax.u32 s4, $0x1;
	[dreg:$0xc] =	wrdreg s25  }
0x11: {  	s0 =	simm.s32 $0xD280;
	s18 =	sadd.s32 $0x2000, s7;
	[dreg:$0xf] =	wrdreg s26  }
0x12: {  	s1 =	sadd.s32 s5, s1;
	s19 =	sadd.s32 $0x4000, s7;
	[dreg:$0x6] =	wrdreg s18  }
0x13: {  	s20 =	sadd.s32 $0x6000, s7;
	s21 =	sadd.s32 $0x8000, s7;
	[dreg:$0x7] =	wrdreg s19  }
0x14: {  	s5 =	sadd.s32 $0x30, s22;
	s22 =	simm.s32 $0x5000;
	[dreg:$0x8] =	wrdreg s20  }
0x15: {  	s26 =	simm.s32 $0x9280;
	s24 =	simm.s32 $0x1;
	[dreg:$0x9] =	wrdreg s21  }
0x16: {  	s25 =	simm.s32 $0x6;
	[dreg:$0xd] =	wrdreg s5;
	s1 =	sadd.s32 $0x82800, s1  }
0x17: {  	s18 =	simm.s32 $0x10;
	s20 =	simm.s32 $0x80;
	s21 =	simm.s32 $0x5280  }
0x18: {  	v0 =	vimm.f32 $0.0e+00;
	s5 =	simm.s32 $0x0;
	[dreg:$0xe] =	wrdreg s1;
	s1 =	simm.s32 $0xA  }
.LBB2_1:
0x19: {  	[dreg:$0x10] =	wrdreg s5  }
0x1a: {  	s4 =	rddreg [dreg:$0x4]  }
0x1b: {  	[tilespmem:s3], [sflag:$0x10] =	stream.linear.gather [hbm4b:s4+s3], $0x5000, $0x38;
	[tilespmem:$0x1B280] =	vst v63  }
0x1c: {  	_ =	swait.ge [sflag:s18], $0x5000  }
0x1d: {  	[sflag:s18] =	ssyncset.done $0x0  }
0x1e: {  	s6 =	simm.s32 $0x100;
	s4 =	simm.s32 $0x0;
	[sflag:s18] =	ssyncadd.s32 $0xFFFFB000  }
.LBB2_2:
0x1f: {  	p0 =	sne.s32 s6, $0x7F00;
	[tilespmem:s4+$0xF2B0] =	vst v0;
	s7 =	smov.u32 s6;
	s6 =	sadd.s32 $0x100, s6  }
.Ltmp0:
0x20: {  	[tilespmem:s4+$0xF2A0] =	vst v0;
	(pc) =	sbr.rel @p0 .LBB2_2-.Ltmp0, $3  }
0x21: {  	[tilespmem:s4+$0xF280] =	vst v0  }
0x22: {  	[tilespmem:s4+$0xF290] =	vst v0;
	_ =	sdelay $0x1  }
0x23: {  	s4 =	sshra.s32 s7, $0x2  }
0x24: {  	[tilespmem:s4+$0xF2B0] =	vst v0  }
0x25: {  	[tilespmem:s4+$0xF2A0] =	vst v0  }
0x26: {  	[tilespmem:s4+$0xF280] =	vst v0  }
0x27: {  	[tilespmem:s4+$0xF290] =	vst v0;
	s5 =	simm.s32 $0xF280  }
0x28: {  	[spmem:s13] =	stream.linear.scatter [tilespmem:s5], [sflag:$0x10], $0x2000, $0x38;
	[tilespmem:$0x1B280] =	vst v63  }
0x29: {  	_ =	swait.ge [sflag:s18], $0x2000  }
0x2a: {  	[sflag:s18] =	ssyncset.done $0x0  }
0x2b: {  	s12 =	rddreg [dreg:$0x6];
	[sflag:s18] =	ssyncadd.s32 $0xFFFFE000  }
0x2c: {  	[spmem:s12] =	stream.linear.scatter [tilespmem:s5], [sflag:$0x10], $0x2000, $0x38;
	[tilespmem:$0x1B280] =	vst v63  }
0x2d: {  	_ =	swait.ge [sflag:s18], $0x2000  }
0x2e: {  	[sflag:s18] =	ssyncset.done $0x0  }
0x2f: {  	s13 =	rddreg [dreg:$0x7];
	[sflag:s18] =	ssyncadd.s32 $0xFFFFE000  }
0x30: {  	[spmem:s13] =	stream.linear.scatter [tilespmem:s5], [sflag:$0x10], $0x2000, $0x38;
	[tilespmem:$0x1B280] =	vst v63  }
0x31: {  	_ =	swait.ge [sflag:s18], $0x2000  }
0x32: {  	[sflag:s18] =	ssyncset.done $0x0  }
0x33: {  	s14 =	rddreg [dreg:$0x8];
	[sflag:s18] =	ssyncadd.s32 $0xFFFFE000  }
0x34: {  	[spmem:s14] =	stream.linear.scatter [tilespmem:s5], [sflag:$0x10], $0x2000, $0x38;
	[tilespmem:$0x1B280] =	vst v63  }
0x35: {  	_ =	swait.ge [sflag:s18], $0x2000  }
0x36: {  	[sflag:s18] =	ssyncset.done $0x0  }
0x37: {  	s15 =	rddreg [dreg:$0x9];
	[sflag:s18] =	ssyncadd.s32 $0xFFFFE000  }
0x38: {  	[spmem:s15] =	stream.linear.scatter [tilespmem:s5], [sflag:$0x10], $0x2000, $0x38;
	[tilespmem:$0x1B280] =	vst v63  }
0x39: {  	_ =	swait.ge [sflag:s18], $0x2000  }
0x3a: {  	[sflag:s18] =	ssyncset.done $0x0  }
0x3b: {  	[sflag:s18] =	ssyncadd.s32 $0xFFFFE000  }
0x3c: {  	s16 =	simm.s32 $0x0;
	[bflag:$0x0] =	sbarrier.arrive $0xFFFF  }
0x3d: {  	[tilespmem:s21], [sflag:$0x1] =	stream.indirect.gather [hbm4b:s10+s20], $0x40, s16, s20, $0xb8;
	[tilespmem:$0x1B280] =	vst v63  }
0x3e: {  	s19 =	rddreg [dreg:$0xa]  }
0x3f: {  	[tilespmem:s22], [sflag:$0x6] =	stream.linear.gather [hbm4b:s19+s16], $0x80, $0x38;
	[tilespmem:$0x1B280] =	vst v63  }
0x40: {  	s6 =	simm.s32 $0x7280  }
0x41: {  	[tilespmem:s6], [sflag:$0x2] =	stream.indirect.gather [hbm4b:s10+s20], $0x40, s20, s20, $0xb8;
	[tilespmem:$0x1B280] =	vst v63  }
0x42: {  	s7 =	rddreg [dreg:$0xb];
	s6 =	simm.s32 $0x5080  }
0x43: {  	[tilespmem:s6], [sflag:$0x7] =	stream.linear.gather [hbm4b:s7+s16], $0x80, $0x38;
	[tilespmem:$0x1B280] =	vst v63  }
0x44: {  	s8 =	simm.s32 $0x100  }
0x45: {  	[tilespmem:s26], [sflag:$0x3] =	stream.indirect.gather [hbm4b:s10+s20], $0x40, s8, s20, $0xb8;
	[tilespmem:$0x1B280] =	vst v63  }
0x46: {  	p0 =	por $0x1, $0x1;
	s9 =	rddreg [dreg:$0xc]  }
0x47: {  	[tilespmem:s28], [sflag:$0x8] =	stream.linear.gather [hbm4b:s9+s16], $0x80, $0x38;
	[tilespmem:$0x1B280] =	vst v63  }
0x48: {  	s11 =	simm.s32 $0x180;
	p0 =	por p0, p0;
	s12 =	simm.s32 $0xB280  }
0x49: {  	[tilespmem:s12], [sflag:$0x4] =	stream.indirect.gather [hbm4b:s10+s20], $0x40, s11, s20, $0xb8;
	[tilespmem:$0x1B280] =	vst v63  }
0x4a: {  	s4 =	simm.s32 @!p0 $0xF;
	s14 =	simm.s32 $0x5180;
	s13 =	rddreg [dreg:$0xd]  }
0x4b: {  	[tilespmem:s14], [sflag:$0x9] =	stream.linear.gather [hbm4b:s13+s16], $0x80, $0x38;
	[tilespmem:$0x1B280] =	vst v63  }
0x4c: {  	_ =	swait.ge @!p0 [sflag:s4], $0x2000  }
0x4d: {  	[sflag:s4] =	ssyncset.done @!p0 $0x0  }
0x4e: {  	s15 =	simm.s32 $0x200;
	s16 =	sadd.s32 $0x0, s17;
	[sflag:s4] =	ssyncadd.s32 @!p0 $0xFFFFE000  }
0x4f: {  	[tilespmem:s0], [sflag:$0x5] =	stream.indirect.gather [hbm4b:s10+s20], $0x40, s15, s20, $0xb8;
	[tilespmem:$0x1B280] =	vst v63  }
0x50: {  	s19 =	sadd.s32 $0x40, s16  }
0x51: {  	[tilespmem:s23], [sflag:$0xA] =	stream.linear.gather [hbm4b:s19+s3], $0x80, $0x38;
	[tilespmem:$0x1B280] =	vst v63  }
0x52: {  	_ =	swait.ge [sflag:s24], $0x2000  }
0x53: {  	[sflag:s24] =	ssyncset.done $0x0  }
0x54: {  	[sflag:s24] =	ssyncadd.s32 $0xFFFFE000  }
0x55: {  	_ =	swait.ge [sflag:s25], $0x80  }
0x56: {  	p0 =	por $0x0, $0x0;
	[sflag:s25] =	ssyncset.done $0x0  }
0x57: {  	s4 =	simm.s32 @p0 $0x2;
	[sflag:s25] =	ssyncadd.s32 $0xFFFFFF80  }
0x58: {  	[spmem:s2] =	stream.indirect.scatter.add.f32 [tilespmem:s21], [sflag:$0xB], $0x40, s22, s20, $0xb8;
	[tilespmem:$0x1B280] =	vst v63  }
0x59: {  	_ =	swait.ge @p0 [sflag:s4], $0x2000  }
0x5a: {  	[sflag:s4] =	ssyncset.done @p0 $0x0  }
0x5b: {  	s6 =	simm.s32 @p0 $0x7;
	[sflag:s4] =	ssyncadd.s32 @p0 $0xFFFFE000  }
0x5c: {  	_ =	swait.ge @p0 [sflag:s6], $0x80  }
0x5d: {  	s8 =	simm.s32 @p0 $0x80;
	s7 =	simm.s32 @p0 $0x5080;
	[sflag:s6] =	ssyncset.done @p0 $0x0  }
0x5e: {  	s11 =	simm.s32 @!p0 $0xB;
	s4 =	simm.s32 @p0 $0x7280;
	[sflag:s6] =	ssyncadd.s32 @p0 $0xFFFFFF80  }
0x5f: {  	[spmem:s2] =	stream.indirect.scatter.add.f32 @p0 [tilespmem:s4], [sflag:$0xC], $0x40, s7, s8, $0xb8;
	[tilespmem:$0x1B280] =	vst v63  }
0x60: {  	s14 =	simm.s32 @!p0 $0x280;
	_ =	swait.ge @!p0 [sflag:s11], $0x2000  }
0x61: {  	s6 =	simm.s32 @!p0 $0x80;
	s4 =	sadd.s32 @!p0 $0x0, s17;
	[sflag:s11] =	ssyncset.done @!p0 $0x0  }
0x62: {  	s7 =	simm.s32 @!p0 $0x5280;
	s13 =	sadd.s32 @!p0 $0x50, s4;
	[sflag:s11] =	ssyncadd.s32 @!p0 $0xFFFFE000  }
0x63: {  	[tilespmem:s7], [sflag:$0x1] =	stream.indirect.gather @!p0 [hbm4b:s10+s6], $0x40, s14, s6, $0xb8;
	[tilespmem:$0x1B280] =	vst v63  }
0x64: {  	s11 =	simm.s32 @!p0 $0x5000;
	s7 =	simm.s32 @!p0 $0x0;
	s14 =	simm.s32 @!p0 $0x2  }
0x65: {  	[tilespmem:s11], [sflag:$0x6] =	stream.linear.gather @!p0 [hbm4b:s13+s7], $0x80, $0x38;
	[tilespmem:$0x1B280] =	vst v63  }
0x66: {  	_ =	swait.ge @!p0 [sflag:s14], $0x2000  }
0x67: {  	[sflag:s14] =	ssyncset.done @!p0 $0x0  }
0x68: {  	s11 =	simm.s32 @!p0 $0x7;
	[sflag:s14] =	ssyncadd.s32 @!p0 $0xFFFFE000  }
0x69: {  	_ =	swait.ge @!p0 [sflag:s11], $0x80  }
0x6a: {  	s13 =	simm.s32 @!p0 $0x5080;
	[sflag:s11] =	ssyncset.done @!p0 $0x0  }
0x6b: {  	s14 =	simm.s32 @!p0 $0x7280;
	[sflag:s11] =	ssyncadd.s32 @!p0 $0xFFFFFF80;
	s11 =	simm.s32 @!p0 $0xC  }
0x6c: {  	[spmem:s2] =	stream.indirect.scatter.add.f32 @!p0 [tilespmem:s14], [sflag:$0xC], $0x40, s13, s6, $0xb8;
	[tilespmem:$0x1B280] =	vst v63  }
0x6d: {  	_ =	swait.ge @!p0 [sflag:s11], $0x2000  }
0x6e: {  	[sflag:s11] =	ssyncset.done @!p0 $0x0  }
0x6f: {  	[sflag:s11] =	ssyncadd.s32 @!p0 $0xFFFFE000;
	s11 =	simm.s32 @!p0 $0x300  }
0x70: {  	[tilespmem:s14], [sflag:$0x2] =	stream.indirect.gather @!p0 [hbm4b:s10+s6], $0x40, s11, s6, $0xb8;
	[tilespmem:$0x1B280] =	vst v63  }
0x71: {  	s11 =	sadd.s32 @!p0 $0x60, s4  }
0x72: {  	[tilespmem:s13], [sflag:$0x7] =	stream.linear.gather @!p0 [hbm4b:s11+s7], $0x80, $0x38;
	[tilespmem:$0x1B280] =	vst v63  }
0x73: {  	_ =	swait.ge [sflag:s29], $0x2000  }
0x74: {  	[sflag:s29] =	ssyncset.done $0x0  }
0x75: {  	[sflag:s29] =	ssyncadd.s32 $0xFFFFE000  }
0x76: {  	_ =	swait.ge [sflag:s30], $0x80  }
0x77: {  	[sflag:s30] =	ssyncset.done $0x0  }
0x78: {  	s11 =	simm.s32 @p0 $0x4;
	[sflag:s30] =	ssyncadd.s32 $0xFFFFFF80  }
0x79: {  	[spmem:s2] =	stream.indirect.scatter.add.f32 [tilespmem:s26], [sflag:$0xD], $0x40, s28, s20, $0xb8;
	[tilespmem:$0x1B280] =	vst v63  }
0x7a: {  	_ =	swait.ge @p0 [sflag:s11], $0x2000  }
0x7b: {  	[sflag:s11] =	ssyncset.done @p0 $0x0  }
0x7c: {  	s13 =	simm.s32 @p0 $0x9;
	[sflag:s11] =	ssyncadd.s32 @p0 $0xFFFFE000  }
0x7d: {  	_ =	swait.ge @p0 [sflag:s13], $0x80  }
0x7e: {  	[sflag:s13] =	ssyncset.done @p0 $0x0  }
0x7f: {  	s11 =	simm.s32 @p0 $0x5180;
	[sflag:s13] =	ssyncadd.s32 @p0 $0xFFFFFF80;
	s13 =	simm.s32 @p0 $0xB280  }
0x80: {  	[spmem:s2] =	stream.indirect.scatter.add.f32 @p0 [tilespmem:s13], [sflag:$0xE], $0x40, s11, s8, $0xb8;
	[tilespmem:$0x1B280] =	vst v63  }
0x81: {  	s8 =	simm.s32 @!p0 $0xD  }
0x82: {  	_ =	swait.ge @!p0 [sflag:s8], $0x2000  }
0x83: {  	[sflag:s8] =	ssyncset.done @!p0 $0x0  }
0x84: {  	s11 =	simm.s32 @!p0 $0x380;
	s13 =	simm.s32 @!p0 $0x9280;
	[sflag:s8] =	ssyncadd.s32 @!p0 $0xFFFFE000  }
0x85: {  	[tilespmem:s13], [sflag:$0x3] =	stream.indirect.gather @!p0 [hbm4b:s10+s6], $0x40, s11, s6, $0xb8;
	[tilespmem:$0x1B280] =	vst v63  }
0x86: {  	s8 =	sadd.s32 @!p0 $0x70, s4;
	s11 =	simm.s32 @!p0 $0x5100;
	s13 =	simm.s32 @!p0 $0x4  }
0x87: {  	[tilespmem:s11], [sflag:$0x8] =	stream.linear.gather @!p0 [hbm4b:s8+s7], $0x80, $0x38;
	[tilespmem:$0x1B280] =	vst v63  }
0x88: {  	_ =	swait.ge @!p0 [sflag:s13], $0x2000  }
0x89: {  	[sflag:s13] =	ssyncset.done @!p0 $0x0  }
0x8a: {  	s8 =	simm.s32 @!p0 $0x9;
	[sflag:s13] =	ssyncadd.s32 @!p0 $0xFFFFE000  }
0x8b: {  	_ =	swait.ge @!p0 [sflag:s8], $0x80  }
0x8c: {  	s11 =	simm.s32 @!p0 $0x5180;
	[sflag:s8] =	ssyncset.done @!p0 $0x0  }
0x8d: {  	s13 =	simm.s32 @!p0 $0xB280;
	[sflag:s8] =	ssyncadd.s32 @!p0 $0xFFFFFF80;
	s8 =	simm.s32 @!p0 $0xE  }
0x8e: {  	[spmem:s2] =	stream.indirect.scatter.add.f32 @!p0 [tilespmem:s13], [sflag:$0xE], $0x40, s11, s6, $0xb8;
	[tilespmem:$0x1B280] =	vst v63  }
0x8f: {  	_ =	swait.ge @!p0 [sflag:s8], $0x2000  }
0x90: {  	[sflag:s8] =	ssyncset.done @!p0 $0x0  }
0x91: {  	[sflag:s8] =	ssyncadd.s32 @!p0 $0xFFFFE000;
	s8 =	simm.s32 $0x400  }
0x92: {  	[tilespmem:s13], [sflag:$0x4] =	stream.indirect.gather @!p0 [hbm4b:s10+s6], $0x40, s8, s6, $0xb8;
	[tilespmem:$0x1B280] =	vst v63  }
0x93: {  	s4 =	sadd.s32 @!p0 $0x80, s4  }
0x94: {  	[tilespmem:s11], [sflag:$0x9] =	stream.linear.gather @!p0 [hbm4b:s4+s7], $0x80, $0x38;
	[tilespmem:$0x1B280] =	vst v63  }
0x95: {  	_ =	swait.ge [sflag:s31], $0x2000  }
0x96: {  	[sflag:s31] =	ssyncset.done $0x0  }
0x97: {  	p6 =	por $0x0, $0x0;
	s15 =	simm.s32 $0xA0;
	[sflag:s31] =	ssyncadd.s32 $0xFFFFE000  }
0x98: {  	s14 =	simm.s32 $0x50;
	p0 =	por p6, p6;
	_ =	swait.ge [sflag:s1], $0x80  }
0x99: {  	s13 =	simm.s32 $0x680;
	s4 =	simm.s32 @!p0 $0xF;
	[sflag:s1] =	ssyncset.done $0x0  }
.LBB2_4:
0x9a: {  	p2 =	seq.s32 s15, $0x0  }
0x9b: {  	[sflag:s1] =	ssyncadd.s32 $0xFFFFFF80;
	s6 =	smov.u32 s15;
	s15 =	sadd.s32 $0x50, s15  }
0x9c: {  	[spmem:s2] =	stream.indirect.scatter.add.f32 [tilespmem:s0], [sflag:$0xF], $0x40, s23, s20, $0xb8;
	[tilespmem:$0x1B280] =	vst v63  }
0x9d: {  	p1 =	sne.s32 s15, $0xA00;
	_ =	swait.ge @!p0 [sflag:s4], $0x2000  }
0x9e: {  	[sflag:s4] =	ssyncset.done @!p0 $0x0  }
0x9f: {  	s7 =	sadd.s32 s14, s17;
	[sflag:s4] =	ssyncadd.s32 @!p0 $0xFFFFE000;
	s4 =	sadd.s32 $0xFFFFFE00, s13  }
0xa0: {  	[tilespmem:s0], [sflag:$0x5] =	stream.indirect.gather [hbm4b:s10+s20], $0x40, s4, s20, $0xb8;
	[tilespmem:$0x1B280] =	vst v63  }
0xa1: {  	p0 =	por p2, p2;
	s4 =	sadd.s32 $0x40, s7  }
0xa2: {  	[tilespmem:s23], [sflag:$0xA] =	stream.linear.gather [hbm4b:s4+s3], $0x80, $0x38;
	[tilespmem:$0x1B280] =	vst v63  }
0xa3: {  	_ =	swait.ge [sflag:s24], $0x2000  }
0xa4: {  	[sflag:s24] =	ssyncset.done $0x0  }
0xa5: {  	[sflag:s24] =	ssyncadd.s32 $0xFFFFE000  }
0xa6: {  	_ =	swait.ge [sflag:s25], $0x80  }
0xa7: {  	[sflag:s25] =	ssyncset.done $0x0  }
0xa8: {  	p2 =	seq.s32 s14, $0x9B0;
	[sflag:s25] =	ssyncadd.s32 $0xFFFFFF80  }
0xa9: {  	[spmem:s2] =	stream.indirect.scatter.add.f32 [tilespmem:s21], [sflag:$0xB], $0x40, s22, s20, $0xb8;
	[tilespmem:$0x1B280] =	vst v63  }
0xaa: {  	s7 =	sadd.s32 @!p2 s14, s17;
	s14 =	smov.u32 s6;
	s4 =	simm.s32 @p2 $0x2  }
0xab: {  	s9 =	sadd.s32 @!p2 $0x50, s7;
	s8 =	sadd.s32 @!p2 $0x60, s7;
	_ =	swait.ge @p2 [sflag:s4], $0x2000  }
0xac: {  	s11 =	simm.s32 @p2 $0x7;
	s6 =	sadd.s32 @!p2 $0x70, s7;
	[sflag:s4] =	ssyncset.done @p2 $0x0  }
0xad: {  	s16 =	sadd.s32 @!p2 $0x80, s7;
	[sflag:s4] =	ssyncadd.s32 @p2 $0xFFFFE000  }
0xae: {  	s4 =	simm.s32 @p2 $0x7280;
	_ =	swait.ge @p2 [sflag:s11], $0x80  }
0xaf: {  	s5 =	simm.s32 @p2 $0x5080;
	s7 =	simm.s32 @p2 $0x80;
	[sflag:s11] =	ssyncset.done @p2 $0x0  }
0xb0: {  	s19 =	simm.s32 @!p2 $0xB;
	[sflag:s11] =	ssyncadd.s32 @p2 $0xFFFFFF80  }
0xb1: {  	[spmem:s2] =	stream.indirect.scatter.add.f32 @p2 [tilespmem:s4], [sflag:$0xC], $0x40, s5, s7, $0xb8;
	[tilespmem:$0x1B280] =	vst v63  }
0xb2: {  	s5 =	simm.s32 @!p2 $0x5280;
	_ =	swait.ge @!p2 [sflag:s19], $0x2000  }
0xb3: {  	s12 =	sadd.s32 @!p2 $0xFFFFFE80, s13;
	s11 =	simm.s32 @!p2 $0x80;
	[sflag:s19] =	ssyncset.done @!p2 $0x0  }
0xb4: {  	s4 =	simm.s32 @!p2 $0x0;
	[sflag:s19] =	ssyncadd.s32 @!p2 $0xFFFFE000;
	s19 =	simm.s32 @!p2 $0x5000  }
0xb5: {  	[tilespmem:s5], [sflag:$0x1] =	stream.indirect.gather @!p2 [hbm4b:s10+s11], $0x40, s12, s11, $0xb8;
	[tilespmem:$0x1B280] =	vst v63  }
0xb6: {  	s5 =	simm.s32 @!p2 $0x2  }
0xb7: {  	[tilespmem:s19], [sflag:$0x6] =	stream.linear.gather @!p2 [hbm4b:s9+s4], $0x80, $0x38;
	[tilespmem:$0x1B280] =	vst v63  }
0xb8: {  	_ =	swait.ge @!p2 [sflag:s5], $0x2000  }
0xb9: {  	s9 =	simm.s32 @!p2 $0x7;
	[sflag:s5] =	ssyncset.done @!p2 $0x0  }
0xba: {  	[sflag:s5] =	ssyncadd.s32 @!p2 $0xFFFFE000  }
0xbb: {  	_ =	swait.ge @!p2 [sflag:s9], $0x80  }
0xbc: {  	s12 =	simm.s32 @!p2 $0x7280;
	s5 =	simm.s32 @!p2 $0x5080;
	[sflag:s9] =	ssyncset.done @!p2 $0x0  }
0xbd: {  	[sflag:s9] =	ssyncadd.s32 @!p2 $0xFFFFFF80;
	s9 =	simm.s32 @!p2 $0xC  }
0xbe: {  	[spmem:s2] =	stream.indirect.scatter.add.f32 @!p2 [tilespmem:s12], [sflag:$0xC], $0x40, s5, s11, $0xb8;
	[tilespmem:$0x1B280] =	vst v63  }
0xbf: {  	_ =	swait.ge @!p2 [sflag:s9], $0x2000  }
0xc0: {  	s19 =	sadd.s32 @!p2 $0xFFFFFF00, s13;
	[sflag:s9] =	ssyncset.done @!p2 $0x0  }
0xc1: {  	[sflag:s9] =	ssyncadd.s32 @!p2 $0xFFFFE000  }
0xc2: {  	[tilespmem:s12], [sflag:$0x2] =	stream.indirect.gather @!p2 [hbm4b:s10+s11], $0x40, s19, s11, $0xb8;
	[tilespmem:$0x1B280] =	vst v63  }
0xc3: {  	_ = 	snop  }
0xc4: {  	[tilespmem:s5], [sflag:$0x7] =	stream.linear.gather @!p2 [hbm4b:s8+s4], $0x80, $0x38;
	[tilespmem:$0x1B280] =	vst v63  }
0xc5: {  	_ =	swait.ge [sflag:s29], $0x2000  }
0xc6: {  	[sflag:s29] =	ssyncset.done $0x0  }
0xc7: {  	[sflag:s29] =	ssyncadd.s32 $0xFFFFE000  }
0xc8: {  	_ =	swait.ge [sflag:s30], $0x80  }
0xc9: {  	[sflag:s30] =	ssyncset.done $0x0  }
0xca: {  	s5 =	simm.s32 @p2 $0x4;
	[sflag:s30] =	ssyncadd.s32 $0xFFFFFF80  }
0xcb: {  	[spmem:s2] =	stream.indirect.scatter.add.f32 [tilespmem:s26], [sflag:$0xD], $0x40, s28, s20, $0xb8;
	[tilespmem:$0x1B280] =	vst v63  }
0xcc: {  	_ =	swait.ge @p2 [sflag:s5], $0x2000  }
0xcd: {  	s8 =	simm.s32 @p2 $0x9;
	[sflag:s5] =	ssyncset.done @p2 $0x0  }
0xce: {  	[sflag:s5] =	ssyncadd.s32 @p2 $0xFFFFE000  }
0xcf: {  	_ =	swait.ge @p2 [sflag:s8], $0x80  }
0xd0: {  	s9 =	simm.s32 @p2 $0xB280;
	s5 =	simm.s32 @p2 $0x5180;
	[sflag:s8] =	ssyncset.done @p2 $0x0  }
0xd1: {  	[sflag:s8] =	ssyncadd.s32 @p2 $0xFFFFFF80;
	s8 =	simm.s32 @!p2 $0xD  }
0xd2: {  	[spmem:s2] =	stream.indirect.scatter.add.f32 @p2 [tilespmem:s9], [sflag:$0xE], $0x40, s5, s7, $0xb8;
	[tilespmem:$0x1B280] =	vst v63  }
0xd3: {  	_ =	swait.ge @!p2 [sflag:s8], $0x2000  }
0xd4: {  	s5 =	sadd.s32 @!p2 $0xFFFFFF80, s13;
	s7 =	simm.s32 @!p2 $0x9280;
	[sflag:s8] =	ssyncset.done @!p2 $0x0  }
0xd5: {  	[sflag:s8] =	ssyncadd.s32 @!p2 $0xFFFFE000;
	s8 =	simm.s32 @!p2 $0x5100  }
0xd6: {  	[tilespmem:s7], [sflag:$0x3] =	stream.indirect.gather @!p2 [hbm4b:s10+s11], $0x40, s5, s11, $0xb8;
	[tilespmem:$0x1B280] =	vst v63  }
0xd7: {  	s5 =	simm.s32 @!p2 $0x4  }
0xd8: {  	[tilespmem:s8], [sflag:$0x8] =	stream.linear.gather @!p2 [hbm4b:s6+s4], $0x80, $0x38;
	[tilespmem:$0x1B280] =	vst v63  }
0xd9: {  	_ =	swait.ge @!p2 [sflag:s5], $0x2000  }
0xda: {  	s6 =	simm.s32 @!p2 $0x9;
	[sflag:s5] =	ssyncset.done @!p2 $0x0  }
0xdb: {  	[sflag:s5] =	ssyncadd.s32 @!p2 $0xFFFFE000  }
0xdc: {  	_ =	swait.ge @!p2 [sflag:s6], $0x80  }
0xdd: {  	s7 =	simm.s32 @!p2 $0xB280;
	s5 =	simm.s32 @!p2 $0x5180;
	[sflag:s6] =	ssyncset.done @!p2 $0x0  }
0xde: {  	[sflag:s6] =	ssyncadd.s32 @!p2 $0xFFFFFF80;
	s6 =	simm.s32 @!p2 $0xE  }
0xdf: {  	[spmem:s2] =	stream.indirect.scatter.add.f32 @!p2 [tilespmem:s7], [sflag:$0xE], $0x40, s5, s11, $0xb8;
	[tilespmem:$0x1B280] =	vst v63  }
0xe0: {  	_ =	swait.ge @!p2 [sflag:s6], $0x2000  }
0xe1: {  	[sflag:s6] =	ssyncset.done @!p2 $0x0  }
0xe2: {  	[sflag:s6] =	ssyncadd.s32 @!p2 $0xFFFFE000  }
0xe3: {  	[tilespmem:s7], [sflag:$0x4] =	stream.indirect.gather @!p2 [hbm4b:s10+s11], $0x40, s13, s11, $0xb8;
	[tilespmem:$0x1B280] =	vst v63  }
0xe4: {  	_ = 	snop  }
0xe5: {  	[tilespmem:s5], [sflag:$0x9] =	stream.linear.gather @!p2 [hbm4b:s16+s4], $0x80, $0x38;
	[tilespmem:$0x1B280] =	vst v63  }
.Ltmp1:
0xe6: {  	_ =	swait.ge [sflag:s31], $0x2000;
	(pc) =	sbr.rel @p1 .LBB2_4-.Ltmp1, $4  }
0xe7: {  	[sflag:s31] =	ssyncset.done $0x0  }
0xe8: {  	[sflag:s31] =	ssyncadd.s32 $0xFFFFE000  }
0xe9: {  	_ =	swait.ge [sflag:s1], $0x80  }
0xea: {  	s13 =	sadd.s32 $0x280, s13;
	s4 =	simm.s32 @!p0 $0xF;
	[sflag:s1] =	ssyncset.done $0x0  }
0xeb: {  	[sflag:s1] =	ssyncadd.s32 $0xFFFFFF80  }
0xec: {  	[spmem:s2] =	stream.indirect.scatter.add.f32 [tilespmem:s0], [sflag:$0xF], $0x40, s23, s20, $0xb8;
	[tilespmem:$0x1B280] =	vst v63  }
0xed: {  	_ =	swait.ge @!p0 [sflag:s4], $0x2000  }
0xee: {  	[sflag:s4] =	ssyncset.done @!p0 $0x0  }
0xef: {  	s19 =	sadd.s32 $0xFFFFFE00, s13;
	s5 =	sadd.s32 s14, s17;
	[sflag:s4] =	ssyncadd.s32 @!p0 $0xFFFFE000  }
0xf0: {  	[tilespmem:s0], [sflag:$0x5] =	stream.indirect.gather [hbm4b:s10+s20], $0x40, s19, s20, $0xb8;
	[tilespmem:$0x1B280] =	vst v63  }
0xf1: {  	s6 =	sadd.s32 $0x40, s5  }
0xf2: {  	[tilespmem:s23], [sflag:$0xA] =	stream.linear.gather [hbm4b:s6+s3], $0x80, $0x38;
	[tilespmem:$0x1B280] =	vst v63  }
0xf3: {  	_ =	swait.ge [sflag:s24], $0x2000  }
0xf4: {  	[sflag:s24] =	ssyncset.done $0x0  }
0xf5: {  	[sflag:s24] =	ssyncadd.s32 $0xFFFFE000  }
0xf6: {  	_ =	swait.ge [sflag:s25], $0x80  }
0xf7: {  	p0 =	seq.s32 s14, $0x9B0;
	[sflag:s25] =	ssyncset.done $0x0  }
0xf8: {  	s4 =	simm.s32 @p0 $0x2;
	[sflag:s25] =	ssyncadd.s32 $0xFFFFFF80  }
0xf9: {  	[spmem:s2] =	stream.indirect.scatter.add.f32 [tilespmem:s21], [sflag:$0xB], $0x40, s22, s20, $0xb8;
	[tilespmem:$0x1B280] =	vst v63  }
0xfa: {  	_ =	swait.ge @p0 [sflag:s4], $0x2000  }
0xfb: {  	[sflag:s4] =	ssyncset.done @p0 $0x0  }
0xfc: {  	s5 =	simm.s32 @p0 $0x7;
	[sflag:s4] =	ssyncadd.s32 @p0 $0xFFFFE000  }
0xfd: {  	_ =	swait.ge @p0 [sflag:s5], $0x80  }
0xfe: {  	s8 =	simm.s32 @p0 $0x80;
	s6 =	simm.s32 @p0 $0x5080;
	[sflag:s5] =	ssyncset.done @p0 $0x0  }
0xff: {  	s4 =	simm.s32 @p0 $0x7280;
	[sflag:s5] =	ssyncadd.s32 @p0 $0xFFFFFF80;
	s5 =	simm.s32 @!p0 $0xB  }
0x100: {  	[spmem:s2] =	stream.indirect.scatter.add.f32 @p0 [tilespmem:s4], [sflag:$0xC], $0x40, s6, s8, $0xb8;
	[tilespmem:$0x1B280] =	vst v63  }
0x101: {  	s7 =	simm.s32 @!p0 $0x5280;
	_ =	swait.ge @!p0 [sflag:s5], $0x2000  }
0x102: {  	s11 =	sadd.s32 @!p0 $0xFFFFFE80, s13;
	s4 =	sadd.s32 @!p0 s14, s17;
	[sflag:s5] =	ssyncset.done @!p0 $0x0  }
0x103: {  	s6 =	simm.s32 @!p0 $0x80;
	s9 =	sadd.s32 @!p0 $0x50, s4;
	[sflag:s5] =	ssyncadd.s32 @!p0 $0xFFFFE000  }
0x104: {  	[tilespmem:s7], [sflag:$0x1] =	stream.indirect.gather @!p0 [hbm4b:s10+s6], $0x40, s11, s6, $0xb8;
	[tilespmem:$0x1B280] =	vst v63  }
0x105: {  	s5 =	simm.s32 @!p0 $0x5000;
	s7 =	simm.s32 @!p0 $0x0;
	s11 =	simm.s32 @!p0 $0x2  }
0x106: {  	[tilespmem:s5], [sflag:$0x6] =	stream.linear.gather @!p0 [hbm4b:s9+s7], $0x80, $0x38;
	[tilespmem:$0x1B280] =	vst v63  }
0x107: {  	_ =	swait.ge @!p0 [sflag:s11], $0x2000  }
0x108: {  	[sflag:s11] =	ssyncset.done @!p0 $0x0  }
0x109: {  	s5 =	simm.s32 @!p0 $0x7;
	[sflag:s11] =	ssyncadd.s32 @!p0 $0xFFFFE000  }
0x10a: {  	_ =	swait.ge @!p0 [sflag:s5], $0x80  }
0x10b: {  	s9 =	simm.s32 @!p0 $0x5080;
	[sflag:s5] =	ssyncset.done @!p0 $0x0  }
0x10c: {  	s11 =	simm.s32 @!p0 $0x7280;
	[sflag:s5] =	ssyncadd.s32 @!p0 $0xFFFFFF80;
	s5 =	simm.s32 @!p0 $0xC  }
0x10d: {  	[spmem:s2] =	stream.indirect.scatter.add.f32 @!p0 [tilespmem:s11], [sflag:$0xC], $0x40, s9, s6, $0xb8;
	[tilespmem:$0x1B280] =	vst v63  }
0x10e: {  	_ =	swait.ge @!p0 [sflag:s5], $0x2000  }
0x10f: {  	[sflag:s5] =	ssyncset.done @!p0 $0x0  }
0x110: {  	[sflag:s5] =	ssyncadd.s32 @!p0 $0xFFFFE000;
	s5 =	sadd.s32 @!p0 $0xFFFFFF00, s13  }
0x111: {  	[tilespmem:s11], [sflag:$0x2] =	stream.indirect.gather @!p0 [hbm4b:s10+s6], $0x40, s5, s6, $0xb8;
	[tilespmem:$0x1B280] =	vst v63  }
0x112: {  	s5 =	sadd.s32 @!p0 $0x60, s4  }
0x113: {  	[tilespmem:s9], [sflag:$0x7] =	stream.linear.gather @!p0 [hbm4b:s5+s7], $0x80, $0x38;
	[tilespmem:$0x1B280] =	vst v63  }
0x114: {  	_ =	swait.ge [sflag:s29], $0x2000  }
0x115: {  	[sflag:s29] =	ssyncset.done $0x0  }
0x116: {  	[sflag:s29] =	ssyncadd.s32 $0xFFFFE000  }
0x117: {  	_ =	swait.ge [sflag:s30], $0x80  }
0x118: {  	[sflag:s30] =	ssyncset.done $0x0  }
0x119: {  	s5 =	simm.s32 @p0 $0x4;
	[sflag:s30] =	ssyncadd.s32 $0xFFFFFF80  }
0x11a: {  	[spmem:s2] =	stream.indirect.scatter.add.f32 [tilespmem:s26], [sflag:$0xD], $0x40, s28, s20, $0xb8;
	[tilespmem:$0x1B280] =	vst v63  }
0x11b: {  	_ =	swait.ge @p0 [sflag:s5], $0x2000  }
0x11c: {  	[sflag:s5] =	ssyncset.done @p0 $0x0  }
0x11d: {  	s9 =	simm.s32 @p0 $0x9;
	[sflag:s5] =	ssyncadd.s32 @p0 $0xFFFFE000  }
0x11e: {  	_ =	swait.ge @p0 [sflag:s9], $0x80  }
0x11f: {  	[sflag:s9] =	ssyncset.done @p0 $0x0  }
0x120: {  	s5 =	simm.s32 @p0 $0x5180;
	[sflag:s9] =	ssyncadd.s32 @p0 $0xFFFFFF80;
	s9 =	simm.s32 @p0 $0xB280  }
0x121: {  	[spmem:s2] =	stream.indirect.scatter.add.f32 @p0 [tilespmem:s9], [sflag:$0xE], $0x40, s5, s8, $0xb8;
	[tilespmem:$0x1B280] =	vst v63  }
0x122: {  	s5 =	simm.s32 @!p0 $0xD  }
0x123: {  	_ =	swait.ge @!p0 [sflag:s5], $0x2000  }
0x124: {  	[sflag:s5] =	ssyncset.done @!p0 $0x0  }
0x125: {  	s8 =	sadd.s32 @!p0 $0xFFFFFF80, s13;
	s9 =	simm.s32 @!p0 $0x9280;
	[sflag:s5] =	ssyncadd.s32 @!p0 $0xFFFFE000  }
0x126: {  	[tilespmem:s9], [sflag:$0x3] =	stream.indirect.gather @!p0 [hbm4b:s10+s6], $0x40, s8, s6, $0xb8;
	[tilespmem:$0x1B280] =	vst v63  }
0x127: {  	s5 =	sadd.s32 @!p0 $0x70, s4;
	s8 =	simm.s32 @!p0 $0x5100;
	s9 =	simm.s32 @!p0 $0x4  }
0x128: {  	[tilespmem:s8], [sflag:$0x8] =	stream.linear.gather @!p0 [hbm4b:s5+s7], $0x80, $0x38;
	[tilespmem:$0x1B280] =	vst v63  }
0x129: {  	_ =	swait.ge @!p0 [sflag:s9], $0x2000  }
0x12a: {  	[sflag:s9] =	ssyncset.done @!p0 $0x0  }
0x12b: {  	s5 =	simm.s32 @!p0 $0x9;
	[sflag:s9] =	ssyncadd.s32 @!p0 $0xFFFFE000  }
0x12c: {  	_ =	swait.ge @!p0 [sflag:s5], $0x80  }
0x12d: {  	s8 =	simm.s32 @!p0 $0x5180;
	[sflag:s5] =	ssyncset.done @!p0 $0x0  }
0x12e: {  	s9 =	simm.s32 @!p0 $0xB280;
	[sflag:s5] =	ssyncadd.s32 @!p0 $0xFFFFFF80;
	s5 =	simm.s32 @!p0 $0xE  }
0x12f: {  	[spmem:s2] =	stream.indirect.scatter.add.f32 @!p0 [tilespmem:s9], [sflag:$0xE], $0x40, s8, s6, $0xb8;
	[tilespmem:$0x1B280] =	vst v63  }
0x130: {  	_ =	swait.ge @!p0 [sflag:s5], $0x2000  }
0x131: {  	[sflag:s5] =	ssyncset.done @!p0 $0x0  }
0x132: {  	[sflag:s5] =	ssyncadd.s32 @!p0 $0xFFFFE000  }
0x133: {  	[tilespmem:s9], [sflag:$0x4] =	stream.indirect.gather @!p0 [hbm4b:s10+s6], $0x40, s13, s6, $0xb8;
	[tilespmem:$0x1B280] =	vst v63  }
0x134: {  	s4 =	sadd.s32 @!p0 $0x80, s4  }
0x135: {  	[tilespmem:s8], [sflag:$0x9] =	stream.linear.gather @!p0 [hbm4b:s4+s7], $0x80, $0x38;
	[tilespmem:$0x1B280] =	vst v63  }
0x136: {  	_ =	swait.ge [sflag:s31], $0x2000  }
0x137: {  	[sflag:s31] =	ssyncset.done $0x0  }
0x138: {  	[sflag:s31] =	ssyncadd.s32 $0xFFFFE000  }
0x139: {  	_ =	swait.ge [sflag:s1], $0x80  }
0x13a: {  	[sflag:s1] =	ssyncset.done $0x0  }
0x13b: {  	s7 =	simm.s32 $0xB;
	[sflag:s1] =	ssyncadd.s32 $0xFFFFFF80  }
0x13c: {  	[spmem:s2] =	stream.indirect.scatter.add.f32 [tilespmem:s0], [sflag:$0xF], $0x40, s23, s20, $0xb8;
	[tilespmem:$0x1B280] =	vst v63  }
0x13d: {  	_ =	swait.ge [sflag:s7], $0x2000  }
0x13e: {  	[sflag:s7] =	ssyncset.done $0x0  }
0x13f: {  	s8 =	simm.s32 $0xC;
	[sflag:s7] =	ssyncadd.s32 $0xFFFFE000  }
0x140: {  	_ =	swait.ge [sflag:s8], $0x2000  }
0x141: {  	[sflag:s8] =	ssyncset.done $0x0  }
0x142: {  	s9 =	simm.s32 $0xD;
	[sflag:s8] =	ssyncadd.s32 $0xFFFFE000  }
0x143: {  	_ =	swait.ge [sflag:s9], $0x2000  }
0x144: {  	[sflag:s9] =	ssyncset.done $0x0  }
0x145: {  	s11 =	simm.s32 $0xE;
	[sflag:s9] =	ssyncadd.s32 $0xFFFFE000  }
0x146: {  	_ =	swait.ge [sflag:s11], $0x2000  }
0x147: {  	[sflag:s11] =	ssyncset.done $0x0  }
0x148: {  	s12 =	simm.s32 $0xF;
	[sflag:s11] =	ssyncadd.s32 $0xFFFFE000  }
0x149: {  	_ =	swait.ge [sflag:s12], $0x2000  }
0x14a: {  	[sflag:s12] =	ssyncset.done $0x0  }
0x14b: {  	[sflag:s12] =	ssyncadd.s32 $0xFFFFE000  }
0x14c: {  	s13 =	stileid.u32;
	[bflag:$0x0] =	sbarrier.arrive $0xFFFF  }
0x14d: {  	s4 =	sshll.u32 s13, $0x6;
	s13 =	rddreg [dreg:$0x5]  }
0x14e: {  	s4 =	sor.u32 $0x1C10, s4;
	s15 =	rddreg [dreg:$0xe];
	s14 =	sshrl.u32 s13, $0x3  }
0x14f: {  	[hbm:s15], [sflag:s4] =	dma.local [spmem:s14], $0x1400  }
0x150: {  	_ =	swait.ge [sflag:s18], $0x1400  }
0x151: {  	s16 =	rddreg [dreg:$0x10]  }
0x152: {  	s19 =	rddreg [dreg:$0xf];
	s5 =	sadd.s32 $0x1, s16  }
0x153: {  	p0 =	sne.s32 s5, s19  }
.Ltmp2:
0x154: {  	_ = 	snop;
	(pc) =	sbr.rel @p0 .LBB2_1-.Ltmp2, $3  }
0x155: {  	_ =	sdelay $0x1  }
0x156: {  	[sflag:s18] =	ssyncset.done $0x0  }
0x157: {  	[sflag:s18] =	ssyncadd.s32 $0xFFFFEC00  }
0x158: {  	_ =	sfence.sel $0x180000  }
0x159: {  	[bflag:$0x0] =	sbarrier.arrive $0xFFFF  }
0x15a: {  	_ =	strace $0x9000004A  }
0x15b: {  	s0 =	stileid.u32;
	[bflag:$0x2] =	sbarrier.arrive $0xFFFF  }
0x15c: {  	p0 =	sne.s32 s0, $0x0;
	s0 =	rddreg [dreg:$0x3]  }
0x15d: {  	s0 =	sadd.s32 @!p0 $0x100000, s0  }
0x15e: {  	[sflag:s0] =	ssyncadd.tile.s32 @!p0 $0x1;
	_ =	shalt  }
.Lfunc_end2:
_tile_overlayer_lowered:
.L_overlay_start_2:
0x15f: {  	(tag) =	ssettag $0x2  }
0x160: {  	s0 =	rddreg [dreg:$0x0];
	s2 =	stileid.u32  }
0x161: {  	s1 =	rddreg [dreg:$0x1];
	p0 =	sne.s32 s2, $0x0  }
0x162: {  	s3 =	rddreg [dreg:$0x2];
	[bflag:$0x3] =	sbarrier.arrive $0xFFFF;
	s2 =	simm.s32 @!p0 $0x1C10  }
0x163: {  	[timem:s3], [sflag:s2] =	dma.local @!p0 [hbm:s0], s1  }
0x164: {  	s0 =	simm.s32 @!p0 $0x10  }
0x165: {  	_ =	swait.ge @!p0 [sflag:s0], s1  }
0x166: {  	s1 =	ssub.s32 @!p0 $0x0, s1;
	[sflag:s0] =	ssyncset.done @!p0 $0x0  }
0x167: {  	[sflag:s0] =	ssyncadd.s32 @!p0 s1  }
0x168: {  	[bflag:$0x3] =	sbarrier.arrive $0xFFFF  }
0x169: {  	_ =	shalt  }

// kernel: kernel.18.cloned.1.call-start
scs
__scs_entry_jumppad:
0x0: {  	(pc) =	sbr.rel $0x88, $3  }
0x1: {  	(tag) =	ssettag $0x0;
	lr =	simm.s32 $0x1  }
0x2: {  	[smem:$0x3F95] =	sst lr;
	_ =	strace $0xD0000000  }
0x3: {  	_ = 	snop  }
0x4: {  	_ = 	snop  }
0x5: {  	_ = 	snop  }
0x6: {  	_ = 	snop  }
0x7: {  	_ = 	snop  }
__scs_overlays_trampoline_lowered:
0x8: {  	[smem:$0x3FA4] =	sst s0  }
0x9: {  	[smem:$0x3FA5] =	sst s1  }
0xa: {  	[smem:$0x3FA6] =	sst s2  }
0xb: {  	[smem:$0x3FA7] =	sst s3  }
0xc: {  	[smem:$0x3FA8] =	sst s4  }
0xd: {  	[smem:$0x3FA9] =	sst s5  }
0xe: {  	[smem:$0x3FAA] =	sst s6  }
0xf: {  	[smem:$0x3FAB] =	sst s7  }
0x10: {  	[smem:$0x3FAC] =	sst s8  }
0x11: {  	[smem:$0x3FAD] =	sst s9;
	s0 =	simm.s32 @!p0 $0x0  }
0x12: {  	s1 =	sld [smem:$0x3F93];
	s0 =	simm.s32 @p0 $0x1  }
0x13: {  	[smem:$0x3FAE] =	sst s0;
	s0 =	simm.s32 @!p1 $0x0  }
0x14: {  	s2 =	sld [smem:$0x3F92];
	s0 =	simm.s32 @p1 $0x1  }
0x15: {  	[smem:$0x3FAF] =	sst s0;
	s0 =	simm.s32 @!p2 $0x0  }
0x16: {  	s3 =	sld [smem:$0x3FDB];
	s0 =	simm.s32 @p2 $0x1  }
0x17: {  	s4 =	simm.s32 $0x1BF5;
	[smem:$0x3FB1] =	sst s0  }
0x18: {  	s0 =	sld [smem:$0x3F94];
	_ =	swait.ge [sflag:s4], $0x0  }
0x19: {  	s7 =	sld [smem:$0x3F95]  }
0x1a: {  	s8 =	sadd.s32 $0xFFFFE003, lr  }
0x1b: {  	s9 =	sadd.s32 $0xFFFFFEF7, lr;
	s5 =	simm.s32 $0xFFFFFFFF;
	p2 =	slt.u32 s8, $0xFFFFF086  }
0x1c: {  	p1 =	slt.u32 s9, $0xF7A;
	s5 =	simm.s32 @!p2 $0x0  }
0x1d: {  	s5 =	simm.s32 @p1 $0x1;
	p0 =	seq.s32 s7, s2  }
0x1e: {  	s7 =	smul.u32 @!p0 $0xF7A, s2;
	p2 =	seq.s32 @!p0 s5, $0x0  }
0x1f: {  	s9 =	smul.u32 $0xF7A, s1;
	s8 =	simm.s32 @!p0 $0x1BF5;
	p2 =	por !p2, p0  }
0x20: {  	[sflag:s8] =	ssyncset.s32 @!p0 $0xFFFFF086;
	s6 =	sadd.s32 @!p0 s3, s7;
	s7 =	simm.s32 @!p0 $0x108  }
0x21: {  	s3 =	sadd.s32 s3, s9;
	s6 =	sadd.s32 @!p0 $0x88, s6;
	s7 =	simm.s32 @p2 $0x1082  }
0x22: {  	[simem:s7], [sflag:s8] =	dma.local @!p0 [hbm:s6], $0xF7A  }
0x23: {  	s9 =	sor.u32 $0xD0000000, s2;
	s6 =	simm.s32 $0x108;
	_ =	swait.ge @!p0 [sflag:s8], $0x0  }
0x24: {  	s3 =	sadd.s32 $0x88, s3;
	s6 =	simm.s32 @!p1 $0x1082;
	[sflag:s4] =	ssyncset.s32 $0xFFFFF086  }
0x25: {  	[simem:s6], [sflag:s4] =	dma.local [hbm:s3], $0xF7A  }
0x26: {  	[smem:$0x3F95] =	sst s1;
	(tag) =	ssettag s2;
	_ =	strace s9  }
0x27: {  	s1 =	sld [smem:$0x3FA5]  }
0x28: {  	s2 =	sld [smem:$0x3FA6]  }
0x29: {  	s4 =	sld [smem:$0x3FA8]  }
0x2a: {  	p0 =	seq.s32 s5, $0x0;
	s5 =	sld [smem:$0x3FA9]  }
0x2b: {  	s6 =	sld [smem:$0x3FAA]  }
0x2c: {  	s7 =	sld [smem:$0x3FAB]  }
0x2d: {  	s3 =	simm.s32 $0x108;
	s8 =	sld [smem:$0x3FAC]  }
0x2e: {  	s3 =	simm.s32 @!p0 $0x1082;
	s9 =	sld [smem:$0x3FAD]  }
0x2f: {  	lr =	sadd.s32 s0, s3;
	s0 =	sld [smem:$0x3FA4]  }
0x30: {  	s3 =	sld [smem:$0x3FA7]  }
0x31: {  	[smem:$0x3FB0] =	sst s10  }
0x32: {  	s10 =	sld [smem:$0x3FAE];
	_ =	sdelay $0x3  }
0x33: {  	p0 =	seq.s32 s10, $0x1;
	s10 =	sld [smem:$0x3FB0];
	_ =	sdelay $0x3  }
0x34: {  	[smem:$0x3FB0] =	sst s10  }
0x35: {  	s10 =	sld [smem:$0x3FAF];
	_ =	sdelay $0x3  }
0x36: {  	p1 =	seq.s32 s10, $0x1;
	s10 =	sld [smem:$0x3FB0];
	_ =	sdelay $0x3  }
0x37: {  	[smem:$0x3FB0] =	sst s10  }
0x38: {  	s10 =	sld [smem:$0x3FB1]  }
0x39: {  	_ = 	snop;
	(pc) =	sbr.ind lr, $3  }
0x3a: {  	_ = 	snop  }
0x3b: {  	_ = 	snop  }
0x3c: {  	p2 =	seq.s32 s10, $0x1;
	s10 =	sld [smem:$0x3FB0]  }
0x3d: {  	_ =	shalt  }
0x3e: {  	_ =	shalt  }
0x3f: {  	_ =	shalt  }
0x40: {  	_ =	shalt  }
0x41: {  	_ =	shalt  }
0x42: {  	_ =	shalt  }
0x43: {  	_ =	shalt  }
0x44: {  	_ =	shalt  }
0x45: {  	_ =	shalt  }
0x46: {  	_ =	shalt  }
0x47: {  	_ =	shalt  }
0x48: {  	_ =	shalt  }
0x49: {  	_ =	shalt  }
0x4a: {  	_ =	shalt  }
0x4b: {  	_ =	shalt  }
0x4c: {  	_ =	shalt  }
0x4d: {  	_ =	shalt  }
0x4e: {  	_ =	shalt  }
0x4f: {  	_ =	shalt  }
0x50: {  	_ =	shalt  }
0x51: {  	_ =	shalt  }
0x52: {  	_ =	shalt  }
0x53: {  	_ =	shalt  }
0x54: {  	_ =	shalt  }
0x55: {  	_ =	shalt  }
0x56: {  	_ =	shalt  }
0x57: {  	_ =	shalt  }
0x58: {  	_ =	shalt  }
0x59: {  	_ =	shalt  }
0x5a: {  	_ =	shalt  }
0x5b: {  	_ =	shalt  }
0x5c: {  	_ =	shalt  }
0x5d: {  	_ =	shalt  }
0x5e: {  	_ =	shalt  }
0x5f: {  	_ =	shalt  }
0x60: {  	_ =	shalt  }
0x61: {  	_ =	shalt  }
0x62: {  	_ =	shalt  }
0x63: {  	_ =	shalt  }
0x64: {  	_ =	shalt  }
0x65: {  	_ =	shalt  }
0x66: {  	_ =	shalt  }
0x67: {  	_ =	shalt  }
0x68: {  	_ =	shalt  }
0x69: {  	_ =	shalt  }
0x6a: {  	_ =	shalt  }
0x6b: {  	_ =	shalt  }
0x6c: {  	_ =	shalt  }
0x6d: {  	_ =	shalt  }
0x6e: {  	_ =	shalt  }
0x6f: {  	_ =	shalt  }
0x70: {  	_ =	shalt  }
0x71: {  	_ =	shalt  }
0x72: {  	_ =	shalt  }
0x73: {  	_ =	shalt  }
0x74: {  	_ =	shalt  }
0x75: {  	_ =	shalt  }
0x76: {  	_ =	shalt  }
0x77: {  	_ =	shalt  }
0x78: {  	_ =	shalt  }
0x79: {  	_ =	shalt  }
0x7a: {  	_ =	shalt  }
0x7b: {  	_ =	shalt  }
0x7c: {  	_ =	shalt  }
0x7d: {  	_ =	shalt  }
0x7e: {  	_ =	shalt  }
0x7f: {  	_ =	shalt  }
0x80: {  	_ =	shalt  }
0x81: {  	_ =	shalt  }
0x82: {  	_ =	shalt  }
0x83: {  	_ =	shalt  }
0x84: {  	_ =	shalt  }
0x85: {  	_ =	shalt  }
0x86: {  	_ =	shalt  }
0x87: {  	_ =	shalt  }
.Lfunc_end0:
.L_simem_size_0:
called_computation.2_lowered:
.L_overlay_start_0:
0x88: {  	s2 =	sld [smem:$0x3FD9]  }
0x89: {  	s3 =	sld [smem:$0x3FFE];
	_ =	sdelay $0x1  }
0x8a: {  	s1 =	srdreg.scid  }
0x8b: {  	s0 =	sand.u32 $0x1, s1  }
0x8c: {  	s17 =	sshll.u32 s0, $0xA;
	s2 =	sadd.s32 s3, s2  }
0x8d: {  	s2 =	sadd.s32 s2, s17  }
0x8e: {  	[smem:$0x3FBC] =	sst s2  }
0x8f: {  	_ = 	snop  }
0x90: {  	s2 =	sld [smem:$0x3FD0];
	(tm) =	ssettm $0x1  }
0x91: {  	s18 =	sld [smem:$0x3FFB];
	_ =	sdelay $0x3  }
0x92: {  	_ =	strace s18  }
0x93: {  	s3 =	sld [smem:$0x3FFC];
	_ =	sdelay $0x3  }
0x94: {  	_ =	strace s3  }
0x95: {  	s3 =	sld [smem:$0x3FFD];
	_ =	sdelay $0x3  }
0x96: {  	_ =	strace s3  }
0x97: {  	_ =	strace $0x8FFFFFFF  }
0x98: {  	s19 =	sld [smem:$0x3FDB];
	_ =	sdelay $0x1  }
0x99: {  	s4 =	simm.s32 $_scs_section_size  }
0x9a: {  	s5 =	simm.s32 $_size__tile_overlayer_lowered;
	s6 =	simm.s32 $_tile_overlayer_lowered  }
0x9b: {  	s22 =	simm.s32 $0x1BFF;
	s21 =	sshll.u32 s6, $0x1;
	s3 =	sadd.s32 s4, s19  }
0x9c: {  	s7 =	simm.s32 $0x0;
	s20 =	sshll.u32 s5, $0x1;
	s5 =	sadd.s32 s21, s3  }
0x9d: {  	[timem:s7], [sflag:s22] =	dma.local [hbm:s5], s20  }
0x9e: {  	_ =	swait.ge [sflag:s22], s20  }
0x9f: {  	s4 =	ssub.s32 $0x0, s20;
	[sflag:s22] =	ssyncset.done $0x0  }
0xa0: {  	[sflag:s22] =	ssyncadd.s32 s4;
	_ =	sdelay $0x1  }
0xa1: {  	s23 =	simm.s32 $0x1B8B  }
0xa2: {  	_ =	swait.ge [sflag:s23], $0x1  }
0xa3: {  	[sflag:s23] =	ssyncset.done $0x0  }
0xa4: {  	s25 =	simm.s32 $0x1B8E;
	s24 =	sld [smem:$0x3FFE];
	[sflag:s23] =	ssyncadd.s32 $0xFFFFFFFF  }
0xa5: {  	s26 =	simm.s32 $execute0_lowered;
	[smem:$0x3FD2] =	sst s25  }
0xa6: {  	s5 =	sshll.u32 s26, $0x1;
	_ =	strace $0x8000004C;
	[dreg:$0x1] =	wrdreg $0xFFFFFFFF  }
0xa7: {  	s28 =	simm.s32 $_size_execute0_lowered;
	s3 =	sadd.s32 s3, s5;
	[dreg:$0x0] =	wrdreg $0x0  }
0xa8: {  	s5 =	sshll.u32 s28, $0x1;
	[dreg:$0x2] =	wrdreg s3  }
0xa9: {  	[dreg:$0x3] =	wrdreg s5  }
0xaa: {  	[dreg:$0x4] =	wrdreg $0xC0  }
0xab: {  	_ =	task [dreg:s7], $0x5FFFF  }
0xac: {  	[dreg:$0x1] =	wrdreg $0xFFFFFFFF  }
0xad: {  	[dreg:$0x0] =	wrdreg $0x60  }
0xae: {  	[dreg:$0x2] =	wrdreg s2  }
0xaf: {  	[dreg:$0x3] =	wrdreg s24  }
0xb0: {  	[dreg:$0x4] =	wrdreg $0x112800  }
0xb1: {  	[dreg:$0x5] =	wrdreg $0x9  }
0xb2: {  	_ =	task.clear_ibuf [dreg:s7], $0x6FFFF;
	_ =	strace $0x9000004C  }
0xb3: {  	s29 =	simm.s32 $0x9;
	_ =	strace $0x8000004E  }
0xb4: {  	_ =	swait.ge [sflag:s29], $0x1  }
0xb5: {  	[sflag:s29] =	ssyncadd.s32 $0xFFFFFFFF  }
0xb6: {  	_ =	strace $0x9000004E  }
0xb7: {  	_ =	sfence  }
0xb8: {  	s30 =	sld [smem:$0x0];
	_ =	sdelay $0x2  }
0xb9: {  	s31 =	sshll.u32 s1, $0xD;
	s1 =	sshrl.u32 s1, $0x2  }
0xba: {  	s3 =	sand.u32 $0x4000, s31;
	s1 =	sadd.s32 s1, s30  }
0xbb: {  	s0 =	sor.u32 s3, s0;
	s1 =	sshll.u32 s1, $0x11  }
0xbc: {  	s0 =	sor.u32 s1, s0  }
0xbd: {  	s0 =	sadd.s32 $0x8F2B, s0  }
0xbe: {  	[sflag:s0] =	ssyncadd.remote.s32 $0x1  }
0xbf: {  	_ =	sfence.sel $0xFFFF  }
0xc0: {  	[dreg:$0x0] =	wrdreg $0xFFFFFFFF;
	(pc) =	sbr.abs _section_cstart, $3  }
0xc1: {  	[dreg:$0x1] =	wrdreg $0xFFFFFFFF  }
0xc2: {  	_ =	task.clear_ibuf [dreg:s7], $0x2FFFF;
	_ =	strace $0x9FFFFFFF  }
0xc3: {  	(tm) =	ssettm $0x7FFFFFFF  }
tec
execute0_lowered:
.L_overlay_start_1:
0x0: {  	(tag) =	ssettag $0x1  }
0x1: {  	s0 =	rddreg [dreg:$0x0]  }
0x2: {  	s1 =	rddreg [dreg:$0x1]  }
0x3: {  	s3 =	srdreg.scid;
	s12 =	stileid.u32  }
0x4: {  	s2 =	rddreg [dreg:$0x2];
	s28 =	simm.s32 $0x5100;
	s6 =	smul.u32 $0xA000, s12  }
0x5: {  	s29 =	simm.s32 $0x3;
	s30 =	simm.s32 $0x8;
	s16 =	smul.u32 $0x28000, s12  }
0x6: {  	s31 =	simm.s32 $0x5;
	s4 =	sand.u32 $0x1, s3;
	s10 =	smul.u32 $0x5000, s12  }
0x7: {  	s3 =	simm.s32 $0x0;
	s8 =	sadd.s32 $0x3400, s1;
	s5 =	smul.u32 $0x13880, s4  }
0x8: {  	[smem:$0x7FF] =	sst s3;
	s7 =	smul.u32 $0xA0000, s4;
	s4 =	ssub.s32 $0x2, s4  }
0x9: {  	s23 =	smul.u32 $0xA00, s12;
	_ =	strace $0x8000004D;
	s17 =	sshrl.u32 s4, $0x1  }
0xa: {  	s11 =	sshrl.u32 s10, $0x3;
	s13 =	sadd.s32 s6, s2;
	s9 =	sadd.s32 s5, s1  }
0xb: {  	s15 =	sadd.s32 s6, s7;
	s7 =	sshrl.u32 s16, $0x2;
	s4 =	ssub.s32 s4, s17  }
0xc: {  	s0 =	sadd.s32 s0, s11;
	s22 =	sadd.s32 s8, s11;
	[dreg:$0x5] =	wrdreg s13  }
0xd: {  	s17 =	sadd.s32 s23, s8;
	s23 =	simm.s32 $0x5200;
	[dreg:$0x4] =	wrdreg s0  }
0xe: {  	s5 =	sshrl.u32 s15, $0x3;
	s24 =	sadd.s32 $0x10, s22;
	[dreg:$0xa] =	wrdreg s22  }
0xf: {  	s7 =	sadd.s32 s7, s2;
	s25 =	sadd.s32 $0x20, s22;
	[dreg:$0xb] =	wrdreg s24  }
0x10: {  	s10 =	sadd.s32 $0xD400, s9;
	s26 =	smax.u32 s4, $0x1;
	[dreg:$0xc] =	wrdreg s25  }
0x11: {  	s0 =	simm.s32 $0xD280;
	s18 =	sadd.s32 $0x2000, s7;
	[dreg:$0xf] =	wrdreg s26  }
0x12: {  	s1 =	sadd.s32 s5, s1;
	s19 =	sadd.s32 $0x4000, s7;
	[dreg:$0x6] =	wrdreg s18  }
0x13: {  	s20 =	sadd.s32 $0x6000, s7;
	s21 =	sadd.s32 $0x8000, s7;
	[dreg:$0x7] =	wrdreg s19  }
0x14: {  	s5 =	sadd.s32 $0x30, s22;
	s22 =	simm.s32 $0x5000;
	[dreg:$0x8] =	wrdreg s20  }
0x15: {  	s26 =	simm.s32 $0x9280;
	s24 =	simm.s32 $0x1;
	[dreg:$0x9] =	wrdreg s21  }
0x16: {  	s25 =	simm.s32 $0x6;
	[dreg:$0xd] =	wrdreg s5;
	s1 =	sadd.s32 $0xA9800, s1  }
0x17: {  	s18 =	simm.s32 $0x10;
	s20 =	simm.s32 $0x80;
	s21 =	simm.s32 $0x5280  }
0x18: {  	v0 =	vimm.f32 $0.0e+00;
	s5 =	simm.s32 $0x0;
	[dreg:$0xe] =	wrdreg s1;
	s1 =	simm.s32 $0xA  }
.LBB2_1:
0x19: {  	[dreg:$0x10] =	wrdreg s5  }
0x1a: {  	s4 =	rddreg [dreg:$0x4]  }
0x1b: {  	[tilespmem:s3], [sflag:$0x10] =	stream.linear.gather [hbm4b:s4+s3], $0x5000, $0x38;
	[tilespmem:$0x1B280] =	vst v63  }
0x1c: {  	_ =	swait.ge [sflag:s18], $0x5000  }
0x1d: {  	[sflag:s18] =	ssyncset.done $0x0  }
0x1e: {  	s6 =	simm.s32 $0x100;
	s4 =	simm.s32 $0x0;
	[sflag:s18] =	ssyncadd.s32 $0xFFFFB000  }
.LBB2_2:
0x1f: {  	p0 =	sne.s32 s6, $0x7F00;
	[tilespmem:s4+$0xF2B0] =	vst v0;
	s7 =	smov.u32 s6;
	s6 =	sadd.s32 $0x100, s6  }
.Ltmp0:
0x20: {  	[tilespmem:s4+$0xF2A0] =	vst v0;
	(pc) =	sbr.rel @p0 .LBB2_2-.Ltmp0, $3  }
0x21: {  	[tilespmem:s4+$0xF280] =	vst v0  }
0x22: {  	[tilespmem:s4+$0xF290] =	vst v0;
	_ =	sdelay $0x1  }
0x23: {  	s4 =	sshra.s32 s7, $0x2  }
0x24: {  	[tilespmem:s4+$0xF2B0] =	vst v0  }
0x25: {  	[tilespmem:s4+$0xF2A0] =	vst v0  }
0x26: {  	[tilespmem:s4+$0xF280] =	vst v0  }
0x27: {  	[tilespmem:s4+$0xF290] =	vst v0;
	s5 =	simm.s32 $0xF280  }
0x28: {  	[spmem:s13] =	stream.linear.scatter [tilespmem:s5], [sflag:$0x10], $0x2000, $0x38;
	[tilespmem:$0x1B280] =	vst v63  }
0x29: {  	_ =	swait.ge [sflag:s18], $0x2000  }
0x2a: {  	[sflag:s18] =	ssyncset.done $0x0  }
0x2b: {  	s12 =	rddreg [dreg:$0x6];
	[sflag:s18] =	ssyncadd.s32 $0xFFFFE000  }
0x2c: {  	[spmem:s12] =	stream.linear.scatter [tilespmem:s5], [sflag:$0x10], $0x2000, $0x38;
	[tilespmem:$0x1B280] =	vst v63  }
0x2d: {  	_ =	swait.ge [sflag:s18], $0x2000  }
0x2e: {  	[sflag:s18] =	ssyncset.done $0x0  }
0x2f: {  	s13 =	rddreg [dreg:$0x7];
	[sflag:s18] =	ssyncadd.s32 $0xFFFFE000  }
0x30: {  	[spmem:s13] =	stream.linear.scatter [tilespmem:s5], [sflag:$0x10], $0x2000, $0x38;
	[tilespmem:$0x1B280] =	vst v63  }
0x31: {  	_ =	swait.ge [sflag:s18], $0x2000  }
0x32: {  	[sflag:s18] =	ssyncset.done $0x0  }
0x33: {  	s14 =	rddreg [dreg:$0x8];
	[sflag:s18] =	ssyncadd.s32 $0xFFFFE000  }
0x34: {  	[spmem:s14] =	stream.linear.scatter [tilespmem:s5], [sflag:$0x10], $0x2000, $0x38;
	[tilespmem:$0x1B280] =	vst v63  }
0x35: {  	_ =	swait.ge [sflag:s18], $0x2000  }
0x36: {  	[sflag:s18] =	ssyncset.done $0x0  }
0x37: {  	s15 =	rddreg [dreg:$0x9];
	[sflag:s18] =	ssyncadd.s32 $0xFFFFE000  }
0x38: {  	[spmem:s15] =	stream.linear.scatter [tilespmem:s5], [sflag:$0x10], $0x2000, $0x38;
	[tilespmem:$0x1B280] =	vst v63  }
0x39: {  	_ =	swait.ge [sflag:s18], $0x2000  }
0x3a: {  	[sflag:s18] =	ssyncset.done $0x0  }
0x3b: {  	[sflag:s18] =	ssyncadd.s32 $0xFFFFE000  }
0x3c: {  	s16 =	simm.s32 $0x0;
	[bflag:$0x0] =	sbarrier.arrive $0xFFFF  }
0x3d: {  	[tilespmem:s21], [sflag:$0x1] =	stream.indirect.gather [hbm4b:s10+s20], $0x40, s16, s20, $0xb8;
	[tilespmem:$0x1B280] =	vst v63  }
0x3e: {  	s19 =	rddreg [dreg:$0xa]  }
0x3f: {  	[tilespmem:s22], [sflag:$0x6] =	stream.linear.gather [hbm4b:s19+s16], $0x80, $0x38;
	[tilespmem:$0x1B280] =	vst v63  }
0x40: {  	s6 =	simm.s32 $0x7280  }
0x41: {  	[tilespmem:s6], [sflag:$0x2] =	stream.indirect.gather [hbm4b:s10+s20], $0x40, s20, s20, $0xb8;
	[tilespmem:$0x1B280] =	vst v63  }
0x42: {  	s7 =	rddreg [dreg:$0xb];
	s6 =	simm.s32 $0x5080  }
0x43: {  	[tilespmem:s6], [sflag:$0x7] =	stream.linear.gather [hbm4b:s7+s16], $0x80, $0x38;
	[tilespmem:$0x1B280] =	vst v63  }
0x44: {  	s8 =	simm.s32 $0x100  }
0x45: {  	[tilespmem:s26], [sflag:$0x3] =	stream.indirect.gather [hbm4b:s10+s20], $0x40, s8, s20, $0xb8;
	[tilespmem:$0x1B280] =	vst v63  }
0x46: {  	p0 =	por $0x1, $0x1;
	s9 =	rddreg [dreg:$0xc]  }
0x47: {  	[tilespmem:s28], [sflag:$0x8] =	stream.linear.gather [hbm4b:s9+s16], $0x80, $0x38;
	[tilespmem:$0x1B280] =	vst v63  }
0x48: {  	s11 =	simm.s32 $0x180;
	p0 =	por p0, p0;
	s12 =	simm.s32 $0xB280  }
0x49: {  	[tilespmem:s12], [sflag:$0x4] =	stream.indirect.gather [hbm4b:s10+s20], $0x40, s11, s20, $0xb8;
	[tilespmem:$0x1B280] =	vst v63  }
0x4a: {  	s4 =	simm.s32 @!p0 $0xF;
	s14 =	simm.s32 $0x5180;
	s13 =	rddreg [dreg:$0xd]  }
0x4b: {  	[tilespmem:s14], [sflag:$0x9] =	stream.linear.gather [hbm4b:s13+s16], $0x80, $0x38;
	[tilespmem:$0x1B280] =	vst v63  }
0x4c: {  	_ =	swait.ge @!p0 [sflag:s4], $0x2000  }
0x4d: {  	[sflag:s4] =	ssyncset.done @!p0 $0x0  }
0x4e: {  	s15 =	simm.s32 $0x200;
	s16 =	sadd.s32 $0x0, s17;
	[sflag:s4] =	ssyncadd.s32 @!p0 $0xFFFFE000  }
0x4f: {  	[tilespmem:s0], [sflag:$0x5] =	stream.indirect.gather [hbm4b:s10+s20], $0x40, s15, s20, $0xb8;
	[tilespmem:$0x1B280] =	vst v63  }
0x50: {  	s19 =	sadd.s32 $0x40, s16  }
0x51: {  	[tilespmem:s23], [sflag:$0xA] =	stream.linear.gather [hbm4b:s19+s3], $0x80, $0x38;
	[tilespmem:$0x1B280] =	vst v63  }
0x52: {  	_ =	swait.ge [sflag:s24], $0x2000  }
0x53: {  	[sflag:s24] =	ssyncset.done $0x0  }
0x54: {  	[sflag:s24] =	ssyncadd.s32 $0xFFFFE000  }
0x55: {  	_ =	swait.ge [sflag:s25], $0x80  }
0x56: {  	p0 =	por $0x0, $0x0;
	[sflag:s25] =	ssyncset.done $0x0  }
0x57: {  	s4 =	simm.s32 @p0 $0x2;
	[sflag:s25] =	ssyncadd.s32 $0xFFFFFF80  }
0x58: {  	[spmem:s2] =	stream.indirect.scatter.add.f32 [tilespmem:s21], [sflag:$0xB], $0x40, s22, s20, $0xb8;
	[tilespmem:$0x1B280] =	vst v63  }
0x59: {  	_ =	swait.ge @p0 [sflag:s4], $0x2000  }
0x5a: {  	[sflag:s4] =	ssyncset.done @p0 $0x0  }
0x5b: {  	s6 =	simm.s32 @p0 $0x7;
	[sflag:s4] =	ssyncadd.s32 @p0 $0xFFFFE000  }
0x5c: {  	_ =	swait.ge @p0 [sflag:s6], $0x80  }
0x5d: {  	s8 =	simm.s32 @p0 $0x80;
	s7 =	simm.s32 @p0 $0x5080;
	[sflag:s6] =	ssyncset.done @p0 $0x0  }
0x5e: {  	s11 =	simm.s32 @!p0 $0xB;
	s4 =	simm.s32 @p0 $0x7280;
	[sflag:s6] =	ssyncadd.s32 @p0 $0xFFFFFF80  }
0x5f: {  	[spmem:s2] =	stream.indirect.scatter.add.f32 @p0 [tilespmem:s4], [sflag:$0xC], $0x40, s7, s8, $0xb8;
	[tilespmem:$0x1B280] =	vst v63  }
0x60: {  	s14 =	simm.s32 @!p0 $0x280;
	_ =	swait.ge @!p0 [sflag:s11], $0x2000  }
0x61: {  	s6 =	simm.s32 @!p0 $0x80;
	s4 =	sadd.s32 @!p0 $0x0, s17;
	[sflag:s11] =	ssyncset.done @!p0 $0x0  }
0x62: {  	s7 =	simm.s32 @!p0 $0x5280;
	s13 =	sadd.s32 @!p0 $0x50, s4;
	[sflag:s11] =	ssyncadd.s32 @!p0 $0xFFFFE000  }
0x63: {  	[tilespmem:s7], [sflag:$0x1] =	stream.indirect.gather @!p0 [hbm4b:s10+s6], $0x40, s14, s6, $0xb8;
	[tilespmem:$0x1B280] =	vst v63  }
0x64: {  	s11 =	simm.s32 @!p0 $0x5000;
	s7 =	simm.s32 @!p0 $0x0;
	s14 =	simm.s32 @!p0 $0x2  }
0x65: {  	[tilespmem:s11], [sflag:$0x6] =	stream.linear.gather @!p0 [hbm4b:s13+s7], $0x80, $0x38;
	[tilespmem:$0x1B280] =	vst v63  }
0x66: {  	_ =	swait.ge @!p0 [sflag:s14], $0x2000  }
0x67: {  	[sflag:s14] =	ssyncset.done @!p0 $0x0  }
0x68: {  	s11 =	simm.s32 @!p0 $0x7;
	[sflag:s14] =	ssyncadd.s32 @!p0 $0xFFFFE000  }
0x69: {  	_ =	swait.ge @!p0 [sflag:s11], $0x80  }
0x6a: {  	s13 =	simm.s32 @!p0 $0x5080;
	[sflag:s11] =	ssyncset.done @!p0 $0x0  }
0x6b: {  	s14 =	simm.s32 @!p0 $0x7280;
	[sflag:s11] =	ssyncadd.s32 @!p0 $0xFFFFFF80;
	s11 =	simm.s32 @!p0 $0xC  }
0x6c: {  	[spmem:s2] =	stream.indirect.scatter.add.f32 @!p0 [tilespmem:s14], [sflag:$0xC], $0x40, s13, s6, $0xb8;
	[tilespmem:$0x1B280] =	vst v63  }
0x6d: {  	_ =	swait.ge @!p0 [sflag:s11], $0x2000  }
0x6e: {  	[sflag:s11] =	ssyncset.done @!p0 $0x0  }
0x6f: {  	[sflag:s11] =	ssyncadd.s32 @!p0 $0xFFFFE000;
	s11 =	simm.s32 @!p0 $0x300  }
0x70: {  	[tilespmem:s14], [sflag:$0x2] =	stream.indirect.gather @!p0 [hbm4b:s10+s6], $0x40, s11, s6, $0xb8;
	[tilespmem:$0x1B280] =	vst v63  }
0x71: {  	s11 =	sadd.s32 @!p0 $0x60, s4  }
0x72: {  	[tilespmem:s13], [sflag:$0x7] =	stream.linear.gather @!p0 [hbm4b:s11+s7], $0x80, $0x38;
	[tilespmem:$0x1B280] =	vst v63  }
0x73: {  	_ =	swait.ge [sflag:s29], $0x2000  }
0x74: {  	[sflag:s29] =	ssyncset.done $0x0  }
0x75: {  	[sflag:s29] =	ssyncadd.s32 $0xFFFFE000  }
0x76: {  	_ =	swait.ge [sflag:s30], $0x80  }
0x77: {  	[sflag:s30] =	ssyncset.done $0x0  }
0x78: {  	s11 =	simm.s32 @p0 $0x4;
	[sflag:s30] =	ssyncadd.s32 $0xFFFFFF80  }
0x79: {  	[spmem:s2] =	stream.indirect.scatter.add.f32 [tilespmem:s26], [sflag:$0xD], $0x40, s28, s20, $0xb8;
	[tilespmem:$0x1B280] =	vst v63  }
0x7a: {  	_ =	swait.ge @p0 [sflag:s11], $0x2000  }
0x7b: {  	[sflag:s11] =	ssyncset.done @p0 $0x0  }
0x7c: {  	s13 =	simm.s32 @p0 $0x9;
	[sflag:s11] =	ssyncadd.s32 @p0 $0xFFFFE000  }
0x7d: {  	_ =	swait.ge @p0 [sflag:s13], $0x80  }
0x7e: {  	[sflag:s13] =	ssyncset.done @p0 $0x0  }
0x7f: {  	s11 =	simm.s32 @p0 $0x5180;
	[sflag:s13] =	ssyncadd.s32 @p0 $0xFFFFFF80;
	s13 =	simm.s32 @p0 $0xB280  }
0x80: {  	[spmem:s2] =	stream.indirect.scatter.add.f32 @p0 [tilespmem:s13], [sflag:$0xE], $0x40, s11, s8, $0xb8;
	[tilespmem:$0x1B280] =	vst v63  }
0x81: {  	s8 =	simm.s32 @!p0 $0xD  }
0x82: {  	_ =	swait.ge @!p0 [sflag:s8], $0x2000  }
0x83: {  	[sflag:s8] =	ssyncset.done @!p0 $0x0  }
0x84: {  	s11 =	simm.s32 @!p0 $0x380;
	s13 =	simm.s32 @!p0 $0x9280;
	[sflag:s8] =	ssyncadd.s32 @!p0 $0xFFFFE000  }
0x85: {  	[tilespmem:s13], [sflag:$0x3] =	stream.indirect.gather @!p0 [hbm4b:s10+s6], $0x40, s11, s6, $0xb8;
	[tilespmem:$0x1B280] =	vst v63  }
0x86: {  	s8 =	sadd.s32 @!p0 $0x70, s4;
	s11 =	simm.s32 @!p0 $0x5100;
	s13 =	simm.s32 @!p0 $0x4  }
0x87: {  	[tilespmem:s11], [sflag:$0x8] =	stream.linear.gather @!p0 [hbm4b:s8+s7], $0x80, $0x38;
	[tilespmem:$0x1B280] =	vst v63  }
0x88: {  	_ =	swait.ge @!p0 [sflag:s13], $0x2000  }
0x89: {  	[sflag:s13] =	ssyncset.done @!p0 $0x0  }
0x8a: {  	s8 =	simm.s32 @!p0 $0x9;
	[sflag:s13] =	ssyncadd.s32 @!p0 $0xFFFFE000  }
0x8b: {  	_ =	swait.ge @!p0 [sflag:s8], $0x80  }
0x8c: {  	s11 =	simm.s32 @!p0 $0x5180;
	[sflag:s8] =	ssyncset.done @!p0 $0x0  }
0x8d: {  	s13 =	simm.s32 @!p0 $0xB280;
	[sflag:s8] =	ssyncadd.s32 @!p0 $0xFFFFFF80;
	s8 =	simm.s32 @!p0 $0xE  }
0x8e: {  	[spmem:s2] =	stream.indirect.scatter.add.f32 @!p0 [tilespmem:s13], [sflag:$0xE], $0x40, s11, s6, $0xb8;
	[tilespmem:$0x1B280] =	vst v63  }
0x8f: {  	_ =	swait.ge @!p0 [sflag:s8], $0x2000  }
0x90: {  	[sflag:s8] =	ssyncset.done @!p0 $0x0  }
0x91: {  	[sflag:s8] =	ssyncadd.s32 @!p0 $0xFFFFE000;
	s8 =	simm.s32 $0x400  }
0x92: {  	[tilespmem:s13], [sflag:$0x4] =	stream.indirect.gather @!p0 [hbm4b:s10+s6], $0x40, s8, s6, $0xb8;
	[tilespmem:$0x1B280] =	vst v63  }
0x93: {  	s4 =	sadd.s32 @!p0 $0x80, s4  }
0x94: {  	[tilespmem:s11], [sflag:$0x9] =	stream.linear.gather @!p0 [hbm4b:s4+s7], $0x80, $0x38;
	[tilespmem:$0x1B280] =	vst v63  }
0x95: {  	_ =	swait.ge [sflag:s31], $0x2000  }
0x96: {  	[sflag:s31] =	ssyncset.done $0x0  }
0x97: {  	p6 =	por $0x0, $0x0;
	s15 =	simm.s32 $0xA0;
	[sflag:s31] =	ssyncadd.s32 $0xFFFFE000  }
0x98: {  	s14 =	simm.s32 $0x50;
	p0 =	por p6, p6;
	_ =	swait.ge [sflag:s1], $0x80  }
0x99: {  	s13 =	simm.s32 $0x680;
	s4 =	simm.s32 @!p0 $0xF;
	[sflag:s1] =	ssyncset.done $0x0  }
.LBB2_4:
0x9a: {  	p2 =	seq.s32 s15, $0x0  }
0x9b: {  	[sflag:s1] =	ssyncadd.s32 $0xFFFFFF80;
	s6 =	smov.u32 s15;
	s15 =	sadd.s32 $0x50, s15  }
0x9c: {  	[spmem:s2] =	stream.indirect.scatter.add.f32 [tilespmem:s0], [sflag:$0xF], $0x40, s23, s20, $0xb8;
	[tilespmem:$0x1B280] =	vst v63  }
0x9d: {  	p1 =	sne.s32 s15, $0xA00;
	_ =	swait.ge @!p0 [sflag:s4], $0x2000  }
0x9e: {  	[sflag:s4] =	ssyncset.done @!p0 $0x0  }
0x9f: {  	s7 =	sadd.s32 s14, s17;
	[sflag:s4] =	ssyncadd.s32 @!p0 $0xFFFFE000;
	s4 =	sadd.s32 $0xFFFFFE00, s13  }
0xa0: {  	[tilespmem:s0], [sflag:$0x5] =	stream.indirect.gather [hbm4b:s10+s20], $0x40, s4, s20, $0xb8;
	[tilespmem:$0x1B280] =	vst v63  }
0xa1: {  	p0 =	por p2, p2;
	s4 =	sadd.s32 $0x40, s7  }
0xa2: {  	[tilespmem:s23], [sflag:$0xA] =	stream.linear.gather [hbm4b:s4+s3], $0x80, $0x38;
	[tilespmem:$0x1B280] =	vst v63  }
0xa3: {  	_ =	swait.ge [sflag:s24], $0x2000  }
0xa4: {  	[sflag:s24] =	ssyncset.done $0x0  }
0xa5: {  	[sflag:s24] =	ssyncadd.s32 $0xFFFFE000  }
0xa6: {  	_ =	swait.ge [sflag:s25], $0x80  }
0xa7: {  	[sflag:s25] =	ssyncset.done $0x0  }
0xa8: {  	p2 =	seq.s32 s14, $0x9B0;
	[sflag:s25] =	ssyncadd.s32 $0xFFFFFF80  }
0xa9: {  	[spmem:s2] =	stream.indirect.scatter.add.f32 [tilespmem:s21], [sflag:$0xB], $0x40, s22, s20, $0xb8;
	[tilespmem:$0x1B280] =	vst v63  }
0xaa: {  	s7 =	sadd.s32 @!p2 s14, s17;
	s14 =	smov.u32 s6;
	s4 =	simm.s32 @p2 $0x2  }
0xab: {  	s9 =	sadd.s32 @!p2 $0x50, s7;
	s8 =	sadd.s32 @!p2 $0x60, s7;
	_ =	swait.ge @p2 [sflag:s4], $0x2000  }
0xac: {  	s11 =	simm.s32 @p2 $0x7;
	s6 =	sadd.s32 @!p2 $0x70, s7;
	[sflag:s4] =	ssyncset.done @p2 $0x0  }
0xad: {  	s16 =	sadd.s32 @!p2 $0x80, s7;
	[sflag:s4] =	ssyncadd.s32 @p2 $0xFFFFE000  }
0xae: {  	s4 =	simm.s32 @p2 $0x7280;
	_ =	swait.ge @p2 [sflag:s11], $0x80  }
0xaf: {  	s5 =	simm.s32 @p2 $0x5080;
	s7 =	simm.s32 @p2 $0x80;
	[sflag:s11] =	ssyncset.done @p2 $0x0  }
0xb0: {  	s19 =	simm.s32 @!p2 $0xB;
	[sflag:s11] =	ssyncadd.s32 @p2 $0xFFFFFF80  }
0xb1: {  	[spmem:s2] =	stream.indirect.scatter.add.f32 @p2 [tilespmem:s4], [sflag:$0xC], $0x40, s5, s7, $0xb8;
	[tilespmem:$0x1B280] =	vst v63  }
0xb2: {  	s5 =	simm.s32 @!p2 $0x5280;
	_ =	swait.ge @!p2 [sflag:s19], $0x2000  }
0xb3: {  	s12 =	sadd.s32 @!p2 $0xFFFFFE80, s13;
	s11 =	simm.s32 @!p2 $0x80;
	[sflag:s19] =	ssyncset.done @!p2 $0x0  }
0xb4: {  	s4 =	simm.s32 @!p2 $0x0;
	[sflag:s19] =	ssyncadd.s32 @!p2 $0xFFFFE000;
	s19 =	simm.s32 @!p2 $0x5000  }
0xb5: {  	[tilespmem:s5], [sflag:$0x1] =	stream.indirect.gather @!p2 [hbm4b:s10+s11], $0x40, s12, s11, $0xb8;
	[tilespmem:$0x1B280] =	vst v63  }
0xb6: {  	s5 =	simm.s32 @!p2 $0x2  }
0xb7: {  	[tilespmem:s19], [sflag:$0x6] =	stream.linear.gather @!p2 [hbm4b:s9+s4], $0x80, $0x38;
	[tilespmem:$0x1B280] =	vst v63  }
0xb8: {  	_ =	swait.ge @!p2 [sflag:s5], $0x2000  }
0xb9: {  	s9 =	simm.s32 @!p2 $0x7;
	[sflag:s5] =	ssyncset.done @!p2 $0x0  }
0xba: {  	[sflag:s5] =	ssyncadd.s32 @!p2 $0xFFFFE000  }
0xbb: {  	_ =	swait.ge @!p2 [sflag:s9], $0x80  }
0xbc: {  	s12 =	simm.s32 @!p2 $0x7280;
	s5 =	simm.s32 @!p2 $0x5080;
	[sflag:s9] =	ssyncset.done @!p2 $0x0  }
0xbd: {  	[sflag:s9] =	ssyncadd.s32 @!p2 $0xFFFFFF80;
	s9 =	simm.s32 @!p2 $0xC  }
0xbe: {  	[spmem:s2] =	stream.indirect.scatter.add.f32 @!p2 [tilespmem:s12], [sflag:$0xC], $0x40, s5, s11, $0xb8;
	[tilespmem:$0x1B280] =	vst v63  }
0xbf: {  	_ =	swait.ge @!p2 [sflag:s9], $0x2000  }
0xc0: {  	s19 =	sadd.s32 @!p2 $0xFFFFFF00, s13;
	[sflag:s9] =	ssyncset.done @!p2 $0x0  }
0xc1: {  	[sflag:s9] =	ssyncadd.s32 @!p2 $0xFFFFE000  }
0xc2: {  	[tilespmem:s12], [sflag:$0x2] =	stream.indirect.gather @!p2 [hbm4b:s10+s11], $0x40, s19, s11, $0xb8;
	[tilespmem:$0x1B280] =	vst v63  }
0xc3: {  	_ = 	snop  }
0xc4: {  	[tilespmem:s5], [sflag:$0x7] =	stream.linear.gather @!p2 [hbm4b:s8+s4], $0x80, $0x38;
	[tilespmem:$0x1B280] =	vst v63  }
0xc5: {  	_ =	swait.ge [sflag:s29], $0x2000  }
0xc6: {  	[sflag:s29] =	ssyncset.done $0x0  }
0xc7: {  	[sflag:s29] =	ssyncadd.s32 $0xFFFFE000  }
0xc8: {  	_ =	swait.ge [sflag:s30], $0x80  }
0xc9: {  	[sflag:s30] =	ssyncset.done $0x0  }
0xca: {  	s5 =	simm.s32 @p2 $0x4;
	[sflag:s30] =	ssyncadd.s32 $0xFFFFFF80  }
0xcb: {  	[spmem:s2] =	stream.indirect.scatter.add.f32 [tilespmem:s26], [sflag:$0xD], $0x40, s28, s20, $0xb8;
	[tilespmem:$0x1B280] =	vst v63  }
0xcc: {  	_ =	swait.ge @p2 [sflag:s5], $0x2000  }
0xcd: {  	s8 =	simm.s32 @p2 $0x9;
	[sflag:s5] =	ssyncset.done @p2 $0x0  }
0xce: {  	[sflag:s5] =	ssyncadd.s32 @p2 $0xFFFFE000  }
0xcf: {  	_ =	swait.ge @p2 [sflag:s8], $0x80  }
0xd0: {  	s9 =	simm.s32 @p2 $0xB280;
	s5 =	simm.s32 @p2 $0x5180;
	[sflag:s8] =	ssyncset.done @p2 $0x0  }
0xd1: {  	[sflag:s8] =	ssyncadd.s32 @p2 $0xFFFFFF80;
	s8 =	simm.s32 @!p2 $0xD  }
0xd2: {  	[spmem:s2] =	stream.indirect.scatter.add.f32 @p2 [tilespmem:s9], [sflag:$0xE], $0x40, s5, s7, $0xb8;
	[tilespmem:$0x1B280] =	vst v63  }
0xd3: {  	_ =	swait.ge @!p2 [sflag:s8], $0x2000  }
0xd4: {  	s5 =	sadd.s32 @!p2 $0xFFFFFF80, s13;
	s7 =	simm.s32 @!p2 $0x9280;
	[sflag:s8] =	ssyncset.done @!p2 $0x0  }
0xd5: {  	[sflag:s8] =	ssyncadd.s32 @!p2 $0xFFFFE000;
	s8 =	simm.s32 @!p2 $0x5100  }
0xd6: {  	[tilespmem:s7], [sflag:$0x3] =	stream.indirect.gather @!p2 [hbm4b:s10+s11], $0x40, s5, s11, $0xb8;
	[tilespmem:$0x1B280] =	vst v63  }
0xd7: {  	s5 =	simm.s32 @!p2 $0x4  }
0xd8: {  	[tilespmem:s8], [sflag:$0x8] =	stream.linear.gather @!p2 [hbm4b:s6+s4], $0x80, $0x38;
	[tilespmem:$0x1B280] =	vst v63  }
0xd9: {  	_ =	swait.ge @!p2 [sflag:s5], $0x2000  }
0xda: {  	s6 =	simm.s32 @!p2 $0x9;
	[sflag:s5] =	ssyncset.done @!p2 $0x0  }
0xdb: {  	[sflag:s5] =	ssyncadd.s32 @!p2 $0xFFFFE000  }
0xdc: {  	_ =	swait.ge @!p2 [sflag:s6], $0x80  }
0xdd: {  	s7 =	simm.s32 @!p2 $0xB280;
	s5 =	simm.s32 @!p2 $0x5180;
	[sflag:s6] =	ssyncset.done @!p2 $0x0  }
0xde: {  	[sflag:s6] =	ssyncadd.s32 @!p2 $0xFFFFFF80;
	s6 =	simm.s32 @!p2 $0xE  }
0xdf: {  	[spmem:s2] =	stream.indirect.scatter.add.f32 @!p2 [tilespmem:s7], [sflag:$0xE], $0x40, s5, s11, $0xb8;
	[tilespmem:$0x1B280] =	vst v63  }
0xe0: {  	_ =	swait.ge @!p2 [sflag:s6], $0x2000  }
0xe1: {  	[sflag:s6] =	ssyncset.done @!p2 $0x0  }
0xe2: {  	[sflag:s6] =	ssyncadd.s32 @!p2 $0xFFFFE000  }
0xe3: {  	[tilespmem:s7], [sflag:$0x4] =	stream.indirect.gather @!p2 [hbm4b:s10+s11], $0x40, s13, s11, $0xb8;
	[tilespmem:$0x1B280] =	vst v63  }
0xe4: {  	_ = 	snop  }
0xe5: {  	[tilespmem:s5], [sflag:$0x9] =	stream.linear.gather @!p2 [hbm4b:s16+s4], $0x80, $0x38;
	[tilespmem:$0x1B280] =	vst v63  }
.Ltmp1:
0xe6: {  	_ =	swait.ge [sflag:s31], $0x2000;
	(pc) =	sbr.rel @p1 .LBB2_4-.Ltmp1, $4  }
0xe7: {  	[sflag:s31] =	ssyncset.done $0x0  }
0xe8: {  	[sflag:s31] =	ssyncadd.s32 $0xFFFFE000  }
0xe9: {  	_ =	swait.ge [sflag:s1], $0x80  }
0xea: {  	s13 =	sadd.s32 $0x280, s13;
	s4 =	simm.s32 @!p0 $0xF;
	[sflag:s1] =	ssyncset.done $0x0  }
0xeb: {  	[sflag:s1] =	ssyncadd.s32 $0xFFFFFF80  }
0xec: {  	[spmem:s2] =	stream.indirect.scatter.add.f32 [tilespmem:s0], [sflag:$0xF], $0x40, s23, s20, $0xb8;
	[tilespmem:$0x1B280] =	vst v63  }
0xed: {  	_ =	swait.ge @!p0 [sflag:s4], $0x2000  }
0xee: {  	[sflag:s4] =	ssyncset.done @!p0 $0x0  }
0xef: {  	s19 =	sadd.s32 $0xFFFFFE00, s13;
	s5 =	sadd.s32 s14, s17;
	[sflag:s4] =	ssyncadd.s32 @!p0 $0xFFFFE000  }
0xf0: {  	[tilespmem:s0], [sflag:$0x5] =	stream.indirect.gather [hbm4b:s10+s20], $0x40, s19, s20, $0xb8;
	[tilespmem:$0x1B280] =	vst v63  }
0xf1: {  	s6 =	sadd.s32 $0x40, s5  }
0xf2: {  	[tilespmem:s23], [sflag:$0xA] =	stream.linear.gather [hbm4b:s6+s3], $0x80, $0x38;
	[tilespmem:$0x1B280] =	vst v63  }
0xf3: {  	_ =	swait.ge [sflag:s24], $0x2000  }
0xf4: {  	[sflag:s24] =	ssyncset.done $0x0  }
0xf5: {  	[sflag:s24] =	ssyncadd.s32 $0xFFFFE000  }
0xf6: {  	_ =	swait.ge [sflag:s25], $0x80  }
0xf7: {  	p0 =	seq.s32 s14, $0x9B0;
	[sflag:s25] =	ssyncset.done $0x0  }
0xf8: {  	s4 =	simm.s32 @p0 $0x2;
	[sflag:s25] =	ssyncadd.s32 $0xFFFFFF80  }
0xf9: {  	[spmem:s2] =	stream.indirect.scatter.add.f32 [tilespmem:s21], [sflag:$0xB], $0x40, s22, s20, $0xb8;
	[tilespmem:$0x1B280] =	vst v63  }
0xfa: {  	_ =	swait.ge @p0 [sflag:s4], $0x2000  }
0xfb: {  	[sflag:s4] =	ssyncset.done @p0 $0x0  }
0xfc: {  	s5 =	simm.s32 @p0 $0x7;
	[sflag:s4] =	ssyncadd.s32 @p0 $0xFFFFE000  }
0xfd: {  	_ =	swait.ge @p0 [sflag:s5], $0x80  }
0xfe: {  	s8 =	simm.s32 @p0 $0x80;
	s6 =	simm.s32 @p0 $0x5080;
	[sflag:s5] =	ssyncset.done @p0 $0x0  }
0xff: {  	s4 =	simm.s32 @p0 $0x7280;
	[sflag:s5] =	ssyncadd.s32 @p0 $0xFFFFFF80;
	s5 =	simm.s32 @!p0 $0xB  }
0x100: {  	[spmem:s2] =	stream.indirect.scatter.add.f32 @p0 [tilespmem:s4], [sflag:$0xC], $0x40, s6, s8, $0xb8;
	[tilespmem:$0x1B280] =	vst v63  }
0x101: {  	s7 =	simm.s32 @!p0 $0x5280;
	_ =	swait.ge @!p0 [sflag:s5], $0x2000  }
0x102: {  	s11 =	sadd.s32 @!p0 $0xFFFFFE80, s13;
	s4 =	sadd.s32 @!p0 s14, s17;
	[sflag:s5] =	ssyncset.done @!p0 $0x0  }
0x103: {  	s6 =	simm.s32 @!p0 $0x80;
	s9 =	sadd.s32 @!p0 $0x50, s4;
	[sflag:s5] =	ssyncadd.s32 @!p0 $0xFFFFE000  }
0x104: {  	[tilespmem:s7], [sflag:$0x1] =	stream.indirect.gather @!p0 [hbm4b:s10+s6], $0x40, s11, s6, $0xb8;
	[tilespmem:$0x1B280] =	vst v63  }
0x105: {  	s5 =	simm.s32 @!p0 $0x5000;
	s7 =	simm.s32 @!p0 $0x0;
	s11 =	simm.s32 @!p0 $0x2  }
0x106: {  	[tilespmem:s5], [sflag:$0x6] =	stream.linear.gather @!p0 [hbm4b:s9+s7], $0x80, $0x38;
	[tilespmem:$0x1B280] =	vst v63  }
0x107: {  	_ =	swait.ge @!p0 [sflag:s11], $0x2000  }
0x108: {  	[sflag:s11] =	ssyncset.done @!p0 $0x0  }
0x109: {  	s5 =	simm.s32 @!p0 $0x7;
	[sflag:s11] =	ssyncadd.s32 @!p0 $0xFFFFE000  }
0x10a: {  	_ =	swait.ge @!p0 [sflag:s5], $0x80  }
0x10b: {  	s9 =	simm.s32 @!p0 $0x5080;
	[sflag:s5] =	ssyncset.done @!p0 $0x0  }
0x10c: {  	s11 =	simm.s32 @!p0 $0x7280;
	[sflag:s5] =	ssyncadd.s32 @!p0 $0xFFFFFF80;
	s5 =	simm.s32 @!p0 $0xC  }
0x10d: {  	[spmem:s2] =	stream.indirect.scatter.add.f32 @!p0 [tilespmem:s11], [sflag:$0xC], $0x40, s9, s6, $0xb8;
	[tilespmem:$0x1B280] =	vst v63  }
0x10e: {  	_ =	swait.ge @!p0 [sflag:s5], $0x2000  }
0x10f: {  	[sflag:s5] =	ssyncset.done @!p0 $0x0  }
0x110: {  	[sflag:s5] =	ssyncadd.s32 @!p0 $0xFFFFE000;
	s5 =	sadd.s32 @!p0 $0xFFFFFF00, s13  }
0x111: {  	[tilespmem:s11], [sflag:$0x2] =	stream.indirect.gather @!p0 [hbm4b:s10+s6], $0x40, s5, s6, $0xb8;
	[tilespmem:$0x1B280] =	vst v63  }
0x112: {  	s5 =	sadd.s32 @!p0 $0x60, s4  }
0x113: {  	[tilespmem:s9], [sflag:$0x7] =	stream.linear.gather @!p0 [hbm4b:s5+s7], $0x80, $0x38;
	[tilespmem:$0x1B280] =	vst v63  }
0x114: {  	_ =	swait.ge [sflag:s29], $0x2000  }
0x115: {  	[sflag:s29] =	ssyncset.done $0x0  }
0x116: {  	[sflag:s29] =	ssyncadd.s32 $0xFFFFE000  }
0x117: {  	_ =	swait.ge [sflag:s30], $0x80  }
0x118: {  	[sflag:s30] =	ssyncset.done $0x0  }
0x119: {  	s5 =	simm.s32 @p0 $0x4;
	[sflag:s30] =	ssyncadd.s32 $0xFFFFFF80  }
0x11a: {  	[spmem:s2] =	stream.indirect.scatter.add.f32 [tilespmem:s26], [sflag:$0xD], $0x40, s28, s20, $0xb8;
	[tilespmem:$0x1B280] =	vst v63  }
0x11b: {  	_ =	swait.ge @p0 [sflag:s5], $0x2000  }
0x11c: {  	[sflag:s5] =	ssyncset.done @p0 $0x0  }
0x11d: {  	s9 =	simm.s32 @p0 $0x9;
	[sflag:s5] =	ssyncadd.s32 @p0 $0xFFFFE000  }
0x11e: {  	_ =	swait.ge @p0 [sflag:s9], $0x80  }
0x11f: {  	[sflag:s9] =	ssyncset.done @p0 $0x0  }
0x120: {  	s5 =	simm.s32 @p0 $0x5180;
	[sflag:s9] =	ssyncadd.s32 @p0 $0xFFFFFF80;
	s9 =	simm.s32 @p0 $0xB280  }
0x121: {  	[spmem:s2] =	stream.indirect.scatter.add.f32 @p0 [tilespmem:s9], [sflag:$0xE], $0x40, s5, s8, $0xb8;
	[tilespmem:$0x1B280] =	vst v63  }
0x122: {  	s5 =	simm.s32 @!p0 $0xD  }
0x123: {  	_ =	swait.ge @!p0 [sflag:s5], $0x2000  }
0x124: {  	[sflag:s5] =	ssyncset.done @!p0 $0x0  }
0x125: {  	s8 =	sadd.s32 @!p0 $0xFFFFFF80, s13;
	s9 =	simm.s32 @!p0 $0x9280;
	[sflag:s5] =	ssyncadd.s32 @!p0 $0xFFFFE000  }
0x126: {  	[tilespmem:s9], [sflag:$0x3] =	stream.indirect.gather @!p0 [hbm4b:s10+s6], $0x40, s8, s6, $0xb8;
	[tilespmem:$0x1B280] =	vst v63  }
0x127: {  	s5 =	sadd.s32 @!p0 $0x70, s4;
	s8 =	simm.s32 @!p0 $0x5100;
	s9 =	simm.s32 @!p0 $0x4  }
0x128: {  	[tilespmem:s8], [sflag:$0x8] =	stream.linear.gather @!p0 [hbm4b:s5+s7], $0x80, $0x38;
	[tilespmem:$0x1B280] =	vst v63  }
0x129: {  	_ =	swait.ge @!p0 [sflag:s9], $0x2000  }
0x12a: {  	[sflag:s9] =	ssyncset.done @!p0 $0x0  }
0x12b: {  	s5 =	simm.s32 @!p0 $0x9;
	[sflag:s9] =	ssyncadd.s32 @!p0 $0xFFFFE000  }
0x12c: {  	_ =	swait.ge @!p0 [sflag:s5], $0x80  }
0x12d: {  	s8 =	simm.s32 @!p0 $0x5180;
	[sflag:s5] =	ssyncset.done @!p0 $0x0  }
0x12e: {  	s9 =	simm.s32 @!p0 $0xB280;
	[sflag:s5] =	ssyncadd.s32 @!p0 $0xFFFFFF80;
	s5 =	simm.s32 @!p0 $0xE  }
0x12f: {  	[spmem:s2] =	stream.indirect.scatter.add.f32 @!p0 [tilespmem:s9], [sflag:$0xE], $0x40, s8, s6, $0xb8;
	[tilespmem:$0x1B280] =	vst v63  }
0x130: {  	_ =	swait.ge @!p0 [sflag:s5], $0x2000  }
0x131: {  	[sflag:s5] =	ssyncset.done @!p0 $0x0  }
0x132: {  	[sflag:s5] =	ssyncadd.s32 @!p0 $0xFFFFE000  }
0x133: {  	[tilespmem:s9], [sflag:$0x4] =	stream.indirect.gather @!p0 [hbm4b:s10+s6], $0x40, s13, s6, $0xb8;
	[tilespmem:$0x1B280] =	vst v63  }
0x134: {  	s4 =	sadd.s32 @!p0 $0x80, s4  }
0x135: {  	[tilespmem:s8], [sflag:$0x9] =	stream.linear.gather @!p0 [hbm4b:s4+s7], $0x80, $0x38;
	[tilespmem:$0x1B280] =	vst v63  }
0x136: {  	_ =	swait.ge [sflag:s31], $0x2000  }
0x137: {  	[sflag:s31] =	ssyncset.done $0x0  }
0x138: {  	[sflag:s31] =	ssyncadd.s32 $0xFFFFE000  }
0x139: {  	_ =	swait.ge [sflag:s1], $0x80  }
0x13a: {  	[sflag:s1] =	ssyncset.done $0x0  }
0x13b: {  	s7 =	simm.s32 $0xB;
	[sflag:s1] =	ssyncadd.s32 $0xFFFFFF80  }
0x13c: {  	[spmem:s2] =	stream.indirect.scatter.add.f32 [tilespmem:s0], [sflag:$0xF], $0x40, s23, s20, $0xb8;
	[tilespmem:$0x1B280] =	vst v63  }
0x13d: {  	_ =	swait.ge [sflag:s7], $0x2000  }
0x13e: {  	[sflag:s7] =	ssyncset.done $0x0  }
0x13f: {  	s8 =	simm.s32 $0xC;
	[sflag:s7] =	ssyncadd.s32 $0xFFFFE000  }
0x140: {  	_ =	swait.ge [sflag:s8], $0x2000  }
0x141: {  	[sflag:s8] =	ssyncset.done $0x0  }
0x142: {  	s9 =	simm.s32 $0xD;
	[sflag:s8] =	ssyncadd.s32 $0xFFFFE000  }
0x143: {  	_ =	swait.ge [sflag:s9], $0x2000  }
0x144: {  	[sflag:s9] =	ssyncset.done $0x0  }
0x145: {  	s11 =	simm.s32 $0xE;
	[sflag:s9] =	ssyncadd.s32 $0xFFFFE000  }
0x146: {  	_ =	swait.ge [sflag:s11], $0x2000  }
0x147: {  	[sflag:s11] =	ssyncset.done $0x0  }
0x148: {  	s12 =	simm.s32 $0xF;
	[sflag:s11] =	ssyncadd.s32 $0xFFFFE000  }
0x149: {  	_ =	swait.ge [sflag:s12], $0x2000  }
0x14a: {  	[sflag:s12] =	ssyncset.done $0x0  }
0x14b: {  	[sflag:s12] =	ssyncadd.s32 $0xFFFFE000  }
0x14c: {  	s13 =	stileid.u32;
	[bflag:$0x0] =	sbarrier.arrive $0xFFFF  }
0x14d: {  	s4 =	sshll.u32 s13, $0x6;
	s13 =	rddreg [dreg:$0x5]  }
0x14e: {  	s4 =	sor.u32 $0x1C10, s4;
	s15 =	rddreg [dreg:$0xe];
	s14 =	sshrl.u32 s13, $0x3  }
0x14f: {  	[hbm:s15], [sflag:s4] =	dma.local [spmem:s14], $0x1400  }
0x150: {  	_ =	swait.ge [sflag:s18], $0x1400  }
0x151: {  	s16 =	rddreg [dreg:$0x10]  }
0x152: {  	s19 =	rddreg [dreg:$0xf];
	s5 =	sadd.s32 $0x1, s16  }
0x153: {  	p0 =	sne.s32 s5, s19  }
.Ltmp2:
0x154: {  	_ = 	snop;
	(pc) =	sbr.rel @p0 .LBB2_1-.Ltmp2, $3  }
0x155: {  	_ =	sdelay $0x1  }
0x156: {  	[sflag:s18] =	ssyncset.done $0x0  }
0x157: {  	[sflag:s18] =	ssyncadd.s32 $0xFFFFEC00  }
0x158: {  	_ =	sfence.sel $0x180000  }
0x159: {  	[bflag:$0x0] =	sbarrier.arrive $0xFFFF  }
0x15a: {  	_ =	strace $0x9000004D  }
0x15b: {  	s0 =	stileid.u32;
	[bflag:$0x2] =	sbarrier.arrive $0xFFFF  }
0x15c: {  	p0 =	sne.s32 s0, $0x0;
	s0 =	rddreg [dreg:$0x3]  }
0x15d: {  	s0 =	sadd.s32 @!p0 $0x100000, s0  }
0x15e: {  	[sflag:s0] =	ssyncadd.tile.s32 @!p0 $0x1;
	_ =	shalt  }
.Lfunc_end2:
_tile_overlayer_lowered:
.L_overlay_start_2:
0x15f: {  	(tag) =	ssettag $0x2  }
0x160: {  	s0 =	rddreg [dreg:$0x0];
	s2 =	stileid.u32  }
0x161: {  	s1 =	rddreg [dreg:$0x1];
	p0 =	sne.s32 s2, $0x0  }
0x162: {  	s3 =	rddreg [dreg:$0x2];
	[bflag:$0x3] =	sbarrier.arrive $0xFFFF;
	s2 =	simm.s32 @!p0 $0x1C10  }
0x163: {  	[timem:s3], [sflag:s2] =	dma.local @!p0 [hbm:s0], s1  }
0x164: {  	s0 =	simm.s32 @!p0 $0x10  }
0x165: {  	_ =	swait.ge @!p0 [sflag:s0], s1  }
0x166: {  	s1 =	ssub.s32 @!p0 $0x0, s1;
	[sflag:s0] =	ssyncset.done @!p0 $0x0  }
0x167: {  	[sflag:s0] =	ssyncadd.s32 @!p0 s1  }
0x168: {  	[bflag:$0x3] =	sbarrier.arrive $0xFFFF  }
0x169: {  	_ =	shalt  }

// kernel: kernel.21.cloned.1.call-start
scs
__scs_entry_jumppad:
0x0: {  	(pc) =	sbr.rel $0x88, $3  }
0x1: {  	(tag) =	ssettag $0x0;
	lr =	simm.s32 $0x1  }
0x2: {  	[smem:$0x3F95] =	sst lr;
	_ =	strace $0xD0000000  }
0x3: {  	_ = 	snop  }
0x4: {  	_ = 	snop  }
0x5: {  	_ = 	snop  }
0x6: {  	_ = 	snop  }
0x7: {  	_ = 	snop  }
__scs_overlays_trampoline_lowered:
0x8: {  	[smem:$0x3FA4] =	sst s0  }
0x9: {  	[smem:$0x3FA5] =	sst s1  }
0xa: {  	[smem:$0x3FA6] =	sst s2  }
0xb: {  	[smem:$0x3FA7] =	sst s3  }
0xc: {  	[smem:$0x3FA8] =	sst s4  }
0xd: {  	[smem:$0x3FA9] =	sst s5  }
0xe: {  	[smem:$0x3FAA] =	sst s6  }
0xf: {  	[smem:$0x3FAB] =	sst s7  }
0x10: {  	[smem:$0x3FAC] =	sst s8  }
0x11: {  	[smem:$0x3FAD] =	sst s9;
	s0 =	simm.s32 @!p0 $0x0  }
0x12: {  	s1 =	sld [smem:$0x3F93];
	s0 =	simm.s32 @p0 $0x1  }
0x13: {  	[smem:$0x3FAE] =	sst s0;
	s0 =	simm.s32 @!p1 $0x0  }
0x14: {  	s2 =	sld [smem:$0x3F92];
	s0 =	simm.s32 @p1 $0x1  }
0x15: {  	[smem:$0x3FAF] =	sst s0;
	s0 =	simm.s32 @!p2 $0x0  }
0x16: {  	s3 =	sld [smem:$0x3FDB];
	s0 =	simm.s32 @p2 $0x1  }
0x17: {  	s4 =	simm.s32 $0x1BF5;
	[smem:$0x3FB1] =	sst s0  }
0x18: {  	s0 =	sld [smem:$0x3F94];
	_ =	swait.ge [sflag:s4], $0x0  }
0x19: {  	s7 =	sld [smem:$0x3F95]  }
0x1a: {  	s8 =	sadd.s32 $0xFFFFE003, lr  }
0x1b: {  	s9 =	sadd.s32 $0xFFFFFEF7, lr;
	s5 =	simm.s32 $0xFFFFFFFF;
	p2 =	slt.u32 s8, $0xFFFFF086  }
0x1c: {  	p1 =	slt.u32 s9, $0xF7A;
	s5 =	simm.s32 @!p2 $0x0  }
0x1d: {  	s5 =	simm.s32 @p1 $0x1;
	p0 =	seq.s32 s7, s2  }
0x1e: {  	s7 =	smul.u32 @!p0 $0xF7A, s2;
	p2 =	seq.s32 @!p0 s5, $0x0  }
0x1f: {  	s9 =	smul.u32 $0xF7A, s1;
	s8 =	simm.s32 @!p0 $0x1BF5;
	p2 =	por !p2, p0  }
0x20: {  	[sflag:s8] =	ssyncset.s32 @!p0 $0xFFFFF086;
	s6 =	sadd.s32 @!p0 s3, s7;
	s7 =	simm.s32 @!p0 $0x108  }
0x21: {  	s3 =	sadd.s32 s3, s9;
	s6 =	sadd.s32 @!p0 $0x88, s6;
	s7 =	simm.s32 @p2 $0x1082  }
0x22: {  	[simem:s7], [sflag:s8] =	dma.local @!p0 [hbm:s6], $0xF7A  }
0x23: {  	s9 =	sor.u32 $0xD0000000, s2;
	s6 =	simm.s32 $0x108;
	_ =	swait.ge @!p0 [sflag:s8], $0x0  }
0x24: {  	s3 =	sadd.s32 $0x88, s3;
	s6 =	simm.s32 @!p1 $0x1082;
	[sflag:s4] =	ssyncset.s32 $0xFFFFF086  }
0x25: {  	[simem:s6], [sflag:s4] =	dma.local [hbm:s3], $0xF7A  }
0x26: {  	[smem:$0x3F95] =	sst s1;
	(tag) =	ssettag s2;
	_ =	strace s9  }
0x27: {  	s1 =	sld [smem:$0x3FA5]  }
0x28: {  	s2 =	sld [smem:$0x3FA6]  }
0x29: {  	s4 =	sld [smem:$0x3FA8]  }
0x2a: {  	p0 =	seq.s32 s5, $0x0;
	s5 =	sld [smem:$0x3FA9]  }
0x2b: {  	s6 =	sld [smem:$0x3FAA]  }
0x2c: {  	s7 =	sld [smem:$0x3FAB]  }
0x2d: {  	s3 =	simm.s32 $0x108;
	s8 =	sld [smem:$0x3FAC]  }
0x2e: {  	s3 =	simm.s32 @!p0 $0x1082;
	s9 =	sld [smem:$0x3FAD]  }
0x2f: {  	lr =	sadd.s32 s0, s3;
	s0 =	sld [smem:$0x3FA4]  }
0x30: {  	s3 =	sld [smem:$0x3FA7]  }
0x31: {  	[smem:$0x3FB0] =	sst s10  }
0x32: {  	s10 =	sld [smem:$0x3FAE];
	_ =	sdelay $0x3  }
0x33: {  	p0 =	seq.s32 s10, $0x1;
	s10 =	sld [smem:$0x3FB0];
	_ =	sdelay $0x3  }
0x34: {  	[smem:$0x3FB0] =	sst s10  }
0x35: {  	s10 =	sld [smem:$0x3FAF];
	_ =	sdelay $0x3  }
0x36: {  	p1 =	seq.s32 s10, $0x1;
	s10 =	sld [smem:$0x3FB0];
	_ =	sdelay $0x3  }
0x37: {  	[smem:$0x3FB0] =	sst s10  }
0x38: {  	s10 =	sld [smem:$0x3FB1]  }
0x39: {  	_ = 	snop;
	(pc) =	sbr.ind lr, $3  }
0x3a: {  	_ = 	snop  }
0x3b: {  	_ = 	snop  }
0x3c: {  	p2 =	seq.s32 s10, $0x1;
	s10 =	sld [smem:$0x3FB0]  }
0x3d: {  	_ =	shalt  }
0x3e: {  	_ =	shalt  }
0x3f: {  	_ =	shalt  }
0x40: {  	_ =	shalt  }
0x41: {  	_ =	shalt  }
0x42: {  	_ =	shalt  }
0x43: {  	_ =	shalt  }
0x44: {  	_ =	shalt  }
0x45: {  	_ =	shalt  }
0x46: {  	_ =	shalt  }
0x47: {  	_ =	shalt  }
0x48: {  	_ =	shalt  }
0x49: {  	_ =	shalt  }
0x4a: {  	_ =	shalt  }
0x4b: {  	_ =	shalt  }
0x4c: {  	_ =	shalt  }
0x4d: {  	_ =	shalt  }
0x4e: {  	_ =	shalt  }
0x4f: {  	_ =	shalt  }
0x50: {  	_ =	shalt  }
0x51: {  	_ =	shalt  }
0x52: {  	_ =	shalt  }
0x53: {  	_ =	shalt  }
0x54: {  	_ =	shalt  }
0x55: {  	_ =	shalt  }
0x56: {  	_ =	shalt  }
0x57: {  	_ =	shalt  }
0x58: {  	_ =	shalt  }
0x59: {  	_ =	shalt  }
0x5a: {  	_ =	shalt  }
0x5b: {  	_ =	shalt  }
0x5c: {  	_ =	shalt  }
0x5d: {  	_ =	shalt  }
0x5e: {  	_ =	shalt  }
0x5f: {  	_ =	shalt  }
0x60: {  	_ =	shalt  }
0x61: {  	_ =	shalt  }
0x62: {  	_ =	shalt  }
0x63: {  	_ =	shalt  }
0x64: {  	_ =	shalt  }
0x65: {  	_ =	shalt  }
0x66: {  	_ =	shalt  }
0x67: {  	_ =	shalt  }
0x68: {  	_ =	shalt  }
0x69: {  	_ =	shalt  }
0x6a: {  	_ =	shalt  }
0x6b: {  	_ =	shalt  }
0x6c: {  	_ =	shalt  }
0x6d: {  	_ =	shalt  }
0x6e: {  	_ =	shalt  }
0x6f: {  	_ =	shalt  }
0x70: {  	_ =	shalt  }
0x71: {  	_ =	shalt  }
0x72: {  	_ =	shalt  }
0x73: {  	_ =	shalt  }
0x74: {  	_ =	shalt  }
0x75: {  	_ =	shalt  }
0x76: {  	_ =	shalt  }
0x77: {  	_ =	shalt  }
0x78: {  	_ =	shalt  }
0x79: {  	_ =	shalt  }
0x7a: {  	_ =	shalt  }
0x7b: {  	_ =	shalt  }
0x7c: {  	_ =	shalt  }
0x7d: {  	_ =	shalt  }
0x7e: {  	_ =	shalt  }
0x7f: {  	_ =	shalt  }
0x80: {  	_ =	shalt  }
0x81: {  	_ =	shalt  }
0x82: {  	_ =	shalt  }
0x83: {  	_ =	shalt  }
0x84: {  	_ =	shalt  }
0x85: {  	_ =	shalt  }
0x86: {  	_ =	shalt  }
0x87: {  	_ =	shalt  }
.Lfunc_end0:
.L_simem_size_0:
called_computation.3_lowered:
.L_overlay_start_0:
0x88: {  	s2 =	sld [smem:$0x3FD9]  }
0x89: {  	s3 =	sld [smem:$0x3FFE];
	_ =	sdelay $0x1  }
0x8a: {  	s1 =	srdreg.scid  }
0x8b: {  	s0 =	sand.u32 $0x1, s1  }
0x8c: {  	s17 =	sshll.u32 s0, $0xA;
	s2 =	sadd.s32 s3, s2  }
0x8d: {  	s2 =	sadd.s32 s2, s17  }
0x8e: {  	[smem:$0x3FBC] =	sst s2  }
0x8f: {  	_ = 	snop  }
0x90: {  	s2 =	sld [smem:$0x3FD0];
	(tm) =	ssettm $0x1  }
0x91: {  	s18 =	sld [smem:$0x3FFB];
	_ =	sdelay $0x3  }
0x92: {  	_ =	strace s18  }
0x93: {  	s3 =	sld [smem:$0x3FFC];
	_ =	sdelay $0x3  }
0x94: {  	_ =	strace s3  }
0x95: {  	s3 =	sld [smem:$0x3FFD];
	_ =	sdelay $0x3  }
0x96: {  	_ =	strace s3  }
0x97: {  	_ =	strace $0x8FFFFFFF  }
0x98: {  	s19 =	sld [smem:$0x3FDB];
	_ =	sdelay $0x1  }
0x99: {  	s4 =	simm.s32 $_scs_section_size  }
0x9a: {  	s5 =	simm.s32 $_size__tile_overlayer_lowered;
	s6 =	simm.s32 $_tile_overlayer_lowered  }
0x9b: {  	s22 =	simm.s32 $0x1BFF;
	s21 =	sshll.u32 s6, $0x1;
	s3 =	sadd.s32 s4, s19  }
0x9c: {  	s7 =	simm.s32 $0x0;
	s20 =	sshll.u32 s5, $0x1;
	s5 =	sadd.s32 s21, s3  }
0x9d: {  	[timem:s7], [sflag:s22] =	dma.local [hbm:s5], s20  }
0x9e: {  	_ =	swait.ge [sflag:s22], s20  }
0x9f: {  	s4 =	ssub.s32 $0x0, s20;
	[sflag:s22] =	ssyncset.done $0x0  }
0xa0: {  	[sflag:s22] =	ssyncadd.s32 s4;
	_ =	sdelay $0x1  }
0xa1: {  	s23 =	simm.s32 $0x1B8B  }
0xa2: {  	_ =	swait.ge [sflag:s23], $0x1  }
0xa3: {  	[sflag:s23] =	ssyncset.done $0x0  }
0xa4: {  	s25 =	simm.s32 $0x1B8E;
	s24 =	sld [smem:$0x3FFE];
	[sflag:s23] =	ssyncadd.s32 $0xFFFFFFFF  }
0xa5: {  	s26 =	simm.s32 $execute0_lowered;
	[smem:$0x3FD2] =	sst s25  }
0xa6: {  	s5 =	sshll.u32 s26, $0x1;
	_ =	strace $0x8000004F;
	[dreg:$0x1] =	wrdreg $0xFFFFFFFF  }
0xa7: {  	s28 =	simm.s32 $_size_execute0_lowered;
	s3 =	sadd.s32 s3, s5;
	[dreg:$0x0] =	wrdreg $0x0  }
0xa8: {  	s5 =	sshll.u32 s28, $0x1;
	[dreg:$0x2] =	wrdreg s3  }
0xa9: {  	[dreg:$0x3] =	wrdreg s5  }
0xaa: {  	[dreg:$0x4] =	wrdreg $0xC0  }
0xab: {  	_ =	task [dreg:s7], $0x5FFFF  }
0xac: {  	[dreg:$0x1] =	wrdreg $0xFFFFFFFF  }
0xad: {  	[dreg:$0x0] =	wrdreg $0x60  }
0xae: {  	[dreg:$0x2] =	wrdreg s2  }
0xaf: {  	[dreg:$0x3] =	wrdreg s24  }
0xb0: {  	[dreg:$0x4] =	wrdreg $0x112800  }
0xb1: {  	[dreg:$0x5] =	wrdreg $0x9  }
0xb2: {  	_ =	task.clear_ibuf [dreg:s7], $0x6FFFF;
	_ =	strace $0x9000004F  }
0xb3: {  	s29 =	simm.s32 $0x9;
	_ =	strace $0x80000051  }
0xb4: {  	_ =	swait.ge [sflag:s29], $0x1  }
0xb5: {  	[sflag:s29] =	ssyncadd.s32 $0xFFFFFFFF  }
0xb6: {  	_ =	strace $0x90000051  }
0xb7: {  	_ =	sfence  }
0xb8: {  	s30 =	sld [smem:$0x0];
	_ =	sdelay $0x2  }
0xb9: {  	s31 =	sshll.u32 s1, $0xD;
	s1 =	sshrl.u32 s1, $0x2  }
0xba: {  	s3 =	sand.u32 $0x4000, s31;
	s1 =	sadd.s32 s1, s30  }
0xbb: {  	s0 =	sor.u32 s3, s0;
	s1 =	sshll.u32 s1, $0x11  }
0xbc: {  	s0 =	sor.u32 s1, s0  }
0xbd: {  	s0 =	sadd.s32 $0x8F2B, s0  }
0xbe: {  	[sflag:s0] =	ssyncadd.remote.s32 $0x1  }
0xbf: {  	_ =	sfence.sel $0xFFFF  }
0xc0: {  	[dreg:$0x0] =	wrdreg $0xFFFFFFFF;
	(pc) =	sbr.abs _section_cstart, $3  }
0xc1: {  	[dreg:$0x1] =	wrdreg $0xFFFFFFFF  }
0xc2: {  	_ =	task.clear_ibuf [dreg:s7], $0x2FFFF;
	_ =	strace $0x9FFFFFFF  }
0xc3: {  	(tm) =	ssettm $0x7FFFFFFF  }
tec
execute0_lowered:
.L_overlay_start_1:
0x0: {  	(tag) =	ssettag $0x1  }
0x1: {  	s0 =	rddreg [dreg:$0x0]  }
0x2: {  	s1 =	rddreg [dreg:$0x1]  }
0x3: {  	s3 =	srdreg.scid;
	s12 =	stileid.u32  }
0x4: {  	s2 =	rddreg [dreg:$0x2];
	s28 =	simm.s32 $0x5100;
	s6 =	smul.u32 $0xA000, s12  }
0x5: {  	s29 =	simm.s32 $0x3;
	s30 =	simm.s32 $0x8;
	s16 =	smul.u32 $0x28000, s12  }
0x6: {  	s31 =	simm.s32 $0x5;
	s4 =	sand.u32 $0x1, s3;
	s10 =	smul.u32 $0x5000, s12  }
0x7: {  	s3 =	simm.s32 $0x0;
	s8 =	sadd.s32 $0x3400, s1;
	s5 =	smul.u32 $0x13880, s4  }
0x8: {  	[smem:$0x7FF] =	sst s3;
	s7 =	smul.u32 $0xA0000, s4;
	s4 =	ssub.s32 $0x2, s4  }
0x9: {  	s23 =	smul.u32 $0xA00, s12;
	_ =	strace $0x80000050;
	s17 =	sshrl.u32 s4, $0x1  }
0xa: {  	s11 =	sshrl.u32 s10, $0x3;
	s13 =	sadd.s32 s6, s2;
	s9 =	sadd.s32 s5, s1  }
0xb: {  	s15 =	sadd.s32 s6, s7;
	s7 =	sshrl.u32 s16, $0x2;
	s4 =	ssub.s32 s4, s17  }
0xc: {  	s0 =	sadd.s32 s0, s11;
	s22 =	sadd.s32 s8, s11;
	[dreg:$0x5] =	wrdreg s13  }
0xd: {  	s17 =	sadd.s32 s23, s8;
	s23 =	simm.s32 $0x5200;
	[dreg:$0x4] =	wrdreg s0  }
0xe: {  	s5 =	sshrl.u32 s15, $0x3;
	s24 =	sadd.s32 $0x10, s22;
	[dreg:$0xa] =	wrdreg s22  }
0xf: {  	s7 =	sadd.s32 s7, s2;
	s25 =	sadd.s32 $0x20, s22;
	[dreg:$0xb] =	wrdreg s24  }
0x10: {  	s10 =	sadd.s32 $0x5B600, s9;
	s26 =	smax.u32 s4, $0x1;
	[dreg:$0xc] =	wrdreg s25  }
0x11: {  	s0 =	simm.s32 $0xD280;
	s18 =	sadd.s32 $0x2000, s7;
	[dreg:$0xf] =	wrdreg s26  }
0x12: {  	s1 =	sadd.s32 s5, s1;
	s19 =	sadd.s32 $0x4000, s7;
	[dreg:$0x6] =	wrdreg s18  }
0x13: {  	s20 =	sadd.s32 $0x6000, s7;
	s21 =	sadd.s32 $0x8000, s7;
	[dreg:$0x7] =	wrdreg s19  }
0x14: {  	s5 =	sadd.s32 $0x30, s22;
	s22 =	simm.s32 $0x5000;
	[dreg:$0x8] =	wrdreg s20  }
0x15: {  	s26 =	simm.s32 $0x9280;
	s24 =	simm.s32 $0x1;
	[dreg:$0x9] =	wrdreg s21  }
0x16: {  	s25 =	simm.s32 $0x6;
	[dreg:$0xd] =	wrdreg s5;
	s1 =	sadd.s32 $0x82800, s1  }
0x17: {  	s18 =	simm.s32 $0x10;
	s20 =	simm.s32 $0x80;
	s21 =	simm.s32 $0x5280  }
0x18: {  	v0 =	vimm.f32 $0.0e+00;
	s5 =	simm.s32 $0x0;
	[dreg:$0xe] =	wrdreg s1;
	s1 =	simm.s32 $0xA  }
.LBB2_1:
0x19: {  	[dreg:$0x10] =	wrdreg s5  }
0x1a: {  	s4 =	rddreg [dreg:$0x4]  }
0x1b: {  	[tilespmem:s3], [sflag:$0x10] =	stream.linear.gather [hbm4b:s4+s3], $0x5000, $0x38;
	[tilespmem:$0x1B280] =	vst v63  }
0x1c: {  	_ =	swait.ge [sflag:s18], $0x5000  }
0x1d: {  	[sflag:s18] =	ssyncset.done $0x0  }
0x1e: {  	s6 =	simm.s32 $0x100;
	s4 =	simm.s32 $0x0;
	[sflag:s18] =	ssyncadd.s32 $0xFFFFB000  }
.LBB2_2:
0x1f: {  	p0 =	sne.s32 s6, $0x7F00;
	[tilespmem:s4+$0xF2B0] =	vst v0;
	s7 =	smov.u32 s6;
	s6 =	sadd.s32 $0x100, s6  }
.Ltmp0:
0x20: {  	[tilespmem:s4+$0xF2A0] =	vst v0;
	(pc) =	sbr.rel @p0 .LBB2_2-.Ltmp0, $3  }
0x21: {  	[tilespmem:s4+$0xF280] =	vst v0  }
0x22: {  	[tilespmem:s4+$0xF290] =	vst v0;
	_ =	sdelay $0x1  }
0x23: {  	s4 =	sshra.s32 s7, $0x2  }
0x24: {  	[tilespmem:s4+$0xF2B0] =	vst v0  }
0x25: {  	[tilespmem:s4+$0xF2A0] =	vst v0  }
0x26: {  	[tilespmem:s4+$0xF280] =	vst v0  }
0x27: {  	[tilespmem:s4+$0xF290] =	vst v0;
	s5 =	simm.s32 $0xF280  }
0x28: {  	[spmem:s13] =	stream.linear.scatter [tilespmem:s5], [sflag:$0x10], $0x2000, $0x38;
	[tilespmem:$0x1B280] =	vst v63  }
0x29: {  	_ =	swait.ge [sflag:s18], $0x2000  }
0x2a: {  	[sflag:s18] =	ssyncset.done $0x0  }
0x2b: {  	s12 =	rddreg [dreg:$0x6];
	[sflag:s18] =	ssyncadd.s32 $0xFFFFE000  }
0x2c: {  	[spmem:s12] =	stream.linear.scatter [tilespmem:s5], [sflag:$0x10], $0x2000, $0x38;
	[tilespmem:$0x1B280] =	vst v63  }
0x2d: {  	_ =	swait.ge [sflag:s18], $0x2000  }
0x2e: {  	[sflag:s18] =	ssyncset.done $0x0  }
0x2f: {  	s13 =	rddreg [dreg:$0x7];
	[sflag:s18] =	ssyncadd.s32 $0xFFFFE000  }
0x30: {  	[spmem:s13] =	stream.linear.scatter [tilespmem:s5], [sflag:$0x10], $0x2000, $0x38;
	[tilespmem:$0x1B280] =	vst v63  }
0x31: {  	_ =	swait.ge [sflag:s18], $0x2000  }
0x32: {  	[sflag:s18] =	ssyncset.done $0x0  }
0x33: {  	s14 =	rddreg [dreg:$0x8];
	[sflag:s18] =	ssyncadd.s32 $0xFFFFE000  }
0x34: {  	[spmem:s14] =	stream.linear.scatter [tilespmem:s5], [sflag:$0x10], $0x2000, $0x38;
	[tilespmem:$0x1B280] =	vst v63  }
0x35: {  	_ =	swait.ge [sflag:s18], $0x2000  }
0x36: {  	[sflag:s18] =	ssyncset.done $0x0  }
0x37: {  	s15 =	rddreg [dreg:$0x9];
	[sflag:s18] =	ssyncadd.s32 $0xFFFFE000  }
0x38: {  	[spmem:s15] =	stream.linear.scatter [tilespmem:s5], [sflag:$0x10], $0x2000, $0x38;
	[tilespmem:$0x1B280] =	vst v63  }
0x39: {  	_ =	swait.ge [sflag:s18], $0x2000  }
0x3a: {  	[sflag:s18] =	ssyncset.done $0x0  }
0x3b: {  	[sflag:s18] =	ssyncadd.s32 $0xFFFFE000  }
0x3c: {  	s16 =	simm.s32 $0x0;
	[bflag:$0x0] =	sbarrier.arrive $0xFFFF  }
0x3d: {  	[tilespmem:s21], [sflag:$0x1] =	stream.indirect.gather [hbm4b:s10+s20], $0x40, s16, s20, $0xb8;
	[tilespmem:$0x1B280] =	vst v63  }
0x3e: {  	s19 =	rddreg [dreg:$0xa]  }
0x3f: {  	[tilespmem:s22], [sflag:$0x6] =	stream.linear.gather [hbm4b:s19+s16], $0x80, $0x38;
	[tilespmem:$0x1B280] =	vst v63  }
0x40: {  	s6 =	simm.s32 $0x7280  }
0x41: {  	[tilespmem:s6], [sflag:$0x2] =	stream.indirect.gather [hbm4b:s10+s20], $0x40, s20, s20, $0xb8;
	[tilespmem:$0x1B280] =	vst v63  }
0x42: {  	s7 =	rddreg [dreg:$0xb];
	s6 =	simm.s32 $0x5080  }
0x43: {  	[tilespmem:s6], [sflag:$0x7] =	stream.linear.gather [hbm4b:s7+s16], $0x80, $0x38;
	[tilespmem:$0x1B280] =	vst v63  }
0x44: {  	s8 =	simm.s32 $0x100  }
0x45: {  	[tilespmem:s26], [sflag:$0x3] =	stream.indirect.gather [hbm4b:s10+s20], $0x40, s8, s20, $0xb8;
	[tilespmem:$0x1B280] =	vst v63  }
0x46: {  	p0 =	por $0x1, $0x1;
	s9 =	rddreg [dreg:$0xc]  }
0x47: {  	[tilespmem:s28], [sflag:$0x8] =	stream.linear.gather [hbm4b:s9+s16], $0x80, $0x38;
	[tilespmem:$0x1B280] =	vst v63  }
0x48: {  	s11 =	simm.s32 $0x180;
	p0 =	por p0, p0;
	s12 =	simm.s32 $0xB280  }
0x49: {  	[tilespmem:s12], [sflag:$0x4] =	stream.indirect.gather [hbm4b:s10+s20], $0x40, s11, s20, $0xb8;
	[tilespmem:$0x1B280] =	vst v63  }
0x4a: {  	s4 =	simm.s32 @!p0 $0xF;
	s14 =	simm.s32 $0x5180;
	s13 =	rddreg [dreg:$0xd]  }
0x4b: {  	[tilespmem:s14], [sflag:$0x9] =	stream.linear.gather [hbm4b:s13+s16], $0x80, $0x38;
	[tilespmem:$0x1B280] =	vst v63  }
0x4c: {  	_ =	swait.ge @!p0 [sflag:s4], $0x2000  }
0x4d: {  	[sflag:s4] =	ssyncset.done @!p0 $0x0  }
0x4e: {  	s15 =	simm.s32 $0x200;
	s16 =	sadd.s32 $0x0, s17;
	[sflag:s4] =	ssyncadd.s32 @!p0 $0xFFFFE000  }
0x4f: {  	[tilespmem:s0], [sflag:$0x5] =	stream.indirect.gather [hbm4b:s10+s20], $0x40, s15, s20, $0xb8;
	[tilespmem:$0x1B280] =	vst v63  }
0x50: {  	s19 =	sadd.s32 $0x40, s16  }
0x51: {  	[tilespmem:s23], [sflag:$0xA] =	stream.linear.gather [hbm4b:s19+s3], $0x80, $0x38;
	[tilespmem:$0x1B280] =	vst v63  }
0x52: {  	_ =	swait.ge [sflag:s24], $0x2000  }
0x53: {  	[sflag:s24] =	ssyncset.done $0x0  }
0x54: {  	[sflag:s24] =	ssyncadd.s32 $0xFFFFE000  }
0x55: {  	_ =	swait.ge [sflag:s25], $0x80  }
0x56: {  	p0 =	por $0x0, $0x0;
	[sflag:s25] =	ssyncset.done $0x0  }
0x57: {  	s4 =	simm.s32 @p0 $0x2;
	[sflag:s25] =	ssyncadd.s32 $0xFFFFFF80  }
0x58: {  	[spmem:s2] =	stream.indirect.scatter.add.f32 [tilespmem:s21], [sflag:$0xB], $0x40, s22, s20, $0xb8;
	[tilespmem:$0x1B280] =	vst v63  }
0x59: {  	_ =	swait.ge @p0 [sflag:s4], $0x2000  }
0x5a: {  	[sflag:s4] =	ssyncset.done @p0 $0x0  }
0x5b: {  	s6 =	simm.s32 @p0 $0x7;
	[sflag:s4] =	ssyncadd.s32 @p0 $0xFFFFE000  }
0x5c: {  	_ =	swait.ge @p0 [sflag:s6], $0x80  }
0x5d: {  	s8 =	simm.s32 @p0 $0x80;
	s7 =	simm.s32 @p0 $0x5080;
	[sflag:s6] =	ssyncset.done @p0 $0x0  }
0x5e: {  	s11 =	simm.s32 @!p0 $0xB;
	s4 =	simm.s32 @p0 $0x7280;
	[sflag:s6] =	ssyncadd.s32 @p0 $0xFFFFFF80  }
0x5f: {  	[spmem:s2] =	stream.indirect.scatter.add.f32 @p0 [tilespmem:s4], [sflag:$0xC], $0x40, s7, s8, $0xb8;
	[tilespmem:$0x1B280] =	vst v63  }
0x60: {  	s14 =	simm.s32 @!p0 $0x280;
	_ =	swait.ge @!p0 [sflag:s11], $0x2000  }
0x61: {  	s6 =	simm.s32 @!p0 $0x80;
	s4 =	sadd.s32 @!p0 $0x0, s17;
	[sflag:s11] =	ssyncset.done @!p0 $0x0  }
0x62: {  	s7 =	simm.s32 @!p0 $0x5280;
	s13 =	sadd.s32 @!p0 $0x50, s4;
	[sflag:s11] =	ssyncadd.s32 @!p0 $0xFFFFE000  }
0x63: {  	[tilespmem:s7], [sflag:$0x1] =	stream.indirect.gather @!p0 [hbm4b:s10+s6], $0x40, s14, s6, $0xb8;
	[tilespmem:$0x1B280] =	vst v63  }
0x64: {  	s11 =	simm.s32 @!p0 $0x5000;
	s7 =	simm.s32 @!p0 $0x0;
	s14 =	simm.s32 @!p0 $0x2  }
0x65: {  	[tilespmem:s11], [sflag:$0x6] =	stream.linear.gather @!p0 [hbm4b:s13+s7], $0x80, $0x38;
	[tilespmem:$0x1B280] =	vst v63  }
0x66: {  	_ =	swait.ge @!p0 [sflag:s14], $0x2000  }
0x67: {  	[sflag:s14] =	ssyncset.done @!p0 $0x0  }
0x68: {  	s11 =	simm.s32 @!p0 $0x7;
	[sflag:s14] =	ssyncadd.s32 @!p0 $0xFFFFE000  }
0x69: {  	_ =	swait.ge @!p0 [sflag:s11], $0x80  }
0x6a: {  	s13 =	simm.s32 @!p0 $0x5080;
	[sflag:s11] =	ssyncset.done @!p0 $0x0  }
0x6b: {  	s14 =	simm.s32 @!p0 $0x7280;
	[sflag:s11] =	ssyncadd.s32 @!p0 $0xFFFFFF80;
	s11 =	simm.s32 @!p0 $0xC  }
0x6c: {  	[spmem:s2] =	stream.indirect.scatter.add.f32 @!p0 [tilespmem:s14], [sflag:$0xC], $0x40, s13, s6, $0xb8;
	[tilespmem:$0x1B280] =	vst v63  }
0x6d: {  	_ =	swait.ge @!p0 [sflag:s11], $0x2000  }
0x6e: {  	[sflag:s11] =	ssyncset.done @!p0 $0x0  }
0x6f: {  	[sflag:s11] =	ssyncadd.s32 @!p0 $0xFFFFE000;
	s11 =	simm.s32 @!p0 $0x300  }
0x70: {  	[tilespmem:s14], [sflag:$0x2] =	stream.indirect.gather @!p0 [hbm4b:s10+s6], $0x40, s11, s6, $0xb8;
	[tilespmem:$0x1B280] =	vst v63  }
0x71: {  	s11 =	sadd.s32 @!p0 $0x60, s4  }
0x72: {  	[tilespmem:s13], [sflag:$0x7] =	stream.linear.gather @!p0 [hbm4b:s11+s7], $0x80, $0x38;
	[tilespmem:$0x1B280] =	vst v63  }
0x73: {  	_ =	swait.ge [sflag:s29], $0x2000  }
0x74: {  	[sflag:s29] =	ssyncset.done $0x0  }
0x75: {  	[sflag:s29] =	ssyncadd.s32 $0xFFFFE000  }
0x76: {  	_ =	swait.ge [sflag:s30], $0x80  }
0x77: {  	[sflag:s30] =	ssyncset.done $0x0  }
0x78: {  	s11 =	simm.s32 @p0 $0x4;
	[sflag:s30] =	ssyncadd.s32 $0xFFFFFF80  }
0x79: {  	[spmem:s2] =	stream.indirect.scatter.add.f32 [tilespmem:s26], [sflag:$0xD], $0x40, s28, s20, $0xb8;
	[tilespmem:$0x1B280] =	vst v63  }
0x7a: {  	_ =	swait.ge @p0 [sflag:s11], $0x2000  }
0x7b: {  	[sflag:s11] =	ssyncset.done @p0 $0x0  }
0x7c: {  	s13 =	simm.s32 @p0 $0x9;
	[sflag:s11] =	ssyncadd.s32 @p0 $0xFFFFE000  }
0x7d: {  	_ =	swait.ge @p0 [sflag:s13], $0x80  }
0x7e: {  	[sflag:s13] =	ssyncset.done @p0 $0x0  }
0x7f: {  	s11 =	simm.s32 @p0 $0x5180;
	[sflag:s13] =	ssyncadd.s32 @p0 $0xFFFFFF80;
	s13 =	simm.s32 @p0 $0xB280  }
0x80: {  	[spmem:s2] =	stream.indirect.scatter.add.f32 @p0 [tilespmem:s13], [sflag:$0xE], $0x40, s11, s8, $0xb8;
	[tilespmem:$0x1B280] =	vst v63  }
0x81: {  	s8 =	simm.s32 @!p0 $0xD  }
0x82: {  	_ =	swait.ge @!p0 [sflag:s8], $0x2000  }
0x83: {  	[sflag:s8] =	ssyncset.done @!p0 $0x0  }
0x84: {  	s11 =	simm.s32 @!p0 $0x380;
	s13 =	simm.s32 @!p0 $0x9280;
	[sflag:s8] =	ssyncadd.s32 @!p0 $0xFFFFE000  }
0x85: {  	[tilespmem:s13], [sflag:$0x3] =	stream.indirect.gather @!p0 [hbm4b:s10+s6], $0x40, s11, s6, $0xb8;
	[tilespmem:$0x1B280] =	vst v63  }
0x86: {  	s8 =	sadd.s32 @!p0 $0x70, s4;
	s11 =	simm.s32 @!p0 $0x5100;
	s13 =	simm.s32 @!p0 $0x4  }
0x87: {  	[tilespmem:s11], [sflag:$0x8] =	stream.linear.gather @!p0 [hbm4b:s8+s7], $0x80, $0x38;
	[tilespmem:$0x1B280] =	vst v63  }
0x88: {  	_ =	swait.ge @!p0 [sflag:s13], $0x2000  }
0x89: {  	[sflag:s13] =	ssyncset.done @!p0 $0x0  }
0x8a: {  	s8 =	simm.s32 @!p0 $0x9;
	[sflag:s13] =	ssyncadd.s32 @!p0 $0xFFFFE000  }
0x8b: {  	_ =	swait.ge @!p0 [sflag:s8], $0x80  }
0x8c: {  	s11 =	simm.s32 @!p0 $0x5180;
	[sflag:s8] =	ssyncset.done @!p0 $0x0  }
0x8d: {  	s13 =	simm.s32 @!p0 $0xB280;
	[sflag:s8] =	ssyncadd.s32 @!p0 $0xFFFFFF80;
	s8 =	simm.s32 @!p0 $0xE  }
0x8e: {  	[spmem:s2] =	stream.indirect.scatter.add.f32 @!p0 [tilespmem:s13], [sflag:$0xE], $0x40, s11, s6, $0xb8;
	[tilespmem:$0x1B280] =	vst v63  }
0x8f: {  	_ =	swait.ge @!p0 [sflag:s8], $0x2000  }
0x90: {  	[sflag:s8] =	ssyncset.done @!p0 $0x0  }
0x91: {  	[sflag:s8] =	ssyncadd.s32 @!p0 $0xFFFFE000;
	s8 =	simm.s32 $0x400  }
0x92: {  	[tilespmem:s13], [sflag:$0x4] =	stream.indirect.gather @!p0 [hbm4b:s10+s6], $0x40, s8, s6, $0xb8;
	[tilespmem:$0x1B280] =	vst v63  }
0x93: {  	s4 =	sadd.s32 @!p0 $0x80, s4  }
0x94: {  	[tilespmem:s11], [sflag:$0x9] =	stream.linear.gather @!p0 [hbm4b:s4+s7], $0x80, $0x38;
	[tilespmem:$0x1B280] =	vst v63  }
0x95: {  	_ =	swait.ge [sflag:s31], $0x2000  }
0x96: {  	[sflag:s31] =	ssyncset.done $0x0  }
0x97: {  	p6 =	por $0x0, $0x0;
	s15 =	simm.s32 $0xA0;
	[sflag:s31] =	ssyncadd.s32 $0xFFFFE000  }
0x98: {  	s14 =	simm.s32 $0x50;
	p0 =	por p6, p6;
	_ =	swait.ge [sflag:s1], $0x80  }
0x99: {  	s13 =	simm.s32 $0x680;
	s4 =	simm.s32 @!p0 $0xF;
	[sflag:s1] =	ssyncset.done $0x0  }
.LBB2_4:
0x9a: {  	p2 =	seq.s32 s15, $0x0  }
0x9b: {  	[sflag:s1] =	ssyncadd.s32 $0xFFFFFF80;
	s6 =	smov.u32 s15;
	s15 =	sadd.s32 $0x50, s15  }
0x9c: {  	[spmem:s2] =	stream.indirect.scatter.add.f32 [tilespmem:s0], [sflag:$0xF], $0x40, s23, s20, $0xb8;
	[tilespmem:$0x1B280] =	vst v63  }
0x9d: {  	p1 =	sne.s32 s15, $0xA00;
	_ =	swait.ge @!p0 [sflag:s4], $0x2000  }
0x9e: {  	[sflag:s4] =	ssyncset.done @!p0 $0x0  }
0x9f: {  	s7 =	sadd.s32 s14, s17;
	[sflag:s4] =	ssyncadd.s32 @!p0 $0xFFFFE000;
	s4 =	sadd.s32 $0xFFFFFE00, s13  }
0xa0: {  	[tilespmem:s0], [sflag:$0x5] =	stream.indirect.gather [hbm4b:s10+s20], $0x40, s4, s20, $0xb8;
	[tilespmem:$0x1B280] =	vst v63  }
0xa1: {  	p0 =	por p2, p2;
	s4 =	sadd.s32 $0x40, s7  }
0xa2: {  	[tilespmem:s23], [sflag:$0xA] =	stream.linear.gather [hbm4b:s4+s3], $0x80, $0x38;
	[tilespmem:$0x1B280] =	vst v63  }
0xa3: {  	_ =	swait.ge [sflag:s24], $0x2000  }
0xa4: {  	[sflag:s24] =	ssyncset.done $0x0  }
0xa5: {  	[sflag:s24] =	ssyncadd.s32 $0xFFFFE000  }
0xa6: {  	_ =	swait.ge [sflag:s25], $0x80  }
0xa7: {  	[sflag:s25] =	ssyncset.done $0x0  }
0xa8: {  	p2 =	seq.s32 s14, $0x9B0;
	[sflag:s25] =	ssyncadd.s32 $0xFFFFFF80  }
0xa9: {  	[spmem:s2] =	stream.indirect.scatter.add.f32 [tilespmem:s21], [sflag:$0xB], $0x40, s22, s20, $0xb8;
	[tilespmem:$0x1B280] =	vst v63  }
0xaa: {  	s7 =	sadd.s32 @!p2 s14, s17;
	s14 =	smov.u32 s6;
	s4 =	simm.s32 @p2 $0x2  }
0xab: {  	s9 =	sadd.s32 @!p2 $0x50, s7;
	s8 =	sadd.s32 @!p2 $0x60, s7;
	_ =	swait.ge @p2 [sflag:s4], $0x2000  }
0xac: {  	s11 =	simm.s32 @p2 $0x7;
	s6 =	sadd.s32 @!p2 $0x70, s7;
	[sflag:s4] =	ssyncset.done @p2 $0x0  }
0xad: {  	s16 =	sadd.s32 @!p2 $0x80, s7;
	[sflag:s4] =	ssyncadd.s32 @p2 $0xFFFFE000  }
0xae: {  	s4 =	simm.s32 @p2 $0x7280;
	_ =	swait.ge @p2 [sflag:s11], $0x80  }
0xaf: {  	s5 =	simm.s32 @p2 $0x5080;
	s7 =	simm.s32 @p2 $0x80;
	[sflag:s11] =	ssyncset.done @p2 $0x0  }
0xb0: {  	s19 =	simm.s32 @!p2 $0xB;
	[sflag:s11] =	ssyncadd.s32 @p2 $0xFFFFFF80  }
0xb1: {  	[spmem:s2] =	stream.indirect.scatter.add.f32 @p2 [tilespmem:s4], [sflag:$0xC], $0x40, s5, s7, $0xb8;
	[tilespmem:$0x1B280] =	vst v63  }
0xb2: {  	s5 =	simm.s32 @!p2 $0x5280;
	_ =	swait.ge @!p2 [sflag:s19], $0x2000  }
0xb3: {  	s12 =	sadd.s32 @!p2 $0xFFFFFE80, s13;
	s11 =	simm.s32 @!p2 $0x80;
	[sflag:s19] =	ssyncset.done @!p2 $0x0  }
0xb4: {  	s4 =	simm.s32 @!p2 $0x0;
	[sflag:s19] =	ssyncadd.s32 @!p2 $0xFFFFE000;
	s19 =	simm.s32 @!p2 $0x5000  }
0xb5: {  	[tilespmem:s5], [sflag:$0x1] =	stream.indirect.gather @!p2 [hbm4b:s10+s11], $0x40, s12, s11, $0xb8;
	[tilespmem:$0x1B280] =	vst v63  }
0xb6: {  	s5 =	simm.s32 @!p2 $0x2  }
0xb7: {  	[tilespmem:s19], [sflag:$0x6] =	stream.linear.gather @!p2 [hbm4b:s9+s4], $0x80, $0x38;
	[tilespmem:$0x1B280] =	vst v63  }
0xb8: {  	_ =	swait.ge @!p2 [sflag:s5], $0x2000  }
0xb9: {  	s9 =	simm.s32 @!p2 $0x7;
	[sflag:s5] =	ssyncset.done @!p2 $0x0  }
0xba: {  	[sflag:s5] =	ssyncadd.s32 @!p2 $0xFFFFE000  }
0xbb: {  	_ =	swait.ge @!p2 [sflag:s9], $0x80  }
0xbc: {  	s12 =	simm.s32 @!p2 $0x7280;
	s5 =	simm.s32 @!p2 $0x5080;
	[sflag:s9] =	ssyncset.done @!p2 $0x0  }
0xbd: {  	[sflag:s9] =	ssyncadd.s32 @!p2 $0xFFFFFF80;
	s9 =	simm.s32 @!p2 $0xC  }
0xbe: {  	[spmem:s2] =	stream.indirect.scatter.add.f32 @!p2 [tilespmem:s12], [sflag:$0xC], $0x40, s5, s11, $0xb8;
	[tilespmem:$0x1B280] =	vst v63  }
0xbf: {  	_ =	swait.ge @!p2 [sflag:s9], $0x2000  }
0xc0: {  	s19 =	sadd.s32 @!p2 $0xFFFFFF00, s13;
	[sflag:s9] =	ssyncset.done @!p2 $0x0  }
0xc1: {  	[sflag:s9] =	ssyncadd.s32 @!p2 $0xFFFFE000  }
0xc2: {  	[tilespmem:s12], [sflag:$0x2] =	stream.indirect.gather @!p2 [hbm4b:s10+s11], $0x40, s19, s11, $0xb8;
	[tilespmem:$0x1B280] =	vst v63  }
0xc3: {  	_ = 	snop  }
0xc4: {  	[tilespmem:s5], [sflag:$0x7] =	stream.linear.gather @!p2 [hbm4b:s8+s4], $0x80, $0x38;
	[tilespmem:$0x1B280] =	vst v63  }
0xc5: {  	_ =	swait.ge [sflag:s29], $0x2000  }
0xc6: {  	[sflag:s29] =	ssyncset.done $0x0  }
0xc7: {  	[sflag:s29] =	ssyncadd.s32 $0xFFFFE000  }
0xc8: {  	_ =	swait.ge [sflag:s30], $0x80  }
0xc9: {  	[sflag:s30] =	ssyncset.done $0x0  }
0xca: {  	s5 =	simm.s32 @p2 $0x4;
	[sflag:s30] =	ssyncadd.s32 $0xFFFFFF80  }
0xcb: {  	[spmem:s2] =	stream.indirect.scatter.add.f32 [tilespmem:s26], [sflag:$0xD], $0x40, s28, s20, $0xb8;
	[tilespmem:$0x1B280] =	vst v63  }
0xcc: {  	_ =	swait.ge @p2 [sflag:s5], $0x2000  }
0xcd: {  	s8 =	simm.s32 @p2 $0x9;
	[sflag:s5] =	ssyncset.done @p2 $0x0  }
0xce: {  	[sflag:s5] =	ssyncadd.s32 @p2 $0xFFFFE000  }
0xcf: {  	_ =	swait.ge @p2 [sflag:s8], $0x80  }
0xd0: {  	s9 =	simm.s32 @p2 $0xB280;
	s5 =	simm.s32 @p2 $0x5180;
	[sflag:s8] =	ssyncset.done @p2 $0x0  }
0xd1: {  	[sflag:s8] =	ssyncadd.s32 @p2 $0xFFFFFF80;
	s8 =	simm.s32 @!p2 $0xD  }
0xd2: {  	[spmem:s2] =	stream.indirect.scatter.add.f32 @p2 [tilespmem:s9], [sflag:$0xE], $0x40, s5, s7, $0xb8;
	[tilespmem:$0x1B280] =	vst v63  }
0xd3: {  	_ =	swait.ge @!p2 [sflag:s8], $0x2000  }
0xd4: {  	s5 =	sadd.s32 @!p2 $0xFFFFFF80, s13;
	s7 =	simm.s32 @!p2 $0x9280;
	[sflag:s8] =	ssyncset.done @!p2 $0x0  }
0xd5: {  	[sflag:s8] =	ssyncadd.s32 @!p2 $0xFFFFE000;
	s8 =	simm.s32 @!p2 $0x5100  }
0xd6: {  	[tilespmem:s7], [sflag:$0x3] =	stream.indirect.gather @!p2 [hbm4b:s10+s11], $0x40, s5, s11, $0xb8;
	[tilespmem:$0x1B280] =	vst v63  }
0xd7: {  	s5 =	simm.s32 @!p2 $0x4  }
0xd8: {  	[tilespmem:s8], [sflag:$0x8] =	stream.linear.gather @!p2 [hbm4b:s6+s4], $0x80, $0x38;
	[tilespmem:$0x1B280] =	vst v63  }
0xd9: {  	_ =	swait.ge @!p2 [sflag:s5], $0x2000  }
0xda: {  	s6 =	simm.s32 @!p2 $0x9;
	[sflag:s5] =	ssyncset.done @!p2 $0x0  }
0xdb: {  	[sflag:s5] =	ssyncadd.s32 @!p2 $0xFFFFE000  }
0xdc: {  	_ =	swait.ge @!p2 [sflag:s6], $0x80  }
0xdd: {  	s7 =	simm.s32 @!p2 $0xB280;
	s5 =	simm.s32 @!p2 $0x5180;
	[sflag:s6] =	ssyncset.done @!p2 $0x0  }
0xde: {  	[sflag:s6] =	ssyncadd.s32 @!p2 $0xFFFFFF80;
	s6 =	simm.s32 @!p2 $0xE  }
0xdf: {  	[spmem:s2] =	stream.indirect.scatter.add.f32 @!p2 [tilespmem:s7], [sflag:$0xE], $0x40, s5, s11, $0xb8;
	[tilespmem:$0x1B280] =	vst v63  }
0xe0: {  	_ =	swait.ge @!p2 [sflag:s6], $0x2000  }
0xe1: {  	[sflag:s6] =	ssyncset.done @!p2 $0x0  }
0xe2: {  	[sflag:s6] =	ssyncadd.s32 @!p2 $0xFFFFE000  }
0xe3: {  	[tilespmem:s7], [sflag:$0x4] =	stream.indirect.gather @!p2 [hbm4b:s10+s11], $0x40, s13, s11, $0xb8;
	[tilespmem:$0x1B280] =	vst v63  }
0xe4: {  	_ = 	snop  }
0xe5: {  	[tilespmem:s5], [sflag:$0x9] =	stream.linear.gather @!p2 [hbm4b:s16+s4], $0x80, $0x38;
	[tilespmem:$0x1B280] =	vst v63  }
.Ltmp1:
0xe6: {  	_ =	swait.ge [sflag:s31], $0x2000;
	(pc) =	sbr.rel @p1 .LBB2_4-.Ltmp1, $4  }
0xe7: {  	[sflag:s31] =	ssyncset.done $0x0  }
0xe8: {  	[sflag:s31] =	ssyncadd.s32 $0xFFFFE000  }
0xe9: {  	_ =	swait.ge [sflag:s1], $0x80  }
0xea: {  	s13 =	sadd.s32 $0x280, s13;
	s4 =	simm.s32 @!p0 $0xF;
	[sflag:s1] =	ssyncset.done $0x0  }
0xeb: {  	[sflag:s1] =	ssyncadd.s32 $0xFFFFFF80  }
0xec: {  	[spmem:s2] =	stream.indirect.scatter.add.f32 [tilespmem:s0], [sflag:$0xF], $0x40, s23, s20, $0xb8;
	[tilespmem:$0x1B280] =	vst v63  }
0xed: {  	_ =	swait.ge @!p0 [sflag:s4], $0x2000  }
0xee: {  	[sflag:s4] =	ssyncset.done @!p0 $0x0  }
0xef: {  	s19 =	sadd.s32 $0xFFFFFE00, s13;
	s5 =	sadd.s32 s14, s17;
	[sflag:s4] =	ssyncadd.s32 @!p0 $0xFFFFE000  }
0xf0: {  	[tilespmem:s0], [sflag:$0x5] =	stream.indirect.gather [hbm4b:s10+s20], $0x40, s19, s20, $0xb8;
	[tilespmem:$0x1B280] =	vst v63  }
0xf1: {  	s6 =	sadd.s32 $0x40, s5  }
0xf2: {  	[tilespmem:s23], [sflag:$0xA] =	stream.linear.gather [hbm4b:s6+s3], $0x80, $0x38;
	[tilespmem:$0x1B280] =	vst v63  }
0xf3: {  	_ =	swait.ge [sflag:s24], $0x2000  }
0xf4: {  	[sflag:s24] =	ssyncset.done $0x0  }
0xf5: {  	[sflag:s24] =	ssyncadd.s32 $0xFFFFE000  }
0xf6: {  	_ =	swait.ge [sflag:s25], $0x80  }
0xf7: {  	p0 =	seq.s32 s14, $0x9B0;
	[sflag:s25] =	ssyncset.done $0x0  }
0xf8: {  	s4 =	simm.s32 @p0 $0x2;
	[sflag:s25] =	ssyncadd.s32 $0xFFFFFF80  }
0xf9: {  	[spmem:s2] =	stream.indirect.scatter.add.f32 [tilespmem:s21], [sflag:$0xB], $0x40, s22, s20, $0xb8;
	[tilespmem:$0x1B280] =	vst v63  }
0xfa: {  	_ =	swait.ge @p0 [sflag:s4], $0x2000  }
0xfb: {  	[sflag:s4] =	ssyncset.done @p0 $0x0  }
0xfc: {  	s5 =	simm.s32 @p0 $0x7;
	[sflag:s4] =	ssyncadd.s32 @p0 $0xFFFFE000  }
0xfd: {  	_ =	swait.ge @p0 [sflag:s5], $0x80  }
0xfe: {  	s8 =	simm.s32 @p0 $0x80;
	s6 =	simm.s32 @p0 $0x5080;
	[sflag:s5] =	ssyncset.done @p0 $0x0  }
0xff: {  	s4 =	simm.s32 @p0 $0x7280;
	[sflag:s5] =	ssyncadd.s32 @p0 $0xFFFFFF80;
	s5 =	simm.s32 @!p0 $0xB  }
0x100: {  	[spmem:s2] =	stream.indirect.scatter.add.f32 @p0 [tilespmem:s4], [sflag:$0xC], $0x40, s6, s8, $0xb8;
	[tilespmem:$0x1B280] =	vst v63  }
0x101: {  	s7 =	simm.s32 @!p0 $0x5280;
	_ =	swait.ge @!p0 [sflag:s5], $0x2000  }
0x102: {  	s11 =	sadd.s32 @!p0 $0xFFFFFE80, s13;
	s4 =	sadd.s32 @!p0 s14, s17;
	[sflag:s5] =	ssyncset.done @!p0 $0x0  }
0x103: {  	s6 =	simm.s32 @!p0 $0x80;
	s9 =	sadd.s32 @!p0 $0x50, s4;
	[sflag:s5] =	ssyncadd.s32 @!p0 $0xFFFFE000  }
0x104: {  	[tilespmem:s7], [sflag:$0x1] =	stream.indirect.gather @!p0 [hbm4b:s10+s6], $0x40, s11, s6, $0xb8;
	[tilespmem:$0x1B280] =	vst v63  }
0x105: {  	s5 =	simm.s32 @!p0 $0x5000;
	s7 =	simm.s32 @!p0 $0x0;
	s11 =	simm.s32 @!p0 $0x2  }
0x106: {  	[tilespmem:s5], [sflag:$0x6] =	stream.linear.gather @!p0 [hbm4b:s9+s7], $0x80, $0x38;
	[tilespmem:$0x1B280] =	vst v63  }
0x107: {  	_ =	swait.ge @!p0 [sflag:s11], $0x2000  }
0x108: {  	[sflag:s11] =	ssyncset.done @!p0 $0x0  }
0x109: {  	s5 =	simm.s32 @!p0 $0x7;
	[sflag:s11] =	ssyncadd.s32 @!p0 $0xFFFFE000  }
0x10a: {  	_ =	swait.ge @!p0 [sflag:s5], $0x80  }
0x10b: {  	s9 =	simm.s32 @!p0 $0x5080;
	[sflag:s5] =	ssyncset.done @!p0 $0x0  }
0x10c: {  	s11 =	simm.s32 @!p0 $0x7280;
	[sflag:s5] =	ssyncadd.s32 @!p0 $0xFFFFFF80;
	s5 =	simm.s32 @!p0 $0xC  }
0x10d: {  	[spmem:s2] =	stream.indirect.scatter.add.f32 @!p0 [tilespmem:s11], [sflag:$0xC], $0x40, s9, s6, $0xb8;
	[tilespmem:$0x1B280] =	vst v63  }
0x10e: {  	_ =	swait.ge @!p0 [sflag:s5], $0x2000  }
0x10f: {  	[sflag:s5] =	ssyncset.done @!p0 $0x0  }
0x110: {  	[sflag:s5] =	ssyncadd.s32 @!p0 $0xFFFFE000;
	s5 =	sadd.s32 @!p0 $0xFFFFFF00, s13  }
0x111: {  	[tilespmem:s11], [sflag:$0x2] =	stream.indirect.gather @!p0 [hbm4b:s10+s6], $0x40, s5, s6, $0xb8;
	[tilespmem:$0x1B280] =	vst v63  }
0x112: {  	s5 =	sadd.s32 @!p0 $0x60, s4  }
0x113: {  	[tilespmem:s9], [sflag:$0x7] =	stream.linear.gather @!p0 [hbm4b:s5+s7], $0x80, $0x38;
	[tilespmem:$0x1B280] =	vst v63  }
0x114: {  	_ =	swait.ge [sflag:s29], $0x2000  }
0x115: {  	[sflag:s29] =	ssyncset.done $0x0  }
0x116: {  	[sflag:s29] =	ssyncadd.s32 $0xFFFFE000  }
0x117: {  	_ =	swait.ge [sflag:s30], $0x80  }
0x118: {  	[sflag:s30] =	ssyncset.done $0x0  }
0x119: {  	s5 =	simm.s32 @p0 $0x4;
	[sflag:s30] =	ssyncadd.s32 $0xFFFFFF80  }
0x11a: {  	[spmem:s2] =	stream.indirect.scatter.add.f32 [tilespmem:s26], [sflag:$0xD], $0x40, s28, s20, $0xb8;
	[tilespmem:$0x1B280] =	vst v63  }
0x11b: {  	_ =	swait.ge @p0 [sflag:s5], $0x2000  }
0x11c: {  	[sflag:s5] =	ssyncset.done @p0 $0x0  }
0x11d: {  	s9 =	simm.s32 @p0 $0x9;
	[sflag:s5] =	ssyncadd.s32 @p0 $0xFFFFE000  }
0x11e: {  	_ =	swait.ge @p0 [sflag:s9], $0x80  }
0x11f: {  	[sflag:s9] =	ssyncset.done @p0 $0x0  }
0x120: {  	s5 =	simm.s32 @p0 $0x5180;
	[sflag:s9] =	ssyncadd.s32 @p0 $0xFFFFFF80;
	s9 =	simm.s32 @p0 $0xB280  }
0x121: {  	[spmem:s2] =	stream.indirect.scatter.add.f32 @p0 [tilespmem:s9], [sflag:$0xE], $0x40, s5, s8, $0xb8;
	[tilespmem:$0x1B280] =	vst v63  }
0x122: {  	s5 =	simm.s32 @!p0 $0xD  }
0x123: {  	_ =	swait.ge @!p0 [sflag:s5], $0x2000  }
0x124: {  	[sflag:s5] =	ssyncset.done @!p0 $0x0  }
0x125: {  	s8 =	sadd.s32 @!p0 $0xFFFFFF80, s13;
	s9 =	simm.s32 @!p0 $0x9280;
	[sflag:s5] =	ssyncadd.s32 @!p0 $0xFFFFE000  }
0x126: {  	[tilespmem:s9], [sflag:$0x3] =	stream.indirect.gather @!p0 [hbm4b:s10+s6], $0x40, s8, s6, $0xb8;
	[tilespmem:$0x1B280] =	vst v63  }
0x127: {  	s5 =	sadd.s32 @!p0 $0x70, s4;
	s8 =	simm.s32 @!p0 $0x5100;
	s9 =	simm.s32 @!p0 $0x4  }
0x128: {  	[tilespmem:s8], [sflag:$0x8] =	stream.linear.gather @!p0 [hbm4b:s5+s7], $0x80, $0x38;
	[tilespmem:$0x1B280] =	vst v63  }
0x129: {  	_ =	swait.ge @!p0 [sflag:s9], $0x2000  }
0x12a: {  	[sflag:s9] =	ssyncset.done @!p0 $0x0  }
0x12b: {  	s5 =	simm.s32 @!p0 $0x9;
	[sflag:s9] =	ssyncadd.s32 @!p0 $0xFFFFE000  }
0x12c: {  	_ =	swait.ge @!p0 [sflag:s5], $0x80  }
0x12d: {  	s8 =	simm.s32 @!p0 $0x5180;
	[sflag:s5] =	ssyncset.done @!p0 $0x0  }
0x12e: {  	s9 =	simm.s32 @!p0 $0xB280;
	[sflag:s5] =	ssyncadd.s32 @!p0 $0xFFFFFF80;
	s5 =	simm.s32 @!p0 $0xE  }
0x12f: {  	[spmem:s2] =	stream.indirect.scatter.add.f32 @!p0 [tilespmem:s9], [sflag:$0xE], $0x40, s8, s6, $0xb8;
	[tilespmem:$0x1B280] =	vst v63  }
0x130: {  	_ =	swait.ge @!p0 [sflag:s5], $0x2000  }
0x131: {  	[sflag:s5] =	ssyncset.done @!p0 $0x0  }
0x132: {  	[sflag:s5] =	ssyncadd.s32 @!p0 $0xFFFFE000  }
0x133: {  	[tilespmem:s9], [sflag:$0x4] =	stream.indirect.gather @!p0 [hbm4b:s10+s6], $0x40, s13, s6, $0xb8;
	[tilespmem:$0x1B280] =	vst v63  }
0x134: {  	s4 =	sadd.s32 @!p0 $0x80, s4  }
0x135: {  	[tilespmem:s8], [sflag:$0x9] =	stream.linear.gather @!p0 [hbm4b:s4+s7], $0x80, $0x38;
	[tilespmem:$0x1B280] =	vst v63  }
0x136: {  	_ =	swait.ge [sflag:s31], $0x2000  }
0x137: {  	[sflag:s31] =	ssyncset.done $0x0  }
0x138: {  	[sflag:s31] =	ssyncadd.s32 $0xFFFFE000  }
0x139: {  	_ =	swait.ge [sflag:s1], $0x80  }
0x13a: {  	[sflag:s1] =	ssyncset.done $0x0  }
0x13b: {  	s7 =	simm.s32 $0xB;
	[sflag:s1] =	ssyncadd.s32 $0xFFFFFF80  }
0x13c: {  	[spmem:s2] =	stream.indirect.scatter.add.f32 [tilespmem:s0], [sflag:$0xF], $0x40, s23, s20, $0xb8;
	[tilespmem:$0x1B280] =	vst v63  }
0x13d: {  	_ =	swait.ge [sflag:s7], $0x2000  }
0x13e: {  	[sflag:s7] =	ssyncset.done $0x0  }
0x13f: {  	s8 =	simm.s32 $0xC;
	[sflag:s7] =	ssyncadd.s32 $0xFFFFE000  }
0x140: {  	_ =	swait.ge [sflag:s8], $0x2000  }
0x141: {  	[sflag:s8] =	ssyncset.done $0x0  }
0x142: {  	s9 =	simm.s32 $0xD;
	[sflag:s8] =	ssyncadd.s32 $0xFFFFE000  }
0x143: {  	_ =	swait.ge [sflag:s9], $0x2000  }
0x144: {  	[sflag:s9] =	ssyncset.done $0x0  }
0x145: {  	s11 =	simm.s32 $0xE;
	[sflag:s9] =	ssyncadd.s32 $0xFFFFE000  }
0x146: {  	_ =	swait.ge [sflag:s11], $0x2000  }
0x147: {  	[sflag:s11] =	ssyncset.done $0x0  }
0x148: {  	s12 =	simm.s32 $0xF;
	[sflag:s11] =	ssyncadd.s32 $0xFFFFE000  }
0x149: {  	_ =	swait.ge [sflag:s12], $0x2000  }
0x14a: {  	[sflag:s12] =	ssyncset.done $0x0  }
0x14b: {  	[sflag:s12] =	ssyncadd.s32 $0xFFFFE000  }
0x14c: {  	s13 =	stileid.u32;
	[bflag:$0x0] =	sbarrier.arrive $0xFFFF  }
0x14d: {  	s4 =	sshll.u32 s13, $0x6;
	s13 =	rddreg [dreg:$0x5]  }
0x14e: {  	s4 =	sor.u32 $0x1C10, s4;
	s15 =	rddreg [dreg:$0xe];
	s14 =	sshrl.u32 s13, $0x3  }
0x14f: {  	[hbm:s15], [sflag:s4] =	dma.local [spmem:s14], $0x1400  }
0x150: {  	_ =	swait.ge [sflag:s18], $0x1400  }
0x151: {  	s16 =	rddreg [dreg:$0x10]  }
0x152: {  	s19 =	rddreg [dreg:$0xf];
	s5 =	sadd.s32 $0x1, s16  }
0x153: {  	p0 =	sne.s32 s5, s19  }
.Ltmp2:
0x154: {  	_ = 	snop;
	(pc) =	sbr.rel @p0 .LBB2_1-.Ltmp2, $3  }
0x155: {  	_ =	sdelay $0x1  }
0x156: {  	[sflag:s18] =	ssyncset.done $0x0  }
0x157: {  	[sflag:s18] =	ssyncadd.s32 $0xFFFFEC00  }
0x158: {  	_ =	sfence.sel $0x180000  }
0x159: {  	[bflag:$0x0] =	sbarrier.arrive $0xFFFF  }
0x15a: {  	_ =	strace $0x90000050  }
0x15b: {  	s0 =	stileid.u32;
	[bflag:$0x2] =	sbarrier.arrive $0xFFFF  }
0x15c: {  	p0 =	sne.s32 s0, $0x0;
	s0 =	rddreg [dreg:$0x3]  }
0x15d: {  	s0 =	sadd.s32 @!p0 $0x100000, s0  }
0x15e: {  	[sflag:s0] =	ssyncadd.tile.s32 @!p0 $0x1;
	_ =	shalt  }
.Lfunc_end2:
_tile_overlayer_lowered:
.L_overlay_start_2:
0x15f: {  	(tag) =	ssettag $0x2  }
0x160: {  	s0 =	rddreg [dreg:$0x0];
	s2 =	stileid.u32  }
0x161: {  	s1 =	rddreg [dreg:$0x1];
	p0 =	sne.s32 s2, $0x0  }
0x162: {  	s3 =	rddreg [dreg:$0x2];
	[bflag:$0x3] =	sbarrier.arrive $0xFFFF;
	s2 =	simm.s32 @!p0 $0x1C10  }
0x163: {  	[timem:s3], [sflag:s2] =	dma.local @!p0 [hbm:s0], s1  }
0x164: {  	s0 =	simm.s32 @!p0 $0x10  }
0x165: {  	_ =	swait.ge @!p0 [sflag:s0], s1  }
0x166: {  	s1 =	ssub.s32 @!p0 $0x0, s1;
	[sflag:s0] =	ssyncset.done @!p0 $0x0  }
0x167: {  	[sflag:s0] =	ssyncadd.s32 @!p0 s1  }
0x168: {  	[bflag:$0x3] =	sbarrier.arrive $0xFFFF  }
0x169: {  	_ =	shalt  }

// kernel: kernel.24.cloned.1.call-start
scs
__scs_entry_jumppad:
0x0: {  	(pc) =	sbr.rel $0x88, $3  }
0x1: {  	(tag) =	ssettag $0x0;
	lr =	simm.s32 $0x1  }
0x2: {  	[smem:$0x3F95] =	sst lr;
	_ =	strace $0xD0000000  }
0x3: {  	_ = 	snop  }
0x4: {  	_ = 	snop  }
0x5: {  	_ = 	snop  }
0x6: {  	_ = 	snop  }
0x7: {  	_ = 	snop  }
__scs_overlays_trampoline_lowered:
0x8: {  	[smem:$0x3FA4] =	sst s0  }
0x9: {  	[smem:$0x3FA5] =	sst s1  }
0xa: {  	[smem:$0x3FA6] =	sst s2  }
0xb: {  	[smem:$0x3FA7] =	sst s3  }
0xc: {  	[smem:$0x3FA8] =	sst s4  }
0xd: {  	[smem:$0x3FA9] =	sst s5  }
0xe: {  	[smem:$0x3FAA] =	sst s6  }
0xf: {  	[smem:$0x3FAB] =	sst s7  }
0x10: {  	[smem:$0x3FAC] =	sst s8  }
0x11: {  	[smem:$0x3FAD] =	sst s9;
	s0 =	simm.s32 @!p0 $0x0  }
0x12: {  	s1 =	sld [smem:$0x3F93];
	s0 =	simm.s32 @p0 $0x1  }
0x13: {  	[smem:$0x3FAE] =	sst s0;
	s0 =	simm.s32 @!p1 $0x0  }
0x14: {  	s2 =	sld [smem:$0x3F92];
	s0 =	simm.s32 @p1 $0x1  }
0x15: {  	[smem:$0x3FAF] =	sst s0;
	s0 =	simm.s32 @!p2 $0x0  }
0x16: {  	s3 =	sld [smem:$0x3FDB];
	s0 =	simm.s32 @p2 $0x1  }
0x17: {  	s4 =	simm.s32 $0x1BF5;
	[smem:$0x3FB1] =	sst s0  }
0x18: {  	s0 =	sld [smem:$0x3F94];
	_ =	swait.ge [sflag:s4], $0x0  }
0x19: {  	s7 =	sld [smem:$0x3F95]  }
0x1a: {  	s8 =	sadd.s32 $0xFFFFE003, lr  }
0x1b: {  	s9 =	sadd.s32 $0xFFFFFEF7, lr;
	s5 =	simm.s32 $0xFFFFFFFF;
	p2 =	slt.u32 s8, $0xFFFFF086  }
0x1c: {  	p1 =	slt.u32 s9, $0xF7A;
	s5 =	simm.s32 @!p2 $0x0  }
0x1d: {  	s5 =	simm.s32 @p1 $0x1;
	p0 =	seq.s32 s7, s2  }
0x1e: {  	s7 =	smul.u32 @!p0 $0xF7A, s2;
	p2 =	seq.s32 @!p0 s5, $0x0  }
0x1f: {  	s9 =	smul.u32 $0xF7A, s1;
	s8 =	simm.s32 @!p0 $0x1BF5;
	p2 =	por !p2, p0  }
0x20: {  	[sflag:s8] =	ssyncset.s32 @!p0 $0xFFFFF086;
	s6 =	sadd.s32 @!p0 s3, s7;
	s7 =	simm.s32 @!p0 $0x108  }
0x21: {  	s3 =	sadd.s32 s3, s9;
	s6 =	sadd.s32 @!p0 $0x88, s6;
	s7 =	simm.s32 @p2 $0x1082  }
0x22: {  	[simem:s7], [sflag:s8] =	dma.local @!p0 [hbm:s6], $0xF7A  }
0x23: {  	s9 =	sor.u32 $0xD0000000, s2;
	s6 =	simm.s32 $0x108;
	_ =	swait.ge @!p0 [sflag:s8], $0x0  }
0x24: {  	s3 =	sadd.s32 $0x88, s3;
	s6 =	simm.s32 @!p1 $0x1082;
	[sflag:s4] =	ssyncset.s32 $0xFFFFF086  }
0x25: {  	[simem:s6], [sflag:s4] =	dma.local [hbm:s3], $0xF7A  }
0x26: {  	[smem:$0x3F95] =	sst s1;
	(tag) =	ssettag s2;
	_ =	strace s9  }
0x27: {  	s1 =	sld [smem:$0x3FA5]  }
0x28: {  	s2 =	sld [smem:$0x3FA6]  }
0x29: {  	s4 =	sld [smem:$0x3FA8]  }
0x2a: {  	p0 =	seq.s32 s5, $0x0;
	s5 =	sld [smem:$0x3FA9]  }
0x2b: {  	s6 =	sld [smem:$0x3FAA]  }
0x2c: {  	s7 =	sld [smem:$0x3FAB]  }
0x2d: {  	s3 =	simm.s32 $0x108;
	s8 =	sld [smem:$0x3FAC]  }
0x2e: {  	s3 =	simm.s32 @!p0 $0x1082;
	s9 =	sld [smem:$0x3FAD]  }
0x2f: {  	lr =	sadd.s32 s0, s3;
	s0 =	sld [smem:$0x3FA4]  }
0x30: {  	s3 =	sld [smem:$0x3FA7]  }
0x31: {  	[smem:$0x3FB0] =	sst s10  }
0x32: {  	s10 =	sld [smem:$0x3FAE];
	_ =	sdelay $0x3  }
0x33: {  	p0 =	seq.s32 s10, $0x1;
	s10 =	sld [smem:$0x3FB0];
	_ =	sdelay $0x3  }
0x34: {  	[smem:$0x3FB0] =	sst s10  }
0x35: {  	s10 =	sld [smem:$0x3FAF];
	_ =	sdelay $0x3  }
0x36: {  	p1 =	seq.s32 s10, $0x1;
	s10 =	sld [smem:$0x3FB0];
	_ =	sdelay $0x3  }
0x37: {  	[smem:$0x3FB0] =	sst s10  }
0x38: {  	s10 =	sld [smem:$0x3FB1]  }
0x39: {  	_ = 	snop;
	(pc) =	sbr.ind lr, $3  }
0x3a: {  	_ = 	snop  }
0x3b: {  	_ = 	snop  }
0x3c: {  	p2 =	seq.s32 s10, $0x1;
	s10 =	sld [smem:$0x3FB0]  }
0x3d: {  	_ =	shalt  }
0x3e: {  	_ =	shalt  }
0x3f: {  	_ =	shalt  }
0x40: {  	_ =	shalt  }
0x41: {  	_ =	shalt  }
0x42: {  	_ =	shalt  }
0x43: {  	_ =	shalt  }
0x44: {  	_ =	shalt  }
0x45: {  	_ =	shalt  }
0x46: {  	_ =	shalt  }
0x47: {  	_ =	shalt  }
0x48: {  	_ =	shalt  }
0x49: {  	_ =	shalt  }
0x4a: {  	_ =	shalt  }
0x4b: {  	_ =	shalt  }
0x4c: {  	_ =	shalt  }
0x4d: {  	_ =	shalt  }
0x4e: {  	_ =	shalt  }
0x4f: {  	_ =	shalt  }
0x50: {  	_ =	shalt  }
0x51: {  	_ =	shalt  }
0x52: {  	_ =	shalt  }
0x53: {  	_ =	shalt  }
0x54: {  	_ =	shalt  }
0x55: {  	_ =	shalt  }
0x56: {  	_ =	shalt  }
0x57: {  	_ =	shalt  }
0x58: {  	_ =	shalt  }
0x59: {  	_ =	shalt  }
0x5a: {  	_ =	shalt  }
0x5b: {  	_ =	shalt  }
0x5c: {  	_ =	shalt  }
0x5d: {  	_ =	shalt  }
0x5e: {  	_ =	shalt  }
0x5f: {  	_ =	shalt  }
0x60: {  	_ =	shalt  }
0x61: {  	_ =	shalt  }
0x62: {  	_ =	shalt  }
0x63: {  	_ =	shalt  }
0x64: {  	_ =	shalt  }
0x65: {  	_ =	shalt  }
0x66: {  	_ =	shalt  }
0x67: {  	_ =	shalt  }
0x68: {  	_ =	shalt  }
0x69: {  	_ =	shalt  }
0x6a: {  	_ =	shalt  }
0x6b: {  	_ =	shalt  }
0x6c: {  	_ =	shalt  }
0x6d: {  	_ =	shalt  }
0x6e: {  	_ =	shalt  }
0x6f: {  	_ =	shalt  }
0x70: {  	_ =	shalt  }
0x71: {  	_ =	shalt  }
0x72: {  	_ =	shalt  }
0x73: {  	_ =	shalt  }
0x74: {  	_ =	shalt  }
0x75: {  	_ =	shalt  }
0x76: {  	_ =	shalt  }
0x77: {  	_ =	shalt  }
0x78: {  	_ =	shalt  }
0x79: {  	_ =	shalt  }
0x7a: {  	_ =	shalt  }
0x7b: {  	_ =	shalt  }
0x7c: {  	_ =	shalt  }
0x7d: {  	_ =	shalt  }
0x7e: {  	_ =	shalt  }
0x7f: {  	_ =	shalt  }
0x80: {  	_ =	shalt  }
0x81: {  	_ =	shalt  }
0x82: {  	_ =	shalt  }
0x83: {  	_ =	shalt  }
0x84: {  	_ =	shalt  }
0x85: {  	_ =	shalt  }
0x86: {  	_ =	shalt  }
0x87: {  	_ =	shalt  }
.Lfunc_end0:
.L_simem_size_0:
called_computation.4_lowered:
.L_overlay_start_0:
0x88: {  	s2 =	sld [smem:$0x3FD9]  }
0x89: {  	s3 =	sld [smem:$0x3FFE];
	_ =	sdelay $0x1  }
0x8a: {  	s1 =	srdreg.scid  }
0x8b: {  	s0 =	sand.u32 $0x1, s1  }
0x8c: {  	s17 =	sshll.u32 s0, $0xA;
	s2 =	sadd.s32 s3, s2  }
0x8d: {  	s2 =	sadd.s32 s2, s17  }
0x8e: {  	[smem:$0x3FBC] =	sst s2  }
0x8f: {  	_ = 	snop  }
0x90: {  	s2 =	sld [smem:$0x3FD0];
	(tm) =	ssettm $0x1  }
0x91: {  	s18 =	sld [smem:$0x3FFB];
	_ =	sdelay $0x3  }
0x92: {  	_ =	strace s18  }
0x93: {  	s3 =	sld [smem:$0x3FFC];
	_ =	sdelay $0x3  }
0x94: {  	_ =	strace s3  }
0x95: {  	s3 =	sld [smem:$0x3FFD];
	_ =	sdelay $0x3  }
0x96: {  	_ =	strace s3  }
0x97: {  	_ =	strace $0x8FFFFFFF  }
0x98: {  	s19 =	sld [smem:$0x3FDB];
	_ =	sdelay $0x1  }
0x99: {  	s4 =	simm.s32 $_scs_section_size  }
0x9a: {  	s5 =	simm.s32 $_size__tile_overlayer_lowered;
	s6 =	simm.s32 $_tile_overlayer_lowered  }
0x9b: {  	s22 =	simm.s32 $0x1BFF;
	s21 =	sshll.u32 s6, $0x1;
	s3 =	sadd.s32 s4, s19  }
0x9c: {  	s7 =	simm.s32 $0x0;
	s20 =	sshll.u32 s5, $0x1;
	s5 =	sadd.s32 s21, s3  }
0x9d: {  	[timem:s7], [sflag:s22] =	dma.local [hbm:s5], s20  }
0x9e: {  	_ =	swait.ge [sflag:s22], s20  }
0x9f: {  	s4 =	ssub.s32 $0x0, s20;
	[sflag:s22] =	ssyncset.done $0x0  }
0xa0: {  	[sflag:s22] =	ssyncadd.s32 s4;
	_ =	sdelay $0x1  }
0xa1: {  	s23 =	simm.s32 $0x1B8B  }
0xa2: {  	_ =	swait.ge [sflag:s23], $0x1  }
0xa3: {  	[sflag:s23] =	ssyncset.done $0x0  }
0xa4: {  	s25 =	simm.s32 $0x1B8E;
	s24 =	sld [smem:$0x3FFE];
	[sflag:s23] =	ssyncadd.s32 $0xFFFFFFFF  }
0xa5: {  	s26 =	simm.s32 $execute0_lowered;
	[smem:$0x3FD2] =	sst s25  }
0xa6: {  	s5 =	sshll.u32 s26, $0x1;
	_ =	strace $0x80000052;
	[dreg:$0x1] =	wrdreg $0xFFFFFFFF  }
0xa7: {  	s28 =	simm.s32 $_size_execute0_lowered;
	s3 =	sadd.s32 s3, s5;
	[dreg:$0x0] =	wrdreg $0x0  }
0xa8: {  	s5 =	sshll.u32 s28, $0x1;
	[dreg:$0x2] =	wrdreg s3  }
0xa9: {  	[dreg:$0x3] =	wrdreg s5  }
0xaa: {  	[dreg:$0x4] =	wrdreg $0xC0  }
0xab: {  	_ =	task [dreg:s7], $0x5FFFF  }
0xac: {  	[dreg:$0x1] =	wrdreg $0xFFFFFFFF  }
0xad: {  	[dreg:$0x0] =	wrdreg $0x60  }
0xae: {  	[dreg:$0x2] =	wrdreg s2  }
0xaf: {  	[dreg:$0x3] =	wrdreg s24  }
0xb0: {  	[dreg:$0x4] =	wrdreg $0x112800  }
0xb1: {  	[dreg:$0x5] =	wrdreg $0x9  }
0xb2: {  	_ =	task.clear_ibuf [dreg:s7], $0x6FFFF;
	_ =	strace $0x90000052  }
0xb3: {  	s29 =	simm.s32 $0x9;
	_ =	strace $0x80000054  }
0xb4: {  	_ =	swait.ge [sflag:s29], $0x1  }
0xb5: {  	[sflag:s29] =	ssyncadd.s32 $0xFFFFFFFF  }
0xb6: {  	_ =	strace $0x90000054  }
0xb7: {  	_ =	sfence  }
0xb8: {  	s30 =	sld [smem:$0x0];
	_ =	sdelay $0x2  }
0xb9: {  	s31 =	sshll.u32 s1, $0xD;
	s1 =	sshrl.u32 s1, $0x2  }
0xba: {  	s3 =	sand.u32 $0x4000, s31;
	s1 =	sadd.s32 s1, s30  }
0xbb: {  	s0 =	sor.u32 s3, s0;
	s1 =	sshll.u32 s1, $0x11  }
0xbc: {  	s0 =	sor.u32 s1, s0  }
0xbd: {  	s0 =	sadd.s32 $0x8F2B, s0  }
0xbe: {  	[sflag:s0] =	ssyncadd.remote.s32 $0x1  }
0xbf: {  	_ =	sfence.sel $0xFFFF  }
0xc0: {  	[dreg:$0x0] =	wrdreg $0xFFFFFFFF;
	(pc) =	sbr.abs _section_cstart, $3  }
0xc1: {  	[dreg:$0x1] =	wrdreg $0xFFFFFFFF  }
0xc2: {  	_ =	task.clear_ibuf [dreg:s7], $0x2FFFF;
	_ =	strace $0x9FFFFFFF  }
0xc3: {  	(tm) =	ssettm $0x7FFFFFFF  }
tec
execute0_lowered:
.L_overlay_start_1:
0x0: {  	(tag) =	ssettag $0x1  }
0x1: {  	s0 =	rddreg [dreg:$0x0]  }
0x2: {  	s1 =	rddreg [dreg:$0x1]  }
0x3: {  	s3 =	srdreg.scid;
	s12 =	stileid.u32  }
0x4: {  	s2 =	rddreg [dreg:$0x2];
	s28 =	simm.s32 $0x5100;
	s6 =	smul.u32 $0xA000, s12  }
0x5: {  	s29 =	simm.s32 $0x3;
	s30 =	simm.s32 $0x8;
	s16 =	smul.u32 $0x28000, s12  }
0x6: {  	s31 =	simm.s32 $0x5;
	s4 =	sand.u32 $0x1, s3;
	s10 =	smul.u32 $0x5000, s12  }
0x7: {  	s3 =	simm.s32 $0x0;
	s8 =	sadd.s32 $0x3400, s1;
	s5 =	smul.u32 $0x13880, s4  }
0x8: {  	[smem:$0x7FF] =	sst s3;
	s7 =	smul.u32 $0xA0000, s4;
	s4 =	ssub.s32 $0x2, s4  }
0x9: {  	s23 =	smul.u32 $0xA00, s12;
	_ =	strace $0x80000053;
	s17 =	sshrl.u32 s4, $0x1  }
0xa: {  	s11 =	sshrl.u32 s10, $0x3;
	s13 =	sadd.s32 s6, s2;
	s9 =	sadd.s32 s5, s1  }
0xb: {  	s15 =	sadd.s32 s6, s7;
	s7 =	sshrl.u32 s16, $0x2;
	s4 =	ssub.s32 s4, s17  }
0xc: {  	s0 =	sadd.s32 s0, s11;
	s22 =	sadd.s32 s8, s11;
	[dreg:$0x5] =	wrdreg s13  }
0xd: {  	s17 =	sadd.s32 s23, s8;
	s23 =	simm.s32 $0x5200;
	[dreg:$0x4] =	wrdreg s0  }
0xe: {  	s5 =	sshrl.u32 s15, $0x3;
	s24 =	sadd.s32 $0x10, s22;
	[dreg:$0xa] =	wrdreg s22  }
0xf: {  	s7 =	sadd.s32 s7, s2;
	s25 =	sadd.s32 $0x20, s22;
	[dreg:$0xb] =	wrdreg s24  }
0x10: {  	s10 =	sadd.s32 $0xD400, s9;
	s26 =	smax.u32 s4, $0x1;
	[dreg:$0xc] =	wrdreg s25  }
0x11: {  	s0 =	simm.s32 $0xD280;
	s18 =	sadd.s32 $0x2000, s7;
	[dreg:$0xf] =	wrdreg s26  }
0x12: {  	s1 =	sadd.s32 s5, s1;
	s19 =	sadd.s32 $0x4000, s7;
	[dreg:$0x6] =	wrdreg s18  }
0x13: {  	s20 =	sadd.s32 $0x6000, s7;
	s21 =	sadd.s32 $0x8000, s7;
	[dreg:$0x7] =	wrdreg s19  }
0x14: {  	s5 =	sadd.s32 $0x30, s22;
	s22 =	simm.s32 $0x5000;
	[dreg:$0x8] =	wrdreg s20  }
0x15: {  	s26 =	simm.s32 $0x9280;
	s24 =	simm.s32 $0x1;
	[dreg:$0x9] =	wrdreg s21  }
0x16: {  	s25 =	simm.s32 $0x6;
	[dreg:$0xd] =	wrdreg s5;
	s1 =	sadd.s32 $0xA9800, s1  }
0x17: {  	s18 =	simm.s32 $0x10;
	s20 =	simm.s32 $0x80;
	s21 =	simm.s32 $0x5280  }
0x18: {  	v0 =	vimm.f32 $0.0e+00;
	s5 =	simm.s32 $0x0;
	[dreg:$0xe] =	wrdreg s1;
	s1 =	simm.s32 $0xA  }
.LBB2_1:
0x19: {  	[dreg:$0x10] =	wrdreg s5  }
0x1a: {  	s4 =	rddreg [dreg:$0x4]  }
0x1b: {  	[tilespmem:s3], [sflag:$0x10] =	stream.linear.gather [hbm4b:s4+s3], $0x5000, $0x38;
	[tilespmem:$0x1B280] =	vst v63  }
0x1c: {  	_ =	swait.ge [sflag:s18], $0x5000  }
0x1d: {  	[sflag:s18] =	ssyncset.done $0x0  }
0x1e: {  	s6 =	simm.s32 $0x100;
	s4 =	simm.s32 $0x0;
	[sflag:s18] =	ssyncadd.s32 $0xFFFFB000  }
.LBB2_2:
0x1f: {  	p0 =	sne.s32 s6, $0x7F00;
	[tilespmem:s4+$0xF2B0] =	vst v0;
	s7 =	smov.u32 s6;
	s6 =	sadd.s32 $0x100, s6  }
.Ltmp0:
0x20: {  	[tilespmem:s4+$0xF2A0] =	vst v0;
	(pc) =	sbr.rel @p0 .LBB2_2-.Ltmp0, $3  }
0x21: {  	[tilespmem:s4+$0xF280] =	vst v0  }
0x22: {  	[tilespmem:s4+$0xF290] =	vst v0;
	_ =	sdelay $0x1  }
0x23: {  	s4 =	sshra.s32 s7, $0x2  }
0x24: {  	[tilespmem:s4+$0xF2B0] =	vst v0  }
0x25: {  	[tilespmem:s4+$0xF2A0] =	vst v0  }
0x26: {  	[tilespmem:s4+$0xF280] =	vst v0  }
0x27: {  	[tilespmem:s4+$0xF290] =	vst v0;
	s5 =	simm.s32 $0xF280  }
0x28: {  	[spmem:s13] =	stream.linear.scatter [tilespmem:s5], [sflag:$0x10], $0x2000, $0x38;
	[tilespmem:$0x1B280] =	vst v63  }
0x29: {  	_ =	swait.ge [sflag:s18], $0x2000  }
0x2a: {  	[sflag:s18] =	ssyncset.done $0x0  }
0x2b: {  	s12 =	rddreg [dreg:$0x6];
	[sflag:s18] =	ssyncadd.s32 $0xFFFFE000  }
0x2c: {  	[spmem:s12] =	stream.linear.scatter [tilespmem:s5], [sflag:$0x10], $0x2000, $0x38;
	[tilespmem:$0x1B280] =	vst v63  }
0x2d: {  	_ =	swait.ge [sflag:s18], $0x2000  }
0x2e: {  	[sflag:s18] =	ssyncset.done $0x0  }
0x2f: {  	s13 =	rddreg [dreg:$0x7];
	[sflag:s18] =	ssyncadd.s32 $0xFFFFE000  }
0x30: {  	[spmem:s13] =	stream.linear.scatter [tilespmem:s5], [sflag:$0x10], $0x2000, $0x38;
	[tilespmem:$0x1B280] =	vst v63  }
0x31: {  	_ =	swait.ge [sflag:s18], $0x2000  }
0x32: {  	[sflag:s18] =	ssyncset.done $0x0  }
0x33: {  	s14 =	rddreg [dreg:$0x8];
	[sflag:s18] =	ssyncadd.s32 $0xFFFFE000  }
0x34: {  	[spmem:s14] =	stream.linear.scatter [tilespmem:s5], [sflag:$0x10], $0x2000, $0x38;
	[tilespmem:$0x1B280] =	vst v63  }
0x35: {  	_ =	swait.ge [sflag:s18], $0x2000  }
0x36: {  	[sflag:s18] =	ssyncset.done $0x0  }
0x37: {  	s15 =	rddreg [dreg:$0x9];
	[sflag:s18] =	ssyncadd.s32 $0xFFFFE000  }
0x38: {  	[spmem:s15] =	stream.linear.scatter [tilespmem:s5], [sflag:$0x10], $0x2000, $0x38;
	[tilespmem:$0x1B280] =	vst v63  }
0x39: {  	_ =	swait.ge [sflag:s18], $0x2000  }
0x3a: {  	[sflag:s18] =	ssyncset.done $0x0  }
0x3b: {  	[sflag:s18] =	ssyncadd.s32 $0xFFFFE000  }
0x3c: {  	s16 =	simm.s32 $0x0;
	[bflag:$0x0] =	sbarrier.arrive $0xFFFF  }
0x3d: {  	[tilespmem:s21], [sflag:$0x1] =	stream.indirect.gather [hbm4b:s10+s20], $0x40, s16, s20, $0xb8;
	[tilespmem:$0x1B280] =	vst v63  }
0x3e: {  	s19 =	rddreg [dreg:$0xa]  }
0x3f: {  	[tilespmem:s22], [sflag:$0x6] =	stream.linear.gather [hbm4b:s19+s16], $0x80, $0x38;
	[tilespmem:$0x1B280] =	vst v63  }
0x40: {  	s6 =	simm.s32 $0x7280  }
0x41: {  	[tilespmem:s6], [sflag:$0x2] =	stream.indirect.gather [hbm4b:s10+s20], $0x40, s20, s20, $0xb8;
	[tilespmem:$0x1B280] =	vst v63  }
0x42: {  	s7 =	rddreg [dreg:$0xb];
	s6 =	simm.s32 $0x5080  }
0x43: {  	[tilespmem:s6], [sflag:$0x7] =	stream.linear.gather [hbm4b:s7+s16], $0x80, $0x38;
	[tilespmem:$0x1B280] =	vst v63  }
0x44: {  	s8 =	simm.s32 $0x100  }
0x45: {  	[tilespmem:s26], [sflag:$0x3] =	stream.indirect.gather [hbm4b:s10+s20], $0x40, s8, s20, $0xb8;
	[tilespmem:$0x1B280] =	vst v63  }
0x46: {  	p0 =	por $0x1, $0x1;
	s9 =	rddreg [dreg:$0xc]  }
0x47: {  	[tilespmem:s28], [sflag:$0x8] =	stream.linear.gather [hbm4b:s9+s16], $0x80, $0x38;
	[tilespmem:$0x1B280] =	vst v63  }
0x48: {  	s11 =	simm.s32 $0x180;
	p0 =	por p0, p0;
	s12 =	simm.s32 $0xB280  }
0x49: {  	[tilespmem:s12], [sflag:$0x4] =	stream.indirect.gather [hbm4b:s10+s20], $0x40, s11, s20, $0xb8;
	[tilespmem:$0x1B280] =	vst v63  }
0x4a: {  	s4 =	simm.s32 @!p0 $0xF;
	s14 =	simm.s32 $0x5180;
	s13 =	rddreg [dreg:$0xd]  }
0x4b: {  	[tilespmem:s14], [sflag:$0x9] =	stream.linear.gather [hbm4b:s13+s16], $0x80, $0x38;
	[tilespmem:$0x1B280] =	vst v63  }
0x4c: {  	_ =	swait.ge @!p0 [sflag:s4], $0x2000  }
0x4d: {  	[sflag:s4] =	ssyncset.done @!p0 $0x0  }
0x4e: {  	s15 =	simm.s32 $0x200;
	s16 =	sadd.s32 $0x0, s17;
	[sflag:s4] =	ssyncadd.s32 @!p0 $0xFFFFE000  }
0x4f: {  	[tilespmem:s0], [sflag:$0x5] =	stream.indirect.gather [hbm4b:s10+s20], $0x40, s15, s20, $0xb8;
	[tilespmem:$0x1B280] =	vst v63  }
0x50: {  	s19 =	sadd.s32 $0x40, s16  }
0x51: {  	[tilespmem:s23], [sflag:$0xA] =	stream.linear.gather [hbm4b:s19+s3], $0x80, $0x38;
	[tilespmem:$0x1B280] =	vst v63  }
0x52: {  	_ =	swait.ge [sflag:s24], $0x2000  }
0x53: {  	[sflag:s24] =	ssyncset.done $0x0  }
0x54: {  	[sflag:s24] =	ssyncadd.s32 $0xFFFFE000  }
0x55: {  	_ =	swait.ge [sflag:s25], $0x80  }
0x56: {  	p0 =	por $0x0, $0x0;
	[sflag:s25] =	ssyncset.done $0x0  }
0x57: {  	s4 =	simm.s32 @p0 $0x2;
	[sflag:s25] =	ssyncadd.s32 $0xFFFFFF80  }
0x58: {  	[spmem:s2] =	stream.indirect.scatter.add.f32 [tilespmem:s21], [sflag:$0xB], $0x40, s22, s20, $0xb8;
	[tilespmem:$0x1B280] =	vst v63  }
0x59: {  	_ =	swait.ge @p0 [sflag:s4], $0x2000  }
0x5a: {  	[sflag:s4] =	ssyncset.done @p0 $0x0  }
0x5b: {  	s6 =	simm.s32 @p0 $0x7;
	[sflag:s4] =	ssyncadd.s32 @p0 $0xFFFFE000  }
0x5c: {  	_ =	swait.ge @p0 [sflag:s6], $0x80  }
0x5d: {  	s8 =	simm.s32 @p0 $0x80;
	s7 =	simm.s32 @p0 $0x5080;
	[sflag:s6] =	ssyncset.done @p0 $0x0  }
0x5e: {  	s11 =	simm.s32 @!p0 $0xB;
	s4 =	simm.s32 @p0 $0x7280;
	[sflag:s6] =	ssyncadd.s32 @p0 $0xFFFFFF80  }
0x5f: {  	[spmem:s2] =	stream.indirect.scatter.add.f32 @p0 [tilespmem:s4], [sflag:$0xC], $0x40, s7, s8, $0xb8;
	[tilespmem:$0x1B280] =	vst v63  }
0x60: {  	s14 =	simm.s32 @!p0 $0x280;
	_ =	swait.ge @!p0 [sflag:s11], $0x2000  }
0x61: {  	s6 =	simm.s32 @!p0 $0x80;
	s4 =	sadd.s32 @!p0 $0x0, s17;
	[sflag:s11] =	ssyncset.done @!p0 $0x0  }
0x62: {  	s7 =	simm.s32 @!p0 $0x5280;
	s13 =	sadd.s32 @!p0 $0x50, s4;
	[sflag:s11] =	ssyncadd.s32 @!p0 $0xFFFFE000  }
0x63: {  	[tilespmem:s7], [sflag:$0x1] =	stream.indirect.gather @!p0 [hbm4b:s10+s6], $0x40, s14, s6, $0xb8;
	[tilespmem:$0x1B280] =	vst v63  }
0x64: {  	s11 =	simm.s32 @!p0 $0x5000;
	s7 =	simm.s32 @!p0 $0x0;
	s14 =	simm.s32 @!p0 $0x2  }
0x65: {  	[tilespmem:s11], [sflag:$0x6] =	stream.linear.gather @!p0 [hbm4b:s13+s7], $0x80, $0x38;
	[tilespmem:$0x1B280] =	vst v63  }
0x66: {  	_ =	swait.ge @!p0 [sflag:s14], $0x2000  }
0x67: {  	[sflag:s14] =	ssyncset.done @!p0 $0x0  }
0x68: {  	s11 =	simm.s32 @!p0 $0x7;
	[sflag:s14] =	ssyncadd.s32 @!p0 $0xFFFFE000  }
0x69: {  	_ =	swait.ge @!p0 [sflag:s11], $0x80  }
0x6a: {  	s13 =	simm.s32 @!p0 $0x5080;
	[sflag:s11] =	ssyncset.done @!p0 $0x0  }
0x6b: {  	s14 =	simm.s32 @!p0 $0x7280;
	[sflag:s11] =	ssyncadd.s32 @!p0 $0xFFFFFF80;
	s11 =	simm.s32 @!p0 $0xC  }
0x6c: {  	[spmem:s2] =	stream.indirect.scatter.add.f32 @!p0 [tilespmem:s14], [sflag:$0xC], $0x40, s13, s6, $0xb8;
	[tilespmem:$0x1B280] =	vst v63  }
0x6d: {  	_ =	swait.ge @!p0 [sflag:s11], $0x2000  }
0x6e: {  	[sflag:s11] =	ssyncset.done @!p0 $0x0  }
0x6f: {  	[sflag:s11] =	ssyncadd.s32 @!p0 $0xFFFFE000;
	s11 =	simm.s32 @!p0 $0x300  }
0x70: {  	[tilespmem:s14], [sflag:$0x2] =	stream.indirect.gather @!p0 [hbm4b:s10+s6], $0x40, s11, s6, $0xb8;
	[tilespmem:$0x1B280] =	vst v63  }
0x71: {  	s11 =	sadd.s32 @!p0 $0x60, s4  }
0x72: {  	[tilespmem:s13], [sflag:$0x7] =	stream.linear.gather @!p0 [hbm4b:s11+s7], $0x80, $0x38;
	[tilespmem:$0x1B280] =	vst v63  }
0x73: {  	_ =	swait.ge [sflag:s29], $0x2000  }
0x74: {  	[sflag:s29] =	ssyncset.done $0x0  }
0x75: {  	[sflag:s29] =	ssyncadd.s32 $0xFFFFE000  }
0x76: {  	_ =	swait.ge [sflag:s30], $0x80  }
0x77: {  	[sflag:s30] =	ssyncset.done $0x0  }
0x78: {  	s11 =	simm.s32 @p0 $0x4;
	[sflag:s30] =	ssyncadd.s32 $0xFFFFFF80  }
0x79: {  	[spmem:s2] =	stream.indirect.scatter.add.f32 [tilespmem:s26], [sflag:$0xD], $0x40, s28, s20, $0xb8;
	[tilespmem:$0x1B280] =	vst v63  }
0x7a: {  	_ =	swait.ge @p0 [sflag:s11], $0x2000  }
0x7b: {  	[sflag:s11] =	ssyncset.done @p0 $0x0  }
0x7c: {  	s13 =	simm.s32 @p0 $0x9;
	[sflag:s11] =	ssyncadd.s32 @p0 $0xFFFFE000  }
0x7d: {  	_ =	swait.ge @p0 [sflag:s13], $0x80  }
0x7e: {  	[sflag:s13] =	ssyncset.done @p0 $0x0  }
0x7f: {  	s11 =	simm.s32 @p0 $0x5180;
	[sflag:s13] =	ssyncadd.s32 @p0 $0xFFFFFF80;
	s13 =	simm.s32 @p0 $0xB280  }
0x80: {  	[spmem:s2] =	stream.indirect.scatter.add.f32 @p0 [tilespmem:s13], [sflag:$0xE], $0x40, s11, s8, $0xb8;
	[tilespmem:$0x1B280] =	vst v63  }
0x81: {  	s8 =	simm.s32 @!p0 $0xD  }
0x82: {  	_ =	swait.ge @!p0 [sflag:s8], $0x2000  }
0x83: {  	[sflag:s8] =	ssyncset.done @!p0 $0x0  }
0x84: {  	s11 =	simm.s32 @!p0 $0x380;
	s13 =	simm.s32 @!p0 $0x9280;
	[sflag:s8] =	ssyncadd.s32 @!p0 $0xFFFFE000  }
0x85: {  	[tilespmem:s13], [sflag:$0x3] =	stream.indirect.gather @!p0 [hbm4b:s10+s6], $0x40, s11, s6, $0xb8;
	[tilespmem:$0x1B280] =	vst v63  }
0x86: {  	s8 =	sadd.s32 @!p0 $0x70, s4;
	s11 =	simm.s32 @!p0 $0x5100;
	s13 =	simm.s32 @!p0 $0x4  }
0x87: {  	[tilespmem:s11], [sflag:$0x8] =	stream.linear.gather @!p0 [hbm4b:s8+s7], $0x80, $0x38;
	[tilespmem:$0x1B280] =	vst v63  }
0x88: {  	_ =	swait.ge @!p0 [sflag:s13], $0x2000  }
0x89: {  	[sflag:s13] =	ssyncset.done @!p0 $0x0  }
0x8a: {  	s8 =	simm.s32 @!p0 $0x9;
	[sflag:s13] =	ssyncadd.s32 @!p0 $0xFFFFE000  }
0x8b: {  	_ =	swait.ge @!p0 [sflag:s8], $0x80  }
0x8c: {  	s11 =	simm.s32 @!p0 $0x5180;
	[sflag:s8] =	ssyncset.done @!p0 $0x0  }
0x8d: {  	s13 =	simm.s32 @!p0 $0xB280;
	[sflag:s8] =	ssyncadd.s32 @!p0 $0xFFFFFF80;
	s8 =	simm.s32 @!p0 $0xE  }
0x8e: {  	[spmem:s2] =	stream.indirect.scatter.add.f32 @!p0 [tilespmem:s13], [sflag:$0xE], $0x40, s11, s6, $0xb8;
	[tilespmem:$0x1B280] =	vst v63  }
0x8f: {  	_ =	swait.ge @!p0 [sflag:s8], $0x2000  }
0x90: {  	[sflag:s8] =	ssyncset.done @!p0 $0x0  }
0x91: {  	[sflag:s8] =	ssyncadd.s32 @!p0 $0xFFFFE000;
	s8 =	simm.s32 $0x400  }
0x92: {  	[tilespmem:s13], [sflag:$0x4] =	stream.indirect.gather @!p0 [hbm4b:s10+s6], $0x40, s8, s6, $0xb8;
	[tilespmem:$0x1B280] =	vst v63  }
0x93: {  	s4 =	sadd.s32 @!p0 $0x80, s4  }
0x94: {  	[tilespmem:s11], [sflag:$0x9] =	stream.linear.gather @!p0 [hbm4b:s4+s7], $0x80, $0x38;
	[tilespmem:$0x1B280] =	vst v63  }
0x95: {  	_ =	swait.ge [sflag:s31], $0x2000  }
0x96: {  	[sflag:s31] =	ssyncset.done $0x0  }
0x97: {  	p6 =	por $0x0, $0x0;
	s15 =	simm.s32 $0xA0;
	[sflag:s31] =	ssyncadd.s32 $0xFFFFE000  }
0x98: {  	s14 =	simm.s32 $0x50;
	p0 =	por p6, p6;
	_ =	swait.ge [sflag:s1], $0x80  }
0x99: {  	s13 =	simm.s32 $0x680;
	s4 =	simm.s32 @!p0 $0xF;
	[sflag:s1] =	ssyncset.done $0x0  }
.LBB2_4:
0x9a: {  	p2 =	seq.s32 s15, $0x0  }
0x9b: {  	[sflag:s1] =	ssyncadd.s32 $0xFFFFFF80;
	s6 =	smov.u32 s15;
	s15 =	sadd.s32 $0x50, s15  }
0x9c: {  	[spmem:s2] =	stream.indirect.scatter.add.f32 [tilespmem:s0], [sflag:$0xF], $0x40, s23, s20, $0xb8;
	[tilespmem:$0x1B280] =	vst v63  }
0x9d: {  	p1 =	sne.s32 s15, $0xA00;
	_ =	swait.ge @!p0 [sflag:s4], $0x2000  }
0x9e: {  	[sflag:s4] =	ssyncset.done @!p0 $0x0  }
0x9f: {  	s7 =	sadd.s32 s14, s17;
	[sflag:s4] =	ssyncadd.s32 @!p0 $0xFFFFE000;
	s4 =	sadd.s32 $0xFFFFFE00, s13  }
0xa0: {  	[tilespmem:s0], [sflag:$0x5] =	stream.indirect.gather [hbm4b:s10+s20], $0x40, s4, s20, $0xb8;
	[tilespmem:$0x1B280] =	vst v63  }
0xa1: {  	p0 =	por p2, p2;
	s4 =	sadd.s32 $0x40, s7  }
0xa2: {  	[tilespmem:s23], [sflag:$0xA] =	stream.linear.gather [hbm4b:s4+s3], $0x80, $0x38;
	[tilespmem:$0x1B280] =	vst v63  }
0xa3: {  	_ =	swait.ge [sflag:s24], $0x2000  }
0xa4: {  	[sflag:s24] =	ssyncset.done $0x0  }
0xa5: {  	[sflag:s24] =	ssyncadd.s32 $0xFFFFE000  }
0xa6: {  	_ =	swait.ge [sflag:s25], $0x80  }
0xa7: {  	[sflag:s25] =	ssyncset.done $0x0  }
0xa8: {  	p2 =	seq.s32 s14, $0x9B0;
	[sflag:s25] =	ssyncadd.s32 $0xFFFFFF80  }
0xa9: {  	[spmem:s2] =	stream.indirect.scatter.add.f32 [tilespmem:s21], [sflag:$0xB], $0x40, s22, s20, $0xb8;
	[tilespmem:$0x1B280] =	vst v63  }
0xaa: {  	s7 =	sadd.s32 @!p2 s14, s17;
	s14 =	smov.u32 s6;
	s4 =	simm.s32 @p2 $0x2  }
0xab: {  	s9 =	sadd.s32 @!p2 $0x50, s7;
	s8 =	sadd.s32 @!p2 $0x60, s7;
	_ =	swait.ge @p2 [sflag:s4], $0x2000  }
0xac: {  	s11 =	simm.s32 @p2 $0x7;
	s6 =	sadd.s32 @!p2 $0x70, s7;
	[sflag:s4] =	ssyncset.done @p2 $0x0  }
0xad: {  	s16 =	sadd.s32 @!p2 $0x80, s7;
	[sflag:s4] =	ssyncadd.s32 @p2 $0xFFFFE000  }
0xae: {  	s4 =	simm.s32 @p2 $0x7280;
	_ =	swait.ge @p2 [sflag:s11], $0x80  }
0xaf: {  	s5 =	simm.s32 @p2 $0x5080;
	s7 =	simm.s32 @p2 $0x80;
	[sflag:s11] =	ssyncset.done @p2 $0x0  }
0xb0: {  	s19 =	simm.s32 @!p2 $0xB;
	[sflag:s11] =	ssyncadd.s32 @p2 $0xFFFFFF80  }
0xb1: {  	[spmem:s2] =	stream.indirect.scatter.add.f32 @p2 [tilespmem:s4], [sflag:$0xC], $0x40, s5, s7, $0xb8;
	[tilespmem:$0x1B280] =	vst v63  }
0xb2: {  	s5 =	simm.s32 @!p2 $0x5280;
	_ =	swait.ge @!p2 [sflag:s19], $0x2000  }
0xb3: {  	s12 =	sadd.s32 @!p2 $0xFFFFFE80, s13;
	s11 =	simm.s32 @!p2 $0x80;
	[sflag:s19] =	ssyncset.done @!p2 $0x0  }
0xb4: {  	s4 =	simm.s32 @!p2 $0x0;
	[sflag:s19] =	ssyncadd.s32 @!p2 $0xFFFFE000;
	s19 =	simm.s32 @!p2 $0x5000  }
0xb5: {  	[tilespmem:s5], [sflag:$0x1] =	stream.indirect.gather @!p2 [hbm4b:s10+s11], $0x40, s12, s11, $0xb8;
	[tilespmem:$0x1B280] =	vst v63  }
0xb6: {  	s5 =	simm.s32 @!p2 $0x2  }
0xb7: {  	[tilespmem:s19], [sflag:$0x6] =	stream.linear.gather @!p2 [hbm4b:s9+s4], $0x80, $0x38;
	[tilespmem:$0x1B280] =	vst v63  }
0xb8: {  	_ =	swait.ge @!p2 [sflag:s5], $0x2000  }
0xb9: {  	s9 =	simm.s32 @!p2 $0x7;
	[sflag:s5] =	ssyncset.done @!p2 $0x0  }
0xba: {  	[sflag:s5] =	ssyncadd.s32 @!p2 $0xFFFFE000  }
0xbb: {  	_ =	swait.ge @!p2 [sflag:s9], $0x80  }
0xbc: {  	s12 =	simm.s32 @!p2 $0x7280;
	s5 =	simm.s32 @!p2 $0x5080;
	[sflag:s9] =	ssyncset.done @!p2 $0x0  }
0xbd: {  	[sflag:s9] =	ssyncadd.s32 @!p2 $0xFFFFFF80;
	s9 =	simm.s32 @!p2 $0xC  }
0xbe: {  	[spmem:s2] =	stream.indirect.scatter.add.f32 @!p2 [tilespmem:s12], [sflag:$0xC], $0x40, s5, s11, $0xb8;
	[tilespmem:$0x1B280] =	vst v63  }
0xbf: {  	_ =	swait.ge @!p2 [sflag:s9], $0x2000  }
0xc0: {  	s19 =	sadd.s32 @!p2 $0xFFFFFF00, s13;
	[sflag:s9] =	ssyncset.done @!p2 $0x0  }
0xc1: {  	[sflag:s9] =	ssyncadd.s32 @!p2 $0xFFFFE000  }
0xc2: {  	[tilespmem:s12], [sflag:$0x2] =	stream.indirect.gather @!p2 [hbm4b:s10+s11], $0x40, s19, s11, $0xb8;
	[tilespmem:$0x1B280] =	vst v63  }
0xc3: {  	_ = 	snop  }
0xc4: {  	[tilespmem:s5], [sflag:$0x7] =	stream.linear.gather @!p2 [hbm4b:s8+s4], $0x80, $0x38;
	[tilespmem:$0x1B280] =	vst v63  }
0xc5: {  	_ =	swait.ge [sflag:s29], $0x2000  }
0xc6: {  	[sflag:s29] =	ssyncset.done $0x0  }
0xc7: {  	[sflag:s29] =	ssyncadd.s32 $0xFFFFE000  }
0xc8: {  	_ =	swait.ge [sflag:s30], $0x80  }
0xc9: {  	[sflag:s30] =	ssyncset.done $0x0  }
0xca: {  	s5 =	simm.s32 @p2 $0x4;
	[sflag:s30] =	ssyncadd.s32 $0xFFFFFF80  }
0xcb: {  	[spmem:s2] =	stream.indirect.scatter.add.f32 [tilespmem:s26], [sflag:$0xD], $0x40, s28, s20, $0xb8;
	[tilespmem:$0x1B280] =	vst v63  }
0xcc: {  	_ =	swait.ge @p2 [sflag:s5], $0x2000  }
0xcd: {  	s8 =	simm.s32 @p2 $0x9;
	[sflag:s5] =	ssyncset.done @p2 $0x0  }
0xce: {  	[sflag:s5] =	ssyncadd.s32 @p2 $0xFFFFE000  }
0xcf: {  	_ =	swait.ge @p2 [sflag:s8], $0x80  }
0xd0: {  	s9 =	simm.s32 @p2 $0xB280;
	s5 =	simm.s32 @p2 $0x5180;
	[sflag:s8] =	ssyncset.done @p2 $0x0  }
0xd1: {  	[sflag:s8] =	ssyncadd.s32 @p2 $0xFFFFFF80;
	s8 =	simm.s32 @!p2 $0xD  }
0xd2: {  	[spmem:s2] =	stream.indirect.scatter.add.f32 @p2 [tilespmem:s9], [sflag:$0xE], $0x40, s5, s7, $0xb8;
	[tilespmem:$0x1B280] =	vst v63  }
0xd3: {  	_ =	swait.ge @!p2 [sflag:s8], $0x2000  }
0xd4: {  	s5 =	sadd.s32 @!p2 $0xFFFFFF80, s13;
	s7 =	simm.s32 @!p2 $0x9280;
	[sflag:s8] =	ssyncset.done @!p2 $0x0  }
0xd5: {  	[sflag:s8] =	ssyncadd.s32 @!p2 $0xFFFFE000;
	s8 =	simm.s32 @!p2 $0x5100  }
0xd6: {  	[tilespmem:s7], [sflag:$0x3] =	stream.indirect.gather @!p2 [hbm4b:s10+s11], $0x40, s5, s11, $0xb8;
	[tilespmem:$0x1B280] =	vst v63  }
0xd7: {  	s5 =	simm.s32 @!p2 $0x4  }
0xd8: {  	[tilespmem:s8], [sflag:$0x8] =	stream.linear.gather @!p2 [hbm4b:s6+s4], $0x80, $0x38;
	[tilespmem:$0x1B280] =	vst v63  }
0xd9: {  	_ =	swait.ge @!p2 [sflag:s5], $0x2000  }
0xda: {  	s6 =	simm.s32 @!p2 $0x9;
	[sflag:s5] =	ssyncset.done @!p2 $0x0  }
0xdb: {  	[sflag:s5] =	ssyncadd.s32 @!p2 $0xFFFFE000  }
0xdc: {  	_ =	swait.ge @!p2 [sflag:s6], $0x80  }
0xdd: {  	s7 =	simm.s32 @!p2 $0xB280;
	s5 =	simm.s32 @!p2 $0x5180;
	[sflag:s6] =	ssyncset.done @!p2 $0x0  }
0xde: {  	[sflag:s6] =	ssyncadd.s32 @!p2 $0xFFFFFF80;
	s6 =	simm.s32 @!p2 $0xE  }
0xdf: {  	[spmem:s2] =	stream.indirect.scatter.add.f32 @!p2 [tilespmem:s7], [sflag:$0xE], $0x40, s5, s11, $0xb8;
	[tilespmem:$0x1B280] =	vst v63  }
0xe0: {  	_ =	swait.ge @!p2 [sflag:s6], $0x2000  }
0xe1: {  	[sflag:s6] =	ssyncset.done @!p2 $0x0  }
0xe2: {  	[sflag:s6] =	ssyncadd.s32 @!p2 $0xFFFFE000  }
0xe3: {  	[tilespmem:s7], [sflag:$0x4] =	stream.indirect.gather @!p2 [hbm4b:s10+s11], $0x40, s13, s11, $0xb8;
	[tilespmem:$0x1B280] =	vst v63  }
0xe4: {  	_ = 	snop  }
0xe5: {  	[tilespmem:s5], [sflag:$0x9] =	stream.linear.gather @!p2 [hbm4b:s16+s4], $0x80, $0x38;
	[tilespmem:$0x1B280] =	vst v63  }
.Ltmp1:
0xe6: {  	_ =	swait.ge [sflag:s31], $0x2000;
	(pc) =	sbr.rel @p1 .LBB2_4-.Ltmp1, $4  }
0xe7: {  	[sflag:s31] =	ssyncset.done $0x0  }
0xe8: {  	[sflag:s31] =	ssyncadd.s32 $0xFFFFE000  }
0xe9: {  	_ =	swait.ge [sflag:s1], $0x80  }
0xea: {  	s13 =	sadd.s32 $0x280, s13;
	s4 =	simm.s32 @!p0 $0xF;
	[sflag:s1] =	ssyncset.done $0x0  }
0xeb: {  	[sflag:s1] =	ssyncadd.s32 $0xFFFFFF80  }
0xec: {  	[spmem:s2] =	stream.indirect.scatter.add.f32 [tilespmem:s0], [sflag:$0xF], $0x40, s23, s20, $0xb8;
	[tilespmem:$0x1B280] =	vst v63  }
0xed: {  	_ =	swait.ge @!p0 [sflag:s4], $0x2000  }
0xee: {  	[sflag:s4] =	ssyncset.done @!p0 $0x0  }
0xef: {  	s19 =	sadd.s32 $0xFFFFFE00, s13;
	s5 =	sadd.s32 s14, s17;
	[sflag:s4] =	ssyncadd.s32 @!p0 $0xFFFFE000  }
0xf0: {  	[tilespmem:s0], [sflag:$0x5] =	stream.indirect.gather [hbm4b:s10+s20], $0x40, s19, s20, $0xb8;
	[tilespmem:$0x1B280] =	vst v63  }
0xf1: {  	s6 =	sadd.s32 $0x40, s5  }
0xf2: {  	[tilespmem:s23], [sflag:$0xA] =	stream.linear.gather [hbm4b:s6+s3], $0x80, $0x38;
	[tilespmem:$0x1B280] =	vst v63  }
0xf3: {  	_ =	swait.ge [sflag:s24], $0x2000  }
0xf4: {  	[sflag:s24] =	ssyncset.done $0x0  }
0xf5: {  	[sflag:s24] =	ssyncadd.s32 $0xFFFFE000  }
0xf6: {  	_ =	swait.ge [sflag:s25], $0x80  }
0xf7: {  	p0 =	seq.s32 s14, $0x9B0;
	[sflag:s25] =	ssyncset.done $0x0  }
0xf8: {  	s4 =	simm.s32 @p0 $0x2;
	[sflag:s25] =	ssyncadd.s32 $0xFFFFFF80  }
0xf9: {  	[spmem:s2] =	stream.indirect.scatter.add.f32 [tilespmem:s21], [sflag:$0xB], $0x40, s22, s20, $0xb8;
	[tilespmem:$0x1B280] =	vst v63  }
0xfa: {  	_ =	swait.ge @p0 [sflag:s4], $0x2000  }
0xfb: {  	[sflag:s4] =	ssyncset.done @p0 $0x0  }
0xfc: {  	s5 =	simm.s32 @p0 $0x7;
	[sflag:s4] =	ssyncadd.s32 @p0 $0xFFFFE000  }
0xfd: {  	_ =	swait.ge @p0 [sflag:s5], $0x80  }
0xfe: {  	s8 =	simm.s32 @p0 $0x80;
	s6 =	simm.s32 @p0 $0x5080;
	[sflag:s5] =	ssyncset.done @p0 $0x0  }
0xff: {  	s4 =	simm.s32 @p0 $0x7280;
	[sflag:s5] =	ssyncadd.s32 @p0 $0xFFFFFF80;
	s5 =	simm.s32 @!p0 $0xB  }
0x100: {  	[spmem:s2] =	stream.indirect.scatter.add.f32 @p0 [tilespmem:s4], [sflag:$0xC], $0x40, s6, s8, $0xb8;
	[tilespmem:$0x1B280] =	vst v63  }
0x101: {  	s7 =	simm.s32 @!p0 $0x5280;
	_ =	swait.ge @!p0 [sflag:s5], $0x2000  }
0x102: {  	s11 =	sadd.s32 @!p0 $0xFFFFFE80, s13;
	s4 =	sadd.s32 @!p0 s14, s17;
	[sflag:s5] =	ssyncset.done @!p0 $0x0  }
0x103: {  	s6 =	simm.s32 @!p0 $0x80;
	s9 =	sadd.s32 @!p0 $0x50, s4;
	[sflag:s5] =	ssyncadd.s32 @!p0 $0xFFFFE000  }
0x104: {  	[tilespmem:s7], [sflag:$0x1] =	stream.indirect.gather @!p0 [hbm4b:s10+s6], $0x40, s11, s6, $0xb8;
	[tilespmem:$0x1B280] =	vst v63  }
0x105: {  	s5 =	simm.s32 @!p0 $0x5000;
	s7 =	simm.s32 @!p0 $0x0;
	s11 =	simm.s32 @!p0 $0x2  }
0x106: {  	[tilespmem:s5], [sflag:$0x6] =	stream.linear.gather @!p0 [hbm4b:s9+s7], $0x80, $0x38;
	[tilespmem:$0x1B280] =	vst v63  }
0x107: {  	_ =	swait.ge @!p0 [sflag:s11], $0x2000  }
0x108: {  	[sflag:s11] =	ssyncset.done @!p0 $0x0  }
0x109: {  	s5 =	simm.s32 @!p0 $0x7;
	[sflag:s11] =	ssyncadd.s32 @!p0 $0xFFFFE000  }
0x10a: {  	_ =	swait.ge @!p0 [sflag:s5], $0x80  }
0x10b: {  	s9 =	simm.s32 @!p0 $0x5080;
	[sflag:s5] =	ssyncset.done @!p0 $0x0  }
0x10c: {  	s11 =	simm.s32 @!p0 $0x7280;
	[sflag:s5] =	ssyncadd.s32 @!p0 $0xFFFFFF80;
	s5 =	simm.s32 @!p0 $0xC  }
0x10d: {  	[spmem:s2] =	stream.indirect.scatter.add.f32 @!p0 [tilespmem:s11], [sflag:$0xC], $0x40, s9, s6, $0xb8;
	[tilespmem:$0x1B280] =	vst v63  }
0x10e: {  	_ =	swait.ge @!p0 [sflag:s5], $0x2000  }
0x10f: {  	[sflag:s5] =	ssyncset.done @!p0 $0x0  }
0x110: {  	[sflag:s5] =	ssyncadd.s32 @!p0 $0xFFFFE000;
	s5 =	sadd.s32 @!p0 $0xFFFFFF00, s13  }
0x111: {  	[tilespmem:s11], [sflag:$0x2] =	stream.indirect.gather @!p0 [hbm4b:s10+s6], $0x40, s5, s6, $0xb8;
	[tilespmem:$0x1B280] =	vst v63  }
0x112: {  	s5 =	sadd.s32 @!p0 $0x60, s4  }
0x113: {  	[tilespmem:s9], [sflag:$0x7] =	stream.linear.gather @!p0 [hbm4b:s5+s7], $0x80, $0x38;
	[tilespmem:$0x1B280] =	vst v63  }
0x114: {  	_ =	swait.ge [sflag:s29], $0x2000  }
0x115: {  	[sflag:s29] =	ssyncset.done $0x0  }
0x116: {  	[sflag:s29] =	ssyncadd.s32 $0xFFFFE000  }
0x117: {  	_ =	swait.ge [sflag:s30], $0x80  }
0x118: {  	[sflag:s30] =	ssyncset.done $0x0  }
0x119: {  	s5 =	simm.s32 @p0 $0x4;
	[sflag:s30] =	ssyncadd.s32 $0xFFFFFF80  }
0x11a: {  	[spmem:s2] =	stream.indirect.scatter.add.f32 [tilespmem:s26], [sflag:$0xD], $0x40, s28, s20, $0xb8;
	[tilespmem:$0x1B280] =	vst v63  }
0x11b: {  	_ =	swait.ge @p0 [sflag:s5], $0x2000  }
0x11c: {  	[sflag:s5] =	ssyncset.done @p0 $0x0  }
0x11d: {  	s9 =	simm.s32 @p0 $0x9;
	[sflag:s5] =	ssyncadd.s32 @p0 $0xFFFFE000  }
0x11e: {  	_ =	swait.ge @p0 [sflag:s9], $0x80  }
0x11f: {  	[sflag:s9] =	ssyncset.done @p0 $0x0  }
0x120: {  	s5 =	simm.s32 @p0 $0x5180;
	[sflag:s9] =	ssyncadd.s32 @p0 $0xFFFFFF80;
	s9 =	simm.s32 @p0 $0xB280  }
0x121: {  	[spmem:s2] =	stream.indirect.scatter.add.f32 @p0 [tilespmem:s9], [sflag:$0xE], $0x40, s5, s8, $0xb8;
	[tilespmem:$0x1B280] =	vst v63  }
0x122: {  	s5 =	simm.s32 @!p0 $0xD  }
0x123: {  	_ =	swait.ge @!p0 [sflag:s5], $0x2000  }
0x124: {  	[sflag:s5] =	ssyncset.done @!p0 $0x0  }
0x125: {  	s8 =	sadd.s32 @!p0 $0xFFFFFF80, s13;
	s9 =	simm.s32 @!p0 $0x9280;
	[sflag:s5] =	ssyncadd.s32 @!p0 $0xFFFFE000  }
0x126: {  	[tilespmem:s9], [sflag:$0x3] =	stream.indirect.gather @!p0 [hbm4b:s10+s6], $0x40, s8, s6, $0xb8;
	[tilespmem:$0x1B280] =	vst v63  }
0x127: {  	s5 =	sadd.s32 @!p0 $0x70, s4;
	s8 =	simm.s32 @!p0 $0x5100;
	s9 =	simm.s32 @!p0 $0x4  }
0x128: {  	[tilespmem:s8], [sflag:$0x8] =	stream.linear.gather @!p0 [hbm4b:s5+s7], $0x80, $0x38;
	[tilespmem:$0x1B280] =	vst v63  }
0x129: {  	_ =	swait.ge @!p0 [sflag:s9], $0x2000  }
0x12a: {  	[sflag:s9] =	ssyncset.done @!p0 $0x0  }
0x12b: {  	s5 =	simm.s32 @!p0 $0x9;
	[sflag:s9] =	ssyncadd.s32 @!p0 $0xFFFFE000  }
0x12c: {  	_ =	swait.ge @!p0 [sflag:s5], $0x80  }
0x12d: {  	s8 =	simm.s32 @!p0 $0x5180;
	[sflag:s5] =	ssyncset.done @!p0 $0x0  }
0x12e: {  	s9 =	simm.s32 @!p0 $0xB280;
	[sflag:s5] =	ssyncadd.s32 @!p0 $0xFFFFFF80;
	s5 =	simm.s32 @!p0 $0xE  }
0x12f: {  	[spmem:s2] =	stream.indirect.scatter.add.f32 @!p0 [tilespmem:s9], [sflag:$0xE], $0x40, s8, s6, $0xb8;
	[tilespmem:$0x1B280] =	vst v63  }
0x130: {  	_ =	swait.ge @!p0 [sflag:s5], $0x2000  }
0x131: {  	[sflag:s5] =	ssyncset.done @!p0 $0x0  }
0x132: {  	[sflag:s5] =	ssyncadd.s32 @!p0 $0xFFFFE000  }
0x133: {  	[tilespmem:s9], [sflag:$0x4] =	stream.indirect.gather @!p0 [hbm4b:s10+s6], $0x40, s13, s6, $0xb8;
	[tilespmem:$0x1B280] =	vst v63  }
0x134: {  	s4 =	sadd.s32 @!p0 $0x80, s4  }
0x135: {  	[tilespmem:s8], [sflag:$0x9] =	stream.linear.gather @!p0 [hbm4b:s4+s7], $0x80, $0x38;
	[tilespmem:$0x1B280] =	vst v63  }
0x136: {  	_ =	swait.ge [sflag:s31], $0x2000  }
0x137: {  	[sflag:s31] =	ssyncset.done $0x0  }
0x138: {  	[sflag:s31] =	ssyncadd.s32 $0xFFFFE000  }
0x139: {  	_ =	swait.ge [sflag:s1], $0x80  }
0x13a: {  	[sflag:s1] =	ssyncset.done $0x0  }
0x13b: {  	s7 =	simm.s32 $0xB;
	[sflag:s1] =	ssyncadd.s32 $0xFFFFFF80  }
0x13c: {  	[spmem:s2] =	stream.indirect.scatter.add.f32 [tilespmem:s0], [sflag:$0xF], $0x40, s23, s20, $0xb8;
	[tilespmem:$0x1B280] =	vst v63  }
0x13d: {  	_ =	swait.ge [sflag:s7], $0x2000  }
0x13e: {  	[sflag:s7] =	ssyncset.done $0x0  }
0x13f: {  	s8 =	simm.s32 $0xC;
	[sflag:s7] =	ssyncadd.s32 $0xFFFFE000  }
0x140: {  	_ =	swait.ge [sflag:s8], $0x2000  }
0x141: {  	[sflag:s8] =	ssyncset.done $0x0  }
0x142: {  	s9 =	simm.s32 $0xD;
	[sflag:s8] =	ssyncadd.s32 $0xFFFFE000  }
0x143: {  	_ =	swait.ge [sflag:s9], $0x2000  }
0x144: {  	[sflag:s9] =	ssyncset.done $0x0  }
0x145: {  	s11 =	simm.s32 $0xE;
	[sflag:s9] =	ssyncadd.s32 $0xFFFFE000  }
0x146: {  	_ =	swait.ge [sflag:s11], $0x2000  }
0x147: {  	[sflag:s11] =	ssyncset.done $0x0  }
0x148: {  	s12 =	simm.s32 $0xF;
	[sflag:s11] =	ssyncadd.s32 $0xFFFFE000  }
0x149: {  	_ =	swait.ge [sflag:s12], $0x2000  }
0x14a: {  	[sflag:s12] =	ssyncset.done $0x0  }
0x14b: {  	[sflag:s12] =	ssyncadd.s32 $0xFFFFE000  }
0x14c: {  	s13 =	stileid.u32;
	[bflag:$0x0] =	sbarrier.arrive $0xFFFF  }
0x14d: {  	s4 =	sshll.u32 s13, $0x6;
	s13 =	rddreg [dreg:$0x5]  }
0x14e: {  	s4 =	sor.u32 $0x1C10, s4;
	s15 =	rddreg [dreg:$0xe];
	s14 =	sshrl.u32 s13, $0x3  }
0x14f: {  	[hbm:s15], [sflag:s4] =	dma.local [spmem:s14], $0x1400  }
0x150: {  	_ =	swait.ge [sflag:s18], $0x1400  }
0x151: {  	s16 =	rddreg [dreg:$0x10]  }
0x152: {  	s19 =	rddreg [dreg:$0xf];
	s5 =	sadd.s32 $0x1, s16  }
0x153: {  	p0 =	sne.s32 s5, s19  }
.Ltmp2:
0x154: {  	_ = 	snop;
	(pc) =	sbr.rel @p0 .LBB2_1-.Ltmp2, $3  }
0x155: {  	_ =	sdelay $0x1  }
0x156: {  	[sflag:s18] =	ssyncset.done $0x0  }
0x157: {  	[sflag:s18] =	ssyncadd.s32 $0xFFFFEC00  }
0x158: {  	_ =	sfence.sel $0x180000  }
0x159: {  	[bflag:$0x0] =	sbarrier.arrive $0xFFFF  }
0x15a: {  	_ =	strace $0x90000053  }
0x15b: {  	s0 =	stileid.u32;
	[bflag:$0x2] =	sbarrier.arrive $0xFFFF  }
0x15c: {  	p0 =	sne.s32 s0, $0x0;
	s0 =	rddreg [dreg:$0x3]  }
0x15d: {  	s0 =	sadd.s32 @!p0 $0x100000, s0  }
0x15e: {  	[sflag:s0] =	ssyncadd.tile.s32 @!p0 $0x1;
	_ =	shalt  }
.Lfunc_end2:
_tile_overlayer_lowered:
.L_overlay_start_2:
0x15f: {  	(tag) =	ssettag $0x2  }
0x160: {  	s0 =	rddreg [dreg:$0x0];
	s2 =	stileid.u32  }
0x161: {  	s1 =	rddreg [dreg:$0x1];
	p0 =	sne.s32 s2, $0x0  }
0x162: {  	s3 =	rddreg [dreg:$0x2];
	[bflag:$0x3] =	sbarrier.arrive $0xFFFF;
	s2 =	simm.s32 @!p0 $0x1C10  }
0x163: {  	[timem:s3], [sflag:s2] =	dma.local @!p0 [hbm:s0], s1  }
0x164: {  	s0 =	simm.s32 @!p0 $0x10  }
0x165: {  	_ =	swait.ge @!p0 [sflag:s0], s1  }
0x166: {  	s1 =	ssub.s32 @!p0 $0x0, s1;
	[sflag:s0] =	ssyncset.done @!p0 $0x0  }
0x167: {  	[sflag:s0] =	ssyncadd.s32 @!p0 s1  }
0x168: {  	[bflag:$0x3] =	sbarrier.arrive $0xFFFF  }
0x169: {  	_ =	shalt  }

</sc_bundles>
